<compile_context>
chip_gen: v7x
topology: tpu7x:2x2x1
jax: 0.10.2.dev20260603
libtpu: 0.0.44.dev20260713+nightly
codegen_flags: <defaults>
</compile_context>

<pallas_src>
import functools

import jax
import jax.numpy as jnp
from jax import lax
from jax.experimental import pallas as pl
from jax.experimental.pallas import tpu as pltpu
from jax.experimental.pallas import tpu_sc as plsc

N = 10000
IN_DIM = 12
HID = 32
ENC = 256
SPACE = 2
K = 16
OUT_ID = 6
OUT_P4 = 6

NP = 10240
MLP_BLK = 1280


def _sh_body(x_ref, Ws_ref, bs_ref, Wh_ref, bh_ref, s_ref, h_ref):
    x = x_ref[...]
    s_ref[...] = jnp.dot(x, Ws_ref[...], preferred_element_type=jnp.float32) + bs_ref[...]
    h_ref[...] = jnp.dot(x, Wh_ref[...], preferred_element_type=jnp.float32) + bh_ref[...]


def _space_hidden(x, Ws, bs, Wh, bh):
    return pl.pallas_call(
        _sh_body,
        out_shape=(
            jax.ShapeDtypeStruct((N, SPACE), jnp.float32),
            jax.ShapeDtypeStruct((N, HID), jnp.float32),
        ),
    )(x, Ws, bs.reshape(1, SPACE), Wh, bh.reshape(1, HID))


def _mlp_body(x_ref, agg_ref, Wo1_ref, Wo2_ref, bo2_ref, W20_ref, b20_ref,
              W21_ref, b21_ref, W22_ref, b22_ref, W23_ref, b23_ref,
              W30a_ref, W30b_ref, b30_ref, W31_ref, b31_ref, W32_ref, b32_ref,
              W33_ref, b33_ref, ids_ref, p4_ref):
    lrelu = lambda v: jax.nn.leaky_relu(v, 0.01)
    dot = lambda a, b: jnp.dot(a, b, preferred_element_type=jnp.float32)
    x = x_ref[...]
    agg = agg_ref[...]
    enc = dot(x, Wo1_ref[...]) + dot(agg, Wo2_ref[...]) + bo2_ref[...]
    x1 = lrelu(enc)
    hh = lrelu(dot(x1, W20_ref[...]) + b20_ref[...])
    hh = lrelu(dot(hh, W21_ref[...]) + b21_ref[...])
    hh = lrelu(dot(hh, W22_ref[...]) + b22_ref[...])
    cand_ids = dot(hh, W23_ref[...]) + b23_ref[...]
    gg = lrelu(dot(x1, W30a_ref[...]) + dot(cand_ids, W30b_ref[...]) + b30_ref[...])
    gg = lrelu(dot(gg, W31_ref[...]) + b31_ref[...])
    gg = lrelu(dot(gg, W32_ref[...]) + b32_ref[...])
    ids_ref[...] = cand_ids
    p4_ref[...] = dot(gg, W33_ref[...]) + b33_ref[...]


def _mlp(xp, aggp, Wo1, Wo2, bo2, W20, b20, W21, b21, W22, b22, W23, b23,
         W30, b30, W31, b31, W32, b32, W33, b33):
    W30a = W30[:ENC]
    W30b = W30[ENC:]
    grid = NP // MLP_BLK
    row_spec = lambda width: pl.BlockSpec((MLP_BLK, width), lambda i: (i, 0))
    full = lambda a: pl.BlockSpec(a.shape, lambda i: (0,) * a.ndim)
    weights = [Wo1, Wo2, bo2.reshape(1, ENC), W20, b20.reshape(1, HID),
               W21, b21.reshape(1, HID), W22, b22.reshape(1, HID),
               W23, b23.reshape(1, OUT_ID), W30a, W30b, b30.reshape(1, HID),
               W31, b31.reshape(1, HID), W32, b32.reshape(1, HID),
               W33, b33.reshape(1, OUT_P4)]
    return pl.pallas_call(
        _mlp_body,
        grid=(grid,),
        in_specs=[row_spec(IN_DIM), row_spec(2 * HID)] + [full(w) for w in weights],
        out_specs=(row_spec(OUT_ID), row_spec(OUT_P4)),
        out_shape=(
            jax.ShapeDtypeStruct((NP, OUT_ID), jnp.float32),
            jax.ShapeDtypeStruct((NP, OUT_P4), jnp.float32),
        ),
    )(xp, aggp, *weights)


NW = 32
BPW = 20
QPW = 16 * BPW
NPAD = NW * QPW
NCHUNK = NPAD // 16
PAD_COORD = 1e30



TBLK = 256
NGRP = 16
GRPW = NPAD // NGRP


def _thresh_body(qx_ref, qy_ref, sx_ref, sy_ref, t_ref):
    qx = qx_ref[...]
    qy = qy_ref[...]
    mins = []
    for g in range(NGRP):
        sx = sx_ref[:, g * GRPW:(g + 1) * GRPW]
        sy = sy_ref[:, g * GRPW:(g + 1) * GRPW]
        dx = qx - sx
        dy = qy - sy
        d2 = dx * dx + dy * dy
        mins.append(jnp.min(d2, axis=1, keepdims=True))
    t = mins[0]
    for m in mins[1:]:
        t = jnp.maximum(t, m)
    t_ref[...] = t * jnp.float32(1.0 + 1e-5)


def _thresh_tc(sxq, syq, sxc, syc):
    qspec = pl.BlockSpec((TBLK, 1), lambda i: (i, 0))
    cspec = pl.BlockSpec((1, NPAD), lambda i: (0, 0))
    return pl.pallas_call(
        _thresh_body,
        grid=(NPAD // TBLK,),
        in_specs=[qspec, qspec, cspec, cspec],
        out_specs=qspec,
        out_shape=jax.ShapeDtypeStruct((NPAD, 1), jnp.float32),
    )(sxq.reshape(NPAD, 1), syq.reshape(NPAD, 1),
      sxc.reshape(1, NPAD), syc.reshape(1, NPAD))


QG = 8


def _knn_sc_body(sxc_hbm, syc_hbm, sxq_hbm, syq_hbm, tq_hbm, idx_hbm, dist_hbm,
                 sxv, syv, qxv_m, qyv_m, tv_m, bufi0, bufi1, bufi2, bufi3,
                 bufi4, bufi5, bufi6, bufi7, idxbuf, d2buf):
    c = lax.axis_index("c")
    s = lax.axis_index("s")
    wid = s * 2 + c
    pltpu.sync_copy(sxc_hbm, sxv)
    pltpu.sync_copy(syc_hbm, syv)
    qbase = wid * QPW
    pltpu.sync_copy(sxq_hbm.at[pl.ds(qbase, QPW)], qxv_m)
    pltpu.sync_copy(syq_hbm.at[pl.ds(qbase, QPW)], qyv_m)
    pltpu.sync_copy(tq_hbm.at[pl.ds(qbase, QPW)], tv_m)
    iota = lax.iota(jnp.int32, 16)
    inf = jnp.float32(jnp.inf)
    inf16 = jnp.full((16,), inf, jnp.float32)
    ones = jnp.ones((16,), jnp.int32)
    bufs = (bufi0, bufi1, bufi2, bufi3, bufi4, bufi5, bufi6, bufi7)

    def block_body(bi, _):
        boff = pl.multiple_of(bi * 16, 16)
        qxv = qxv_m[pl.ds(boff, 16)]
        qyv = qyv_m[pl.ds(boff, 16)]
        tqv = tv_m[pl.ds(boff, 16)]
        for jp in range(16 // QG):
            qs = [(qxv[QG * jp + t], qyv[QG * jp + t]) for t in range(QG)]
            Ts = [tqv[QG * jp + t] for t in range(QG)]

            def p2(ci, offs):
                base = pl.multiple_of(ci * 16, 16)
                sxc = sxv[pl.ds(base, 16)]
                syc = syv[pl.ds(base, 16)]
                cidx = ci * 16 + iota
                out = []
                for t in range(QG):
                    dx = qs[t][0] - sxc
                    dy = qs[t][1] - syc
                    d2 = dx * dx + dy * dy
                    m = d2 <= Ts[t]
                    incl = plsc.cumsum(ones, mask=m)
                    tgt = offs[t] + incl
                    plsc.store_scatter(bufs[t], [tgt], cidx, mask=m)
                    out.append(offs[t] + plsc.all_reduce_population_count(m))
                return tuple(out)

            minus1 = jnp.full((16,), -1, jnp.int32)
            offs = lax.fori_loop(0, NCHUNK, p2, (minus1,) * QG, unroll=2)

            for t in range(QG):
                hits = offs[t][0] + 1
                bufs[t][pl.ds(hits, 16)] = jnp.full((16,), NPAD - 1, jnp.int32)
                nb = (hits + 15) // 16

                def p3(ci, carry):
                    bk, bv = carry
                    bidx = bufs[t][pl.ds(ci * 16, 16)]
                    sxg = plsc.load_gather(sxv, [bidx])
                    syg = plsc.load_gather(syv, [bidx])
                    dx = qs[t][0] - sxg
                    dy = qs[t][1] - syg
                    d2 = dx * dx + dy * dy
                    nk, nv = plsc.sort_key_val(d2, bidx, descending=True)
                    takeold = bk <= nk
                    lk = jnp.where(takeold, bk, nk)
                    lv = jnp.where(takeold, bv, nv)
                    return tuple(plsc.sort_key_val(lk, lv))

                bk0 = inf16
                bv0 = jnp.zeros((16,), jnp.int32)
                bk, bv = lax.fori_loop(0, nb, p3, (bk0, bv0))
                ob = pl.multiple_of(boff * 16 + (QG * jp + t) * 16, 16)
                idxbuf[pl.ds(ob, 16)] = bv
                d2buf[pl.ds(ob, 16)] = bk
        return 0

    lax.fori_loop(0, BPW, block_body, 0)
    pltpu.sync_copy(idxbuf, idx_hbm.at[pl.ds(qbase * 16, QPW * 16)])
    pltpu.sync_copy(d2buf, dist_hbm.at[pl.ds(qbase * 16, QPW * 16)])


@jax.jit
def _knn_sc(sxc, syc, sxq, syq, tq):
    mesh = plsc.VectorSubcoreMesh(core_axis_name="c", subcore_axis_name="s")
    f = pl.kernel(
        _knn_sc_body,
        out_type=(
            jax.ShapeDtypeStruct((NPAD * 16,), jnp.int32),
            jax.ShapeDtypeStruct((NPAD * 16,), jnp.float32),
        ),
        mesh=mesh,
        compiler_params=pltpu.CompilerParams(needs_layout_passes=False),
        scratch_types=[
            pltpu.VMEM((NPAD,), jnp.float32),
            pltpu.VMEM((NPAD,), jnp.float32),
            pltpu.VMEM((QPW,), jnp.float32),
            pltpu.VMEM((QPW,), jnp.float32),
            pltpu.VMEM((QPW,), jnp.float32),
            pltpu.VMEM((NPAD + 16,), jnp.int32),
            pltpu.VMEM((NPAD + 16,), jnp.int32),
            pltpu.VMEM((NPAD + 16,), jnp.int32),
            pltpu.VMEM((NPAD + 16,), jnp.int32),
            pltpu.VMEM((NPAD + 16,), jnp.int32),
            pltpu.VMEM((NPAD + 16,), jnp.int32),
            pltpu.VMEM((NPAD + 16,), jnp.int32),
            pltpu.VMEM((NPAD + 16,), jnp.int32),
            pltpu.VMEM((QPW * 16,), jnp.int32),
            pltpu.VMEM((QPW * 16,), jnp.float32),
        ],
    )
    return f(sxc, syc, sxq, syq, tq)


def _agg_sc_body(h_hbm, idx_hbm, d2_hbm, agg_hbm, idxv, d2v, rows0, rows1,
                 rows2, rows3, aggbuf, sem0, sem1, sem2, sem3):
    c = lax.axis_index("c")
    s = lax.axis_index("s")
    wid = s * 2 + c
    qbase = wid * QPW
    pltpu.sync_copy(idx_hbm.at[pl.ds(qbase * 16, QPW * 16)], idxv)
    pltpu.sync_copy(d2_hbm.at[pl.ds(qbase * 16, QPW * 16)], d2v)

    def gather(ql, buf, sem):
        off = jnp.minimum(ql, QPW - 1) * 16
        return pltpu.async_copy(h_hbm.at[idxv.at[pl.ds(off, 16)]], buf, sem)

    def compute(ql, buf):
        d2q = d2v[pl.ds(ql * 16, 16)]
        w = jnp.exp(jnp.float32(-10.0) * d2q)
        m0 = m1 = x0 = x1 = None
        for kk in range(16):
            wk = w[jnp.full((16,), kk, jnp.int32)]
            r0 = buf[kk, pl.ds(0, 16)] * wk
            r1 = buf[kk, pl.ds(16, 16)] * wk
            if kk == 0:
                m0, m1, x0, x1 = r0, r1, r0, r1
            else:
                m0 = m0 + r0
                m1 = m1 + r1
                x0 = jnp.maximum(x0, r0)
                x1 = jnp.maximum(x1, r1)
        scale = jnp.float32(1.0 / 16.0)
        ob = ql * 64
        aggbuf[pl.ds(ob, 16)] = m0 * scale
        aggbuf[pl.ds(ob + 16, 16)] = m1 * scale
        aggbuf[pl.ds(ob + 32, 16)] = x0
        aggbuf[pl.ds(ob + 48, 16)] = x1

    allrows = (rows0, rows1, rows2, rows3)
    allsems = (sem0, sem1, sem2, sem3)
    for b in range(4):
        gather(b, allrows[b], allsems[b])

    def qbody(i, _):
        q0 = i * 4
        for b in range(4):
            pltpu.make_async_copy(h_hbm.at[idxv.at[pl.ds(0, 16)]],
                                  allrows[b], allsems[b]).wait()
            compute(q0 + b, allrows[b])
            gather(q0 + b + 4, allrows[b], allsems[b])
        return 0

    lax.fori_loop(0, QPW // 4, qbody, 0)
    for b in range(4):
        pltpu.make_async_copy(h_hbm.at[idxv.at[pl.ds(0, 16)]],
                              allrows[b], allsems[b]).wait()
    pltpu.sync_copy(aggbuf, agg_hbm.at[pl.ds(qbase * 64, QPW * 64)])


@jax.jit
def _agg_sc(hp, idx_flat, d2_flat):
    mesh = plsc.VectorSubcoreMesh(core_axis_name="c", subcore_axis_name="s")
    f = pl.kernel(
        _agg_sc_body,
        out_type=jax.ShapeDtypeStruct((NPAD * 2 * HID,), jnp.float32),
        mesh=mesh,
        compiler_params=pltpu.CompilerParams(needs_layout_passes=False),
        scratch_types=[
            pltpu.VMEM((QPW * 16,), jnp.int32),
            pltpu.VMEM((QPW * 16,), jnp.float32),
            pltpu.VMEM((16, 128), jnp.float32),
            pltpu.VMEM((16, 128), jnp.float32),
            pltpu.VMEM((16, 128), jnp.float32),
            pltpu.VMEM((16, 128), jnp.float32),
            pltpu.VMEM((QPW * 2 * HID,), jnp.float32),
            pltpu.SemaphoreType.DMA,
            pltpu.SemaphoreType.DMA,
            pltpu.SemaphoreType.DMA,
            pltpu.SemaphoreType.DMA,
        ],
    )
    return f(hp, idx_flat, d2_flat)


def kernel(x, Ws, bs, Wh, bh, Wo1, Wo2, bo2, W20, b20, W21, b21, W22, b22,
           W23, b23, W30, b30, W31, b31, W32, b32, W33, b33):
    s, h = _space_hidden(x, Ws, bs, Wh, bh)
    pad = jnp.full((NPAD - N,), PAD_COORD, jnp.float32)
    zpad = jnp.zeros((NPAD - N,), jnp.float32)
    sxc = jnp.concatenate([s[:, 0], pad])
    syc = jnp.concatenate([s[:, 1], pad])
    sxq = jnp.concatenate([s[:, 0], zpad])
    syq = jnp.concatenate([s[:, 1], zpad])
    tq = _thresh_tc(sxq, syq, sxc, syc).reshape(NPAD)
    idx_flat, d2_flat = _knn_sc(sxc, syc, sxq, syq, tq)
    idx = idx_flat.reshape(NPAD, K)[:N]
    hp = jnp.pad(h, ((0, NPAD - N), (0, 128 - HID)))
    aggp = _agg_sc(hp, idx_flat, d2_flat).reshape(NPAD, 2 * HID)
    xp = jnp.pad(x, ((0, NP - N), (0, 0)))
    ids_p, p4_p = _mlp(xp, aggp, Wo1, Wo2, bo2, W20, b20, W21, b21, W22, b22,
                       W23, b23, W30, b30, W31, b31, W32, b32, W33, b33)
    cand_ids = ids_p[:N]
    cand_p4 = p4_p[:N]
    src = idx.reshape(-1)
    dst = jnp.repeat(jnp.arange(idx.shape[0]), idx.shape[1])
    edge_index = jnp.stack([src, dst])
    return (cand_ids, cand_p4, edge_index)

# --- scband reference (transcript-rebuilt; emitter-appended) ---
"""Pipeline reference for scband-pfnet7-3375844295377 (READ-ONLY COPY).

The authoritative reference and input builder live on the scoring server;
editing this copy changes nothing except your own understanding.
"""

import jax, jax.numpy as jnp
import numpy as np

N = 10000
IN_DIM = 12
HID = 32
ENC = 256
SPACE = 2
K = 16
OUT_ID = 6
OUT_P4 = 6
CHUNK = 1000


def _lin(key, fin, fout, bias=True):
    k1, k2 = jax.random.split(key)
    bound = 1.0 / np.sqrt(fin)
    W = jax.random.uniform(k1, (fin, fout), minval=-bound, maxval=bound, dtype=jnp.float32)
    b = jax.random.uniform(k2, (fout,), minval=-bound, maxval=bound, dtype=jnp.float32)
    if bias:
        return W, b
    return W, None


def setup_inputs(seed: int = 0):
    key = jax.random.key(seed)
    ks = jax.random.split(key, 16)
    x = jax.random.normal(ks[0], (N, IN_DIM), dtype=jnp.float32)
    Ws, bs = _lin(ks[1], IN_DIM, SPACE)
    Wh, bh = _lin(ks[2], IN_DIM, HID)
    Wo1, _ = _lin(ks[3], IN_DIM, ENC, bias=False)
    Wo2, bo2 = _lin(ks[4], 2 * HID, ENC)
    W20, b20 = _lin(ks[5], ENC, HID)
    W21, b21 = _lin(ks[6], HID, HID)
    W22, b22 = _lin(ks[7], HID, HID)
    W23, b23 = _lin(ks[8], HID, OUT_ID)
    W30, b30 = _lin(ks[9], ENC + OUT_ID, HID)
    W31, b31 = _lin(ks[10], HID, HID)
    W32, b32 = _lin(ks[11], HID, HID)
    W33, b33 = _lin(ks[12], HID, OUT_P4)
    return {"x": x, "Ws": Ws, "bs": bs, "Wh": Wh, "bh": bh, "Wo1": Wo1, "Wo2": Wo2, "bo2": bo2,
            "W20": W20, "b20": b20, "W21": W21, "b21": b21, "W22": W22, "b22": b22, "W23": W23, "b23": b23,
            "W30": W30, "b30": b30, "W31": W31, "b31": b31, "W32": W32, "b32": b32, "W33": W33, "b33": b33}


def _knn(s, k):
    n = s.shape[0]
    sc = s.reshape(n // CHUNK, CHUNK, s.shape[1])
    def f(q):
        d = jnp.sum((q[:, None, :] - s[None, :, :]) ** 2, axis=-1)
        _, idx = jax.lax.top_k(-d, k)
        return idx
    idx = jax.lax.map(f, sc)
    return idx.reshape(n, k)


def _forward(x, Ws, bs, Wh, bh, Wo1, Wo2, bo2, W20, b20, W21, b21, W22, b22, W23, b23, W30, b30, W31, b31, W32, b32, W33, b33):
    lrelu = lambda v: jax.nn.leaky_relu(v, 0.01)
    # GravNetConv: learned embedding into space + feature space, dynamic knn graph
    s = x @ Ws + bs                      # [N, SPACE] learned coordinates
    h = x @ Wh + bh                      # [N, HID] propagated features
    idx = _knn(s, K)                     # [N, K] neighbor indices (gather)
    d2 = jnp.sum((s[:, None, :] - s[idx]) ** 2, axis=-1)  # [N, K]
    w = jnp.exp(-10.0 * d2)
    h_nb = h[idx] * w[..., None]         # gather + distance weighting
    agg = jnp.concatenate([jnp.mean(h_nb, axis=1), jnp.max(h_nb, axis=1)], axis=-1)  # mean+max aggregation
    enc = x @ Wo1 + agg @ Wo2 + bo2      # [N, ENC]
    x1 = lrelu(enc)
    hh = lrelu(x1 @ W20 + b20)
    hh = lrelu(hh @ W21 + b21)
    hh = lrelu(hh @ W22 + b22)
    cand_ids = hh @ W23 + b23
    gg = jnp.concatenate([x1, cand_ids], axis=-1)
    gg = lrelu(gg @ W30 + b30)
    gg = lrelu(gg @ W31 + b31)
    gg = lrelu(gg @ W32 + b32)
    cand_p4 = gg @ W33 + b33
    return cand_ids, cand_p4, idx


def reference(x, Ws, bs, Wh, bh, Wo1, Wo2, bo2, W20, b20, W21, b21, W22, b22, W23, b23, W30, b30, W31, b31, W32, b32, W33, b33):
    cand_ids, cand_p4, idx = _forward(x, Ws, bs, Wh, bh, Wo1, Wo2, bo2, W20, b20, W21, b21, W22, b22, W23, b23, W30, b30, W31, b31, W32, b32, W33, b33)
    src = idx.reshape(-1)
    dst = jnp.repeat(jnp.arange(idx.shape[0]), idx.shape[1])
    edge_index = jnp.stack([src, dst])
    return (cand_ids, cand_p4, edge_index)

if __name__ == "__main__":
    import jax
    _d = setup_inputs()
    print(jax.jit(kernel)(*tuple(_d.values())))

</pallas_src>

<mosaic_0001>
#map = affine_map<(d0, d1) -> (0)>
module attributes {stable_mosaic.version = 14 : i64} {
  func.func @_knn_sc_body(%arg0: i32, %arg1: i32, %arg2: memref<10240xf32, #tpu.memory_space<hbm>>, %arg3: memref<10240xf32, #tpu.memory_space<hbm>>, %arg4: memref<10240xf32, #tpu.memory_space<hbm>>, %arg5: memref<10240xf32, #tpu.memory_space<hbm>>, %arg6: memref<10240xf32, #tpu.memory_space<hbm>>, %arg7: memref<163840xi32, #tpu.memory_space<hbm>>, %arg8: memref<163840xf32, #tpu.memory_space<hbm>>, %arg9: memref<10240xf32, #tpu.memory_space<vmem>>, %arg10: memref<10240xf32, #tpu.memory_space<vmem>>, %arg11: memref<320xf32, #tpu.memory_space<vmem>>, %arg12: memref<320xf32, #tpu.memory_space<vmem>>, %arg13: memref<320xf32, #tpu.memory_space<vmem>>, %arg14: memref<10256xi32, #tpu.memory_space<vmem>>, %arg15: memref<10256xi32, #tpu.memory_space<vmem>>, %arg16: memref<10256xi32, #tpu.memory_space<vmem>>, %arg17: memref<10256xi32, #tpu.memory_space<vmem>>, %arg18: memref<10256xi32, #tpu.memory_space<vmem>>, %arg19: memref<10256xi32, #tpu.memory_space<vmem>>, %arg20: memref<10256xi32, #tpu.memory_space<vmem>>, %arg21: memref<10256xi32, #tpu.memory_space<vmem>>, %arg22: memref<5120xi32, #tpu.memory_space<vmem>>, %arg23: memref<5120xf32, #tpu.memory_space<vmem>>) attributes {dimension_semantics = [#tpu.dimension_semantics<core_parallel>, #tpu.dimension_semantics<subcore_parallel>], iteration_bounds = array<i64: 2, 16>, scalar_prefetch = 0 : i64, scratch_operands = 15 : i64, tpu.core_type = #tpu.core_type<sc_vector_subcore>, window_params = [{transform_indices = #map}, {transform_indices = #map}, {transform_indices = #map}, {transform_indices = #map}, {transform_indices = #map}, {transform_indices = #map}, {transform_indices = #map}]} {
    %mul3A = arith.constant 2 : i32
    %mul3A_0 = arith.muli %arg1, %mul3A : i32
    %add3A = arith.addi %mul3A_0, %arg0 : i32
    "tpu.region"() ({
      %run_scoped3A = tpu.sem_alloc : memref<!tpu.dma_semaphore, #tpu.memory_space<semaphore_mem>>
      tpu.enqueue_dma source(%arg2 : memref<10240xf32, #tpu.memory_space<hbm>>) target(%arg9 : memref<10240xf32, #tpu.memory_space<vmem>>) target_semaphore(%run_scoped3A : memref<!tpu.dma_semaphore, #tpu.memory_space<semaphore_mem>>)
      tpu.wait_dma2 semaphore(%run_scoped3A : memref<!tpu.dma_semaphore, #tpu.memory_space<semaphore_mem>>) src(%arg2 : memref<10240xf32, #tpu.memory_space<hbm>>) dst(%arg9 : memref<10240xf32, #tpu.memory_space<vmem>>)
      tpu.yield
    }) : () -> ()
    "tpu.region"() ({
      %run_scoped3A = tpu.sem_alloc : memref<!tpu.dma_semaphore, #tpu.memory_space<semaphore_mem>>
      tpu.enqueue_dma source(%arg3 : memref<10240xf32, #tpu.memory_space<hbm>>) target(%arg10 : memref<10240xf32, #tpu.memory_space<vmem>>) target_semaphore(%run_scoped3A : memref<!tpu.dma_semaphore, #tpu.memory_space<semaphore_mem>>)
      tpu.wait_dma2 semaphore(%run_scoped3A : memref<!tpu.dma_semaphore, #tpu.memory_space<semaphore_mem>>) src(%arg3 : memref<10240xf32, #tpu.memory_space<hbm>>) dst(%arg10 : memref<10240xf32, #tpu.memory_space<vmem>>)
      tpu.yield
    }) : () -> ()
    %mul3A_1 = arith.constant 320 : i32
    %mul3A_2 = arith.muli %add3A, %mul3A_1 : i32
    "tpu.region"() ({
      %run_scoped3A = tpu.sem_alloc : memref<!tpu.dma_semaphore, #tpu.memory_space<semaphore_mem>>
      %dma_start3A = tpu.memref_slice %arg4[%mul3A_2] : memref<10240xf32, #tpu.memory_space<hbm>> -> memref<320xf32, #tpu.memory_space<hbm>>
      %dma_start3A_16 = tpu.memref_slice %arg4[%mul3A_2] : memref<10240xf32, #tpu.memory_space<hbm>> -> memref<320xf32, #tpu.memory_space<hbm>>
      tpu.enqueue_dma source(%dma_start3A_16 : memref<320xf32, #tpu.memory_space<hbm>>) target(%arg11 : memref<320xf32, #tpu.memory_space<vmem>>) target_semaphore(%run_scoped3A : memref<!tpu.dma_semaphore, #tpu.memory_space<semaphore_mem>>)
      %dma_wait3A = tpu.memref_slice %arg4[%mul3A_2] : memref<10240xf32, #tpu.memory_space<hbm>> -> memref<320xf32, #tpu.memory_space<hbm>>
      %dma_wait3A_17 = tpu.memref_slice %arg4[%mul3A_2] : memref<10240xf32, #tpu.memory_space<hbm>> -> memref<320xf32, #tpu.memory_space<hbm>>
      tpu.wait_dma2 semaphore(%run_scoped3A : memref<!tpu.dma_semaphore, #tpu.memory_space<semaphore_mem>>) src(%dma_wait3A_17 : memref<320xf32, #tpu.memory_space<hbm>>) dst(%arg11 : memref<320xf32, #tpu.memory_space<vmem>>)
      tpu.yield
    }) : () -> ()
    "tpu.region"() ({
      %run_scoped3A = tpu.sem_alloc : memref<!tpu.dma_semaphore, #tpu.memory_space<semaphore_mem>>
      %dma_start3A = tpu.memref_slice %arg5[%mul3A_2] : memref<10240xf32, #tpu.memory_space<hbm>> -> memref<320xf32, #tpu.memory_space<hbm>>
      %dma_start3A_16 = tpu.memref_slice %arg5[%mul3A_2] : memref<10240xf32, #tpu.memory_space<hbm>> -> memref<320xf32, #tpu.memory_space<hbm>>
      tpu.enqueue_dma source(%dma_start3A_16 : memref<320xf32, #tpu.memory_space<hbm>>) target(%arg12 : memref<320xf32, #tpu.memory_space<vmem>>) target_semaphore(%run_scoped3A : memref<!tpu.dma_semaphore, #tpu.memory_space<semaphore_mem>>)
      %dma_wait3A = tpu.memref_slice %arg5[%mul3A_2] : memref<10240xf32, #tpu.memory_space<hbm>> -> memref<320xf32, #tpu.memory_space<hbm>>
      %dma_wait3A_17 = tpu.memref_slice %arg5[%mul3A_2] : memref<10240xf32, #tpu.memory_space<hbm>> -> memref<320xf32, #tpu.memory_space<hbm>>
      tpu.wait_dma2 semaphore(%run_scoped3A : memref<!tpu.dma_semaphore, #tpu.memory_space<semaphore_mem>>) src(%dma_wait3A_17 : memref<320xf32, #tpu.memory_space<hbm>>) dst(%arg12 : memref<320xf32, #tpu.memory_space<vmem>>)
      tpu.yield
    }) : () -> ()
    "tpu.region"() ({
      %run_scoped3A = tpu.sem_alloc : memref<!tpu.dma_semaphore, #tpu.memory_space<semaphore_mem>>
      %dma_start3A = tpu.memref_slice %arg6[%mul3A_2] : memref<10240xf32, #tpu.memory_space<hbm>> -> memref<320xf32, #tpu.memory_space<hbm>>
      %dma_start3A_16 = tpu.memref_slice %arg6[%mul3A_2] : memref<10240xf32, #tpu.memory_space<hbm>> -> memref<320xf32, #tpu.memory_space<hbm>>
      tpu.enqueue_dma source(%dma_start3A_16 : memref<320xf32, #tpu.memory_space<hbm>>) target(%arg13 : memref<320xf32, #tpu.memory_space<vmem>>) target_semaphore(%run_scoped3A : memref<!tpu.dma_semaphore, #tpu.memory_space<semaphore_mem>>)
      %dma_wait3A = tpu.memref_slice %arg6[%mul3A_2] : memref<10240xf32, #tpu.memory_space<hbm>> -> memref<320xf32, #tpu.memory_space<hbm>>
      %dma_wait3A_17 = tpu.memref_slice %arg6[%mul3A_2] : memref<10240xf32, #tpu.memory_space<hbm>> -> memref<320xf32, #tpu.memory_space<hbm>>
      tpu.wait_dma2 semaphore(%run_scoped3A : memref<!tpu.dma_semaphore, #tpu.memory_space<semaphore_mem>>) src(%dma_wait3A_17 : memref<320xf32, #tpu.memory_space<hbm>>) dst(%arg13 : memref<320xf32, #tpu.memory_space<vmem>>)
      tpu.yield
    }) : () -> ()
    %iota3A = tpu.iota {dimensions = array<i32: 0>} : vector<16xi32>
    %broadcast_in_dim3A = arith.constant 0x7F800000 : f32
    %broadcast_in_dim3A_3 = vector.broadcast %broadcast_in_dim3A : f32 to vector<16xf32>
    %broadcast_in_dim3A_4 = arith.constant 1 : i32
    %broadcast_in_dim3A_5 = vector.broadcast %broadcast_in_dim3A_4 : i32 to vector<16xi32>
    %scan3A = arith.constant 0 : i32
    %scan3A_6 = arith.constant 0 : i32
    %scan3A_7 = arith.constant 20 : i32
    %scan3A_8 = arith.addi %scan3A_6, %scan3A_7 : i32
    %scan3A_9 = arith.constant 1 : i32
    %scan3A_10 = scf.for %scan3A_16 = %scan3A_6 to %scan3A_8 step %scan3A_9 iter_args(%scan3A_17 = %scan3A) -> (i32)  : i32 {
      %mul3A_18 = arith.constant 16 : i32
      %mul3A_19 = arith.muli %scan3A_16, %mul3A_18 : i32
      %multiple_of3A = tpu.assume_multiple %mul3A_19, 16 : i32
      %get3A = arith.index_cast %multiple_of3A : i32 to index
      %get3A_20 = tpu.vector_load %arg11[%get3A] {strides = array<i32>} : memref<320xf32, #tpu.memory_space<vmem>>, vector<16xf32>,
      %get3A_21 = arith.index_cast %multiple_of3A : i32 to index
      %get3A_22 = tpu.vector_load %arg12[%get3A_21] {strides = array<i32>} : memref<320xf32, #tpu.memory_space<vmem>>, vector<16xf32>,
      %get3A_23 = arith.index_cast %multiple_of3A : i32 to index
      %get3A_24 = tpu.vector_load %arg13[%get3A_23] {strides = array<i32>} : memref<320xf32, #tpu.memory_space<vmem>>, vector<16xf32>,
      %slice3A = vector.extract_strided_slice %get3A_20 {offsets = [0], sizes = [1], strides = [1]} : vector<16xf32> to vector<1xf32>
      %squeeze3A = vector.extract %slice3A[0] : f32 from vector<1xf32>
      %slice3A_25 = vector.extract_strided_slice %get3A_22 {offsets = [0], sizes = [1], strides = [1]} : vector<16xf32> to vector<1xf32>
      %squeeze3A_26 = vector.extract %slice3A_25[0] : f32 from vector<1xf32>
      %slice3A_27 = vector.extract_strided_slice %get3A_20 {offsets = [1], sizes = [1], strides = [1]} : vector<16xf32> to vector<1xf32>
      %squeeze3A_28 = vector.extract %slice3A_27[0] : f32 from vector<1xf32>
      %slice3A_29 = vector.extract_strided_slice %get3A_22 {offsets = [1], sizes = [1], strides = [1]} : vector<16xf32> to vector<1xf32>
      %squeeze3A_30 = vector.extract %slice3A_29[0] : f32 from vector<1xf32>
      %slice3A_31 = vector.extract_strided_slice %get3A_20 {offsets = [2], sizes = [1], strides = [1]} : vector<16xf32> to vector<1xf32>
      %squeeze3A_32 = vector.extract %slice3A_31[0] : f32 from vector<1xf32>
      %slice3A_33 = vector.extract_strided_slice %get3A_22 {offsets = [2], sizes = [1], strides = [1]} : vector<16xf32> to vector<1xf32>
      %squeeze3A_34 = vector.extract %slice3A_33[0] : f32 from vector<1xf32>
      %slice3A_35 = vector.extract_strided_slice %get3A_20 {offsets = [3], sizes = [1], strides = [1]} : vector<16xf32> to vector<1xf32>
      %squeeze3A_36 = vector.extract %slice3A_35[0] : f32 from vector<1xf32>
      %slice3A_37 = vector.extract_strided_slice %get3A_22 {offsets = [3], sizes = [1], strides = [1]} : vector<16xf32> to vector<1xf32>
      %squeeze3A_38 = vector.extract %slice3A_37[0] : f32 from vector<1xf32>
      %slice3A_39 = vector.extract_strided_slice %get3A_20 {offsets = [4], sizes = [1], strides = [1]} : vector<16xf32> to vector<1xf32>
      %squeeze3A_40 = vector.extract %slice3A_39[0] : f32 from vector<1xf32>
      %slice3A_41 = vector.extract_strided_slice %get3A_22 {offsets = [4], sizes = [1], strides = [1]} : vector<16xf32> to vector<1xf32>
      %squeeze3A_42 = vector.extract %slice3A_41[0] : f32 from vector<1xf32>
      %slice3A_43 = vector.extract_strided_slice %get3A_20 {offsets = [5], sizes = [1], strides = [1]} : vector<16xf32> to vector<1xf32>
      %squeeze3A_44 = vector.extract %slice3A_43[0] : f32 from vector<1xf32>
      %slice3A_45 = vector.extract_strided_slice %get3A_22 {offsets = [5], sizes = [1], strides = [1]} : vector<16xf32> to vector<1xf32>
      %squeeze3A_46 = vector.extract %slice3A_45[0] : f32 from vector<1xf32>
      %slice3A_47 = vector.extract_strided_slice %get3A_20 {offsets = [6], sizes = [1], strides = [1]} : vector<16xf32> to vector<1xf32>
      %squeeze3A_48 = vector.extract %slice3A_47[0] : f32 from vector<1xf32>
      %slice3A_49 = vector.extract_strided_slice %get3A_22 {offsets = [6], sizes = [1], strides = [1]} : vector<16xf32> to vector<1xf32>
      %squeeze3A_50 = vector.extract %slice3A_49[0] : f32 from vector<1xf32>
      %slice3A_51 = vector.extract_strided_slice %get3A_20 {offsets = [7], sizes = [1], strides = [1]} : vector<16xf32> to vector<1xf32>
      %squeeze3A_52 = vector.extract %slice3A_51[0] : f32 from vector<1xf32>
      %slice3A_53 = vector.extract_strided_slice %get3A_22 {offsets = [7], sizes = [1], strides = [1]} : vector<16xf32> to vector<1xf32>
      %squeeze3A_54 = vector.extract %slice3A_53[0] : f32 from vector<1xf32>
      %slice3A_55 = vector.extract_strided_slice %get3A_24 {offsets = [0], sizes = [1], strides = [1]} : vector<16xf32> to vector<1xf32>
      %squeeze3A_56 = vector.extract %slice3A_55[0] : f32 from vector<1xf32>
      %slice3A_57 = vector.extract_strided_slice %get3A_24 {offsets = [1], sizes = [1], strides = [1]} : vector<16xf32> to vector<1xf32>
      %squeeze3A_58 = vector.extract %slice3A_57[0] : f32 from vector<1xf32>
      %slice3A_59 = vector.extract_strided_slice %get3A_24 {offsets = [2], sizes = [1], strides = [1]} : vector<16xf32> to vector<1xf32>
      %squeeze3A_60 = vector.extract %slice3A_59[0] : f32 from vector<1xf32>
      %slice3A_61 = vector.extract_strided_slice %get3A_24 {offsets = [3], sizes = [1], strides = [1]} : vector<16xf32> to vector<1xf32>
      %squeeze3A_62 = vector.extract %slice3A_61[0] : f32 from vector<1xf32>
      %slice3A_63 = vector.extract_strided_slice %get3A_24 {offsets = [4], sizes = [1], strides = [1]} : vector<16xf32> to vector<1xf32>
      %squeeze3A_64 = vector.extract %slice3A_63[0] : f32 from vector<1xf32>
      %slice3A_65 = vector.extract_strided_slice %get3A_24 {offsets = [5], sizes = [1], strides = [1]} : vector<16xf32> to vector<1xf32>
      %squeeze3A_66 = vector.extract %slice3A_65[0] : f32 from vector<1xf32>
      %slice3A_67 = vector.extract_strided_slice %get3A_24 {offsets = [6], sizes = [1], strides = [1]} : vector<16xf32> to vector<1xf32>
      %squeeze3A_68 = vector.extract %slice3A_67[0] : f32 from vector<1xf32>
      %slice3A_69 = vector.extract_strided_slice %get3A_24 {offsets = [7], sizes = [1], strides = [1]} : vector<16xf32> to vector<1xf32>
      %squeeze3A_70 = vector.extract %slice3A_69[0] : f32 from vector<1xf32>
      %broadcast_in_dim3A_71 = arith.constant -1 : i32
      %broadcast_in_dim3A_72 = vector.broadcast %broadcast_in_dim3A_71 : i32 to vector<16xi32>
      %scan3A_73 = arith.constant 0 : i32
      %scan3A_74 = arith.constant 640 : i32
      %scan3A_75 = arith.addi %scan3A_73, %scan3A_74 : i32
      %scan3A_76 = arith.constant 2 : i32
      %scan3A_77:8 = scf.for %scan3A_1022 = %scan3A_73 to %scan3A_75 step %scan3A_76 iter_args(%scan3A_1023 = %broadcast_in_dim3A_72, %scan3A_1024 = %broadcast_in_dim3A_72, %scan3A_1025 = %broadcast_in_dim3A_72, %scan3A_1026 = %broadcast_in_dim3A_72, %scan3A_1027 = %broadcast_in_dim3A_72, %scan3A_1028 = %broadcast_in_dim3A_72, %scan3A_1029 = %broadcast_in_dim3A_72, %scan3A_1030 = %broadcast_in_dim3A_72) -> (vector<16xi32>, vector<16xi32>, vector<16xi32>, vector<16xi32>, vector<16xi32>, vector<16xi32>, vector<16xi32>, vector<16xi32>)  : i32 {
        %mul3A_1031 = arith.constant 16 : i32
        %mul3A_1032 = arith.muli %scan3A_1022, %mul3A_1031 : i32
        %multiple_of3A_1033 = tpu.assume_multiple %mul3A_1032, 16 : i32
        %get3A_1034 = arith.index_cast %multiple_of3A_1033 : i32 to index
        %get3A_1035 = tpu.vector_load %arg9[%get3A_1034] {strides = array<i32>} : memref<10240xf32, #tpu.memory_space<vmem>>, vector<16xf32>,
        %get3A_1036 = arith.index_cast %multiple_of3A_1033 : i32 to index
        %get3A_1037 = tpu.vector_load %arg10[%get3A_1036] {strides = array<i32>} : memref<10240xf32, #tpu.memory_space<vmem>>, vector<16xf32>,
        %mul3A_1038 = arith.constant 16 : i32
        %mul3A_1039 = arith.muli %scan3A_1022, %mul3A_1038 : i32
        %add3A_1040 = vector.broadcast %mul3A_1039 : i32 to vector<16xi32>
        %add3A_1041 = arith.addi %add3A_1040, %iota3A : vector<16xi32>
        %sub3A_1042 = vector.broadcast %squeeze3A : f32 to vector<16xf32>
        %sub3A_1043 = arith.subf %sub3A_1042, %get3A_1035 : vector<16xf32>
        %sub3A_1044 = vector.broadcast %squeeze3A_26 : f32 to vector<16xf32>
        %sub3A_1045 = arith.subf %sub3A_1044, %get3A_1037 : vector<16xf32>
        %mul3A_1046 = arith.mulf %sub3A_1043, %sub3A_1043 : vector<16xf32>
        %mul3A_1047 = arith.mulf %sub3A_1045, %sub3A_1045 : vector<16xf32>
        %add3A_1048 = arith.addf %mul3A_1046, %mul3A_1047 : vector<16xf32>
        %le3A = vector.broadcast %squeeze3A_56 : f32 to vector<16xf32>
        %le3A_1049 = arith.cmpf ole, %add3A_1048, %le3A : vector<16xf32>
        %masked_cumsum3A = tpu.scan <sum>, %broadcast_in_dim3A_5 masked %le3A_1049 : vector<16xi32>, vector<16xi1> -> vector<16xi32>
        %add3A_1050 = arith.addi %scan3A_1023, %masked_cumsum3A : vector<16xi32>
        tpu.vector_store_idx %arg14[%add3A_1050], %add3A_1041 masked %le3A_1049 : memref<10256xi32, #tpu.memory_space<vmem>>[vector<16xi32>], vector<16xi32>, vector<16xi1>
        %all_reduce_population_count3A = tpu.all_reduce %le3A_1049 {dim = 0 : i64, kind = #tpu.reduction_kind<sum>} : vector<16xi1> -> vector<16xi32>
        %add3A_1051 = arith.addi %scan3A_1023, %all_reduce_population_count3A : vector<16xi32>
        %sub3A_1052 = vector.broadcast %squeeze3A_28 : f32 to vector<16xf32>
        %sub3A_1053 = arith.subf %sub3A_1052, %get3A_1035 : vector<16xf32>
        %sub3A_1054 = vector.broadcast %squeeze3A_30 : f32 to vector<16xf32>
        %sub3A_1055 = arith.subf %sub3A_1054, %get3A_1037 : vector<16xf32>
        %mul3A_1056 = arith.mulf %sub3A_1053, %sub3A_1053 : vector<16xf32>
        %mul3A_1057 = arith.mulf %sub3A_1055, %sub3A_1055 : vector<16xf32>
        %add3A_1058 = arith.addf %mul3A_1056, %mul3A_1057 : vector<16xf32>
        %le3A_1059 = vector.broadcast %squeeze3A_58 : f32 to vector<16xf32>
        %le3A_1060 = arith.cmpf ole, %add3A_1058, %le3A_1059 : vector<16xf32>
        %masked_cumsum3A_1061 = tpu.scan <sum>, %broadcast_in_dim3A_5 masked %le3A_1060 : vector<16xi32>, vector<16xi1> -> vector<16xi32>
        %add3A_1062 = arith.addi %scan3A_1024, %masked_cumsum3A_1061 : vector<16xi32>
        tpu.vector_store_idx %arg15[%add3A_1062], %add3A_1041 masked %le3A_1060 : memref<10256xi32, #tpu.memory_space<vmem>>[vector<16xi32>], vector<16xi32>, vector<16xi1>
        %all_reduce_population_count3A_1063 = tpu.all_reduce %le3A_1060 {dim = 0 : i64, kind = #tpu.reduction_kind<sum>} : vector<16xi1> -> vector<16xi32>
        %add3A_1064 = arith.addi %scan3A_1024, %all_reduce_population_count3A_1063 : vector<16xi32>
        %sub3A_1065 = vector.broadcast %squeeze3A_32 : f32 to vector<16xf32>
        %sub3A_1066 = arith.subf %sub3A_1065, %get3A_1035 : vector<16xf32>
        %sub3A_1067 = vector.broadcast %squeeze3A_34 : f32 to vector<16xf32>
        %sub3A_1068 = arith.subf %sub3A_1067, %get3A_1037 : vector<16xf32>
        %mul3A_1069 = arith.mulf %sub3A_1066, %sub3A_1066 : vector<16xf32>
        %mul3A_1070 = arith.mulf %sub3A_1068, %sub3A_1068 : vector<16xf32>
        %add3A_1071 = arith.addf %mul3A_1069, %mul3A_1070 : vector<16xf32>
        %le3A_1072 = vector.broadcast %squeeze3A_60 : f32 to vector<16xf32>
        %le3A_1073 = arith.cmpf ole, %add3A_1071, %le3A_1072 : vector<16xf32>
        %masked_cumsum3A_1074 = tpu.scan <sum>, %broadcast_in_dim3A_5 masked %le3A_1073 : vector<16xi32>, vector<16xi1> -> vector<16xi32>
        %add3A_1075 = arith.addi %scan3A_1025, %masked_cumsum3A_1074 : vector<16xi32>
        tpu.vector_store_idx %arg16[%add3A_1075], %add3A_1041 masked %le3A_1073 : memref<10256xi32, #tpu.memory_space<vmem>>[vector<16xi32>], vector<16xi32>, vector<16xi1>
        %all_reduce_population_count3A_1076 = tpu.all_reduce %le3A_1073 {dim = 0 : i64, kind = #tpu.reduction_kind<sum>} : vector<16xi1> -> vector<16xi32>
        %add3A_1077 = arith.addi %scan3A_1025, %all_reduce_population_count3A_1076 : vector<16xi32>
        %sub3A_1078 = vector.broadcast %squeeze3A_36 : f32 to vector<16xf32>
        %sub3A_1079 = arith.subf %sub3A_1078, %get3A_1035 : vector<16xf32>
        %sub3A_1080 = vector.broadcast %squeeze3A_38 : f32 to vector<16xf32>
        %sub3A_1081 = arith.subf %sub3A_1080, %get3A_1037 : vector<16xf32>
        %mul3A_1082 = arith.mulf %sub3A_1079, %sub3A_1079 : vector<16xf32>
        %mul3A_1083 = arith.mulf %sub3A_1081, %sub3A_1081 : vector<16xf32>
        %add3A_1084 = arith.addf %mul3A_1082, %mul3A_1083 : vector<16xf32>
        %le3A_1085 = vector.broadcast %squeeze3A_62 : f32 to vector<16xf32>
        %le3A_1086 = arith.cmpf ole, %add3A_1084, %le3A_1085 : vector<16xf32>
        %masked_cumsum3A_1087 = tpu.scan <sum>, %broadcast_in_dim3A_5 masked %le3A_1086 : vector<16xi32>, vector<16xi1> -> vector<16xi32>
        %add3A_1088 = arith.addi %scan3A_1026, %masked_cumsum3A_1087 : vector<16xi32>
        tpu.vector_store_idx %arg17[%add3A_1088], %add3A_1041 masked %le3A_1086 : memref<10256xi32, #tpu.memory_space<vmem>>[vector<16xi32>], vector<16xi32>, vector<16xi1>
        %all_reduce_population_count3A_1089 = tpu.all_reduce %le3A_1086 {dim = 0 : i64, kind = #tpu.reduction_kind<sum>} : vector<16xi1> -> vector<16xi32>
        %add3A_1090 = arith.addi %scan3A_1026, %all_reduce_population_count3A_1089 : vector<16xi32>
        %sub3A_1091 = vector.broadcast %squeeze3A_40 : f32 to vector<16xf32>
        %sub3A_1092 = arith.subf %sub3A_1091, %get3A_1035 : vector<16xf32>
        %sub3A_1093 = vector.broadcast %squeeze3A_42 : f32 to vector<16xf32>
        %sub3A_1094 = arith.subf %sub3A_1093, %get3A_1037 : vector<16xf32>
        %mul3A_1095 = arith.mulf %sub3A_1092, %sub3A_1092 : vector<16xf32>
        %mul3A_1096 = arith.mulf %sub3A_1094, %sub3A_1094 : vector<16xf32>
        %add3A_1097 = arith.addf %mul3A_1095, %mul3A_1096 : vector<16xf32>
        %le3A_1098 = vector.broadcast %squeeze3A_64 : f32 to vector<16xf32>
        %le3A_1099 = arith.cmpf ole, %add3A_1097, %le3A_1098 : vector<16xf32>
        %masked_cumsum3A_1100 = tpu.scan <sum>, %broadcast_in_dim3A_5 masked %le3A_1099 : vector<16xi32>, vector<16xi1> -> vector<16xi32>
        %add3A_1101 = arith.addi %scan3A_1027, %masked_cumsum3A_1100 : vector<16xi32>
        tpu.vector_store_idx %arg18[%add3A_1101], %add3A_1041 masked %le3A_1099 : memref<10256xi32, #tpu.memory_space<vmem>>[vector<16xi32>], vector<16xi32>, vector<16xi1>
        %all_reduce_population_count3A_1102 = tpu.all_reduce %le3A_1099 {dim = 0 : i64, kind = #tpu.reduction_kind<sum>} : vector<16xi1> -> vector<16xi32>
        %add3A_1103 = arith.addi %scan3A_1027, %all_reduce_population_count3A_1102 : vector<16xi32>
        %sub3A_1104 = vector.broadcast %squeeze3A_44 : f32 to vector<16xf32>
        %sub3A_1105 = arith.subf %sub3A_1104, %get3A_1035 : vector<16xf32>
        %sub3A_1106 = vector.broadcast %squeeze3A_46 : f32 to vector<16xf32>
        %sub3A_1107 = arith.subf %sub3A_1106, %get3A_1037 : vector<16xf32>
        %mul3A_1108 = arith.mulf %sub3A_1105, %sub3A_1105 : vector<16xf32>
        %mul3A_1109 = arith.mulf %sub3A_1107, %sub3A_1107 : vector<16xf32>
        %add3A_1110 = arith.addf %mul3A_1108, %mul3A_1109 : vector<16xf32>
        %le3A_1111 = vector.broadcast %squeeze3A_66 : f32 to vector<16xf32>
        %le3A_1112 = arith.cmpf ole, %add3A_1110, %le3A_1111 : vector<16xf32>
        %masked_cumsum3A_1113 = tpu.scan <sum>, %broadcast_in_dim3A_5 masked %le3A_1112 : vector<16xi32>, vector<16xi1> -> vector<16xi32>
        %add3A_1114 = arith.addi %scan3A_1028, %masked_cumsum3A_1113 : vector<16xi32>
        tpu.vector_store_idx %arg19[%add3A_1114], %add3A_1041 masked %le3A_1112 : memref<10256xi32, #tpu.memory_space<vmem>>[vector<16xi32>], vector<16xi32>, vector<16xi1>
        %all_reduce_population_count3A_1115 = tpu.all_reduce %le3A_1112 {dim = 0 : i64, kind = #tpu.reduction_kind<sum>} : vector<16xi1> -> vector<16xi32>
        %add3A_1116 = arith.addi %scan3A_1028, %all_reduce_population_count3A_1115 : vector<16xi32>
        %sub3A_1117 = vector.broadcast %squeeze3A_48 : f32 to vector<16xf32>
        %sub3A_1118 = arith.subf %sub3A_1117, %get3A_1035 : vector<16xf32>
        %sub3A_1119 = vector.broadcast %squeeze3A_50 : f32 to vector<16xf32>
        %sub3A_1120 = arith.subf %sub3A_1119, %get3A_1037 : vector<16xf32>
        %mul3A_1121 = arith.mulf %sub3A_1118, %sub3A_1118 : vector<16xf32>
        %mul3A_1122 = arith.mulf %sub3A_1120, %sub3A_1120 : vector<16xf32>
        %add3A_1123 = arith.addf %mul3A_1121, %mul3A_1122 : vector<16xf32>
        %le3A_1124 = vector.broadcast %squeeze3A_68 : f32 to vector<16xf32>
        %le3A_1125 = arith.cmpf ole, %add3A_1123, %le3A_1124 : vector<16xf32>
        %masked_cumsum3A_1126 = tpu.scan <sum>, %broadcast_in_dim3A_5 masked %le3A_1125 : vector<16xi32>, vector<16xi1> -> vector<16xi32>
        %add3A_1127 = arith.addi %scan3A_1029, %masked_cumsum3A_1126 : vector<16xi32>
        tpu.vector_store_idx %arg20[%add3A_1127], %add3A_1041 masked %le3A_1125 : memref<10256xi32, #tpu.memory_space<vmem>>[vector<16xi32>], vector<16xi32>, vector<16xi1>
        %all_reduce_population_count3A_1128 = tpu.all_reduce %le3A_1125 {dim = 0 : i64, kind = #tpu.reduction_kind<sum>} : vector<16xi1> -> vector<16xi32>
        %add3A_1129 = arith.addi %scan3A_1029, %all_reduce_population_count3A_1128 : vector<16xi32>
        %sub3A_1130 = vector.broadcast %squeeze3A_52 : f32 to vector<16xf32>
        %sub3A_1131 = arith.subf %sub3A_1130, %get3A_1035 : vector<16xf32>
        %sub3A_1132 = vector.broadcast %squeeze3A_54 : f32 to vector<16xf32>
        %sub3A_1133 = arith.subf %sub3A_1132, %get3A_1037 : vector<16xf32>
        %mul3A_1134 = arith.mulf %sub3A_1131, %sub3A_1131 : vector<16xf32>
        %mul3A_1135 = arith.mulf %sub3A_1133, %sub3A_1133 : vector<16xf32>
        %add3A_1136 = arith.addf %mul3A_1134, %mul3A_1135 : vector<16xf32>
        %le3A_1137 = vector.broadcast %squeeze3A_70 : f32 to vector<16xf32>
        %le3A_1138 = arith.cmpf ole, %add3A_1136, %le3A_1137 : vector<16xf32>
        %masked_cumsum3A_1139 = tpu.scan <sum>, %broadcast_in_dim3A_5 masked %le3A_1138 : vector<16xi32>, vector<16xi1> -> vector<16xi32>
        %add3A_1140 = arith.addi %scan3A_1030, %masked_cumsum3A_1139 : vector<16xi32>
        tpu.vector_store_idx %arg21[%add3A_1140], %add3A_1041 masked %le3A_1138 : memref<10256xi32, #tpu.memory_space<vmem>>[vector<16xi32>], vector<16xi32>, vector<16xi1>
        %all_reduce_population_count3A_1141 = tpu.all_reduce %le3A_1138 {dim = 0 : i64, kind = #tpu.reduction_kind<sum>} : vector<16xi1> -> vector<16xi32>
        %add3A_1142 = arith.addi %scan3A_1030, %all_reduce_population_count3A_1141 : vector<16xi32>
        %scan3A_1143 = arith.constant 1 : i32
        %scan3A_1144 = arith.addi %scan3A_1022, %scan3A_1143 : i32
        %mul3A_1145 = arith.constant 16 : i32
        %mul3A_1146 = arith.muli %scan3A_1144, %mul3A_1145 : i32
        %multiple_of3A_1147 = tpu.assume_multiple %mul3A_1146, 16 : i32
        %get3A_1148 = arith.index_cast %multiple_of3A_1147 : i32 to index
        %get3A_1149 = tpu.vector_load %arg9[%get3A_1148] {strides = array<i32>} : memref<10240xf32, #tpu.memory_space<vmem>>, vector<16xf32>,
        %get3A_1150 = arith.index_cast %multiple_of3A_1147 : i32 to index
        %get3A_1151 = tpu.vector_load %arg10[%get3A_1150] {strides = array<i32>} : memref<10240xf32, #tpu.memory_space<vmem>>, vector<16xf32>,
        %mul3A_1152 = arith.constant 16 : i32
        %mul3A_1153 = arith.muli %scan3A_1144, %mul3A_1152 : i32
        %add3A_1154 = vector.broadcast %mul3A_1153 : i32 to vector<16xi32>
        %add3A_1155 = arith.addi %add3A_1154, %iota3A : vector<16xi32>
        %sub3A_1156 = vector.broadcast %squeeze3A : f32 to vector<16xf32>
        %sub3A_1157 = arith.subf %sub3A_1156, %get3A_1149 : vector<16xf32>
        %sub3A_1158 = vector.broadcast %squeeze3A_26 : f32 to vector<16xf32>
        %sub3A_1159 = arith.subf %sub3A_1158, %get3A_1151 : vector<16xf32>
        %mul3A_1160 = arith.mulf %sub3A_1157, %sub3A_1157 : vector<16xf32>
        %mul3A_1161 = arith.mulf %sub3A_1159, %sub3A_1159 : vector<16xf32>
        %add3A_1162 = arith.addf %mul3A_1160, %mul3A_1161 : vector<16xf32>
        %le3A_1163 = vector.broadcast %squeeze3A_56 : f32 to vector<16xf32>
        %le3A_1164 = arith.cmpf ole, %add3A_1162, %le3A_1163 : vector<16xf32>
        %masked_cumsum3A_1165 = tpu.scan <sum>, %broadcast_in_dim3A_5 masked %le3A_1164 : vector<16xi32>, vector<16xi1> -> vector<16xi32>
        %add3A_1166 = arith.addi %add3A_1051, %masked_cumsum3A_1165 : vector<16xi32>
        tpu.vector_store_idx %arg14[%add3A_1166], %add3A_1155 masked %le3A_1164 : memref<10256xi32, #tpu.memory_space<vmem>>[vector<16xi32>], vector<16xi32>, vector<16xi1>
        %all_reduce_population_count3A_1167 = tpu.all_reduce %le3A_1164 {dim = 0 : i64, kind = #tpu.reduction_kind<sum>} : vector<16xi1> -> vector<16xi32>
        %add3A_1168 = arith.addi %add3A_1051, %all_reduce_population_count3A_1167 : vector<16xi32>
        %sub3A_1169 = vector.broadcast %squeeze3A_28 : f32 to vector<16xf32>
        %sub3A_1170 = arith.subf %sub3A_1169, %get3A_1149 : vector<16xf32>
        %sub3A_1171 = vector.broadcast %squeeze3A_30 : f32 to vector<16xf32>
        %sub3A_1172 = arith.subf %sub3A_1171, %get3A_1151 : vector<16xf32>
        %mul3A_1173 = arith.mulf %sub3A_1170, %sub3A_1170 : vector<16xf32>
        %mul3A_1174 = arith.mulf %sub3A_1172, %sub3A_1172 : vector<16xf32>
        %add3A_1175 = arith.addf %mul3A_1173, %mul3A_1174 : vector<16xf32>
        %le3A_1176 = vector.broadcast %squeeze3A_58 : f32 to vector<16xf32>
        %le3A_1177 = arith.cmpf ole, %add3A_1175, %le3A_1176 : vector<16xf32>
        %masked_cumsum3A_1178 = tpu.scan <sum>, %broadcast_in_dim3A_5 masked %le3A_1177 : vector<16xi32>, vector<16xi1> -> vector<16xi32>
        %add3A_1179 = arith.addi %add3A_1064, %masked_cumsum3A_1178 : vector<16xi32>
        tpu.vector_store_idx %arg15[%add3A_1179], %add3A_1155 masked %le3A_1177 : memref<10256xi32, #tpu.memory_space<vmem>>[vector<16xi32>], vector<16xi32>, vector<16xi1>
        %all_reduce_population_count3A_1180 = tpu.all_reduce %le3A_1177 {dim = 0 : i64, kind = #tpu.reduction_kind<sum>} : vector<16xi1> -> vector<16xi32>
        %add3A_1181 = arith.addi %add3A_1064, %all_reduce_population_count3A_1180 : vector<16xi32>
        %sub3A_1182 = vector.broadcast %squeeze3A_32 : f32 to vector<16xf32>
        %sub3A_1183 = arith.subf %sub3A_1182, %get3A_1149 : vector<16xf32>
        %sub3A_1184 = vector.broadcast %squeeze3A_34 : f32 to vector<16xf32>
        %sub3A_1185 = arith.subf %sub3A_1184, %get3A_1151 : vector<16xf32>
        %mul3A_1186 = arith.mulf %sub3A_1183, %sub3A_1183 : vector<16xf32>
        %mul3A_1187 = arith.mulf %sub3A_1185, %sub3A_1185 : vector<16xf32>
        %add3A_1188 = arith.addf %mul3A_1186, %mul3A_1187 : vector<16xf32>
        %le3A_1189 = vector.broadcast %squeeze3A_60 : f32 to vector<16xf32>
        %le3A_1190 = arith.cmpf ole, %add3A_1188, %le3A_1189 : vector<16xf32>
        %masked_cumsum3A_1191 = tpu.scan <sum>, %broadcast_in_dim3A_5 masked %le3A_1190 : vector<16xi32>, vector<16xi1> -> vector<16xi32>
        %add3A_1192 = arith.addi %add3A_1077, %masked_cumsum3A_1191 : vector<16xi32>
        tpu.vector_store_idx %arg16[%add3A_1192], %add3A_1155 masked %le3A_1190 : memref<10256xi32, #tpu.memory_space<vmem>>[vector<16xi32>], vector<16xi32>, vector<16xi1>
        %all_reduce_population_count3A_1193 = tpu.all_reduce %le3A_1190 {dim = 0 : i64, kind = #tpu.reduction_kind<sum>} : vector<16xi1> -> vector<16xi32>
        %add3A_1194 = arith.addi %add3A_1077, %all_reduce_population_count3A_1193 : vector<16xi32>
        %sub3A_1195 = vector.broadcast %squeeze3A_36 : f32 to vector<16xf32>
        %sub3A_1196 = arith.subf %sub3A_1195, %get3A_1149 : vector<16xf32>
        %sub3A_1197 = vector.broadcast %squeeze3A_38 : f32 to vector<16xf32>
        %sub3A_1198 = arith.subf %sub3A_1197, %get3A_1151 : vector<16xf32>
        %mul3A_1199 = arith.mulf %sub3A_1196, %sub3A_1196 : vector<16xf32>
        %mul3A_1200 = arith.mulf %sub3A_1198, %sub3A_1198 : vector<16xf32>
        %add3A_1201 = arith.addf %mul3A_1199, %mul3A_1200 : vector<16xf32>
        %le3A_1202 = vector.broadcast %squeeze3A_62 : f32 to vector<16xf32>
        %le3A_1203 = arith.cmpf ole, %add3A_1201, %le3A_1202 : vector<16xf32>
        %masked_cumsum3A_1204 = tpu.scan <sum>, %broadcast_in_dim3A_5 masked %le3A_1203 : vector<16xi32>, vector<16xi1> -> vector<16xi32>
        %add3A_1205 = arith.addi %add3A_1090, %masked_cumsum3A_1204 : vector<16xi32>
        tpu.vector_store_idx %arg17[%add3A_1205], %add3A_1155 masked %le3A_1203 : memref<10256xi32, #tpu.memory_space<vmem>>[vector<16xi32>], vector<16xi32>, vector<16xi1>
        %all_reduce_population_count3A_1206 = tpu.all_reduce %le3A_1203 {dim = 0 : i64, kind = #tpu.reduction_kind<sum>} : vector<16xi1> -> vector<16xi32>
        %add3A_1207 = arith.addi %add3A_1090, %all_reduce_population_count3A_1206 : vector<16xi32>
        %sub3A_1208 = vector.broadcast %squeeze3A_40 : f32 to vector<16xf32>
        %sub3A_1209 = arith.subf %sub3A_1208, %get3A_1149 : vector<16xf32>
        %sub3A_1210 = vector.broadcast %squeeze3A_42 : f32 to vector<16xf32>
        %sub3A_1211 = arith.subf %sub3A_1210, %get3A_1151 : vector<16xf32>
        %mul3A_1212 = arith.mulf %sub3A_1209, %sub3A_1209 : vector<16xf32>
        %mul3A_1213 = arith.mulf %sub3A_1211, %sub3A_1211 : vector<16xf32>
        %add3A_1214 = arith.addf %mul3A_1212, %mul3A_1213 : vector<16xf32>
        %le3A_1215 = vector.broadcast %squeeze3A_64 : f32 to vector<16xf32>
        %le3A_1216 = arith.cmpf ole, %add3A_1214, %le3A_1215 : vector<16xf32>
        %masked_cumsum3A_1217 = tpu.scan <sum>, %broadcast_in_dim3A_5 masked %le3A_1216 : vector<16xi32>, vector<16xi1> -> vector<16xi32>
        %add3A_1218 = arith.addi %add3A_1103, %masked_cumsum3A_1217 : vector<16xi32>
        tpu.vector_store_idx %arg18[%add3A_1218], %add3A_1155 masked %le3A_1216 : memref<10256xi32, #tpu.memory_space<vmem>>[vector<16xi32>], vector<16xi32>, vector<16xi1>
        %all_reduce_population_count3A_1219 = tpu.all_reduce %le3A_1216 {dim = 0 : i64, kind = #tpu.reduction_kind<sum>} : vector<16xi1> -> vector<16xi32>
        %add3A_1220 = arith.addi %add3A_1103, %all_reduce_population_count3A_1219 : vector<16xi32>
        %sub3A_1221 = vector.broadcast %squeeze3A_44 : f32 to vector<16xf32>
        %sub3A_1222 = arith.subf %sub3A_1221, %get3A_1149 : vector<16xf32>
        %sub3A_1223 = vector.broadcast %squeeze3A_46 : f32 to vector<16xf32>
        %sub3A_1224 = arith.subf %sub3A_1223, %get3A_1151 : vector<16xf32>
        %mul3A_1225 = arith.mulf %sub3A_1222, %sub3A_1222 : vector<16xf32>
        %mul3A_1226 = arith.mulf %sub3A_1224, %sub3A_1224 : vector<16xf32>
        %add3A_1227 = arith.addf %mul3A_1225, %mul3A_1226 : vector<16xf32>
        %le3A_1228 = vector.broadcast %squeeze3A_66 : f32 to vector<16xf32>
        %le3A_1229 = arith.cmpf ole, %add3A_1227, %le3A_1228 : vector<16xf32>
        %masked_cumsum3A_1230 = tpu.scan <sum>, %broadcast_in_dim3A_5 masked %le3A_1229 : vector<16xi32>, vector<16xi1> -> vector<16xi32>
        %add3A_1231 = arith.addi %add3A_1116, %masked_cumsum3A_1230 : vector<16xi32>
        tpu.vector_store_idx %arg19[%add3A_1231], %add3A_1155 masked %le3A_1229 : memref<10256xi32, #tpu.memory_space<vmem>>[vector<16xi32>], vector<16xi32>, vector<16xi1>
        %all_reduce_population_count3A_1232 = tpu.all_reduce %le3A_1229 {dim = 0 : i64, kind = #tpu.reduction_kind<sum>} : vector<16xi1> -> vector<16xi32>
        %add3A_1233 = arith.addi %add3A_1116, %all_reduce_population_count3A_1232 : vector<16xi32>
        %sub3A_1234 = vector.broadcast %squeeze3A_48 : f32 to vector<16xf32>
        %sub3A_1235 = arith.subf %sub3A_1234, %get3A_1149 : vector<16xf32>
        %sub3A_1236 = vector.broadcast %squeeze3A_50 : f32 to vector<16xf32>
        %sub3A_1237 = arith.subf %sub3A_1236, %get3A_1151 : vector<16xf32>
        %mul3A_1238 = arith.mulf %sub3A_1235, %sub3A_1235 : vector<16xf32>
        %mul3A_1239 = arith.mulf %sub3A_1237, %sub3A_1237 : vector<16xf32>
        %add3A_1240 = arith.addf %mul3A_1238, %mul3A_1239 : vector<16xf32>
        %le3A_1241 = vector.broadcast %squeeze3A_68 : f32 to vector<16xf32>
        %le3A_1242 = arith.cmpf ole, %add3A_1240, %le3A_1241 : vector<16xf32>
        %masked_cumsum3A_1243 = tpu.scan <sum>, %broadcast_in_dim3A_5 masked %le3A_1242 : vector<16xi32>, vector<16xi1> -> vector<16xi32>
        %add3A_1244 = arith.addi %add3A_1129, %masked_cumsum3A_1243 : vector<16xi32>
        tpu.vector_store_idx %arg20[%add3A_1244], %add3A_1155 masked %le3A_1242 : memref<10256xi32, #tpu.memory_space<vmem>>[vector<16xi32>], vector<16xi32>, vector<16xi1>
        %all_reduce_population_count3A_1245 = tpu.all_reduce %le3A_1242 {dim = 0 : i64, kind = #tpu.reduction_kind<sum>} : vector<16xi1> -> vector<16xi32>
        %add3A_1246 = arith.addi %add3A_1129, %all_reduce_population_count3A_1245 : vector<16xi32>
        %sub3A_1247 = vector.broadcast %squeeze3A_52 : f32 to vector<16xf32>
        %sub3A_1248 = arith.subf %sub3A_1247, %get3A_1149 : vector<16xf32>
        %sub3A_1249 = vector.broadcast %squeeze3A_54 : f32 to vector<16xf32>
        %sub3A_1250 = arith.subf %sub3A_1249, %get3A_1151 : vector<16xf32>
        %mul3A_1251 = arith.mulf %sub3A_1248, %sub3A_1248 : vector<16xf32>
        %mul3A_1252 = arith.mulf %sub3A_1250, %sub3A_1250 : vector<16xf32>
        %add3A_1253 = arith.addf %mul3A_1251, %mul3A_1252 : vector<16xf32>
        %le3A_1254 = vector.broadcast %squeeze3A_70 : f32 to vector<16xf32>
        %le3A_1255 = arith.cmpf ole, %add3A_1253, %le3A_1254 : vector<16xf32>
        %masked_cumsum3A_1256 = tpu.scan <sum>, %broadcast_in_dim3A_5 masked %le3A_1255 : vector<16xi32>, vector<16xi1> -> vector<16xi32>
        %add3A_1257 = arith.addi %add3A_1142, %masked_cumsum3A_1256 : vector<16xi32>
        tpu.vector_store_idx %arg21[%add3A_1257], %add3A_1155 masked %le3A_1255 : memref<10256xi32, #tpu.memory_space<vmem>>[vector<16xi32>], vector<16xi32>, vector<16xi1>
        %all_reduce_population_count3A_1258 = tpu.all_reduce %le3A_1255 {dim = 0 : i64, kind = #tpu.reduction_kind<sum>} : vector<16xi1> -> vector<16xi32>
        %add3A_1259 = arith.addi %add3A_1142, %all_reduce_population_count3A_1258 : vector<16xi32>
        scf.yield %add3A_1168, %add3A_1181, %add3A_1194, %add3A_1207, %add3A_1220, %add3A_1233, %add3A_1246, %add3A_1259 : vector<16xi32>, vector<16xi32>, vector<16xi32>, vector<16xi32>, vector<16xi32>, vector<16xi32>, vector<16xi32>, vector<16xi32>
      }
      %scan3A_78 = arith.constant 640 : i32
      %slice3A_79 = vector.extract_strided_slice %scan3A_77#0 {offsets = [0], sizes = [1], strides = [1]} : vector<16xi32> to vector<1xi32>
      %squeeze3A_80 = vector.extract %slice3A_79[0] : i32 from vector<1xi32>
      %add3A_81 = arith.constant 1 : i32
      %add3A_82 = arith.addi %squeeze3A_80, %add3A_81 : i32
      %broadcast_in_dim3A_83 = arith.constant 10239 : i32
      %broadcast_in_dim3A_84 = vector.broadcast %broadcast_in_dim3A_83 : i32 to vector<16xi32>
      %swap3A = arith.index_cast %add3A_82 : i32 to index
      %swap3A_85 = tpu.vector_load %arg14[%swap3A] {strides = array<i32>} : memref<10256xi32, #tpu.memory_space<vmem>>, vector<16xi32>,
      tpu.vector_store %arg14[%swap3A], %broadcast_in_dim3A_84 {strides = array<i32>} : memref<10256xi32, #tpu.memory_space<vmem>>, vector<16xi32>,
      %add3A_86 = arith.constant 15 : i32
      %add3A_87 = arith.addi %add3A_82, %add3A_86 : i32
      %jit3A = arith.constant 16 : i32
      %div3A = arith.divsi %add3A_87, %jit3A : i32
      %sign3A = arith.constant 0 : i32
      %sign3A_88 = arith.cmpi sgt, %add3A_87, %sign3A : i32
      %sign3A_89 = arith.extui %sign3A_88 : i1 to i32
      %sign3A_90 = arith.constant 0 : i32
      %sign3A_91 = arith.cmpi slt, %add3A_87, %sign3A_90 : i32
      %sign3A_92 = arith.extui %sign3A_91 : i1 to i32
      %sign3A_93 = arith.subi %sign3A_89, %sign3A_92 : i32
      %sign3A_94 = arith.constant 0 : i32
      %sign3A_95 = arith.cmpi sgt, %jit3A, %sign3A_94 : i32
      %sign3A_96 = arith.extui %sign3A_95 : i1 to i32
      %sign3A_97 = arith.constant 0 : i32
      %sign3A_98 = arith.cmpi slt, %jit3A, %sign3A_97 : i32
      %sign3A_99 = arith.extui %sign3A_98 : i1 to i32
      %sign3A_100 = arith.subi %sign3A_96, %sign3A_99 : i32
      %ne3A = arith.cmpi ne, %sign3A_93, %sign3A_100 : i32
      %rem3A = arith.remsi %add3A_87, %jit3A : i32
      %ne3A_101 = arith.constant 0 : i32
      %ne3A_102 = arith.cmpi ne, %rem3A, %ne3A_101 : i32
      %and3A = arith.andi %ne3A, %ne3A_102 : i1
      %sub3A = arith.constant 1 : i32
      %sub3A_103 = arith.subi %div3A, %sub3A : i32
      %select_n3A = arith.select %and3A, %sub3A_103, %div3A : i32
      %broadcast_in_dim3A_104 = arith.constant 0 : i32
      %broadcast_in_dim3A_105 = vector.broadcast %broadcast_in_dim3A_104 : i32 to vector<16xi32>
      %while3A = arith.constant 0 : i32
      %while3A_106 = arith.subi %select_n3A, %while3A : i32
      %while3A_107 = arith.addi %while3A, %while3A_106 : i32
      %while3A_108 = arith.constant 1 : i32
      %while3A_109 = arith.divsi %while3A_106, %while3A_108 : i32
      %while3A_110 = arith.muli %while3A_109, %while3A_108 : i32
      %while3A_111 = arith.addi %while3A, %while3A_110 : i32
      %while3A_112 = arith.constant 1 : i32
      %while3A_113:2 = scf.for %while3A_1022 = %while3A to %while3A_111 step %while3A_112 iter_args(%while3A_1023 = %broadcast_in_dim3A_3, %while3A_1024 = %broadcast_in_dim3A_105) -> (vector<16xf32>, vector<16xi32>)  : i32 {
        %mul3A_1025 = arith.constant 16 : i32
        %mul3A_1026 = arith.muli %while3A_1022, %mul3A_1025 : i32
        %get3A_1027 = arith.index_cast %mul3A_1026 : i32 to index
        %get3A_1028 = tpu.vector_load %arg14[%get3A_1027] {strides = array<i32>} : memref<10256xi32, #tpu.memory_space<vmem>>, vector<16xi32>,
        %gather3A = tpu.vector_load_idx %arg9[%get3A_1028] : memref<10240xf32, #tpu.memory_space<vmem>>[vector<16xi32>], vector<16xf32>,
        %gather3A_1029 = tpu.vector_load_idx %arg10[%get3A_1028] : memref<10240xf32, #tpu.memory_space<vmem>>[vector<16xi32>], vector<16xf32>,
        %sub3A_1030 = vector.broadcast %squeeze3A : f32 to vector<16xf32>
        %sub3A_1031 = arith.subf %sub3A_1030, %gather3A : vector<16xf32>
        %sub3A_1032 = vector.broadcast %squeeze3A_26 : f32 to vector<16xf32>
        %sub3A_1033 = arith.subf %sub3A_1032, %gather3A_1029 : vector<16xf32>
        %mul3A_1034 = arith.mulf %sub3A_1031, %sub3A_1031 : vector<16xf32>
        %mul3A_1035 = arith.mulf %sub3A_1033, %sub3A_1033 : vector<16xf32>
        %add3A_1036 = arith.addf %mul3A_1034, %mul3A_1035 : vector<16xf32>
        %masked_sort3A = arith.constant dense<true> : vector<16xi1>
        %masked_sort3A_1037, %masked_sort3A_1038, %masked_sort3A_1039 = tpu.sort %add3A_1036, %get3A_1028 masked %masked_sort3A {descending = true} : (vector<16xf32>, vector<16xi32>, vector<16xi1>) -> (vector<16xi1>, vector<16xf32>, vector<16xi32>)
        %le3A = arith.cmpf ole, %while3A_1023, %masked_sort3A_1038 : vector<16xf32>
        %select_n3A_1040 = arith.select %le3A, %while3A_1023, %masked_sort3A_1038 : vector<16xi1>, vector<16xf32>
        %select_n3A_1041 = arith.select %le3A, %while3A_1024, %masked_sort3A_1039 : vector<16xi1>, vector<16xi32>
        %masked_sort3A_1042 = arith.constant dense<true> : vector<16xi1>
        %masked_sort3A_1043, %masked_sort3A_1044, %masked_sort3A_1045 = tpu.sort %select_n3A_1040, %select_n3A_1041 masked %masked_sort3A_1042 : (vector<16xf32>, vector<16xi32>, vector<16xi1>) -> (vector<16xi1>, vector<16xf32>, vector<16xi32>)
        scf.yield %masked_sort3A_1044, %masked_sort3A_1045 : vector<16xf32>, vector<16xi32>
      }
      %while3A_114 = arith.constant 1 : i32
      %while3A_115:2 = scf.for %while3A_1022 = %while3A_111 to %while3A_107 step %while3A_114 iter_args(%while3A_1023 = %while3A_113#0, %while3A_1024 = %while3A_113#1) -> (vector<16xf32>, vector<16xi32>)  : i32 {
        %mul3A_1025 = arith.constant 16 : i32
        %mul3A_1026 = arith.muli %while3A_1022, %mul3A_1025 : i32
        %get3A_1027 = arith.index_cast %mul3A_1026 : i32 to index
        %get3A_1028 = tpu.vector_load %arg14[%get3A_1027] {strides = array<i32>} : memref<10256xi32, #tpu.memory_space<vmem>>, vector<16xi32>,
        %gather3A = tpu.vector_load_idx %arg9[%get3A_1028] : memref<10240xf32, #tpu.memory_space<vmem>>[vector<16xi32>], vector<16xf32>,
        %gather3A_1029 = tpu.vector_load_idx %arg10[%get3A_1028] : memref<10240xf32, #tpu.memory_space<vmem>>[vector<16xi32>], vector<16xf32>,
        %sub3A_1030 = vector.broadcast %squeeze3A : f32 to vector<16xf32>
        %sub3A_1031 = arith.subf %sub3A_1030, %gather3A : vector<16xf32>
        %sub3A_1032 = vector.broadcast %squeeze3A_26 : f32 to vector<16xf32>
        %sub3A_1033 = arith.subf %sub3A_1032, %gather3A_1029 : vector<16xf32>
        %mul3A_1034 = arith.mulf %sub3A_1031, %sub3A_1031 : vector<16xf32>
        %mul3A_1035 = arith.mulf %sub3A_1033, %sub3A_1033 : vector<16xf32>
        %add3A_1036 = arith.addf %mul3A_1034, %mul3A_1035 : vector<16xf32>
        %masked_sort3A = arith.constant dense<true> : vector<16xi1>
        %masked_sort3A_1037, %masked_sort3A_1038, %masked_sort3A_1039 = tpu.sort %add3A_1036, %get3A_1028 masked %masked_sort3A {descending = true} : (vector<16xf32>, vector<16xi32>, vector<16xi1>) -> (vector<16xi1>, vector<16xf32>, vector<16xi32>)
        %le3A = arith.cmpf ole, %while3A_1023, %masked_sort3A_1038 : vector<16xf32>
        %select_n3A_1040 = arith.select %le3A, %while3A_1023, %masked_sort3A_1038 : vector<16xi1>, vector<16xf32>
        %select_n3A_1041 = arith.select %le3A, %while3A_1024, %masked_sort3A_1039 : vector<16xi1>, vector<16xi32>
        %masked_sort3A_1042 = arith.constant dense<true> : vector<16xi1>
        %masked_sort3A_1043, %masked_sort3A_1044, %masked_sort3A_1045 = tpu.sort %select_n3A_1040, %select_n3A_1041 masked %masked_sort3A_1042 : (vector<16xf32>, vector<16xi32>, vector<16xi1>) -> (vector<16xi1>, vector<16xf32>, vector<16xi32>)
        scf.yield %masked_sort3A_1044, %masked_sort3A_1045 : vector<16xf32>, vector<16xi32>
      }
      %mul3A_116 = arith.constant 16 : i32
      %mul3A_117 = arith.muli %multiple_of3A, %mul3A_116 : i32
      %add3A_118 = arith.constant 0 : i32
      %add3A_119 = arith.addi %mul3A_117, %add3A_118 : i32
      %multiple_of3A_120 = tpu.assume_multiple %add3A_119, 16 : i32
      %swap3A_121 = arith.index_cast %multiple_of3A_120 : i32 to index
      %swap3A_122 = tpu.vector_load %arg22[%swap3A_121] {strides = array<i32>} : memref<5120xi32, #tpu.memory_space<vmem>>, vector<16xi32>,
      tpu.vector_store %arg22[%swap3A_121], %while3A_115#1 {strides = array<i32>} : memref<5120xi32, #tpu.memory_space<vmem>>, vector<16xi32>,
      %swap3A_123 = arith.index_cast %multiple_of3A_120 : i32 to index
      %swap3A_124 = tpu.vector_load %arg23[%swap3A_123] {strides = array<i32>} : memref<5120xf32, #tpu.memory_space<vmem>>, vector<16xf32>,
      tpu.vector_store %arg23[%swap3A_123], %while3A_115#0 {strides = array<i32>} : memref<5120xf32, #tpu.memory_space<vmem>>, vector<16xf32>,
      %slice3A_125 = vector.extract_strided_slice %scan3A_77#1 {offsets = [0], sizes = [1], strides = [1]} : vector<16xi32> to vector<1xi32>
      %squeeze3A_126 = vector.extract %slice3A_125[0] : i32 from vector<1xi32>
      %add3A_127 = arith.constant 1 : i32
      %add3A_128 = arith.addi %squeeze3A_126, %add3A_127 : i32
      %broadcast_in_dim3A_129 = arith.constant 10239 : i32
      %broadcast_in_dim3A_130 = vector.broadcast %broadcast_in_dim3A_129 : i32 to vector<16xi32>
      %swap3A_131 = arith.index_cast %add3A_128 : i32 to index
      %swap3A_132 = tpu.vector_load %arg15[%swap3A_131] {strides = array<i32>} : memref<10256xi32, #tpu.memory_space<vmem>>, vector<16xi32>,
      tpu.vector_store %arg15[%swap3A_131], %broadcast_in_dim3A_130 {strides = array<i32>} : memref<10256xi32, #tpu.memory_space<vmem>>, vector<16xi32>,
      %add3A_133 = arith.constant 15 : i32
      %add3A_134 = arith.addi %add3A_128, %add3A_133 : i32
      %jit3A_135 = arith.constant 16 : i32
      %div3A_136 = arith.divsi %add3A_134, %jit3A_135 : i32
      %sign3A_137 = arith.constant 0 : i32
      %sign3A_138 = arith.cmpi sgt, %add3A_134, %sign3A_137 : i32
      %sign3A_139 = arith.extui %sign3A_138 : i1 to i32
      %sign3A_140 = arith.constant 0 : i32
      %sign3A_141 = arith.cmpi slt, %add3A_134, %sign3A_140 : i32
      %sign3A_142 = arith.extui %sign3A_141 : i1 to i32
      %sign3A_143 = arith.subi %sign3A_139, %sign3A_142 : i32
      %sign3A_144 = arith.constant 0 : i32
      %sign3A_145 = arith.cmpi sgt, %jit3A_135, %sign3A_144 : i32
      %sign3A_146 = arith.extui %sign3A_145 : i1 to i32
      %sign3A_147 = arith.constant 0 : i32
      %sign3A_148 = arith.cmpi slt, %jit3A_135, %sign3A_147 : i32
      %sign3A_149 = arith.extui %sign3A_148 : i1 to i32
      %sign3A_150 = arith.subi %sign3A_146, %sign3A_149 : i32
      %ne3A_151 = arith.cmpi ne, %sign3A_143, %sign3A_150 : i32
      %rem3A_152 = arith.remsi %add3A_134, %jit3A_135 : i32
      %ne3A_153 = arith.constant 0 : i32
      %ne3A_154 = arith.cmpi ne, %rem3A_152, %ne3A_153 : i32
      %and3A_155 = arith.andi %ne3A_151, %ne3A_154 : i1
      %sub3A_156 = arith.constant 1 : i32
      %sub3A_157 = arith.subi %div3A_136, %sub3A_156 : i32
      %select_n3A_158 = arith.select %and3A_155, %sub3A_157, %div3A_136 : i32
      %broadcast_in_dim3A_159 = arith.constant 0 : i32
      %broadcast_in_dim3A_160 = vector.broadcast %broadcast_in_dim3A_159 : i32 to vector<16xi32>
      %while3A_161 = arith.constant 0 : i32
      %while3A_162 = arith.subi %select_n3A_158, %while3A_161 : i32
      %while3A_163 = arith.addi %while3A_161, %while3A_162 : i32
      %while3A_164 = arith.constant 1 : i32
      %while3A_165 = arith.divsi %while3A_162, %while3A_164 : i32
      %while3A_166 = arith.muli %while3A_165, %while3A_164 : i32
      %while3A_167 = arith.addi %while3A_161, %while3A_166 : i32
      %while3A_168 = arith.constant 1 : i32
      %while3A_169:2 = scf.for %while3A_1022 = %while3A_161 to %while3A_167 step %while3A_168 iter_args(%while3A_1023 = %broadcast_in_dim3A_3, %while3A_1024 = %broadcast_in_dim3A_160) -> (vector<16xf32>, vector<16xi32>)  : i32 {
        %mul3A_1025 = arith.constant 16 : i32
        %mul3A_1026 = arith.muli %while3A_1022, %mul3A_1025 : i32
        %get3A_1027 = arith.index_cast %mul3A_1026 : i32 to index
        %get3A_1028 = tpu.vector_load %arg15[%get3A_1027] {strides = array<i32>} : memref<10256xi32, #tpu.memory_space<vmem>>, vector<16xi32>,
        %gather3A = tpu.vector_load_idx %arg9[%get3A_1028] : memref<10240xf32, #tpu.memory_space<vmem>>[vector<16xi32>], vector<16xf32>,
        %gather3A_1029 = tpu.vector_load_idx %arg10[%get3A_1028] : memref<10240xf32, #tpu.memory_space<vmem>>[vector<16xi32>], vector<16xf32>,
        %sub3A_1030 = vector.broadcast %squeeze3A_28 : f32 to vector<16xf32>
        %sub3A_1031 = arith.subf %sub3A_1030, %gather3A : vector<16xf32>
        %sub3A_1032 = vector.broadcast %squeeze3A_30 : f32 to vector<16xf32>
        %sub3A_1033 = arith.subf %sub3A_1032, %gather3A_1029 : vector<16xf32>
        %mul3A_1034 = arith.mulf %sub3A_1031, %sub3A_1031 : vector<16xf32>
        %mul3A_1035 = arith.mulf %sub3A_1033, %sub3A_1033 : vector<16xf32>
        %add3A_1036 = arith.addf %mul3A_1034, %mul3A_1035 : vector<16xf32>
        %masked_sort3A = arith.constant dense<true> : vector<16xi1>
        %masked_sort3A_1037, %masked_sort3A_1038, %masked_sort3A_1039 = tpu.sort %add3A_1036, %get3A_1028 masked %masked_sort3A {descending = true} : (vector<16xf32>, vector<16xi32>, vector<16xi1>) -> (vector<16xi1>, vector<16xf32>, vector<16xi32>)
        %le3A = arith.cmpf ole, %while3A_1023, %masked_sort3A_1038 : vector<16xf32>
        %select_n3A_1040 = arith.select %le3A, %while3A_1023, %masked_sort3A_1038 : vector<16xi1>, vector<16xf32>
        %select_n3A_1041 = arith.select %le3A, %while3A_1024, %masked_sort3A_1039 : vector<16xi1>, vector<16xi32>
        %masked_sort3A_1042 = arith.constant dense<true> : vector<16xi1>
        %masked_sort3A_1043, %masked_sort3A_1044, %masked_sort3A_1045 = tpu.sort %select_n3A_1040, %select_n3A_1041 masked %masked_sort3A_1042 : (vector<16xf32>, vector<16xi32>, vector<16xi1>) -> (vector<16xi1>, vector<16xf32>, vector<16xi32>)
        scf.yield %masked_sort3A_1044, %masked_sort3A_1045 : vector<16xf32>, vector<16xi32>
      }
      %while3A_170 = arith.constant 1 : i32
      %while3A_171:2 = scf.for %while3A_1022 = %while3A_167 to %while3A_163 step %while3A_170 iter_args(%while3A_1023 = %while3A_169#0, %while3A_1024 = %while3A_169#1) -> (vector<16xf32>, vector<16xi32>)  : i32 {
        %mul3A_1025 = arith.constant 16 : i32
        %mul3A_1026 = arith.muli %while3A_1022, %mul3A_1025 : i32
        %get3A_1027 = arith.index_cast %mul3A_1026 : i32 to index
        %get3A_1028 = tpu.vector_load %arg15[%get3A_1027] {strides = array<i32>} : memref<10256xi32, #tpu.memory_space<vmem>>, vector<16xi32>,
        %gather3A = tpu.vector_load_idx %arg9[%get3A_1028] : memref<10240xf32, #tpu.memory_space<vmem>>[vector<16xi32>], vector<16xf32>,
        %gather3A_1029 = tpu.vector_load_idx %arg10[%get3A_1028] : memref<10240xf32, #tpu.memory_space<vmem>>[vector<16xi32>], vector<16xf32>,
        %sub3A_1030 = vector.broadcast %squeeze3A_28 : f32 to vector<16xf32>
        %sub3A_1031 = arith.subf %sub3A_1030, %gather3A : vector<16xf32>
        %sub3A_1032 = vector.broadcast %squeeze3A_30 : f32 to vector<16xf32>
        %sub3A_1033 = arith.subf %sub3A_1032, %gather3A_1029 : vector<16xf32>
        %mul3A_1034 = arith.mulf %sub3A_1031, %sub3A_1031 : vector<16xf32>
        %mul3A_1035 = arith.mulf %sub3A_1033, %sub3A_1033 : vector<16xf32>
        %add3A_1036 = arith.addf %mul3A_1034, %mul3A_1035 : vector<16xf32>
        %masked_sort3A = arith.constant dense<true> : vector<16xi1>
        %masked_sort3A_1037, %masked_sort3A_1038, %masked_sort3A_1039 = tpu.sort %add3A_1036, %get3A_1028 masked %masked_sort3A {descending = true} : (vector<16xf32>, vector<16xi32>, vector<16xi1>) -> (vector<16xi1>, vector<16xf32>, vector<16xi32>)
        %le3A = arith.cmpf ole, %while3A_1023, %masked_sort3A_1038 : vector<16xf32>
        %select_n3A_1040 = arith.select %le3A, %while3A_1023, %masked_sort3A_1038 : vector<16xi1>, vector<16xf32>
        %select_n3A_1041 = arith.select %le3A, %while3A_1024, %masked_sort3A_1039 : vector<16xi1>, vector<16xi32>
        %masked_sort3A_1042 = arith.constant dense<true> : vector<16xi1>
        %masked_sort3A_1043, %masked_sort3A_1044, %masked_sort3A_1045 = tpu.sort %select_n3A_1040, %select_n3A_1041 masked %masked_sort3A_1042 : (vector<16xf32>, vector<16xi32>, vector<16xi1>) -> (vector<16xi1>, vector<16xf32>, vector<16xi32>)
        scf.yield %masked_sort3A_1044, %masked_sort3A_1045 : vector<16xf32>, vector<16xi32>
      }
      %mul3A_172 = arith.constant 16 : i32
      %mul3A_173 = arith.muli %multiple_of3A, %mul3A_172 : i32
      %add3A_174 = arith.constant 16 : i32
      %add3A_175 = arith.addi %mul3A_173, %add3A_174 : i32
      %multiple_of3A_176 = tpu.assume_multiple %add3A_175, 16 : i32
      %swap3A_177 = arith.index_cast %multiple_of3A_176 : i32 to index
      %swap3A_178 = tpu.vector_load %arg22[%swap3A_177] {strides = array<i32>} : memref<5120xi32, #tpu.memory_space<vmem>>, vector<16xi32>,
      tpu.vector_store %arg22[%swap3A_177], %while3A_171#1 {strides = array<i32>} : memref<5120xi32, #tpu.memory_space<vmem>>, vector<16xi32>,
      %swap3A_179 = arith.index_cast %multiple_of3A_176 : i32 to index
      %swap3A_180 = tpu.vector_load %arg23[%swap3A_179] {strides = array<i32>} : memref<5120xf32, #tpu.memory_space<vmem>>, vector<16xf32>,
      tpu.vector_store %arg23[%swap3A_179], %while3A_171#0 {strides = array<i32>} : memref<5120xf32, #tpu.memory_space<vmem>>, vector<16xf32>,
      %slice3A_181 = vector.extract_strided_slice %scan3A_77#2 {offsets = [0], sizes = [1], strides = [1]} : vector<16xi32> to vector<1xi32>
      %squeeze3A_182 = vector.extract %slice3A_181[0] : i32 from vector<1xi32>
      %add3A_183 = arith.constant 1 : i32
      %add3A_184 = arith.addi %squeeze3A_182, %add3A_183 : i32
      %broadcast_in_dim3A_185 = arith.constant 10239 : i32
      %broadcast_in_dim3A_186 = vector.broadcast %broadcast_in_dim3A_185 : i32 to vector<16xi32>
      %swap3A_187 = arith.index_cast %add3A_184 : i32 to index
      %swap3A_188 = tpu.vector_load %arg16[%swap3A_187] {strides = array<i32>} : memref<10256xi32, #tpu.memory_space<vmem>>, vector<16xi32>,
      tpu.vector_store %arg16[%swap3A_187], %broadcast_in_dim3A_186 {strides = array<i32>} : memref<10256xi32, #tpu.memory_space<vmem>>, vector<16xi32>,
      %add3A_189 = arith.constant 15 : i32
      %add3A_190 = arith.addi %add3A_184, %add3A_189 : i32
      %jit3A_191 = arith.constant 16 : i32
      %div3A_192 = arith.divsi %add3A_190, %jit3A_191 : i32
      %sign3A_193 = arith.constant 0 : i32
      %sign3A_194 = arith.cmpi sgt, %add3A_190, %sign3A_193 : i32
      %sign3A_195 = arith.extui %sign3A_194 : i1 to i32
      %sign3A_196 = arith.constant 0 : i32
      %sign3A_197 = arith.cmpi slt, %add3A_190, %sign3A_196 : i32
      %sign3A_198 = arith.extui %sign3A_197 : i1 to i32
      %sign3A_199 = arith.subi %sign3A_195, %sign3A_198 : i32
      %sign3A_200 = arith.constant 0 : i32
      %sign3A_201 = arith.cmpi sgt, %jit3A_191, %sign3A_200 : i32
      %sign3A_202 = arith.extui %sign3A_201 : i1 to i32
      %sign3A_203 = arith.constant 0 : i32
      %sign3A_204 = arith.cmpi slt, %jit3A_191, %sign3A_203 : i32
      %sign3A_205 = arith.extui %sign3A_204 : i1 to i32
      %sign3A_206 = arith.subi %sign3A_202, %sign3A_205 : i32
      %ne3A_207 = arith.cmpi ne, %sign3A_199, %sign3A_206 : i32
      %rem3A_208 = arith.remsi %add3A_190, %jit3A_191 : i32
      %ne3A_209 = arith.constant 0 : i32
      %ne3A_210 = arith.cmpi ne, %rem3A_208, %ne3A_209 : i32
      %and3A_211 = arith.andi %ne3A_207, %ne3A_210 : i1
      %sub3A_212 = arith.constant 1 : i32
      %sub3A_213 = arith.subi %div3A_192, %sub3A_212 : i32
      %select_n3A_214 = arith.select %and3A_211, %sub3A_213, %div3A_192 : i32
      %broadcast_in_dim3A_215 = arith.constant 0 : i32
      %broadcast_in_dim3A_216 = vector.broadcast %broadcast_in_dim3A_215 : i32 to vector<16xi32>
      %while3A_217 = arith.constant 0 : i32
      %while3A_218 = arith.subi %select_n3A_214, %while3A_217 : i32
      %while3A_219 = arith.addi %while3A_217, %while3A_218 : i32
      %while3A_220 = arith.constant 1 : i32
      %while3A_221 = arith.divsi %while3A_218, %while3A_220 : i32
      %while3A_222 = arith.muli %while3A_221, %while3A_220 : i32
      %while3A_223 = arith.addi %while3A_217, %while3A_222 : i32
      %while3A_224 = arith.constant 1 : i32
      %while3A_225:2 = scf.for %while3A_1022 = %while3A_217 to %while3A_223 step %while3A_224 iter_args(%while3A_1023 = %broadcast_in_dim3A_3, %while3A_1024 = %broadcast_in_dim3A_216) -> (vector<16xf32>, vector<16xi32>)  : i32 {
        %mul3A_1025 = arith.constant 16 : i32
        %mul3A_1026 = arith.muli %while3A_1022, %mul3A_1025 : i32
        %get3A_1027 = arith.index_cast %mul3A_1026 : i32 to index
        %get3A_1028 = tpu.vector_load %arg16[%get3A_1027] {strides = array<i32>} : memref<10256xi32, #tpu.memory_space<vmem>>, vector<16xi32>,
        %gather3A = tpu.vector_load_idx %arg9[%get3A_1028] : memref<10240xf32, #tpu.memory_space<vmem>>[vector<16xi32>], vector<16xf32>,
        %gather3A_1029 = tpu.vector_load_idx %arg10[%get3A_1028] : memref<10240xf32, #tpu.memory_space<vmem>>[vector<16xi32>], vector<16xf32>,
        %sub3A_1030 = vector.broadcast %squeeze3A_32 : f32 to vector<16xf32>
        %sub3A_1031 = arith.subf %sub3A_1030, %gather3A : vector<16xf32>
        %sub3A_1032 = vector.broadcast %squeeze3A_34 : f32 to vector<16xf32>
        %sub3A_1033 = arith.subf %sub3A_1032, %gather3A_1029 : vector<16xf32>
        %mul3A_1034 = arith.mulf %sub3A_1031, %sub3A_1031 : vector<16xf32>
        %mul3A_1035 = arith.mulf %sub3A_1033, %sub3A_1033 : vector<16xf32>
        %add3A_1036 = arith.addf %mul3A_1034, %mul3A_1035 : vector<16xf32>
        %masked_sort3A = arith.constant dense<true> : vector<16xi1>
        %masked_sort3A_1037, %masked_sort3A_1038, %masked_sort3A_1039 = tpu.sort %add3A_1036, %get3A_1028 masked %masked_sort3A {descending = true} : (vector<16xf32>, vector<16xi32>, vector<16xi1>) -> (vector<16xi1>, vector<16xf32>, vector<16xi32>)
        %le3A = arith.cmpf ole, %while3A_1023, %masked_sort3A_1038 : vector<16xf32>
        %select_n3A_1040 = arith.select %le3A, %while3A_1023, %masked_sort3A_1038 : vector<16xi1>, vector<16xf32>
        %select_n3A_1041 = arith.select %le3A, %while3A_1024, %masked_sort3A_1039 : vector<16xi1>, vector<16xi32>
        %masked_sort3A_1042 = arith.constant dense<true> : vector<16xi1>
        %masked_sort3A_1043, %masked_sort3A_1044, %masked_sort3A_1045 = tpu.sort %select_n3A_1040, %select_n3A_1041 masked %masked_sort3A_1042 : (vector<16xf32>, vector<16xi32>, vector<16xi1>) -> (vector<16xi1>, vector<16xf32>, vector<16xi32>)
        scf.yield %masked_sort3A_1044, %masked_sort3A_1045 : vector<16xf32>, vector<16xi32>
      }
      %while3A_226 = arith.constant 1 : i32
      %while3A_227:2 = scf.for %while3A_1022 = %while3A_223 to %while3A_219 step %while3A_226 iter_args(%while3A_1023 = %while3A_225#0, %while3A_1024 = %while3A_225#1) -> (vector<16xf32>, vector<16xi32>)  : i32 {
        %mul3A_1025 = arith.constant 16 : i32
        %mul3A_1026 = arith.muli %while3A_1022, %mul3A_1025 : i32
        %get3A_1027 = arith.index_cast %mul3A_1026 : i32 to index
        %get3A_1028 = tpu.vector_load %arg16[%get3A_1027] {strides = array<i32>} : memref<10256xi32, #tpu.memory_space<vmem>>, vector<16xi32>,
        %gather3A = tpu.vector_load_idx %arg9[%get3A_1028] : memref<10240xf32, #tpu.memory_space<vmem>>[vector<16xi32>], vector<16xf32>,
        %gather3A_1029 = tpu.vector_load_idx %arg10[%get3A_1028] : memref<10240xf32, #tpu.memory_space<vmem>>[vector<16xi32>], vector<16xf32>,
        %sub3A_1030 = vector.broadcast %squeeze3A_32 : f32 to vector<16xf32>
        %sub3A_1031 = arith.subf %sub3A_1030, %gather3A : vector<16xf32>
        %sub3A_1032 = vector.broadcast %squeeze3A_34 : f32 to vector<16xf32>
        %sub3A_1033 = arith.subf %sub3A_1032, %gather3A_1029 : vector<16xf32>
        %mul3A_1034 = arith.mulf %sub3A_1031, %sub3A_1031 : vector<16xf32>
        %mul3A_1035 = arith.mulf %sub3A_1033, %sub3A_1033 : vector<16xf32>
        %add3A_1036 = arith.addf %mul3A_1034, %mul3A_1035 : vector<16xf32>
        %masked_sort3A = arith.constant dense<true> : vector<16xi1>
        %masked_sort3A_1037, %masked_sort3A_1038, %masked_sort3A_1039 = tpu.sort %add3A_1036, %get3A_1028 masked %masked_sort3A {descending = true} : (vector<16xf32>, vector<16xi32>, vector<16xi1>) -> (vector<16xi1>, vector<16xf32>, vector<16xi32>)
        %le3A = arith.cmpf ole, %while3A_1023, %masked_sort3A_1038 : vector<16xf32>
        %select_n3A_1040 = arith.select %le3A, %while3A_1023, %masked_sort3A_1038 : vector<16xi1>, vector<16xf32>
        %select_n3A_1041 = arith.select %le3A, %while3A_1024, %masked_sort3A_1039 : vector<16xi1>, vector<16xi32>
        %masked_sort3A_1042 = arith.constant dense<true> : vector<16xi1>
        %masked_sort3A_1043, %masked_sort3A_1044, %masked_sort3A_1045 = tpu.sort %select_n3A_1040, %select_n3A_1041 masked %masked_sort3A_1042 : (vector<16xf32>, vector<16xi32>, vector<16xi1>) -> (vector<16xi1>, vector<16xf32>, vector<16xi32>)
        scf.yield %masked_sort3A_1044, %masked_sort3A_1045 : vector<16xf32>, vector<16xi32>
      }
      %mul3A_228 = arith.constant 16 : i32
      %mul3A_229 = arith.muli %multiple_of3A, %mul3A_228 : i32
      %add3A_230 = arith.constant 32 : i32
      %add3A_231 = arith.addi %mul3A_229, %add3A_230 : i32
      %multiple_of3A_232 = tpu.assume_multiple %add3A_231, 16 : i32
      %swap3A_233 = arith.index_cast %multiple_of3A_232 : i32 to index
      %swap3A_234 = tpu.vector_load %arg22[%swap3A_233] {strides = array<i32>} : memref<5120xi32, #tpu.memory_space<vmem>>, vector<16xi32>,
      tpu.vector_store %arg22[%swap3A_233], %while3A_227#1 {strides = array<i32>} : memref<5120xi32, #tpu.memory_space<vmem>>, vector<16xi32>,
      %swap3A_235 = arith.index_cast %multiple_of3A_232 : i32 to index
      %swap3A_236 = tpu.vector_load %arg23[%swap3A_235] {strides = array<i32>} : memref<5120xf32, #tpu.memory_space<vmem>>, vector<16xf32>,
      tpu.vector_store %arg23[%swap3A_235], %while3A_227#0 {strides = array<i32>} : memref<5120xf32, #tpu.memory_space<vmem>>, vector<16xf32>,
      %slice3A_237 = vector.extract_strided_slice %scan3A_77#3 {offsets = [0], sizes = [1], strides = [1]} : vector<16xi32> to vector<1xi32>
      %squeeze3A_238 = vector.extract %slice3A_237[0] : i32 from vector<1xi32>
      %add3A_239 = arith.constant 1 : i32
      %add3A_240 = arith.addi %squeeze3A_238, %add3A_239 : i32
      %broadcast_in_dim3A_241 = arith.constant 10239 : i32
      %broadcast_in_dim3A_242 = vector.broadcast %broadcast_in_dim3A_241 : i32 to vector<16xi32>
      %swap3A_243 = arith.index_cast %add3A_240 : i32 to index
      %swap3A_244 = tpu.vector_load %arg17[%swap3A_243] {strides = array<i32>} : memref<10256xi32, #tpu.memory_space<vmem>>, vector<16xi32>,
      tpu.vector_store %arg17[%swap3A_243], %broadcast_in_dim3A_242 {strides = array<i32>} : memref<10256xi32, #tpu.memory_space<vmem>>, vector<16xi32>,
      %add3A_245 = arith.constant 15 : i32
      %add3A_246 = arith.addi %add3A_240, %add3A_245 : i32
      %jit3A_247 = arith.constant 16 : i32
      %div3A_248 = arith.divsi %add3A_246, %jit3A_247 : i32
      %sign3A_249 = arith.constant 0 : i32
      %sign3A_250 = arith.cmpi sgt, %add3A_246, %sign3A_249 : i32
      %sign3A_251 = arith.extui %sign3A_250 : i1 to i32
      %sign3A_252 = arith.constant 0 : i32
      %sign3A_253 = arith.cmpi slt, %add3A_246, %sign3A_252 : i32
      %sign3A_254 = arith.extui %sign3A_253 : i1 to i32
      %sign3A_255 = arith.subi %sign3A_251, %sign3A_254 : i32
      %sign3A_256 = arith.constant 0 : i32
      %sign3A_257 = arith.cmpi sgt, %jit3A_247, %sign3A_256 : i32
      %sign3A_258 = arith.extui %sign3A_257 : i1 to i32
      %sign3A_259 = arith.constant 0 : i32
      %sign3A_260 = arith.cmpi slt, %jit3A_247, %sign3A_259 : i32
      %sign3A_261 = arith.extui %sign3A_260 : i1 to i32
      %sign3A_262 = arith.subi %sign3A_258, %sign3A_261 : i32
      %ne3A_263 = arith.cmpi ne, %sign3A_255, %sign3A_262 : i32
      %rem3A_264 = arith.remsi %add3A_246, %jit3A_247 : i32
      %ne3A_265 = arith.constant 0 : i32
      %ne3A_266 = arith.cmpi ne, %rem3A_264, %ne3A_265 : i32
      %and3A_267 = arith.andi %ne3A_263, %ne3A_266 : i1
      %sub3A_268 = arith.constant 1 : i32
      %sub3A_269 = arith.subi %div3A_248, %sub3A_268 : i32
      %select_n3A_270 = arith.select %and3A_267, %sub3A_269, %div3A_248 : i32
      %broadcast_in_dim3A_271 = arith.constant 0 : i32
      %broadcast_in_dim3A_272 = vector.broadcast %broadcast_in_dim3A_271 : i32 to vector<16xi32>
      %while3A_273 = arith.constant 0 : i32
      %while3A_274 = arith.subi %select_n3A_270, %while3A_273 : i32
      %while3A_275 = arith.addi %while3A_273, %while3A_274 : i32
      %while3A_276 = arith.constant 1 : i32
      %while3A_277 = arith.divsi %while3A_274, %while3A_276 : i32
      %while3A_278 = arith.muli %while3A_277, %while3A_276 : i32
      %while3A_279 = arith.addi %while3A_273, %while3A_278 : i32
      %while3A_280 = arith.constant 1 : i32
      %while3A_281:2 = scf.for %while3A_1022 = %while3A_273 to %while3A_279 step %while3A_280 iter_args(%while3A_1023 = %broadcast_in_dim3A_3, %while3A_1024 = %broadcast_in_dim3A_272) -> (vector<16xf32>, vector<16xi32>)  : i32 {
        %mul3A_1025 = arith.constant 16 : i32
        %mul3A_1026 = arith.muli %while3A_1022, %mul3A_1025 : i32
        %get3A_1027 = arith.index_cast %mul3A_1026 : i32 to index
        %get3A_1028 = tpu.vector_load %arg17[%get3A_1027] {strides = array<i32>} : memref<10256xi32, #tpu.memory_space<vmem>>, vector<16xi32>,
        %gather3A = tpu.vector_load_idx %arg9[%get3A_1028] : memref<10240xf32, #tpu.memory_space<vmem>>[vector<16xi32>], vector<16xf32>,
        %gather3A_1029 = tpu.vector_load_idx %arg10[%get3A_1028] : memref<10240xf32, #tpu.memory_space<vmem>>[vector<16xi32>], vector<16xf32>,
        %sub3A_1030 = vector.broadcast %squeeze3A_36 : f32 to vector<16xf32>
        %sub3A_1031 = arith.subf %sub3A_1030, %gather3A : vector<16xf32>
        %sub3A_1032 = vector.broadcast %squeeze3A_38 : f32 to vector<16xf32>
        %sub3A_1033 = arith.subf %sub3A_1032, %gather3A_1029 : vector<16xf32>
        %mul3A_1034 = arith.mulf %sub3A_1031, %sub3A_1031 : vector<16xf32>
        %mul3A_1035 = arith.mulf %sub3A_1033, %sub3A_1033 : vector<16xf32>
        %add3A_1036 = arith.addf %mul3A_1034, %mul3A_1035 : vector<16xf32>
        %masked_sort3A = arith.constant dense<true> : vector<16xi1>
        %masked_sort3A_1037, %masked_sort3A_1038, %masked_sort3A_1039 = tpu.sort %add3A_1036, %get3A_1028 masked %masked_sort3A {descending = true} : (vector<16xf32>, vector<16xi32>, vector<16xi1>) -> (vector<16xi1>, vector<16xf32>, vector<16xi32>)
        %le3A = arith.cmpf ole, %while3A_1023, %masked_sort3A_1038 : vector<16xf32>
        %select_n3A_1040 = arith.select %le3A, %while3A_1023, %masked_sort3A_1038 : vector<16xi1>, vector<16xf32>
        %select_n3A_1041 = arith.select %le3A, %while3A_1024, %masked_sort3A_1039 : vector<16xi1>, vector<16xi32>
        %masked_sort3A_1042 = arith.constant dense<true> : vector<16xi1>
        %masked_sort3A_1043, %masked_sort3A_1044, %masked_sort3A_1045 = tpu.sort %select_n3A_1040, %select_n3A_1041 masked %masked_sort3A_1042 : (vector<16xf32>, vector<16xi32>, vector<16xi1>) -> (vector<16xi1>, vector<16xf32>, vector<16xi32>)
        scf.yield %masked_sort3A_1044, %masked_sort3A_1045 : vector<16xf32>, vector<16xi32>
      }
      %while3A_282 = arith.constant 1 : i32
      %while3A_283:2 = scf.for %while3A_1022 = %while3A_279 to %while3A_275 step %while3A_282 iter_args(%while3A_1023 = %while3A_281#0, %while3A_1024 = %while3A_281#1) -> (vector<16xf32>, vector<16xi32>)  : i32 {
        %mul3A_1025 = arith.constant 16 : i32
        %mul3A_1026 = arith.muli %while3A_1022, %mul3A_1025 : i32
        %get3A_1027 = arith.index_cast %mul3A_1026 : i32 to index
        %get3A_1028 = tpu.vector_load %arg17[%get3A_1027] {strides = array<i32>} : memref<10256xi32, #tpu.memory_space<vmem>>, vector<16xi32>,
        %gather3A = tpu.vector_load_idx %arg9[%get3A_1028] : memref<10240xf32, #tpu.memory_space<vmem>>[vector<16xi32>], vector<16xf32>,
        %gather3A_1029 = tpu.vector_load_idx %arg10[%get3A_1028] : memref<10240xf32, #tpu.memory_space<vmem>>[vector<16xi32>], vector<16xf32>,
        %sub3A_1030 = vector.broadcast %squeeze3A_36 : f32 to vector<16xf32>
        %sub3A_1031 = arith.subf %sub3A_1030, %gather3A : vector<16xf32>
        %sub3A_1032 = vector.broadcast %squeeze3A_38 : f32 to vector<16xf32>
        %sub3A_1033 = arith.subf %sub3A_1032, %gather3A_1029 : vector<16xf32>
        %mul3A_1034 = arith.mulf %sub3A_1031, %sub3A_1031 : vector<16xf32>
        %mul3A_1035 = arith.mulf %sub3A_1033, %sub3A_1033 : vector<16xf32>
        %add3A_1036 = arith.addf %mul3A_1034, %mul3A_1035 : vector<16xf32>
        %masked_sort3A = arith.constant dense<true> : vector<16xi1>
        %masked_sort3A_1037, %masked_sort3A_1038, %masked_sort3A_1039 = tpu.sort %add3A_1036, %get3A_1028 masked %masked_sort3A {descending = true} : (vector<16xf32>, vector<16xi32>, vector<16xi1>) -> (vector<16xi1>, vector<16xf32>, vector<16xi32>)
        %le3A = arith.cmpf ole, %while3A_1023, %masked_sort3A_1038 : vector<16xf32>
        %select_n3A_1040 = arith.select %le3A, %while3A_1023, %masked_sort3A_1038 : vector<16xi1>, vector<16xf32>
        %select_n3A_1041 = arith.select %le3A, %while3A_1024, %masked_sort3A_1039 : vector<16xi1>, vector<16xi32>
        %masked_sort3A_1042 = arith.constant dense<true> : vector<16xi1>
        %masked_sort3A_1043, %masked_sort3A_1044, %masked_sort3A_1045 = tpu.sort %select_n3A_1040, %select_n3A_1041 masked %masked_sort3A_1042 : (vector<16xf32>, vector<16xi32>, vector<16xi1>) -> (vector<16xi1>, vector<16xf32>, vector<16xi32>)
        scf.yield %masked_sort3A_1044, %masked_sort3A_1045 : vector<16xf32>, vector<16xi32>
      }
      %mul3A_284 = arith.constant 16 : i32
      %mul3A_285 = arith.muli %multiple_of3A, %mul3A_284 : i32
      %add3A_286 = arith.constant 48 : i32
      %add3A_287 = arith.addi %mul3A_285, %add3A_286 : i32
      %multiple_of3A_288 = tpu.assume_multiple %add3A_287, 16 : i32
      %swap3A_289 = arith.index_cast %multiple_of3A_288 : i32 to index
      %swap3A_290 = tpu.vector_load %arg22[%swap3A_289] {strides = array<i32>} : memref<5120xi32, #tpu.memory_space<vmem>>, vector<16xi32>,
      tpu.vector_store %arg22[%swap3A_289], %while3A_283#1 {strides = array<i32>} : memref<5120xi32, #tpu.memory_space<vmem>>, vector<16xi32>,
      %swap3A_291 = arith.index_cast %multiple_of3A_288 : i32 to index
      %swap3A_292 = tpu.vector_load %arg23[%swap3A_291] {strides = array<i32>} : memref<5120xf32, #tpu.memory_space<vmem>>, vector<16xf32>,
      tpu.vector_store %arg23[%swap3A_291], %while3A_283#0 {strides = array<i32>} : memref<5120xf32, #tpu.memory_space<vmem>>, vector<16xf32>,
      %slice3A_293 = vector.extract_strided_slice %scan3A_77#4 {offsets = [0], sizes = [1], strides = [1]} : vector<16xi32> to vector<1xi32>
      %squeeze3A_294 = vector.extract %slice3A_293[0] : i32 from vector<1xi32>
      %add3A_295 = arith.constant 1 : i32
      %add3A_296 = arith.addi %squeeze3A_294, %add3A_295 : i32
      %broadcast_in_dim3A_297 = arith.constant 10239 : i32
      %broadcast_in_dim3A_298 = vector.broadcast %broadcast_in_dim3A_297 : i32 to vector<16xi32>
      %swap3A_299 = arith.index_cast %add3A_296 : i32 to index
      %swap3A_300 = tpu.vector_load %arg18[%swap3A_299] {strides = array<i32>} : memref<10256xi32, #tpu.memory_space<vmem>>, vector<16xi32>,
      tpu.vector_store %arg18[%swap3A_299], %broadcast_in_dim3A_298 {strides = array<i32>} : memref<10256xi32, #tpu.memory_space<vmem>>, vector<16xi32>,
      %add3A_301 = arith.constant 15 : i32
      %add3A_302 = arith.addi %add3A_296, %add3A_301 : i32
      %jit3A_303 = arith.constant 16 : i32
      %div3A_304 = arith.divsi %add3A_302, %jit3A_303 : i32
      %sign3A_305 = arith.constant 0 : i32
      %sign3A_306 = arith.cmpi sgt, %add3A_302, %sign3A_305 : i32
      %sign3A_307 = arith.extui %sign3A_306 : i1 to i32
      %sign3A_308 = arith.constant 0 : i32
      %sign3A_309 = arith.cmpi slt, %add3A_302, %sign3A_308 : i32
      %sign3A_310 = arith.extui %sign3A_309 : i1 to i32
      %sign3A_311 = arith.subi %sign3A_307, %sign3A_310 : i32
      %sign3A_312 = arith.constant 0 : i32
      %sign3A_313 = arith.cmpi sgt, %jit3A_303, %sign3A_312 : i32
      %sign3A_314 = arith.extui %sign3A_313 : i1 to i32
      %sign3A_315 = arith.constant 0 : i32
      %sign3A_316 = arith.cmpi slt, %jit3A_303, %sign3A_315 : i32
      %sign3A_317 = arith.extui %sign3A_316 : i1 to i32
      %sign3A_318 = arith.subi %sign3A_314, %sign3A_317 : i32
      %ne3A_319 = arith.cmpi ne, %sign3A_311, %sign3A_318 : i32
      %rem3A_320 = arith.remsi %add3A_302, %jit3A_303 : i32
      %ne3A_321 = arith.constant 0 : i32
      %ne3A_322 = arith.cmpi ne, %rem3A_320, %ne3A_321 : i32
      %and3A_323 = arith.andi %ne3A_319, %ne3A_322 : i1
      %sub3A_324 = arith.constant 1 : i32
      %sub3A_325 = arith.subi %div3A_304, %sub3A_324 : i32
      %select_n3A_326 = arith.select %and3A_323, %sub3A_325, %div3A_304 : i32
      %broadcast_in_dim3A_327 = arith.constant 0 : i32
      %broadcast_in_dim3A_328 = vector.broadcast %broadcast_in_dim3A_327 : i32 to vector<16xi32>
      %while3A_329 = arith.constant 0 : i32
      %while3A_330 = arith.subi %select_n3A_326, %while3A_329 : i32
      %while3A_331 = arith.addi %while3A_329, %while3A_330 : i32
      %while3A_332 = arith.constant 1 : i32
      %while3A_333 = arith.divsi %while3A_330, %while3A_332 : i32
      %while3A_334 = arith.muli %while3A_333, %while3A_332 : i32
      %while3A_335 = arith.addi %while3A_329, %while3A_334 : i32
      %while3A_336 = arith.constant 1 : i32
      %while3A_337:2 = scf.for %while3A_1022 = %while3A_329 to %while3A_335 step %while3A_336 iter_args(%while3A_1023 = %broadcast_in_dim3A_3, %while3A_1024 = %broadcast_in_dim3A_328) -> (vector<16xf32>, vector<16xi32>)  : i32 {
        %mul3A_1025 = arith.constant 16 : i32
        %mul3A_1026 = arith.muli %while3A_1022, %mul3A_1025 : i32
        %get3A_1027 = arith.index_cast %mul3A_1026 : i32 to index
        %get3A_1028 = tpu.vector_load %arg18[%get3A_1027] {strides = array<i32>} : memref<10256xi32, #tpu.memory_space<vmem>>, vector<16xi32>,
        %gather3A = tpu.vector_load_idx %arg9[%get3A_1028] : memref<10240xf32, #tpu.memory_space<vmem>>[vector<16xi32>], vector<16xf32>,
        %gather3A_1029 = tpu.vector_load_idx %arg10[%get3A_1028] : memref<10240xf32, #tpu.memory_space<vmem>>[vector<16xi32>], vector<16xf32>,
        %sub3A_1030 = vector.broadcast %squeeze3A_40 : f32 to vector<16xf32>
        %sub3A_1031 = arith.subf %sub3A_1030, %gather3A : vector<16xf32>
        %sub3A_1032 = vector.broadcast %squeeze3A_42 : f32 to vector<16xf32>
        %sub3A_1033 = arith.subf %sub3A_1032, %gather3A_1029 : vector<16xf32>
        %mul3A_1034 = arith.mulf %sub3A_1031, %sub3A_1031 : vector<16xf32>
        %mul3A_1035 = arith.mulf %sub3A_1033, %sub3A_1033 : vector<16xf32>
        %add3A_1036 = arith.addf %mul3A_1034, %mul3A_1035 : vector<16xf32>
        %masked_sort3A = arith.constant dense<true> : vector<16xi1>
        %masked_sort3A_1037, %masked_sort3A_1038, %masked_sort3A_1039 = tpu.sort %add3A_1036, %get3A_1028 masked %masked_sort3A {descending = true} : (vector<16xf32>, vector<16xi32>, vector<16xi1>) -> (vector<16xi1>, vector<16xf32>, vector<16xi32>)
        %le3A = arith.cmpf ole, %while3A_1023, %masked_sort3A_1038 : vector<16xf32>
        %select_n3A_1040 = arith.select %le3A, %while3A_1023, %masked_sort3A_1038 : vector<16xi1>, vector<16xf32>
        %select_n3A_1041 = arith.select %le3A, %while3A_1024, %masked_sort3A_1039 : vector<16xi1>, vector<16xi32>
        %masked_sort3A_1042 = arith.constant dense<true> : vector<16xi1>
        %masked_sort3A_1043, %masked_sort3A_1044, %masked_sort3A_1045 = tpu.sort %select_n3A_1040, %select_n3A_1041 masked %masked_sort3A_1042 : (vector<16xf32>, vector<16xi32>, vector<16xi1>) -> (vector<16xi1>, vector<16xf32>, vector<16xi32>)
        scf.yield %masked_sort3A_1044, %masked_sort3A_1045 : vector<16xf32>, vector<16xi32>
      }
      %while3A_338 = arith.constant 1 : i32
      %while3A_339:2 = scf.for %while3A_1022 = %while3A_335 to %while3A_331 step %while3A_338 iter_args(%while3A_1023 = %while3A_337#0, %while3A_1024 = %while3A_337#1) -> (vector<16xf32>, vector<16xi32>)  : i32 {
        %mul3A_1025 = arith.constant 16 : i32
        %mul3A_1026 = arith.muli %while3A_1022, %mul3A_1025 : i32
        %get3A_1027 = arith.index_cast %mul3A_1026 : i32 to index
        %get3A_1028 = tpu.vector_load %arg18[%get3A_1027] {strides = array<i32>} : memref<10256xi32, #tpu.memory_space<vmem>>, vector<16xi32>,
        %gather3A = tpu.vector_load_idx %arg9[%get3A_1028] : memref<10240xf32, #tpu.memory_space<vmem>>[vector<16xi32>], vector<16xf32>,
        %gather3A_1029 = tpu.vector_load_idx %arg10[%get3A_1028] : memref<10240xf32, #tpu.memory_space<vmem>>[vector<16xi32>], vector<16xf32>,
        %sub3A_1030 = vector.broadcast %squeeze3A_40 : f32 to vector<16xf32>
        %sub3A_1031 = arith.subf %sub3A_1030, %gather3A : vector<16xf32>
        %sub3A_1032 = vector.broadcast %squeeze3A_42 : f32 to vector<16xf32>
        %sub3A_1033 = arith.subf %sub3A_1032, %gather3A_1029 : vector<16xf32>
        %mul3A_1034 = arith.mulf %sub3A_1031, %sub3A_1031 : vector<16xf32>
        %mul3A_1035 = arith.mulf %sub3A_1033, %sub3A_1033 : vector<16xf32>
        %add3A_1036 = arith.addf %mul3A_1034, %mul3A_1035 : vector<16xf32>
        %masked_sort3A = arith.constant dense<true> : vector<16xi1>
        %masked_sort3A_1037, %masked_sort3A_1038, %masked_sort3A_1039 = tpu.sort %add3A_1036, %get3A_1028 masked %masked_sort3A {descending = true} : (vector<16xf32>, vector<16xi32>, vector<16xi1>) -> (vector<16xi1>, vector<16xf32>, vector<16xi32>)
        %le3A = arith.cmpf ole, %while3A_1023, %masked_sort3A_1038 : vector<16xf32>
        %select_n3A_1040 = arith.select %le3A, %while3A_1023, %masked_sort3A_1038 : vector<16xi1>, vector<16xf32>
        %select_n3A_1041 = arith.select %le3A, %while3A_1024, %masked_sort3A_1039 : vector<16xi1>, vector<16xi32>
        %masked_sort3A_1042 = arith.constant dense<true> : vector<16xi1>
        %masked_sort3A_1043, %masked_sort3A_1044, %masked_sort3A_1045 = tpu.sort %select_n3A_1040, %select_n3A_1041 masked %masked_sort3A_1042 : (vector<16xf32>, vector<16xi32>, vector<16xi1>) -> (vector<16xi1>, vector<16xf32>, vector<16xi32>)
        scf.yield %masked_sort3A_1044, %masked_sort3A_1045 : vector<16xf32>, vector<16xi32>
      }
      %mul3A_340 = arith.constant 16 : i32
      %mul3A_341 = arith.muli %multiple_of3A, %mul3A_340 : i32
      %add3A_342 = arith.constant 64 : i32
      %add3A_343 = arith.addi %mul3A_341, %add3A_342 : i32
      %multiple_of3A_344 = tpu.assume_multiple %add3A_343, 16 : i32
      %swap3A_345 = arith.index_cast %multiple_of3A_344 : i32 to index
      %swap3A_346 = tpu.vector_load %arg22[%swap3A_345] {strides = array<i32>} : memref<5120xi32, #tpu.memory_space<vmem>>, vector<16xi32>,
      tpu.vector_store %arg22[%swap3A_345], %while3A_339#1 {strides = array<i32>} : memref<5120xi32, #tpu.memory_space<vmem>>, vector<16xi32>,
      %swap3A_347 = arith.index_cast %multiple_of3A_344 : i32 to index
      %swap3A_348 = tpu.vector_load %arg23[%swap3A_347] {strides = array<i32>} : memref<5120xf32, #tpu.memory_space<vmem>>, vector<16xf32>,
      tpu.vector_store %arg23[%swap3A_347], %while3A_339#0 {strides = array<i32>} : memref<5120xf32, #tpu.memory_space<vmem>>, vector<16xf32>,
      %slice3A_349 = vector.extract_strided_slice %scan3A_77#5 {offsets = [0], sizes = [1], strides = [1]} : vector<16xi32> to vector<1xi32>
      %squeeze3A_350 = vector.extract %slice3A_349[0] : i32 from vector<1xi32>
      %add3A_351 = arith.constant 1 : i32
      %add3A_352 = arith.addi %squeeze3A_350, %add3A_351 : i32
      %broadcast_in_dim3A_353 = arith.constant 10239 : i32
      %broadcast_in_dim3A_354 = vector.broadcast %broadcast_in_dim3A_353 : i32 to vector<16xi32>
      %swap3A_355 = arith.index_cast %add3A_352 : i32 to index
      %swap3A_356 = tpu.vector_load %arg19[%swap3A_355] {strides = array<i32>} : memref<10256xi32, #tpu.memory_space<vmem>>, vector<16xi32>,
      tpu.vector_store %arg19[%swap3A_355], %broadcast_in_dim3A_354 {strides = array<i32>} : memref<10256xi32, #tpu.memory_space<vmem>>, vector<16xi32>,
      %add3A_357 = arith.constant 15 : i32
      %add3A_358 = arith.addi %add3A_352, %add3A_357 : i32
      %jit3A_359 = arith.constant 16 : i32
      %div3A_360 = arith.divsi %add3A_358, %jit3A_359 : i32
      %sign3A_361 = arith.constant 0 : i32
      %sign3A_362 = arith.cmpi sgt, %add3A_358, %sign3A_361 : i32
      %sign3A_363 = arith.extui %sign3A_362 : i1 to i32
      %sign3A_364 = arith.constant 0 : i32
      %sign3A_365 = arith.cmpi slt, %add3A_358, %sign3A_364 : i32
      %sign3A_366 = arith.extui %sign3A_365 : i1 to i32
      %sign3A_367 = arith.subi %sign3A_363, %sign3A_366 : i32
      %sign3A_368 = arith.constant 0 : i32
      %sign3A_369 = arith.cmpi sgt, %jit3A_359, %sign3A_368 : i32
      %sign3A_370 = arith.extui %sign3A_369 : i1 to i32
      %sign3A_371 = arith.constant 0 : i32
      %sign3A_372 = arith.cmpi slt, %jit3A_359, %sign3A_371 : i32
      %sign3A_373 = arith.extui %sign3A_372 : i1 to i32
      %sign3A_374 = arith.subi %sign3A_370, %sign3A_373 : i32
      %ne3A_375 = arith.cmpi ne, %sign3A_367, %sign3A_374 : i32
      %rem3A_376 = arith.remsi %add3A_358, %jit3A_359 : i32
      %ne3A_377 = arith.constant 0 : i32
      %ne3A_378 = arith.cmpi ne, %rem3A_376, %ne3A_377 : i32
      %and3A_379 = arith.andi %ne3A_375, %ne3A_378 : i1
      %sub3A_380 = arith.constant 1 : i32
      %sub3A_381 = arith.subi %div3A_360, %sub3A_380 : i32
      %select_n3A_382 = arith.select %and3A_379, %sub3A_381, %div3A_360 : i32
      %broadcast_in_dim3A_383 = arith.constant 0 : i32
      %broadcast_in_dim3A_384 = vector.broadcast %broadcast_in_dim3A_383 : i32 to vector<16xi32>
      %while3A_385 = arith.constant 0 : i32
      %while3A_386 = arith.subi %select_n3A_382, %while3A_385 : i32
      %while3A_387 = arith.addi %while3A_385, %while3A_386 : i32
      %while3A_388 = arith.constant 1 : i32
      %while3A_389 = arith.divsi %while3A_386, %while3A_388 : i32
      %while3A_390 = arith.muli %while3A_389, %while3A_388 : i32
      %while3A_391 = arith.addi %while3A_385, %while3A_390 : i32
      %while3A_392 = arith.constant 1 : i32
      %while3A_393:2 = scf.for %while3A_1022 = %while3A_385 to %while3A_391 step %while3A_392 iter_args(%while3A_1023 = %broadcast_in_dim3A_3, %while3A_1024 = %broadcast_in_dim3A_384) -> (vector<16xf32>, vector<16xi32>)  : i32 {
        %mul3A_1025 = arith.constant 16 : i32
        %mul3A_1026 = arith.muli %while3A_1022, %mul3A_1025 : i32
        %get3A_1027 = arith.index_cast %mul3A_1026 : i32 to index
        %get3A_1028 = tpu.vector_load %arg19[%get3A_1027] {strides = array<i32>} : memref<10256xi32, #tpu.memory_space<vmem>>, vector<16xi32>,
        %gather3A = tpu.vector_load_idx %arg9[%get3A_1028] : memref<10240xf32, #tpu.memory_space<vmem>>[vector<16xi32>], vector<16xf32>,
        %gather3A_1029 = tpu.vector_load_idx %arg10[%get3A_1028] : memref<10240xf32, #tpu.memory_space<vmem>>[vector<16xi32>], vector<16xf32>,
        %sub3A_1030 = vector.broadcast %squeeze3A_44 : f32 to vector<16xf32>
        %sub3A_1031 = arith.subf %sub3A_1030, %gather3A : vector<16xf32>
        %sub3A_1032 = vector.broadcast %squeeze3A_46 : f32 to vector<16xf32>
        %sub3A_1033 = arith.subf %sub3A_1032, %gather3A_1029 : vector<16xf32>
        %mul3A_1034 = arith.mulf %sub3A_1031, %sub3A_1031 : vector<16xf32>
        %mul3A_1035 = arith.mulf %sub3A_1033, %sub3A_1033 : vector<16xf32>
        %add3A_1036 = arith.addf %mul3A_1034, %mul3A_1035 : vector<16xf32>
        %masked_sort3A = arith.constant dense<true> : vector<16xi1>
        %masked_sort3A_1037, %masked_sort3A_1038, %masked_sort3A_1039 = tpu.sort %add3A_1036, %get3A_1028 masked %masked_sort3A {descending = true} : (vector<16xf32>, vector<16xi32>, vector<16xi1>) -> (vector<16xi1>, vector<16xf32>, vector<16xi32>)
        %le3A = arith.cmpf ole, %while3A_1023, %masked_sort3A_1038 : vector<16xf32>
        %select_n3A_1040 = arith.select %le3A, %while3A_1023, %masked_sort3A_1038 : vector<16xi1>, vector<16xf32>
        %select_n3A_1041 = arith.select %le3A, %while3A_1024, %masked_sort3A_1039 : vector<16xi1>, vector<16xi32>
        %masked_sort3A_1042 = arith.constant dense<true> : vector<16xi1>
        %masked_sort3A_1043, %masked_sort3A_1044, %masked_sort3A_1045 = tpu.sort %select_n3A_1040, %select_n3A_1041 masked %masked_sort3A_1042 : (vector<16xf32>, vector<16xi32>, vector<16xi1>) -> (vector<16xi1>, vector<16xf32>, vector<16xi32>)
        scf.yield %masked_sort3A_1044, %masked_sort3A_1045 : vector<16xf32>, vector<16xi32>
      }
      %while3A_394 = arith.constant 1 : i32
      %while3A_395:2 = scf.for %while3A_1022 = %while3A_391 to %while3A_387 step %while3A_394 iter_args(%while3A_1023 = %while3A_393#0, %while3A_1024 = %while3A_393#1) -> (vector<16xf32>, vector<16xi32>)  : i32 {
        %mul3A_1025 = arith.constant 16 : i32
        %mul3A_1026 = arith.muli %while3A_1022, %mul3A_1025 : i32
        %get3A_1027 = arith.index_cast %mul3A_1026 : i32 to index
        %get3A_1028 = tpu.vector_load %arg19[%get3A_1027] {strides = array<i32>} : memref<10256xi32, #tpu.memory_space<vmem>>, vector<16xi32>,
        %gather3A = tpu.vector_load_idx %arg9[%get3A_1028] : memref<10240xf32, #tpu.memory_space<vmem>>[vector<16xi32>], vector<16xf32>,
        %gather3A_1029 = tpu.vector_load_idx %arg10[%get3A_1028] : memref<10240xf32, #tpu.memory_space<vmem>>[vector<16xi32>], vector<16xf32>,
        %sub3A_1030 = vector.broadcast %squeeze3A_44 : f32 to vector<16xf32>
        %sub3A_1031 = arith.subf %sub3A_1030, %gather3A : vector<16xf32>
        %sub3A_1032 = vector.broadcast %squeeze3A_46 : f32 to vector<16xf32>
        %sub3A_1033 = arith.subf %sub3A_1032, %gather3A_1029 : vector<16xf32>
        %mul3A_1034 = arith.mulf %sub3A_1031, %sub3A_1031 : vector<16xf32>
        %mul3A_1035 = arith.mulf %sub3A_1033, %sub3A_1033 : vector<16xf32>
        %add3A_1036 = arith.addf %mul3A_1034, %mul3A_1035 : vector<16xf32>
        %masked_sort3A = arith.constant dense<true> : vector<16xi1>
        %masked_sort3A_1037, %masked_sort3A_1038, %masked_sort3A_1039 = tpu.sort %add3A_1036, %get3A_1028 masked %masked_sort3A {descending = true} : (vector<16xf32>, vector<16xi32>, vector<16xi1>) -> (vector<16xi1>, vector<16xf32>, vector<16xi32>)
        %le3A = arith.cmpf ole, %while3A_1023, %masked_sort3A_1038 : vector<16xf32>
        %select_n3A_1040 = arith.select %le3A, %while3A_1023, %masked_sort3A_1038 : vector<16xi1>, vector<16xf32>
        %select_n3A_1041 = arith.select %le3A, %while3A_1024, %masked_sort3A_1039 : vector<16xi1>, vector<16xi32>
        %masked_sort3A_1042 = arith.constant dense<true> : vector<16xi1>
        %masked_sort3A_1043, %masked_sort3A_1044, %masked_sort3A_1045 = tpu.sort %select_n3A_1040, %select_n3A_1041 masked %masked_sort3A_1042 : (vector<16xf32>, vector<16xi32>, vector<16xi1>) -> (vector<16xi1>, vector<16xf32>, vector<16xi32>)
        scf.yield %masked_sort3A_1044, %masked_sort3A_1045 : vector<16xf32>, vector<16xi32>
      }
      %mul3A_396 = arith.constant 16 : i32
      %mul3A_397 = arith.muli %multiple_of3A, %mul3A_396 : i32
      %add3A_398 = arith.constant 80 : i32
      %add3A_399 = arith.addi %mul3A_397, %add3A_398 : i32
      %multiple_of3A_400 = tpu.assume_multiple %add3A_399, 16 : i32
      %swap3A_401 = arith.index_cast %multiple_of3A_400 : i32 to index
      %swap3A_402 = tpu.vector_load %arg22[%swap3A_401] {strides = array<i32>} : memref<5120xi32, #tpu.memory_space<vmem>>, vector<16xi32>,
      tpu.vector_store %arg22[%swap3A_401], %while3A_395#1 {strides = array<i32>} : memref<5120xi32, #tpu.memory_space<vmem>>, vector<16xi32>,
      %swap3A_403 = arith.index_cast %multiple_of3A_400 : i32 to index
      %swap3A_404 = tpu.vector_load %arg23[%swap3A_403] {strides = array<i32>} : memref<5120xf32, #tpu.memory_space<vmem>>, vector<16xf32>,
      tpu.vector_store %arg23[%swap3A_403], %while3A_395#0 {strides = array<i32>} : memref<5120xf32, #tpu.memory_space<vmem>>, vector<16xf32>,
      %slice3A_405 = vector.extract_strided_slice %scan3A_77#6 {offsets = [0], sizes = [1], strides = [1]} : vector<16xi32> to vector<1xi32>
      %squeeze3A_406 = vector.extract %slice3A_405[0] : i32 from vector<1xi32>
      %add3A_407 = arith.constant 1 : i32
      %add3A_408 = arith.addi %squeeze3A_406, %add3A_407 : i32
      %broadcast_in_dim3A_409 = arith.constant 10239 : i32
      %broadcast_in_dim3A_410 = vector.broadcast %broadcast_in_dim3A_409 : i32 to vector<16xi32>
      %swap3A_411 = arith.index_cast %add3A_408 : i32 to index
      %swap3A_412 = tpu.vector_load %arg20[%swap3A_411] {strides = array<i32>} : memref<10256xi32, #tpu.memory_space<vmem>>, vector<16xi32>,
      tpu.vector_store %arg20[%swap3A_411], %broadcast_in_dim3A_410 {strides = array<i32>} : memref<10256xi32, #tpu.memory_space<vmem>>, vector<16xi32>,
      %add3A_413 = arith.constant 15 : i32
      %add3A_414 = arith.addi %add3A_408, %add3A_413 : i32
      %jit3A_415 = arith.constant 16 : i32
      %div3A_416 = arith.divsi %add3A_414, %jit3A_415 : i32
      %sign3A_417 = arith.constant 0 : i32
      %sign3A_418 = arith.cmpi sgt, %add3A_414, %sign3A_417 : i32
      %sign3A_419 = arith.extui %sign3A_418 : i1 to i32
      %sign3A_420 = arith.constant 0 : i32
      %sign3A_421 = arith.cmpi slt, %add3A_414, %sign3A_420 : i32
      %sign3A_422 = arith.extui %sign3A_421 : i1 to i32
      %sign3A_423 = arith.subi %sign3A_419, %sign3A_422 : i32
      %sign3A_424 = arith.constant 0 : i32
      %sign3A_425 = arith.cmpi sgt, %jit3A_415, %sign3A_424 : i32
      %sign3A_426 = arith.extui %sign3A_425 : i1 to i32
      %sign3A_427 = arith.constant 0 : i32
      %sign3A_428 = arith.cmpi slt, %jit3A_415, %sign3A_427 : i32
      %sign3A_429 = arith.extui %sign3A_428 : i1 to i32
      %sign3A_430 = arith.subi %sign3A_426, %sign3A_429 : i32
      %ne3A_431 = arith.cmpi ne, %sign3A_423, %sign3A_430 : i32
      %rem3A_432 = arith.remsi %add3A_414, %jit3A_415 : i32
      %ne3A_433 = arith.constant 0 : i32
      %ne3A_434 = arith.cmpi ne, %rem3A_432, %ne3A_433 : i32
      %and3A_435 = arith.andi %ne3A_431, %ne3A_434 : i1
      %sub3A_436 = arith.constant 1 : i32
      %sub3A_437 = arith.subi %div3A_416, %sub3A_436 : i32
      %select_n3A_438 = arith.select %and3A_435, %sub3A_437, %div3A_416 : i32
      %broadcast_in_dim3A_439 = arith.constant 0 : i32
      %broadcast_in_dim3A_440 = vector.broadcast %broadcast_in_dim3A_439 : i32 to vector<16xi32>
      %while3A_441 = arith.constant 0 : i32
      %while3A_442 = arith.subi %select_n3A_438, %while3A_441 : i32
      %while3A_443 = arith.addi %while3A_441, %while3A_442 : i32
      %while3A_444 = arith.constant 1 : i32
      %while3A_445 = arith.divsi %while3A_442, %while3A_444 : i32
      %while3A_446 = arith.muli %while3A_445, %while3A_444 : i32
      %while3A_447 = arith.addi %while3A_441, %while3A_446 : i32
      %while3A_448 = arith.constant 1 : i32
      %while3A_449:2 = scf.for %while3A_1022 = %while3A_441 to %while3A_447 step %while3A_448 iter_args(%while3A_1023 = %broadcast_in_dim3A_3, %while3A_1024 = %broadcast_in_dim3A_440) -> (vector<16xf32>, vector<16xi32>)  : i32 {
        %mul3A_1025 = arith.constant 16 : i32
        %mul3A_1026 = arith.muli %while3A_1022, %mul3A_1025 : i32
        %get3A_1027 = arith.index_cast %mul3A_1026 : i32 to index
        %get3A_1028 = tpu.vector_load %arg20[%get3A_1027] {strides = array<i32>} : memref<10256xi32, #tpu.memory_space<vmem>>, vector<16xi32>,
        %gather3A = tpu.vector_load_idx %arg9[%get3A_1028] : memref<10240xf32, #tpu.memory_space<vmem>>[vector<16xi32>], vector<16xf32>,
        %gather3A_1029 = tpu.vector_load_idx %arg10[%get3A_1028] : memref<10240xf32, #tpu.memory_space<vmem>>[vector<16xi32>], vector<16xf32>,
        %sub3A_1030 = vector.broadcast %squeeze3A_48 : f32 to vector<16xf32>
        %sub3A_1031 = arith.subf %sub3A_1030, %gather3A : vector<16xf32>
        %sub3A_1032 = vector.broadcast %squeeze3A_50 : f32 to vector<16xf32>
        %sub3A_1033 = arith.subf %sub3A_1032, %gather3A_1029 : vector<16xf32>
        %mul3A_1034 = arith.mulf %sub3A_1031, %sub3A_1031 : vector<16xf32>
        %mul3A_1035 = arith.mulf %sub3A_1033, %sub3A_1033 : vector<16xf32>
        %add3A_1036 = arith.addf %mul3A_1034, %mul3A_1035 : vector<16xf32>
        %masked_sort3A = arith.constant dense<true> : vector<16xi1>
        %masked_sort3A_1037, %masked_sort3A_1038, %masked_sort3A_1039 = tpu.sort %add3A_1036, %get3A_1028 masked %masked_sort3A {descending = true} : (vector<16xf32>, vector<16xi32>, vector<16xi1>) -> (vector<16xi1>, vector<16xf32>, vector<16xi32>)
        %le3A = arith.cmpf ole, %while3A_1023, %masked_sort3A_1038 : vector<16xf32>
        %select_n3A_1040 = arith.select %le3A, %while3A_1023, %masked_sort3A_1038 : vector<16xi1>, vector<16xf32>
        %select_n3A_1041 = arith.select %le3A, %while3A_1024, %masked_sort3A_1039 : vector<16xi1>, vector<16xi32>
        %masked_sort3A_1042 = arith.constant dense<true> : vector<16xi1>
        %masked_sort3A_1043, %masked_sort3A_1044, %masked_sort3A_1045 = tpu.sort %select_n3A_1040, %select_n3A_1041 masked %masked_sort3A_1042 : (vector<16xf32>, vector<16xi32>, vector<16xi1>) -> (vector<16xi1>, vector<16xf32>, vector<16xi32>)
        scf.yield %masked_sort3A_1044, %masked_sort3A_1045 : vector<16xf32>, vector<16xi32>
      }
      %while3A_450 = arith.constant 1 : i32
      %while3A_451:2 = scf.for %while3A_1022 = %while3A_447 to %while3A_443 step %while3A_450 iter_args(%while3A_1023 = %while3A_449#0, %while3A_1024 = %while3A_449#1) -> (vector<16xf32>, vector<16xi32>)  : i32 {
        %mul3A_1025 = arith.constant 16 : i32
        %mul3A_1026 = arith.muli %while3A_1022, %mul3A_1025 : i32
        %get3A_1027 = arith.index_cast %mul3A_1026 : i32 to index
        %get3A_1028 = tpu.vector_load %arg20[%get3A_1027] {strides = array<i32>} : memref<10256xi32, #tpu.memory_space<vmem>>, vector<16xi32>,
        %gather3A = tpu.vector_load_idx %arg9[%get3A_1028] : memref<10240xf32, #tpu.memory_space<vmem>>[vector<16xi32>], vector<16xf32>,
        %gather3A_1029 = tpu.vector_load_idx %arg10[%get3A_1028] : memref<10240xf32, #tpu.memory_space<vmem>>[vector<16xi32>], vector<16xf32>,
        %sub3A_1030 = vector.broadcast %squeeze3A_48 : f32 to vector<16xf32>
        %sub3A_1031 = arith.subf %sub3A_1030, %gather3A : vector<16xf32>
        %sub3A_1032 = vector.broadcast %squeeze3A_50 : f32 to vector<16xf32>
        %sub3A_1033 = arith.subf %sub3A_1032, %gather3A_1029 : vector<16xf32>
        %mul3A_1034 = arith.mulf %sub3A_1031, %sub3A_1031 : vector<16xf32>
        %mul3A_1035 = arith.mulf %sub3A_1033, %sub3A_1033 : vector<16xf32>
        %add3A_1036 = arith.addf %mul3A_1034, %mul3A_1035 : vector<16xf32>
        %masked_sort3A = arith.constant dense<true> : vector<16xi1>
        %masked_sort3A_1037, %masked_sort3A_1038, %masked_sort3A_1039 = tpu.sort %add3A_1036, %get3A_1028 masked %masked_sort3A {descending = true} : (vector<16xf32>, vector<16xi32>, vector<16xi1>) -> (vector<16xi1>, vector<16xf32>, vector<16xi32>)
        %le3A = arith.cmpf ole, %while3A_1023, %masked_sort3A_1038 : vector<16xf32>
        %select_n3A_1040 = arith.select %le3A, %while3A_1023, %masked_sort3A_1038 : vector<16xi1>, vector<16xf32>
        %select_n3A_1041 = arith.select %le3A, %while3A_1024, %masked_sort3A_1039 : vector<16xi1>, vector<16xi32>
        %masked_sort3A_1042 = arith.constant dense<true> : vector<16xi1>
        %masked_sort3A_1043, %masked_sort3A_1044, %masked_sort3A_1045 = tpu.sort %select_n3A_1040, %select_n3A_1041 masked %masked_sort3A_1042 : (vector<16xf32>, vector<16xi32>, vector<16xi1>) -> (vector<16xi1>, vector<16xf32>, vector<16xi32>)
        scf.yield %masked_sort3A_1044, %masked_sort3A_1045 : vector<16xf32>, vector<16xi32>
      }
      %mul3A_452 = arith.constant 16 : i32
      %mul3A_453 = arith.muli %multiple_of3A, %mul3A_452 : i32
      %add3A_454 = arith.constant 96 : i32
      %add3A_455 = arith.addi %mul3A_453, %add3A_454 : i32
      %multiple_of3A_456 = tpu.assume_multiple %add3A_455, 16 : i32
      %swap3A_457 = arith.index_cast %multiple_of3A_456 : i32 to index
      %swap3A_458 = tpu.vector_load %arg22[%swap3A_457] {strides = array<i32>} : memref<5120xi32, #tpu.memory_space<vmem>>, vector<16xi32>,
      tpu.vector_store %arg22[%swap3A_457], %while3A_451#1 {strides = array<i32>} : memref<5120xi32, #tpu.memory_space<vmem>>, vector<16xi32>,
      %swap3A_459 = arith.index_cast %multiple_of3A_456 : i32 to index
      %swap3A_460 = tpu.vector_load %arg23[%swap3A_459] {strides = array<i32>} : memref<5120xf32, #tpu.memory_space<vmem>>, vector<16xf32>,
      tpu.vector_store %arg23[%swap3A_459], %while3A_451#0 {strides = array<i32>} : memref<5120xf32, #tpu.memory_space<vmem>>, vector<16xf32>,
      %slice3A_461 = vector.extract_strided_slice %scan3A_77#7 {offsets = [0], sizes = [1], strides = [1]} : vector<16xi32> to vector<1xi32>
      %squeeze3A_462 = vector.extract %slice3A_461[0] : i32 from vector<1xi32>
      %add3A_463 = arith.constant 1 : i32
      %add3A_464 = arith.addi %squeeze3A_462, %add3A_463 : i32
      %broadcast_in_dim3A_465 = arith.constant 10239 : i32
      %broadcast_in_dim3A_466 = vector.broadcast %broadcast_in_dim3A_465 : i32 to vector<16xi32>
      %swap3A_467 = arith.index_cast %add3A_464 : i32 to index
      %swap3A_468 = tpu.vector_load %arg21[%swap3A_467] {strides = array<i32>} : memref<10256xi32, #tpu.memory_space<vmem>>, vector<16xi32>,
      tpu.vector_store %arg21[%swap3A_467], %broadcast_in_dim3A_466 {strides = array<i32>} : memref<10256xi32, #tpu.memory_space<vmem>>, vector<16xi32>,
      %add3A_469 = arith.constant 15 : i32
      %add3A_470 = arith.addi %add3A_464, %add3A_469 : i32
      %jit3A_471 = arith.constant 16 : i32
      %div3A_472 = arith.divsi %add3A_470, %jit3A_471 : i32
      %sign3A_473 = arith.constant 0 : i32
      %sign3A_474 = arith.cmpi sgt, %add3A_470, %sign3A_473 : i32
      %sign3A_475 = arith.extui %sign3A_474 : i1 to i32
      %sign3A_476 = arith.constant 0 : i32
      %sign3A_477 = arith.cmpi slt, %add3A_470, %sign3A_476 : i32
      %sign3A_478 = arith.extui %sign3A_477 : i1 to i32
      %sign3A_479 = arith.subi %sign3A_475, %sign3A_478 : i32
      %sign3A_480 = arith.constant 0 : i32
      %sign3A_481 = arith.cmpi sgt, %jit3A_471, %sign3A_480 : i32
      %sign3A_482 = arith.extui %sign3A_481 : i1 to i32
      %sign3A_483 = arith.constant 0 : i32
      %sign3A_484 = arith.cmpi slt, %jit3A_471, %sign3A_483 : i32
      %sign3A_485 = arith.extui %sign3A_484 : i1 to i32
      %sign3A_486 = arith.subi %sign3A_482, %sign3A_485 : i32
      %ne3A_487 = arith.cmpi ne, %sign3A_479, %sign3A_486 : i32
      %rem3A_488 = arith.remsi %add3A_470, %jit3A_471 : i32
      %ne3A_489 = arith.constant 0 : i32
      %ne3A_490 = arith.cmpi ne, %rem3A_488, %ne3A_489 : i32
      %and3A_491 = arith.andi %ne3A_487, %ne3A_490 : i1
      %sub3A_492 = arith.constant 1 : i32
      %sub3A_493 = arith.subi %div3A_472, %sub3A_492 : i32
      %select_n3A_494 = arith.select %and3A_491, %sub3A_493, %div3A_472 : i32
      %broadcast_in_dim3A_495 = arith.constant 0 : i32
      %broadcast_in_dim3A_496 = vector.broadcast %broadcast_in_dim3A_495 : i32 to vector<16xi32>
      %while3A_497 = arith.constant 0 : i32
      %while3A_498 = arith.subi %select_n3A_494, %while3A_497 : i32
      %while3A_499 = arith.addi %while3A_497, %while3A_498 : i32
      %while3A_500 = arith.constant 1 : i32
      %while3A_501 = arith.divsi %while3A_498, %while3A_500 : i32
      %while3A_502 = arith.muli %while3A_501, %while3A_500 : i32
      %while3A_503 = arith.addi %while3A_497, %while3A_502 : i32
      %while3A_504 = arith.constant 1 : i32
      %while3A_505:2 = scf.for %while3A_1022 = %while3A_497 to %while3A_503 step %while3A_504 iter_args(%while3A_1023 = %broadcast_in_dim3A_3, %while3A_1024 = %broadcast_in_dim3A_496) -> (vector<16xf32>, vector<16xi32>)  : i32 {
        %mul3A_1025 = arith.constant 16 : i32
        %mul3A_1026 = arith.muli %while3A_1022, %mul3A_1025 : i32
        %get3A_1027 = arith.index_cast %mul3A_1026 : i32 to index
        %get3A_1028 = tpu.vector_load %arg21[%get3A_1027] {strides = array<i32>} : memref<10256xi32, #tpu.memory_space<vmem>>, vector<16xi32>,
        %gather3A = tpu.vector_load_idx %arg9[%get3A_1028] : memref<10240xf32, #tpu.memory_space<vmem>>[vector<16xi32>], vector<16xf32>,
        %gather3A_1029 = tpu.vector_load_idx %arg10[%get3A_1028] : memref<10240xf32, #tpu.memory_space<vmem>>[vector<16xi32>], vector<16xf32>,
        %sub3A_1030 = vector.broadcast %squeeze3A_52 : f32 to vector<16xf32>
        %sub3A_1031 = arith.subf %sub3A_1030, %gather3A : vector<16xf32>
        %sub3A_1032 = vector.broadcast %squeeze3A_54 : f32 to vector<16xf32>
        %sub3A_1033 = arith.subf %sub3A_1032, %gather3A_1029 : vector<16xf32>
        %mul3A_1034 = arith.mulf %sub3A_1031, %sub3A_1031 : vector<16xf32>
        %mul3A_1035 = arith.mulf %sub3A_1033, %sub3A_1033 : vector<16xf32>
        %add3A_1036 = arith.addf %mul3A_1034, %mul3A_1035 : vector<16xf32>
        %masked_sort3A = arith.constant dense<true> : vector<16xi1>
        %masked_sort3A_1037, %masked_sort3A_1038, %masked_sort3A_1039 = tpu.sort %add3A_1036, %get3A_1028 masked %masked_sort3A {descending = true} : (vector<16xf32>, vector<16xi32>, vector<16xi1>) -> (vector<16xi1>, vector<16xf32>, vector<16xi32>)
        %le3A = arith.cmpf ole, %while3A_1023, %masked_sort3A_1038 : vector<16xf32>
        %select_n3A_1040 = arith.select %le3A, %while3A_1023, %masked_sort3A_1038 : vector<16xi1>, vector<16xf32>
        %select_n3A_1041 = arith.select %le3A, %while3A_1024, %masked_sort3A_1039 : vector<16xi1>, vector<16xi32>
        %masked_sort3A_1042 = arith.constant dense<true> : vector<16xi1>
        %masked_sort3A_1043, %masked_sort3A_1044, %masked_sort3A_1045 = tpu.sort %select_n3A_1040, %select_n3A_1041 masked %masked_sort3A_1042 : (vector<16xf32>, vector<16xi32>, vector<16xi1>) -> (vector<16xi1>, vector<16xf32>, vector<16xi32>)
        scf.yield %masked_sort3A_1044, %masked_sort3A_1045 : vector<16xf32>, vector<16xi32>
      }
      %while3A_506 = arith.constant 1 : i32
      %while3A_507:2 = scf.for %while3A_1022 = %while3A_503 to %while3A_499 step %while3A_506 iter_args(%while3A_1023 = %while3A_505#0, %while3A_1024 = %while3A_505#1) -> (vector<16xf32>, vector<16xi32>)  : i32 {
        %mul3A_1025 = arith.constant 16 : i32
        %mul3A_1026 = arith.muli %while3A_1022, %mul3A_1025 : i32
        %get3A_1027 = arith.index_cast %mul3A_1026 : i32 to index
        %get3A_1028 = tpu.vector_load %arg21[%get3A_1027] {strides = array<i32>} : memref<10256xi32, #tpu.memory_space<vmem>>, vector<16xi32>,
        %gather3A = tpu.vector_load_idx %arg9[%get3A_1028] : memref<10240xf32, #tpu.memory_space<vmem>>[vector<16xi32>], vector<16xf32>,
        %gather3A_1029 = tpu.vector_load_idx %arg10[%get3A_1028] : memref<10240xf32, #tpu.memory_space<vmem>>[vector<16xi32>], vector<16xf32>,
        %sub3A_1030 = vector.broadcast %squeeze3A_52 : f32 to vector<16xf32>
        %sub3A_1031 = arith.subf %sub3A_1030, %gather3A : vector<16xf32>
        %sub3A_1032 = vector.broadcast %squeeze3A_54 : f32 to vector<16xf32>
        %sub3A_1033 = arith.subf %sub3A_1032, %gather3A_1029 : vector<16xf32>
        %mul3A_1034 = arith.mulf %sub3A_1031, %sub3A_1031 : vector<16xf32>
        %mul3A_1035 = arith.mulf %sub3A_1033, %sub3A_1033 : vector<16xf32>
        %add3A_1036 = arith.addf %mul3A_1034, %mul3A_1035 : vector<16xf32>
        %masked_sort3A = arith.constant dense<true> : vector<16xi1>
        %masked_sort3A_1037, %masked_sort3A_1038, %masked_sort3A_1039 = tpu.sort %add3A_1036, %get3A_1028 masked %masked_sort3A {descending = true} : (vector<16xf32>, vector<16xi32>, vector<16xi1>) -> (vector<16xi1>, vector<16xf32>, vector<16xi32>)
        %le3A = arith.cmpf ole, %while3A_1023, %masked_sort3A_1038 : vector<16xf32>
        %select_n3A_1040 = arith.select %le3A, %while3A_1023, %masked_sort3A_1038 : vector<16xi1>, vector<16xf32>
        %select_n3A_1041 = arith.select %le3A, %while3A_1024, %masked_sort3A_1039 : vector<16xi1>, vector<16xi32>
        %masked_sort3A_1042 = arith.constant dense<true> : vector<16xi1>
        %masked_sort3A_1043, %masked_sort3A_1044, %masked_sort3A_1045 = tpu.sort %select_n3A_1040, %select_n3A_1041 masked %masked_sort3A_1042 : (vector<16xf32>, vector<16xi32>, vector<16xi1>) -> (vector<16xi1>, vector<16xf32>, vector<16xi32>)
        scf.yield %masked_sort3A_1044, %masked_sort3A_1045 : vector<16xf32>, vector<16xi32>
      }
      %mul3A_508 = arith.constant 16 : i32
      %mul3A_509 = arith.muli %multiple_of3A, %mul3A_508 : i32
      %add3A_510 = arith.constant 112 : i32
      %add3A_511 = arith.addi %mul3A_509, %add3A_510 : i32
      %multiple_of3A_512 = tpu.assume_multiple %add3A_511, 16 : i32
      %swap3A_513 = arith.index_cast %multiple_of3A_512 : i32 to index
      %swap3A_514 = tpu.vector_load %arg22[%swap3A_513] {strides = array<i32>} : memref<5120xi32, #tpu.memory_space<vmem>>, vector<16xi32>,
      tpu.vector_store %arg22[%swap3A_513], %while3A_507#1 {strides = array<i32>} : memref<5120xi32, #tpu.memory_space<vmem>>, vector<16xi32>,
      %swap3A_515 = arith.index_cast %multiple_of3A_512 : i32 to index
      %swap3A_516 = tpu.vector_load %arg23[%swap3A_515] {strides = array<i32>} : memref<5120xf32, #tpu.memory_space<vmem>>, vector<16xf32>,
      tpu.vector_store %arg23[%swap3A_515], %while3A_507#0 {strides = array<i32>} : memref<5120xf32, #tpu.memory_space<vmem>>, vector<16xf32>,
      %slice3A_517 = vector.extract_strided_slice %get3A_20 {offsets = [8], sizes = [1], strides = [1]} : vector<16xf32> to vector<1xf32>
      %squeeze3A_518 = vector.extract %slice3A_517[0] : f32 from vector<1xf32>
      %slice3A_519 = vector.extract_strided_slice %get3A_22 {offsets = [8], sizes = [1], strides = [1]} : vector<16xf32> to vector<1xf32>
      %squeeze3A_520 = vector.extract %slice3A_519[0] : f32 from vector<1xf32>
      %slice3A_521 = vector.extract_strided_slice %get3A_20 {offsets = [9], sizes = [1], strides = [1]} : vector<16xf32> to vector<1xf32>
      %squeeze3A_522 = vector.extract %slice3A_521[0] : f32 from vector<1xf32>
      %slice3A_523 = vector.extract_strided_slice %get3A_22 {offsets = [9], sizes = [1], strides = [1]} : vector<16xf32> to vector<1xf32>
      %squeeze3A_524 = vector.extract %slice3A_523[0] : f32 from vector<1xf32>
      %slice3A_525 = vector.extract_strided_slice %get3A_20 {offsets = [10], sizes = [1], strides = [1]} : vector<16xf32> to vector<1xf32>
      %squeeze3A_526 = vector.extract %slice3A_525[0] : f32 from vector<1xf32>
      %slice3A_527 = vector.extract_strided_slice %get3A_22 {offsets = [10], sizes = [1], strides = [1]} : vector<16xf32> to vector<1xf32>
      %squeeze3A_528 = vector.extract %slice3A_527[0] : f32 from vector<1xf32>
      %slice3A_529 = vector.extract_strided_slice %get3A_20 {offsets = [11], sizes = [1], strides = [1]} : vector<16xf32> to vector<1xf32>
      %squeeze3A_530 = vector.extract %slice3A_529[0] : f32 from vector<1xf32>
      %slice3A_531 = vector.extract_strided_slice %get3A_22 {offsets = [11], sizes = [1], strides = [1]} : vector<16xf32> to vector<1xf32>
      %squeeze3A_532 = vector.extract %slice3A_531[0] : f32 from vector<1xf32>
      %slice3A_533 = vector.extract_strided_slice %get3A_20 {offsets = [12], sizes = [1], strides = [1]} : vector<16xf32> to vector<1xf32>
      %squeeze3A_534 = vector.extract %slice3A_533[0] : f32 from vector<1xf32>
      %slice3A_535 = vector.extract_strided_slice %get3A_22 {offsets = [12], sizes = [1], strides = [1]} : vector<16xf32> to vector<1xf32>
      %squeeze3A_536 = vector.extract %slice3A_535[0] : f32 from vector<1xf32>
      %slice3A_537 = vector.extract_strided_slice %get3A_20 {offsets = [13], sizes = [1], strides = [1]} : vector<16xf32> to vector<1xf32>
      %squeeze3A_538 = vector.extract %slice3A_537[0] : f32 from vector<1xf32>
      %slice3A_539 = vector.extract_strided_slice %get3A_22 {offsets = [13], sizes = [1], strides = [1]} : vector<16xf32> to vector<1xf32>
      %squeeze3A_540 = vector.extract %slice3A_539[0] : f32 from vector<1xf32>
      %slice3A_541 = vector.extract_strided_slice %get3A_20 {offsets = [14], sizes = [1], strides = [1]} : vector<16xf32> to vector<1xf32>
      %squeeze3A_542 = vector.extract %slice3A_541[0] : f32 from vector<1xf32>
      %slice3A_543 = vector.extract_strided_slice %get3A_22 {offsets = [14], sizes = [1], strides = [1]} : vector<16xf32> to vector<1xf32>
      %squeeze3A_544 = vector.extract %slice3A_543[0] : f32 from vector<1xf32>
      %slice3A_545 = vector.extract_strided_slice %get3A_20 {offsets = [15], sizes = [1], strides = [1]} : vector<16xf32> to vector<1xf32>
      %squeeze3A_546 = vector.extract %slice3A_545[0] : f32 from vector<1xf32>
      %slice3A_547 = vector.extract_strided_slice %get3A_22 {offsets = [15], sizes = [1], strides = [1]} : vector<16xf32> to vector<1xf32>
      %squeeze3A_548 = vector.extract %slice3A_547[0] : f32 from vector<1xf32>
      %slice3A_549 = vector.extract_strided_slice %get3A_24 {offsets = [8], sizes = [1], strides = [1]} : vector<16xf32> to vector<1xf32>
      %squeeze3A_550 = vector.extract %slice3A_549[0] : f32 from vector<1xf32>
      %slice3A_551 = vector.extract_strided_slice %get3A_24 {offsets = [9], sizes = [1], strides = [1]} : vector<16xf32> to vector<1xf32>
      %squeeze3A_552 = vector.extract %slice3A_551[0] : f32 from vector<1xf32>
      %slice3A_553 = vector.extract_strided_slice %get3A_24 {offsets = [10], sizes = [1], strides = [1]} : vector<16xf32> to vector<1xf32>
      %squeeze3A_554 = vector.extract %slice3A_553[0] : f32 from vector<1xf32>
      %slice3A_555 = vector.extract_strided_slice %get3A_24 {offsets = [11], sizes = [1], strides = [1]} : vector<16xf32> to vector<1xf32>
      %squeeze3A_556 = vector.extract %slice3A_555[0] : f32 from vector<1xf32>
      %slice3A_557 = vector.extract_strided_slice %get3A_24 {offsets = [12], sizes = [1], strides = [1]} : vector<16xf32> to vector<1xf32>
      %squeeze3A_558 = vector.extract %slice3A_557[0] : f32 from vector<1xf32>
      %slice3A_559 = vector.extract_strided_slice %get3A_24 {offsets = [13], sizes = [1], strides = [1]} : vector<16xf32> to vector<1xf32>
      %squeeze3A_560 = vector.extract %slice3A_559[0] : f32 from vector<1xf32>
      %slice3A_561 = vector.extract_strided_slice %get3A_24 {offsets = [14], sizes = [1], strides = [1]} : vector<16xf32> to vector<1xf32>
      %squeeze3A_562 = vector.extract %slice3A_561[0] : f32 from vector<1xf32>
      %slice3A_563 = vector.extract_strided_slice %get3A_24 {offsets = [15], sizes = [1], strides = [1]} : vector<16xf32> to vector<1xf32>
      %squeeze3A_564 = vector.extract %slice3A_563[0] : f32 from vector<1xf32>
      %broadcast_in_dim3A_565 = arith.constant -1 : i32
      %broadcast_in_dim3A_566 = vector.broadcast %broadcast_in_dim3A_565 : i32 to vector<16xi32>
      %scan3A_567 = arith.constant 0 : i32
      %scan3A_568 = arith.constant 640 : i32
      %scan3A_569 = arith.addi %scan3A_567, %scan3A_568 : i32
      %scan3A_570 = arith.constant 2 : i32
      %scan3A_571:8 = scf.for %scan3A_1022 = %scan3A_567 to %scan3A_569 step %scan3A_570 iter_args(%scan3A_1023 = %broadcast_in_dim3A_566, %scan3A_1024 = %broadcast_in_dim3A_566, %scan3A_1025 = %broadcast_in_dim3A_566, %scan3A_1026 = %broadcast_in_dim3A_566, %scan3A_1027 = %broadcast_in_dim3A_566, %scan3A_1028 = %broadcast_in_dim3A_566, %scan3A_1029 = %broadcast_in_dim3A_566, %scan3A_1030 = %broadcast_in_dim3A_566) -> (vector<16xi32>, vector<16xi32>, vector<16xi32>, vector<16xi32>, vector<16xi32>, vector<16xi32>, vector<16xi32>, vector<16xi32>)  : i32 {
        %mul3A_1031 = arith.constant 16 : i32
        %mul3A_1032 = arith.muli %scan3A_1022, %mul3A_1031 : i32
        %multiple_of3A_1033 = tpu.assume_multiple %mul3A_1032, 16 : i32
        %get3A_1034 = arith.index_cast %multiple_of3A_1033 : i32 to index
        %get3A_1035 = tpu.vector_load %arg9[%get3A_1034] {strides = array<i32>} : memref<10240xf32, #tpu.memory_space<vmem>>, vector<16xf32>,
        %get3A_1036 = arith.index_cast %multiple_of3A_1033 : i32 to index
        %get3A_1037 = tpu.vector_load %arg10[%get3A_1036] {strides = array<i32>} : memref<10240xf32, #tpu.memory_space<vmem>>, vector<16xf32>,
        %mul3A_1038 = arith.constant 16 : i32
        %mul3A_1039 = arith.muli %scan3A_1022, %mul3A_1038 : i32
        %add3A_1040 = vector.broadcast %mul3A_1039 : i32 to vector<16xi32>
        %add3A_1041 = arith.addi %add3A_1040, %iota3A : vector<16xi32>
        %sub3A_1042 = vector.broadcast %squeeze3A_518 : f32 to vector<16xf32>
        %sub3A_1043 = arith.subf %sub3A_1042, %get3A_1035 : vector<16xf32>
        %sub3A_1044 = vector.broadcast %squeeze3A_520 : f32 to vector<16xf32>
        %sub3A_1045 = arith.subf %sub3A_1044, %get3A_1037 : vector<16xf32>
        %mul3A_1046 = arith.mulf %sub3A_1043, %sub3A_1043 : vector<16xf32>
        %mul3A_1047 = arith.mulf %sub3A_1045, %sub3A_1045 : vector<16xf32>
        %add3A_1048 = arith.addf %mul3A_1046, %mul3A_1047 : vector<16xf32>
        %le3A = vector.broadcast %squeeze3A_550 : f32 to vector<16xf32>
        %le3A_1049 = arith.cmpf ole, %add3A_1048, %le3A : vector<16xf32>
        %masked_cumsum3A = tpu.scan <sum>, %broadcast_in_dim3A_5 masked %le3A_1049 : vector<16xi32>, vector<16xi1> -> vector<16xi32>
        %add3A_1050 = arith.addi %scan3A_1023, %masked_cumsum3A : vector<16xi32>
        tpu.vector_store_idx %arg14[%add3A_1050], %add3A_1041 masked %le3A_1049 : memref<10256xi32, #tpu.memory_space<vmem>>[vector<16xi32>], vector<16xi32>, vector<16xi1>
        %all_reduce_population_count3A = tpu.all_reduce %le3A_1049 {dim = 0 : i64, kind = #tpu.reduction_kind<sum>} : vector<16xi1> -> vector<16xi32>
        %add3A_1051 = arith.addi %scan3A_1023, %all_reduce_population_count3A : vector<16xi32>
        %sub3A_1052 = vector.broadcast %squeeze3A_522 : f32 to vector<16xf32>
        %sub3A_1053 = arith.subf %sub3A_1052, %get3A_1035 : vector<16xf32>
        %sub3A_1054 = vector.broadcast %squeeze3A_524 : f32 to vector<16xf32>
        %sub3A_1055 = arith.subf %sub3A_1054, %get3A_1037 : vector<16xf32>
        %mul3A_1056 = arith.mulf %sub3A_1053, %sub3A_1053 : vector<16xf32>
        %mul3A_1057 = arith.mulf %sub3A_1055, %sub3A_1055 : vector<16xf32>
        %add3A_1058 = arith.addf %mul3A_1056, %mul3A_1057 : vector<16xf32>
        %le3A_1059 = vector.broadcast %squeeze3A_552 : f32 to vector<16xf32>
        %le3A_1060 = arith.cmpf ole, %add3A_1058, %le3A_1059 : vector<16xf32>
        %masked_cumsum3A_1061 = tpu.scan <sum>, %broadcast_in_dim3A_5 masked %le3A_1060 : vector<16xi32>, vector<16xi1> -> vector<16xi32>
        %add3A_1062 = arith.addi %scan3A_1024, %masked_cumsum3A_1061 : vector<16xi32>
        tpu.vector_store_idx %arg15[%add3A_1062], %add3A_1041 masked %le3A_1060 : memref<10256xi32, #tpu.memory_space<vmem>>[vector<16xi32>], vector<16xi32>, vector<16xi1>
        %all_reduce_population_count3A_1063 = tpu.all_reduce %le3A_1060 {dim = 0 : i64, kind = #tpu.reduction_kind<sum>} : vector<16xi1> -> vector<16xi32>
        %add3A_1064 = arith.addi %scan3A_1024, %all_reduce_population_count3A_1063 : vector<16xi32>
        %sub3A_1065 = vector.broadcast %squeeze3A_526 : f32 to vector<16xf32>
        %sub3A_1066 = arith.subf %sub3A_1065, %get3A_1035 : vector<16xf32>
        %sub3A_1067 = vector.broadcast %squeeze3A_528 : f32 to vector<16xf32>
        %sub3A_1068 = arith.subf %sub3A_1067, %get3A_1037 : vector<16xf32>
        %mul3A_1069 = arith.mulf %sub3A_1066, %sub3A_1066 : vector<16xf32>
        %mul3A_1070 = arith.mulf %sub3A_1068, %sub3A_1068 : vector<16xf32>
        %add3A_1071 = arith.addf %mul3A_1069, %mul3A_1070 : vector<16xf32>
        %le3A_1072 = vector.broadcast %squeeze3A_554 : f32 to vector<16xf32>
        %le3A_1073 = arith.cmpf ole, %add3A_1071, %le3A_1072 : vector<16xf32>
        %masked_cumsum3A_1074 = tpu.scan <sum>, %broadcast_in_dim3A_5 masked %le3A_1073 : vector<16xi32>, vector<16xi1> -> vector<16xi32>
        %add3A_1075 = arith.addi %scan3A_1025, %masked_cumsum3A_1074 : vector<16xi32>
        tpu.vector_store_idx %arg16[%add3A_1075], %add3A_1041 masked %le3A_1073 : memref<10256xi32, #tpu.memory_space<vmem>>[vector<16xi32>], vector<16xi32>, vector<16xi1>
        %all_reduce_population_count3A_1076 = tpu.all_reduce %le3A_1073 {dim = 0 : i64, kind = #tpu.reduction_kind<sum>} : vector<16xi1> -> vector<16xi32>
        %add3A_1077 = arith.addi %scan3A_1025, %all_reduce_population_count3A_1076 : vector<16xi32>
        %sub3A_1078 = vector.broadcast %squeeze3A_530 : f32 to vector<16xf32>
        %sub3A_1079 = arith.subf %sub3A_1078, %get3A_1035 : vector<16xf32>
        %sub3A_1080 = vector.broadcast %squeeze3A_532 : f32 to vector<16xf32>
        %sub3A_1081 = arith.subf %sub3A_1080, %get3A_1037 : vector<16xf32>
        %mul3A_1082 = arith.mulf %sub3A_1079, %sub3A_1079 : vector<16xf32>
        %mul3A_1083 = arith.mulf %sub3A_1081, %sub3A_1081 : vector<16xf32>
        %add3A_1084 = arith.addf %mul3A_1082, %mul3A_1083 : vector<16xf32>
        %le3A_1085 = vector.broadcast %squeeze3A_556 : f32 to vector<16xf32>
        %le3A_1086 = arith.cmpf ole, %add3A_1084, %le3A_1085 : vector<16xf32>
        %masked_cumsum3A_1087 = tpu.scan <sum>, %broadcast_in_dim3A_5 masked %le3A_1086 : vector<16xi32>, vector<16xi1> -> vector<16xi32>
        %add3A_1088 = arith.addi %scan3A_1026, %masked_cumsum3A_1087 : vector<16xi32>
        tpu.vector_store_idx %arg17[%add3A_1088], %add3A_1041 masked %le3A_1086 : memref<10256xi32, #tpu.memory_space<vmem>>[vector<16xi32>], vector<16xi32>, vector<16xi1>
        %all_reduce_population_count3A_1089 = tpu.all_reduce %le3A_1086 {dim = 0 : i64, kind = #tpu.reduction_kind<sum>} : vector<16xi1> -> vector<16xi32>
        %add3A_1090 = arith.addi %scan3A_1026, %all_reduce_population_count3A_1089 : vector<16xi32>
        %sub3A_1091 = vector.broadcast %squeeze3A_534 : f32 to vector<16xf32>
        %sub3A_1092 = arith.subf %sub3A_1091, %get3A_1035 : vector<16xf32>
        %sub3A_1093 = vector.broadcast %squeeze3A_536 : f32 to vector<16xf32>
        %sub3A_1094 = arith.subf %sub3A_1093, %get3A_1037 : vector<16xf32>
        %mul3A_1095 = arith.mulf %sub3A_1092, %sub3A_1092 : vector<16xf32>
        %mul3A_1096 = arith.mulf %sub3A_1094, %sub3A_1094 : vector<16xf32>
        %add3A_1097 = arith.addf %mul3A_1095, %mul3A_1096 : vector<16xf32>
        %le3A_1098 = vector.broadcast %squeeze3A_558 : f32 to vector<16xf32>
        %le3A_1099 = arith.cmpf ole, %add3A_1097, %le3A_1098 : vector<16xf32>
        %masked_cumsum3A_1100 = tpu.scan <sum>, %broadcast_in_dim3A_5 masked %le3A_1099 : vector<16xi32>, vector<16xi1> -> vector<16xi32>
        %add3A_1101 = arith.addi %scan3A_1027, %masked_cumsum3A_1100 : vector<16xi32>
        tpu.vector_store_idx %arg18[%add3A_1101], %add3A_1041 masked %le3A_1099 : memref<10256xi32, #tpu.memory_space<vmem>>[vector<16xi32>], vector<16xi32>, vector<16xi1>
        %all_reduce_population_count3A_1102 = tpu.all_reduce %le3A_1099 {dim = 0 : i64, kind = #tpu.reduction_kind<sum>} : vector<16xi1> -> vector<16xi32>
        %add3A_1103 = arith.addi %scan3A_1027, %all_reduce_population_count3A_1102 : vector<16xi32>
        %sub3A_1104 = vector.broadcast %squeeze3A_538 : f32 to vector<16xf32>
        %sub3A_1105 = arith.subf %sub3A_1104, %get3A_1035 : vector<16xf32>
        %sub3A_1106 = vector.broadcast %squeeze3A_540 : f32 to vector<16xf32>
        %sub3A_1107 = arith.subf %sub3A_1106, %get3A_1037 : vector<16xf32>
        %mul3A_1108 = arith.mulf %sub3A_1105, %sub3A_1105 : vector<16xf32>
        %mul3A_1109 = arith.mulf %sub3A_1107, %sub3A_1107 : vector<16xf32>
        %add3A_1110 = arith.addf %mul3A_1108, %mul3A_1109 : vector<16xf32>
        %le3A_1111 = vector.broadcast %squeeze3A_560 : f32 to vector<16xf32>
        %le3A_1112 = arith.cmpf ole, %add3A_1110, %le3A_1111 : vector<16xf32>
        %masked_cumsum3A_1113 = tpu.scan <sum>, %broadcast_in_dim3A_5 masked %le3A_1112 : vector<16xi32>, vector<16xi1> -> vector<16xi32>
        %add3A_1114 = arith.addi %scan3A_1028, %masked_cumsum3A_1113 : vector<16xi32>
        tpu.vector_store_idx %arg19[%add3A_1114], %add3A_1041 masked %le3A_1112 : memref<10256xi32, #tpu.memory_space<vmem>>[vector<16xi32>], vector<16xi32>, vector<16xi1>
        %all_reduce_population_count3A_1115 = tpu.all_reduce %le3A_1112 {dim = 0 : i64, kind = #tpu.reduction_kind<sum>} : vector<16xi1> -> vector<16xi32>
        %add3A_1116 = arith.addi %scan3A_1028, %all_reduce_population_count3A_1115 : vector<16xi32>
        %sub3A_1117 = vector.broadcast %squeeze3A_542 : f32 to vector<16xf32>
        %sub3A_1118 = arith.subf %sub3A_1117, %get3A_1035 : vector<16xf32>
        %sub3A_1119 = vector.broadcast %squeeze3A_544 : f32 to vector<16xf32>
        %sub3A_1120 = arith.subf %sub3A_1119, %get3A_1037 : vector<16xf32>
        %mul3A_1121 = arith.mulf %sub3A_1118, %sub3A_1118 : vector<16xf32>
        %mul3A_1122 = arith.mulf %sub3A_1120, %sub3A_1120 : vector<16xf32>
        %add3A_1123 = arith.addf %mul3A_1121, %mul3A_1122 : vector<16xf32>
        %le3A_1124 = vector.broadcast %squeeze3A_562 : f32 to vector<16xf32>
        %le3A_1125 = arith.cmpf ole, %add3A_1123, %le3A_1124 : vector<16xf32>
        %masked_cumsum3A_1126 = tpu.scan <sum>, %broadcast_in_dim3A_5 masked %le3A_1125 : vector<16xi32>, vector<16xi1> -> vector<16xi32>
        %add3A_1127 = arith.addi %scan3A_1029, %masked_cumsum3A_1126 : vector<16xi32>
        tpu.vector_store_idx %arg20[%add3A_1127], %add3A_1041 masked %le3A_1125 : memref<10256xi32, #tpu.memory_space<vmem>>[vector<16xi32>], vector<16xi32>, vector<16xi1>
        %all_reduce_population_count3A_1128 = tpu.all_reduce %le3A_1125 {dim = 0 : i64, kind = #tpu.reduction_kind<sum>} : vector<16xi1> -> vector<16xi32>
        %add3A_1129 = arith.addi %scan3A_1029, %all_reduce_population_count3A_1128 : vector<16xi32>
        %sub3A_1130 = vector.broadcast %squeeze3A_546 : f32 to vector<16xf32>
        %sub3A_1131 = arith.subf %sub3A_1130, %get3A_1035 : vector<16xf32>
        %sub3A_1132 = vector.broadcast %squeeze3A_548 : f32 to vector<16xf32>
        %sub3A_1133 = arith.subf %sub3A_1132, %get3A_1037 : vector<16xf32>
        %mul3A_1134 = arith.mulf %sub3A_1131, %sub3A_1131 : vector<16xf32>
        %mul3A_1135 = arith.mulf %sub3A_1133, %sub3A_1133 : vector<16xf32>
        %add3A_1136 = arith.addf %mul3A_1134, %mul3A_1135 : vector<16xf32>
        %le3A_1137 = vector.broadcast %squeeze3A_564 : f32 to vector<16xf32>
        %le3A_1138 = arith.cmpf ole, %add3A_1136, %le3A_1137 : vector<16xf32>
        %masked_cumsum3A_1139 = tpu.scan <sum>, %broadcast_in_dim3A_5 masked %le3A_1138 : vector<16xi32>, vector<16xi1> -> vector<16xi32>
        %add3A_1140 = arith.addi %scan3A_1030, %masked_cumsum3A_1139 : vector<16xi32>
        tpu.vector_store_idx %arg21[%add3A_1140], %add3A_1041 masked %le3A_1138 : memref<10256xi32, #tpu.memory_space<vmem>>[vector<16xi32>], vector<16xi32>, vector<16xi1>
        %all_reduce_population_count3A_1141 = tpu.all_reduce %le3A_1138 {dim = 0 : i64, kind = #tpu.reduction_kind<sum>} : vector<16xi1> -> vector<16xi32>
        %add3A_1142 = arith.addi %scan3A_1030, %all_reduce_population_count3A_1141 : vector<16xi32>
        %scan3A_1143 = arith.constant 1 : i32
        %scan3A_1144 = arith.addi %scan3A_1022, %scan3A_1143 : i32
        %mul3A_1145 = arith.constant 16 : i32
        %mul3A_1146 = arith.muli %scan3A_1144, %mul3A_1145 : i32
        %multiple_of3A_1147 = tpu.assume_multiple %mul3A_1146, 16 : i32
        %get3A_1148 = arith.index_cast %multiple_of3A_1147 : i32 to index
        %get3A_1149 = tpu.vector_load %arg9[%get3A_1148] {strides = array<i32>} : memref<10240xf32, #tpu.memory_space<vmem>>, vector<16xf32>,
        %get3A_1150 = arith.index_cast %multiple_of3A_1147 : i32 to index
        %get3A_1151 = tpu.vector_load %arg10[%get3A_1150] {strides = array<i32>} : memref<10240xf32, #tpu.memory_space<vmem>>, vector<16xf32>,
        %mul3A_1152 = arith.constant 16 : i32
        %mul3A_1153 = arith.muli %scan3A_1144, %mul3A_1152 : i32
        %add3A_1154 = vector.broadcast %mul3A_1153 : i32 to vector<16xi32>
        %add3A_1155 = arith.addi %add3A_1154, %iota3A : vector<16xi32>
        %sub3A_1156 = vector.broadcast %squeeze3A_518 : f32 to vector<16xf32>
        %sub3A_1157 = arith.subf %sub3A_1156, %get3A_1149 : vector<16xf32>
        %sub3A_1158 = vector.broadcast %squeeze3A_520 : f32 to vector<16xf32>
        %sub3A_1159 = arith.subf %sub3A_1158, %get3A_1151 : vector<16xf32>
        %mul3A_1160 = arith.mulf %sub3A_1157, %sub3A_1157 : vector<16xf32>
        %mul3A_1161 = arith.mulf %sub3A_1159, %sub3A_1159 : vector<16xf32>
        %add3A_1162 = arith.addf %mul3A_1160, %mul3A_1161 : vector<16xf32>
        %le3A_1163 = vector.broadcast %squeeze3A_550 : f32 to vector<16xf32>
        %le3A_1164 = arith.cmpf ole, %add3A_1162, %le3A_1163 : vector<16xf32>
        %masked_cumsum3A_1165 = tpu.scan <sum>, %broadcast_in_dim3A_5 masked %le3A_1164 : vector<16xi32>, vector<16xi1> -> vector<16xi32>
        %add3A_1166 = arith.addi %add3A_1051, %masked_cumsum3A_1165 : vector<16xi32>
        tpu.vector_store_idx %arg14[%add3A_1166], %add3A_1155 masked %le3A_1164 : memref<10256xi32, #tpu.memory_space<vmem>>[vector<16xi32>], vector<16xi32>, vector<16xi1>
        %all_reduce_population_count3A_1167 = tpu.all_reduce %le3A_1164 {dim = 0 : i64, kind = #tpu.reduction_kind<sum>} : vector<16xi1> -> vector<16xi32>
        %add3A_1168 = arith.addi %add3A_1051, %all_reduce_population_count3A_1167 : vector<16xi32>
        %sub3A_1169 = vector.broadcast %squeeze3A_522 : f32 to vector<16xf32>
        %sub3A_1170 = arith.subf %sub3A_1169, %get3A_1149 : vector<16xf32>
        %sub3A_1171 = vector.broadcast %squeeze3A_524 : f32 to vector<16xf32>
        %sub3A_1172 = arith.subf %sub3A_1171, %get3A_1151 : vector<16xf32>
        %mul3A_1173 = arith.mulf %sub3A_1170, %sub3A_1170 : vector<16xf32>
        %mul3A_1174 = arith.mulf %sub3A_1172, %sub3A_1172 : vector<16xf32>
        %add3A_1175 = arith.addf %mul3A_1173, %mul3A_1174 : vector<16xf32>
        %le3A_1176 = vector.broadcast %squeeze3A_552 : f32 to vector<16xf32>
        %le3A_1177 = arith.cmpf ole, %add3A_1175, %le3A_1176 : vector<16xf32>
        %masked_cumsum3A_1178 = tpu.scan <sum>, %broadcast_in_dim3A_5 masked %le3A_1177 : vector<16xi32>, vector<16xi1> -> vector<16xi32>
        %add3A_1179 = arith.addi %add3A_1064, %masked_cumsum3A_1178 : vector<16xi32>
        tpu.vector_store_idx %arg15[%add3A_1179], %add3A_1155 masked %le3A_1177 : memref<10256xi32, #tpu.memory_space<vmem>>[vector<16xi32>], vector<16xi32>, vector<16xi1>
        %all_reduce_population_count3A_1180 = tpu.all_reduce %le3A_1177 {dim = 0 : i64, kind = #tpu.reduction_kind<sum>} : vector<16xi1> -> vector<16xi32>
        %add3A_1181 = arith.addi %add3A_1064, %all_reduce_population_count3A_1180 : vector<16xi32>
        %sub3A_1182 = vector.broadcast %squeeze3A_526 : f32 to vector<16xf32>
        %sub3A_1183 = arith.subf %sub3A_1182, %get3A_1149 : vector<16xf32>
        %sub3A_1184 = vector.broadcast %squeeze3A_528 : f32 to vector<16xf32>
        %sub3A_1185 = arith.subf %sub3A_1184, %get3A_1151 : vector<16xf32>
        %mul3A_1186 = arith.mulf %sub3A_1183, %sub3A_1183 : vector<16xf32>
        %mul3A_1187 = arith.mulf %sub3A_1185, %sub3A_1185 : vector<16xf32>
        %add3A_1188 = arith.addf %mul3A_1186, %mul3A_1187 : vector<16xf32>
        %le3A_1189 = vector.broadcast %squeeze3A_554 : f32 to vector<16xf32>
        %le3A_1190 = arith.cmpf ole, %add3A_1188, %le3A_1189 : vector<16xf32>
        %masked_cumsum3A_1191 = tpu.scan <sum>, %broadcast_in_dim3A_5 masked %le3A_1190 : vector<16xi32>, vector<16xi1> -> vector<16xi32>
        %add3A_1192 = arith.addi %add3A_1077, %masked_cumsum3A_1191 : vector<16xi32>
        tpu.vector_store_idx %arg16[%add3A_1192], %add3A_1155 masked %le3A_1190 : memref<10256xi32, #tpu.memory_space<vmem>>[vector<16xi32>], vector<16xi32>, vector<16xi1>
        %all_reduce_population_count3A_1193 = tpu.all_reduce %le3A_1190 {dim = 0 : i64, kind = #tpu.reduction_kind<sum>} : vector<16xi1> -> vector<16xi32>
        %add3A_1194 = arith.addi %add3A_1077, %all_reduce_population_count3A_1193 : vector<16xi32>
        %sub3A_1195 = vector.broadcast %squeeze3A_530 : f32 to vector<16xf32>
        %sub3A_1196 = arith.subf %sub3A_1195, %get3A_1149 : vector<16xf32>
        %sub3A_1197 = vector.broadcast %squeeze3A_532 : f32 to vector<16xf32>
        %sub3A_1198 = arith.subf %sub3A_1197, %get3A_1151 : vector<16xf32>
        %mul3A_1199 = arith.mulf %sub3A_1196, %sub3A_1196 : vector<16xf32>
        %mul3A_1200 = arith.mulf %sub3A_1198, %sub3A_1198 : vector<16xf32>
        %add3A_1201 = arith.addf %mul3A_1199, %mul3A_1200 : vector<16xf32>
        %le3A_1202 = vector.broadcast %squeeze3A_556 : f32 to vector<16xf32>
        %le3A_1203 = arith.cmpf ole, %add3A_1201, %le3A_1202 : vector<16xf32>
        %masked_cumsum3A_1204 = tpu.scan <sum>, %broadcast_in_dim3A_5 masked %le3A_1203 : vector<16xi32>, vector<16xi1> -> vector<16xi32>
        %add3A_1205 = arith.addi %add3A_1090, %masked_cumsum3A_1204 : vector<16xi32>
        tpu.vector_store_idx %arg17[%add3A_1205], %add3A_1155 masked %le3A_1203 : memref<10256xi32, #tpu.memory_space<vmem>>[vector<16xi32>], vector<16xi32>, vector<16xi1>
        %all_reduce_population_count3A_1206 = tpu.all_reduce %le3A_1203 {dim = 0 : i64, kind = #tpu.reduction_kind<sum>} : vector<16xi1> -> vector<16xi32>
        %add3A_1207 = arith.addi %add3A_1090, %all_reduce_population_count3A_1206 : vector<16xi32>
        %sub3A_1208 = vector.broadcast %squeeze3A_534 : f32 to vector<16xf32>
        %sub3A_1209 = arith.subf %sub3A_1208, %get3A_1149 : vector<16xf32>
        %sub3A_1210 = vector.broadcast %squeeze3A_536 : f32 to vector<16xf32>
        %sub3A_1211 = arith.subf %sub3A_1210, %get3A_1151 : vector<16xf32>
        %mul3A_1212 = arith.mulf %sub3A_1209, %sub3A_1209 : vector<16xf32>
        %mul3A_1213 = arith.mulf %sub3A_1211, %sub3A_1211 : vector<16xf32>
        %add3A_1214 = arith.addf %mul3A_1212, %mul3A_1213 : vector<16xf32>
        %le3A_1215 = vector.broadcast %squeeze3A_558 : f32 to vector<16xf32>
        %le3A_1216 = arith.cmpf ole, %add3A_1214, %le3A_1215 : vector<16xf32>
        %masked_cumsum3A_1217 = tpu.scan <sum>, %broadcast_in_dim3A_5 masked %le3A_1216 : vector<16xi32>, vector<16xi1> -> vector<16xi32>
        %add3A_1218 = arith.addi %add3A_1103, %masked_cumsum3A_1217 : vector<16xi32>
        tpu.vector_store_idx %arg18[%add3A_1218], %add3A_1155 masked %le3A_1216 : memref<10256xi32, #tpu.memory_space<vmem>>[vector<16xi32>], vector<16xi32>, vector<16xi1>
        %all_reduce_population_count3A_1219 = tpu.all_reduce %le3A_1216 {dim = 0 : i64, kind = #tpu.reduction_kind<sum>} : vector<16xi1> -> vector<16xi32>
        %add3A_1220 = arith.addi %add3A_1103, %all_reduce_population_count3A_1219 : vector<16xi32>
        %sub3A_1221 = vector.broadcast %squeeze3A_538 : f32 to vector<16xf32>
        %sub3A_1222 = arith.subf %sub3A_1221, %get3A_1149 : vector<16xf32>
        %sub3A_1223 = vector.broadcast %squeeze3A_540 : f32 to vector<16xf32>
        %sub3A_1224 = arith.subf %sub3A_1223, %get3A_1151 : vector<16xf32>
        %mul3A_1225 = arith.mulf %sub3A_1222, %sub3A_1222 : vector<16xf32>
        %mul3A_1226 = arith.mulf %sub3A_1224, %sub3A_1224 : vector<16xf32>
        %add3A_1227 = arith.addf %mul3A_1225, %mul3A_1226 : vector<16xf32>
        %le3A_1228 = vector.broadcast %squeeze3A_560 : f32 to vector<16xf32>
        %le3A_1229 = arith.cmpf ole, %add3A_1227, %le3A_1228 : vector<16xf32>
        %masked_cumsum3A_1230 = tpu.scan <sum>, %broadcast_in_dim3A_5 masked %le3A_1229 : vector<16xi32>, vector<16xi1> -> vector<16xi32>
        %add3A_1231 = arith.addi %add3A_1116, %masked_cumsum3A_1230 : vector<16xi32>
        tpu.vector_store_idx %arg19[%add3A_1231], %add3A_1155 masked %le3A_1229 : memref<10256xi32, #tpu.memory_space<vmem>>[vector<16xi32>], vector<16xi32>, vector<16xi1>
        %all_reduce_population_count3A_1232 = tpu.all_reduce %le3A_1229 {dim = 0 : i64, kind = #tpu.reduction_kind<sum>} : vector<16xi1> -> vector<16xi32>
        %add3A_1233 = arith.addi %add3A_1116, %all_reduce_population_count3A_1232 : vector<16xi32>
        %sub3A_1234 = vector.broadcast %squeeze3A_542 : f32 to vector<16xf32>
        %sub3A_1235 = arith.subf %sub3A_1234, %get3A_1149 : vector<16xf32>
        %sub3A_1236 = vector.broadcast %squeeze3A_544 : f32 to vector<16xf32>
        %sub3A_1237 = arith.subf %sub3A_1236, %get3A_1151 : vector<16xf32>
        %mul3A_1238 = arith.mulf %sub3A_1235, %sub3A_1235 : vector<16xf32>
        %mul3A_1239 = arith.mulf %sub3A_1237, %sub3A_1237 : vector<16xf32>
        %add3A_1240 = arith.addf %mul3A_1238, %mul3A_1239 : vector<16xf32>
        %le3A_1241 = vector.broadcast %squeeze3A_562 : f32 to vector<16xf32>
        %le3A_1242 = arith.cmpf ole, %add3A_1240, %le3A_1241 : vector<16xf32>
        %masked_cumsum3A_1243 = tpu.scan <sum>, %broadcast_in_dim3A_5 masked %le3A_1242 : vector<16xi32>, vector<16xi1> -> vector<16xi32>
        %add3A_1244 = arith.addi %add3A_1129, %masked_cumsum3A_1243 : vector<16xi32>
        tpu.vector_store_idx %arg20[%add3A_1244], %add3A_1155 masked %le3A_1242 : memref<10256xi32, #tpu.memory_space<vmem>>[vector<16xi32>], vector<16xi32>, vector<16xi1>
        %all_reduce_population_count3A_1245 = tpu.all_reduce %le3A_1242 {dim = 0 : i64, kind = #tpu.reduction_kind<sum>} : vector<16xi1> -> vector<16xi32>
        %add3A_1246 = arith.addi %add3A_1129, %all_reduce_population_count3A_1245 : vector<16xi32>
        %sub3A_1247 = vector.broadcast %squeeze3A_546 : f32 to vector<16xf32>
        %sub3A_1248 = arith.subf %sub3A_1247, %get3A_1149 : vector<16xf32>
        %sub3A_1249 = vector.broadcast %squeeze3A_548 : f32 to vector<16xf32>
        %sub3A_1250 = arith.subf %sub3A_1249, %get3A_1151 : vector<16xf32>
        %mul3A_1251 = arith.mulf %sub3A_1248, %sub3A_1248 : vector<16xf32>
        %mul3A_1252 = arith.mulf %sub3A_1250, %sub3A_1250 : vector<16xf32>
        %add3A_1253 = arith.addf %mul3A_1251, %mul3A_1252 : vector<16xf32>
        %le3A_1254 = vector.broadcast %squeeze3A_564 : f32 to vector<16xf32>
        %le3A_1255 = arith.cmpf ole, %add3A_1253, %le3A_1254 : vector<16xf32>
        %masked_cumsum3A_1256 = tpu.scan <sum>, %broadcast_in_dim3A_5 masked %le3A_1255 : vector<16xi32>, vector<16xi1> -> vector<16xi32>
        %add3A_1257 = arith.addi %add3A_1142, %masked_cumsum3A_1256 : vector<16xi32>
        tpu.vector_store_idx %arg21[%add3A_1257], %add3A_1155 masked %le3A_1255 : memref<10256xi32, #tpu.memory_space<vmem>>[vector<16xi32>], vector<16xi32>, vector<16xi1>
        %all_reduce_population_count3A_1258 = tpu.all_reduce %le3A_1255 {dim = 0 : i64, kind = #tpu.reduction_kind<sum>} : vector<16xi1> -> vector<16xi32>
        %add3A_1259 = arith.addi %add3A_1142, %all_reduce_population_count3A_1258 : vector<16xi32>
        scf.yield %add3A_1168, %add3A_1181, %add3A_1194, %add3A_1207, %add3A_1220, %add3A_1233, %add3A_1246, %add3A_1259 : vector<16xi32>, vector<16xi32>, vector<16xi32>, vector<16xi32>, vector<16xi32>, vector<16xi32>, vector<16xi32>, vector<16xi32>
      }
      %scan3A_572 = arith.constant 640 : i32
      %slice3A_573 = vector.extract_strided_slice %scan3A_571#0 {offsets = [0], sizes = [1], strides = [1]} : vector<16xi32> to vector<1xi32>
      %squeeze3A_574 = vector.extract %slice3A_573[0] : i32 from vector<1xi32>
      %add3A_575 = arith.constant 1 : i32
      %add3A_576 = arith.addi %squeeze3A_574, %add3A_575 : i32
      %broadcast_in_dim3A_577 = arith.constant 10239 : i32
      %broadcast_in_dim3A_578 = vector.broadcast %broadcast_in_dim3A_577 : i32 to vector<16xi32>
      %swap3A_579 = arith.index_cast %add3A_576 : i32 to index
      %swap3A_580 = tpu.vector_load %arg14[%swap3A_579] {strides = array<i32>} : memref<10256xi32, #tpu.memory_space<vmem>>, vector<16xi32>,
      tpu.vector_store %arg14[%swap3A_579], %broadcast_in_dim3A_578 {strides = array<i32>} : memref<10256xi32, #tpu.memory_space<vmem>>, vector<16xi32>,
      %add3A_581 = arith.constant 15 : i32
      %add3A_582 = arith.addi %add3A_576, %add3A_581 : i32
      %jit3A_583 = arith.constant 16 : i32
      %div3A_584 = arith.divsi %add3A_582, %jit3A_583 : i32
      %sign3A_585 = arith.constant 0 : i32
      %sign3A_586 = arith.cmpi sgt, %add3A_582, %sign3A_585 : i32
      %sign3A_587 = arith.extui %sign3A_586 : i1 to i32
      %sign3A_588 = arith.constant 0 : i32
      %sign3A_589 = arith.cmpi slt, %add3A_582, %sign3A_588 : i32
      %sign3A_590 = arith.extui %sign3A_589 : i1 to i32
      %sign3A_591 = arith.subi %sign3A_587, %sign3A_590 : i32
      %sign3A_592 = arith.constant 0 : i32
      %sign3A_593 = arith.cmpi sgt, %jit3A_583, %sign3A_592 : i32
      %sign3A_594 = arith.extui %sign3A_593 : i1 to i32
      %sign3A_595 = arith.constant 0 : i32
      %sign3A_596 = arith.cmpi slt, %jit3A_583, %sign3A_595 : i32
      %sign3A_597 = arith.extui %sign3A_596 : i1 to i32
      %sign3A_598 = arith.subi %sign3A_594, %sign3A_597 : i32
      %ne3A_599 = arith.cmpi ne, %sign3A_591, %sign3A_598 : i32
      %rem3A_600 = arith.remsi %add3A_582, %jit3A_583 : i32
      %ne3A_601 = arith.constant 0 : i32
      %ne3A_602 = arith.cmpi ne, %rem3A_600, %ne3A_601 : i32
      %and3A_603 = arith.andi %ne3A_599, %ne3A_602 : i1
      %sub3A_604 = arith.constant 1 : i32
      %sub3A_605 = arith.subi %div3A_584, %sub3A_604 : i32
      %select_n3A_606 = arith.select %and3A_603, %sub3A_605, %div3A_584 : i32
      %broadcast_in_dim3A_607 = arith.constant 0 : i32
      %broadcast_in_dim3A_608 = vector.broadcast %broadcast_in_dim3A_607 : i32 to vector<16xi32>
      %while3A_609 = arith.constant 0 : i32
      %while3A_610 = arith.subi %select_n3A_606, %while3A_609 : i32
      %while3A_611 = arith.addi %while3A_609, %while3A_610 : i32
      %while3A_612 = arith.constant 1 : i32
      %while3A_613 = arith.divsi %while3A_610, %while3A_612 : i32
      %while3A_614 = arith.muli %while3A_613, %while3A_612 : i32
      %while3A_615 = arith.addi %while3A_609, %while3A_614 : i32
      %while3A_616 = arith.constant 1 : i32
      %while3A_617:2 = scf.for %while3A_1022 = %while3A_609 to %while3A_615 step %while3A_616 iter_args(%while3A_1023 = %broadcast_in_dim3A_3, %while3A_1024 = %broadcast_in_dim3A_608) -> (vector<16xf32>, vector<16xi32>)  : i32 {
        %mul3A_1025 = arith.constant 16 : i32
        %mul3A_1026 = arith.muli %while3A_1022, %mul3A_1025 : i32
        %get3A_1027 = arith.index_cast %mul3A_1026 : i32 to index
        %get3A_1028 = tpu.vector_load %arg14[%get3A_1027] {strides = array<i32>} : memref<10256xi32, #tpu.memory_space<vmem>>, vector<16xi32>,
        %gather3A = tpu.vector_load_idx %arg9[%get3A_1028] : memref<10240xf32, #tpu.memory_space<vmem>>[vector<16xi32>], vector<16xf32>,
        %gather3A_1029 = tpu.vector_load_idx %arg10[%get3A_1028] : memref<10240xf32, #tpu.memory_space<vmem>>[vector<16xi32>], vector<16xf32>,
        %sub3A_1030 = vector.broadcast %squeeze3A_518 : f32 to vector<16xf32>
        %sub3A_1031 = arith.subf %sub3A_1030, %gather3A : vector<16xf32>
        %sub3A_1032 = vector.broadcast %squeeze3A_520 : f32 to vector<16xf32>
        %sub3A_1033 = arith.subf %sub3A_1032, %gather3A_1029 : vector<16xf32>
        %mul3A_1034 = arith.mulf %sub3A_1031, %sub3A_1031 : vector<16xf32>
        %mul3A_1035 = arith.mulf %sub3A_1033, %sub3A_1033 : vector<16xf32>
        %add3A_1036 = arith.addf %mul3A_1034, %mul3A_1035 : vector<16xf32>
        %masked_sort3A = arith.constant dense<true> : vector<16xi1>
        %masked_sort3A_1037, %masked_sort3A_1038, %masked_sort3A_1039 = tpu.sort %add3A_1036, %get3A_1028 masked %masked_sort3A {descending = true} : (vector<16xf32>, vector<16xi32>, vector<16xi1>) -> (vector<16xi1>, vector<16xf32>, vector<16xi32>)
        %le3A = arith.cmpf ole, %while3A_1023, %masked_sort3A_1038 : vector<16xf32>
        %select_n3A_1040 = arith.select %le3A, %while3A_1023, %masked_sort3A_1038 : vector<16xi1>, vector<16xf32>
        %select_n3A_1041 = arith.select %le3A, %while3A_1024, %masked_sort3A_1039 : vector<16xi1>, vector<16xi32>
        %masked_sort3A_1042 = arith.constant dense<true> : vector<16xi1>
        %masked_sort3A_1043, %masked_sort3A_1044, %masked_sort3A_1045 = tpu.sort %select_n3A_1040, %select_n3A_1041 masked %masked_sort3A_1042 : (vector<16xf32>, vector<16xi32>, vector<16xi1>) -> (vector<16xi1>, vector<16xf32>, vector<16xi32>)
        scf.yield %masked_sort3A_1044, %masked_sort3A_1045 : vector<16xf32>, vector<16xi32>
      }
      %while3A_618 = arith.constant 1 : i32
      %while3A_619:2 = scf.for %while3A_1022 = %while3A_615 to %while3A_611 step %while3A_618 iter_args(%while3A_1023 = %while3A_617#0, %while3A_1024 = %while3A_617#1) -> (vector<16xf32>, vector<16xi32>)  : i32 {
        %mul3A_1025 = arith.constant 16 : i32
        %mul3A_1026 = arith.muli %while3A_1022, %mul3A_1025 : i32
        %get3A_1027 = arith.index_cast %mul3A_1026 : i32 to index
        %get3A_1028 = tpu.vector_load %arg14[%get3A_1027] {strides = array<i32>} : memref<10256xi32, #tpu.memory_space<vmem>>, vector<16xi32>,
        %gather3A = tpu.vector_load_idx %arg9[%get3A_1028] : memref<10240xf32, #tpu.memory_space<vmem>>[vector<16xi32>], vector<16xf32>,
        %gather3A_1029 = tpu.vector_load_idx %arg10[%get3A_1028] : memref<10240xf32, #tpu.memory_space<vmem>>[vector<16xi32>], vector<16xf32>,
        %sub3A_1030 = vector.broadcast %squeeze3A_518 : f32 to vector<16xf32>
        %sub3A_1031 = arith.subf %sub3A_1030, %gather3A : vector<16xf32>
        %sub3A_1032 = vector.broadcast %squeeze3A_520 : f32 to vector<16xf32>
        %sub3A_1033 = arith.subf %sub3A_1032, %gather3A_1029 : vector<16xf32>
        %mul3A_1034 = arith.mulf %sub3A_1031, %sub3A_1031 : vector<16xf32>
        %mul3A_1035 = arith.mulf %sub3A_1033, %sub3A_1033 : vector<16xf32>
        %add3A_1036 = arith.addf %mul3A_1034, %mul3A_1035 : vector<16xf32>
        %masked_sort3A = arith.constant dense<true> : vector<16xi1>
        %masked_sort3A_1037, %masked_sort3A_1038, %masked_sort3A_1039 = tpu.sort %add3A_1036, %get3A_1028 masked %masked_sort3A {descending = true} : (vector<16xf32>, vector<16xi32>, vector<16xi1>) -> (vector<16xi1>, vector<16xf32>, vector<16xi32>)
        %le3A = arith.cmpf ole, %while3A_1023, %masked_sort3A_1038 : vector<16xf32>
        %select_n3A_1040 = arith.select %le3A, %while3A_1023, %masked_sort3A_1038 : vector<16xi1>, vector<16xf32>
        %select_n3A_1041 = arith.select %le3A, %while3A_1024, %masked_sort3A_1039 : vector<16xi1>, vector<16xi32>
        %masked_sort3A_1042 = arith.constant dense<true> : vector<16xi1>
        %masked_sort3A_1043, %masked_sort3A_1044, %masked_sort3A_1045 = tpu.sort %select_n3A_1040, %select_n3A_1041 masked %masked_sort3A_1042 : (vector<16xf32>, vector<16xi32>, vector<16xi1>) -> (vector<16xi1>, vector<16xf32>, vector<16xi32>)
        scf.yield %masked_sort3A_1044, %masked_sort3A_1045 : vector<16xf32>, vector<16xi32>
      }
      %mul3A_620 = arith.constant 16 : i32
      %mul3A_621 = arith.muli %multiple_of3A, %mul3A_620 : i32
      %add3A_622 = arith.constant 128 : i32
      %add3A_623 = arith.addi %mul3A_621, %add3A_622 : i32
      %multiple_of3A_624 = tpu.assume_multiple %add3A_623, 16 : i32
      %swap3A_625 = arith.index_cast %multiple_of3A_624 : i32 to index
      %swap3A_626 = tpu.vector_load %arg22[%swap3A_625] {strides = array<i32>} : memref<5120xi32, #tpu.memory_space<vmem>>, vector<16xi32>,
      tpu.vector_store %arg22[%swap3A_625], %while3A_619#1 {strides = array<i32>} : memref<5120xi32, #tpu.memory_space<vmem>>, vector<16xi32>,
      %swap3A_627 = arith.index_cast %multiple_of3A_624 : i32 to index
      %swap3A_628 = tpu.vector_load %arg23[%swap3A_627] {strides = array<i32>} : memref<5120xf32, #tpu.memory_space<vmem>>, vector<16xf32>,
      tpu.vector_store %arg23[%swap3A_627], %while3A_619#0 {strides = array<i32>} : memref<5120xf32, #tpu.memory_space<vmem>>, vector<16xf32>,
      %slice3A_629 = vector.extract_strided_slice %scan3A_571#1 {offsets = [0], sizes = [1], strides = [1]} : vector<16xi32> to vector<1xi32>
      %squeeze3A_630 = vector.extract %slice3A_629[0] : i32 from vector<1xi32>
      %add3A_631 = arith.constant 1 : i32
      %add3A_632 = arith.addi %squeeze3A_630, %add3A_631 : i32
      %broadcast_in_dim3A_633 = arith.constant 10239 : i32
      %broadcast_in_dim3A_634 = vector.broadcast %broadcast_in_dim3A_633 : i32 to vector<16xi32>
      %swap3A_635 = arith.index_cast %add3A_632 : i32 to index
      %swap3A_636 = tpu.vector_load %arg15[%swap3A_635] {strides = array<i32>} : memref<10256xi32, #tpu.memory_space<vmem>>, vector<16xi32>,
      tpu.vector_store %arg15[%swap3A_635], %broadcast_in_dim3A_634 {strides = array<i32>} : memref<10256xi32, #tpu.memory_space<vmem>>, vector<16xi32>,
      %add3A_637 = arith.constant 15 : i32
      %add3A_638 = arith.addi %add3A_632, %add3A_637 : i32
      %jit3A_639 = arith.constant 16 : i32
      %div3A_640 = arith.divsi %add3A_638, %jit3A_639 : i32
      %sign3A_641 = arith.constant 0 : i32
      %sign3A_642 = arith.cmpi sgt, %add3A_638, %sign3A_641 : i32
      %sign3A_643 = arith.extui %sign3A_642 : i1 to i32
      %sign3A_644 = arith.constant 0 : i32
      %sign3A_645 = arith.cmpi slt, %add3A_638, %sign3A_644 : i32
      %sign3A_646 = arith.extui %sign3A_645 : i1 to i32
      %sign3A_647 = arith.subi %sign3A_643, %sign3A_646 : i32
      %sign3A_648 = arith.constant 0 : i32
      %sign3A_649 = arith.cmpi sgt, %jit3A_639, %sign3A_648 : i32
      %sign3A_650 = arith.extui %sign3A_649 : i1 to i32
      %sign3A_651 = arith.constant 0 : i32
      %sign3A_652 = arith.cmpi slt, %jit3A_639, %sign3A_651 : i32
      %sign3A_653 = arith.extui %sign3A_652 : i1 to i32
      %sign3A_654 = arith.subi %sign3A_650, %sign3A_653 : i32
      %ne3A_655 = arith.cmpi ne, %sign3A_647, %sign3A_654 : i32
      %rem3A_656 = arith.remsi %add3A_638, %jit3A_639 : i32
      %ne3A_657 = arith.constant 0 : i32
      %ne3A_658 = arith.cmpi ne, %rem3A_656, %ne3A_657 : i32
      %and3A_659 = arith.andi %ne3A_655, %ne3A_658 : i1
      %sub3A_660 = arith.constant 1 : i32
      %sub3A_661 = arith.subi %div3A_640, %sub3A_660 : i32
      %select_n3A_662 = arith.select %and3A_659, %sub3A_661, %div3A_640 : i32
      %broadcast_in_dim3A_663 = arith.constant 0 : i32
      %broadcast_in_dim3A_664 = vector.broadcast %broadcast_in_dim3A_663 : i32 to vector<16xi32>
      %while3A_665 = arith.constant 0 : i32
      %while3A_666 = arith.subi %select_n3A_662, %while3A_665 : i32
      %while3A_667 = arith.addi %while3A_665, %while3A_666 : i32
      %while3A_668 = arith.constant 1 : i32
      %while3A_669 = arith.divsi %while3A_666, %while3A_668 : i32
      %while3A_670 = arith.muli %while3A_669, %while3A_668 : i32
      %while3A_671 = arith.addi %while3A_665, %while3A_670 : i32
      %while3A_672 = arith.constant 1 : i32
      %while3A_673:2 = scf.for %while3A_1022 = %while3A_665 to %while3A_671 step %while3A_672 iter_args(%while3A_1023 = %broadcast_in_dim3A_3, %while3A_1024 = %broadcast_in_dim3A_664) -> (vector<16xf32>, vector<16xi32>)  : i32 {
        %mul3A_1025 = arith.constant 16 : i32
        %mul3A_1026 = arith.muli %while3A_1022, %mul3A_1025 : i32
        %get3A_1027 = arith.index_cast %mul3A_1026 : i32 to index
        %get3A_1028 = tpu.vector_load %arg15[%get3A_1027] {strides = array<i32>} : memref<10256xi32, #tpu.memory_space<vmem>>, vector<16xi32>,
        %gather3A = tpu.vector_load_idx %arg9[%get3A_1028] : memref<10240xf32, #tpu.memory_space<vmem>>[vector<16xi32>], vector<16xf32>,
        %gather3A_1029 = tpu.vector_load_idx %arg10[%get3A_1028] : memref<10240xf32, #tpu.memory_space<vmem>>[vector<16xi32>], vector<16xf32>,
        %sub3A_1030 = vector.broadcast %squeeze3A_522 : f32 to vector<16xf32>
        %sub3A_1031 = arith.subf %sub3A_1030, %gather3A : vector<16xf32>
        %sub3A_1032 = vector.broadcast %squeeze3A_524 : f32 to vector<16xf32>
        %sub3A_1033 = arith.subf %sub3A_1032, %gather3A_1029 : vector<16xf32>
        %mul3A_1034 = arith.mulf %sub3A_1031, %sub3A_1031 : vector<16xf32>
        %mul3A_1035 = arith.mulf %sub3A_1033, %sub3A_1033 : vector<16xf32>
        %add3A_1036 = arith.addf %mul3A_1034, %mul3A_1035 : vector<16xf32>
        %masked_sort3A = arith.constant dense<true> : vector<16xi1>
        %masked_sort3A_1037, %masked_sort3A_1038, %masked_sort3A_1039 = tpu.sort %add3A_1036, %get3A_1028 masked %masked_sort3A {descending = true} : (vector<16xf32>, vector<16xi32>, vector<16xi1>) -> (vector<16xi1>, vector<16xf32>, vector<16xi32>)
        %le3A = arith.cmpf ole, %while3A_1023, %masked_sort3A_1038 : vector<16xf32>
        %select_n3A_1040 = arith.select %le3A, %while3A_1023, %masked_sort3A_1038 : vector<16xi1>, vector<16xf32>
        %select_n3A_1041 = arith.select %le3A, %while3A_1024, %masked_sort3A_1039 : vector<16xi1>, vector<16xi32>
        %masked_sort3A_1042 = arith.constant dense<true> : vector<16xi1>
        %masked_sort3A_1043, %masked_sort3A_1044, %masked_sort3A_1045 = tpu.sort %select_n3A_1040, %select_n3A_1041 masked %masked_sort3A_1042 : (vector<16xf32>, vector<16xi32>, vector<16xi1>) -> (vector<16xi1>, vector<16xf32>, vector<16xi32>)
        scf.yield %masked_sort3A_1044, %masked_sort3A_1045 : vector<16xf32>, vector<16xi32>
      }
      %while3A_674 = arith.constant 1 : i32
      %while3A_675:2 = scf.for %while3A_1022 = %while3A_671 to %while3A_667 step %while3A_674 iter_args(%while3A_1023 = %while3A_673#0, %while3A_1024 = %while3A_673#1) -> (vector<16xf32>, vector<16xi32>)  : i32 {
        %mul3A_1025 = arith.constant 16 : i32
        %mul3A_1026 = arith.muli %while3A_1022, %mul3A_1025 : i32
        %get3A_1027 = arith.index_cast %mul3A_1026 : i32 to index
        %get3A_1028 = tpu.vector_load %arg15[%get3A_1027] {strides = array<i32>} : memref<10256xi32, #tpu.memory_space<vmem>>, vector<16xi32>,
        %gather3A = tpu.vector_load_idx %arg9[%get3A_1028] : memref<10240xf32, #tpu.memory_space<vmem>>[vector<16xi32>], vector<16xf32>,
        %gather3A_1029 = tpu.vector_load_idx %arg10[%get3A_1028] : memref<10240xf32, #tpu.memory_space<vmem>>[vector<16xi32>], vector<16xf32>,
        %sub3A_1030 = vector.broadcast %squeeze3A_522 : f32 to vector<16xf32>
        %sub3A_1031 = arith.subf %sub3A_1030, %gather3A : vector<16xf32>
        %sub3A_1032 = vector.broadcast %squeeze3A_524 : f32 to vector<16xf32>
        %sub3A_1033 = arith.subf %sub3A_1032, %gather3A_1029 : vector<16xf32>
        %mul3A_1034 = arith.mulf %sub3A_1031, %sub3A_1031 : vector<16xf32>
        %mul3A_1035 = arith.mulf %sub3A_1033, %sub3A_1033 : vector<16xf32>
        %add3A_1036 = arith.addf %mul3A_1034, %mul3A_1035 : vector<16xf32>
        %masked_sort3A = arith.constant dense<true> : vector<16xi1>
        %masked_sort3A_1037, %masked_sort3A_1038, %masked_sort3A_1039 = tpu.sort %add3A_1036, %get3A_1028 masked %masked_sort3A {descending = true} : (vector<16xf32>, vector<16xi32>, vector<16xi1>) -> (vector<16xi1>, vector<16xf32>, vector<16xi32>)
        %le3A = arith.cmpf ole, %while3A_1023, %masked_sort3A_1038 : vector<16xf32>
        %select_n3A_1040 = arith.select %le3A, %while3A_1023, %masked_sort3A_1038 : vector<16xi1>, vector<16xf32>
        %select_n3A_1041 = arith.select %le3A, %while3A_1024, %masked_sort3A_1039 : vector<16xi1>, vector<16xi32>
        %masked_sort3A_1042 = arith.constant dense<true> : vector<16xi1>
        %masked_sort3A_1043, %masked_sort3A_1044, %masked_sort3A_1045 = tpu.sort %select_n3A_1040, %select_n3A_1041 masked %masked_sort3A_1042 : (vector<16xf32>, vector<16xi32>, vector<16xi1>) -> (vector<16xi1>, vector<16xf32>, vector<16xi32>)
        scf.yield %masked_sort3A_1044, %masked_sort3A_1045 : vector<16xf32>, vector<16xi32>
      }
      %mul3A_676 = arith.constant 16 : i32
      %mul3A_677 = arith.muli %multiple_of3A, %mul3A_676 : i32
      %add3A_678 = arith.constant 144 : i32
      %add3A_679 = arith.addi %mul3A_677, %add3A_678 : i32
      %multiple_of3A_680 = tpu.assume_multiple %add3A_679, 16 : i32
      %swap3A_681 = arith.index_cast %multiple_of3A_680 : i32 to index
      %swap3A_682 = tpu.vector_load %arg22[%swap3A_681] {strides = array<i32>} : memref<5120xi32, #tpu.memory_space<vmem>>, vector<16xi32>,
      tpu.vector_store %arg22[%swap3A_681], %while3A_675#1 {strides = array<i32>} : memref<5120xi32, #tpu.memory_space<vmem>>, vector<16xi32>,
      %swap3A_683 = arith.index_cast %multiple_of3A_680 : i32 to index
      %swap3A_684 = tpu.vector_load %arg23[%swap3A_683] {strides = array<i32>} : memref<5120xf32, #tpu.memory_space<vmem>>, vector<16xf32>,
      tpu.vector_store %arg23[%swap3A_683], %while3A_675#0 {strides = array<i32>} : memref<5120xf32, #tpu.memory_space<vmem>>, vector<16xf32>,
      %slice3A_685 = vector.extract_strided_slice %scan3A_571#2 {offsets = [0], sizes = [1], strides = [1]} : vector<16xi32> to vector<1xi32>
      %squeeze3A_686 = vector.extract %slice3A_685[0] : i32 from vector<1xi32>
      %add3A_687 = arith.constant 1 : i32
      %add3A_688 = arith.addi %squeeze3A_686, %add3A_687 : i32
      %broadcast_in_dim3A_689 = arith.constant 10239 : i32
      %broadcast_in_dim3A_690 = vector.broadcast %broadcast_in_dim3A_689 : i32 to vector<16xi32>
      %swap3A_691 = arith.index_cast %add3A_688 : i32 to index
      %swap3A_692 = tpu.vector_load %arg16[%swap3A_691] {strides = array<i32>} : memref<10256xi32, #tpu.memory_space<vmem>>, vector<16xi32>,
      tpu.vector_store %arg16[%swap3A_691], %broadcast_in_dim3A_690 {strides = array<i32>} : memref<10256xi32, #tpu.memory_space<vmem>>, vector<16xi32>,
      %add3A_693 = arith.constant 15 : i32
      %add3A_694 = arith.addi %add3A_688, %add3A_693 : i32
      %jit3A_695 = arith.constant 16 : i32
      %div3A_696 = arith.divsi %add3A_694, %jit3A_695 : i32
      %sign3A_697 = arith.constant 0 : i32
      %sign3A_698 = arith.cmpi sgt, %add3A_694, %sign3A_697 : i32
      %sign3A_699 = arith.extui %sign3A_698 : i1 to i32
      %sign3A_700 = arith.constant 0 : i32
      %sign3A_701 = arith.cmpi slt, %add3A_694, %sign3A_700 : i32
      %sign3A_702 = arith.extui %sign3A_701 : i1 to i32
      %sign3A_703 = arith.subi %sign3A_699, %sign3A_702 : i32
      %sign3A_704 = arith.constant 0 : i32
      %sign3A_705 = arith.cmpi sgt, %jit3A_695, %sign3A_704 : i32
      %sign3A_706 = arith.extui %sign3A_705 : i1 to i32
      %sign3A_707 = arith.constant 0 : i32
      %sign3A_708 = arith.cmpi slt, %jit3A_695, %sign3A_707 : i32
      %sign3A_709 = arith.extui %sign3A_708 : i1 to i32
      %sign3A_710 = arith.subi %sign3A_706, %sign3A_709 : i32
      %ne3A_711 = arith.cmpi ne, %sign3A_703, %sign3A_710 : i32
      %rem3A_712 = arith.remsi %add3A_694, %jit3A_695 : i32
      %ne3A_713 = arith.constant 0 : i32
      %ne3A_714 = arith.cmpi ne, %rem3A_712, %ne3A_713 : i32
      %and3A_715 = arith.andi %ne3A_711, %ne3A_714 : i1
      %sub3A_716 = arith.constant 1 : i32
      %sub3A_717 = arith.subi %div3A_696, %sub3A_716 : i32
      %select_n3A_718 = arith.select %and3A_715, %sub3A_717, %div3A_696 : i32
      %broadcast_in_dim3A_719 = arith.constant 0 : i32
      %broadcast_in_dim3A_720 = vector.broadcast %broadcast_in_dim3A_719 : i32 to vector<16xi32>
      %while3A_721 = arith.constant 0 : i32
      %while3A_722 = arith.subi %select_n3A_718, %while3A_721 : i32
      %while3A_723 = arith.addi %while3A_721, %while3A_722 : i32
      %while3A_724 = arith.constant 1 : i32
      %while3A_725 = arith.divsi %while3A_722, %while3A_724 : i32
      %while3A_726 = arith.muli %while3A_725, %while3A_724 : i32
      %while3A_727 = arith.addi %while3A_721, %while3A_726 : i32
      %while3A_728 = arith.constant 1 : i32
      %while3A_729:2 = scf.for %while3A_1022 = %while3A_721 to %while3A_727 step %while3A_728 iter_args(%while3A_1023 = %broadcast_in_dim3A_3, %while3A_1024 = %broadcast_in_dim3A_720) -> (vector<16xf32>, vector<16xi32>)  : i32 {
        %mul3A_1025 = arith.constant 16 : i32
        %mul3A_1026 = arith.muli %while3A_1022, %mul3A_1025 : i32
        %get3A_1027 = arith.index_cast %mul3A_1026 : i32 to index
        %get3A_1028 = tpu.vector_load %arg16[%get3A_1027] {strides = array<i32>} : memref<10256xi32, #tpu.memory_space<vmem>>, vector<16xi32>,
        %gather3A = tpu.vector_load_idx %arg9[%get3A_1028] : memref<10240xf32, #tpu.memory_space<vmem>>[vector<16xi32>], vector<16xf32>,
        %gather3A_1029 = tpu.vector_load_idx %arg10[%get3A_1028] : memref<10240xf32, #tpu.memory_space<vmem>>[vector<16xi32>], vector<16xf32>,
        %sub3A_1030 = vector.broadcast %squeeze3A_526 : f32 to vector<16xf32>
        %sub3A_1031 = arith.subf %sub3A_1030, %gather3A : vector<16xf32>
        %sub3A_1032 = vector.broadcast %squeeze3A_528 : f32 to vector<16xf32>
        %sub3A_1033 = arith.subf %sub3A_1032, %gather3A_1029 : vector<16xf32>
        %mul3A_1034 = arith.mulf %sub3A_1031, %sub3A_1031 : vector<16xf32>
        %mul3A_1035 = arith.mulf %sub3A_1033, %sub3A_1033 : vector<16xf32>
        %add3A_1036 = arith.addf %mul3A_1034, %mul3A_1035 : vector<16xf32>
        %masked_sort3A = arith.constant dense<true> : vector<16xi1>
        %masked_sort3A_1037, %masked_sort3A_1038, %masked_sort3A_1039 = tpu.sort %add3A_1036, %get3A_1028 masked %masked_sort3A {descending = true} : (vector<16xf32>, vector<16xi32>, vector<16xi1>) -> (vector<16xi1>, vector<16xf32>, vector<16xi32>)
        %le3A = arith.cmpf ole, %while3A_1023, %masked_sort3A_1038 : vector<16xf32>
        %select_n3A_1040 = arith.select %le3A, %while3A_1023, %masked_sort3A_1038 : vector<16xi1>, vector<16xf32>
        %select_n3A_1041 = arith.select %le3A, %while3A_1024, %masked_sort3A_1039 : vector<16xi1>, vector<16xi32>
        %masked_sort3A_1042 = arith.constant dense<true> : vector<16xi1>
        %masked_sort3A_1043, %masked_sort3A_1044, %masked_sort3A_1045 = tpu.sort %select_n3A_1040, %select_n3A_1041 masked %masked_sort3A_1042 : (vector<16xf32>, vector<16xi32>, vector<16xi1>) -> (vector<16xi1>, vector<16xf32>, vector<16xi32>)
        scf.yield %masked_sort3A_1044, %masked_sort3A_1045 : vector<16xf32>, vector<16xi32>
      }
      %while3A_730 = arith.constant 1 : i32
      %while3A_731:2 = scf.for %while3A_1022 = %while3A_727 to %while3A_723 step %while3A_730 iter_args(%while3A_1023 = %while3A_729#0, %while3A_1024 = %while3A_729#1) -> (vector<16xf32>, vector<16xi32>)  : i32 {
        %mul3A_1025 = arith.constant 16 : i32
        %mul3A_1026 = arith.muli %while3A_1022, %mul3A_1025 : i32
        %get3A_1027 = arith.index_cast %mul3A_1026 : i32 to index
        %get3A_1028 = tpu.vector_load %arg16[%get3A_1027] {strides = array<i32>} : memref<10256xi32, #tpu.memory_space<vmem>>, vector<16xi32>,
        %gather3A = tpu.vector_load_idx %arg9[%get3A_1028] : memref<10240xf32, #tpu.memory_space<vmem>>[vector<16xi32>], vector<16xf32>,
        %gather3A_1029 = tpu.vector_load_idx %arg10[%get3A_1028] : memref<10240xf32, #tpu.memory_space<vmem>>[vector<16xi32>], vector<16xf32>,
        %sub3A_1030 = vector.broadcast %squeeze3A_526 : f32 to vector<16xf32>
        %sub3A_1031 = arith.subf %sub3A_1030, %gather3A : vector<16xf32>
        %sub3A_1032 = vector.broadcast %squeeze3A_528 : f32 to vector<16xf32>
        %sub3A_1033 = arith.subf %sub3A_1032, %gather3A_1029 : vector<16xf32>
        %mul3A_1034 = arith.mulf %sub3A_1031, %sub3A_1031 : vector<16xf32>
        %mul3A_1035 = arith.mulf %sub3A_1033, %sub3A_1033 : vector<16xf32>
        %add3A_1036 = arith.addf %mul3A_1034, %mul3A_1035 : vector<16xf32>
        %masked_sort3A = arith.constant dense<true> : vector<16xi1>
        %masked_sort3A_1037, %masked_sort3A_1038, %masked_sort3A_1039 = tpu.sort %add3A_1036, %get3A_1028 masked %masked_sort3A {descending = true} : (vector<16xf32>, vector<16xi32>, vector<16xi1>) -> (vector<16xi1>, vector<16xf32>, vector<16xi32>)
        %le3A = arith.cmpf ole, %while3A_1023, %masked_sort3A_1038 : vector<16xf32>
        %select_n3A_1040 = arith.select %le3A, %while3A_1023, %masked_sort3A_1038 : vector<16xi1>, vector<16xf32>
        %select_n3A_1041 = arith.select %le3A, %while3A_1024, %masked_sort3A_1039 : vector<16xi1>, vector<16xi32>
        %masked_sort3A_1042 = arith.constant dense<true> : vector<16xi1>
        %masked_sort3A_1043, %masked_sort3A_1044, %masked_sort3A_1045 = tpu.sort %select_n3A_1040, %select_n3A_1041 masked %masked_sort3A_1042 : (vector<16xf32>, vector<16xi32>, vector<16xi1>) -> (vector<16xi1>, vector<16xf32>, vector<16xi32>)
        scf.yield %masked_sort3A_1044, %masked_sort3A_1045 : vector<16xf32>, vector<16xi32>
      }
      %mul3A_732 = arith.constant 16 : i32
      %mul3A_733 = arith.muli %multiple_of3A, %mul3A_732 : i32
      %add3A_734 = arith.constant 160 : i32
      %add3A_735 = arith.addi %mul3A_733, %add3A_734 : i32
      %multiple_of3A_736 = tpu.assume_multiple %add3A_735, 16 : i32
      %swap3A_737 = arith.index_cast %multiple_of3A_736 : i32 to index
      %swap3A_738 = tpu.vector_load %arg22[%swap3A_737] {strides = array<i32>} : memref<5120xi32, #tpu.memory_space<vmem>>, vector<16xi32>,
      tpu.vector_store %arg22[%swap3A_737], %while3A_731#1 {strides = array<i32>} : memref<5120xi32, #tpu.memory_space<vmem>>, vector<16xi32>,
      %swap3A_739 = arith.index_cast %multiple_of3A_736 : i32 to index
      %swap3A_740 = tpu.vector_load %arg23[%swap3A_739] {strides = array<i32>} : memref<5120xf32, #tpu.memory_space<vmem>>, vector<16xf32>,
      tpu.vector_store %arg23[%swap3A_739], %while3A_731#0 {strides = array<i32>} : memref<5120xf32, #tpu.memory_space<vmem>>, vector<16xf32>,
      %slice3A_741 = vector.extract_strided_slice %scan3A_571#3 {offsets = [0], sizes = [1], strides = [1]} : vector<16xi32> to vector<1xi32>
      %squeeze3A_742 = vector.extract %slice3A_741[0] : i32 from vector<1xi32>
      %add3A_743 = arith.constant 1 : i32
      %add3A_744 = arith.addi %squeeze3A_742, %add3A_743 : i32
      %broadcast_in_dim3A_745 = arith.constant 10239 : i32
      %broadcast_in_dim3A_746 = vector.broadcast %broadcast_in_dim3A_745 : i32 to vector<16xi32>
      %swap3A_747 = arith.index_cast %add3A_744 : i32 to index
      %swap3A_748 = tpu.vector_load %arg17[%swap3A_747] {strides = array<i32>} : memref<10256xi32, #tpu.memory_space<vmem>>, vector<16xi32>,
      tpu.vector_store %arg17[%swap3A_747], %broadcast_in_dim3A_746 {strides = array<i32>} : memref<10256xi32, #tpu.memory_space<vmem>>, vector<16xi32>,
      %add3A_749 = arith.constant 15 : i32
      %add3A_750 = arith.addi %add3A_744, %add3A_749 : i32
      %jit3A_751 = arith.constant 16 : i32
      %div3A_752 = arith.divsi %add3A_750, %jit3A_751 : i32
      %sign3A_753 = arith.constant 0 : i32
      %sign3A_754 = arith.cmpi sgt, %add3A_750, %sign3A_753 : i32
      %sign3A_755 = arith.extui %sign3A_754 : i1 to i32
      %sign3A_756 = arith.constant 0 : i32
      %sign3A_757 = arith.cmpi slt, %add3A_750, %sign3A_756 : i32
      %sign3A_758 = arith.extui %sign3A_757 : i1 to i32
      %sign3A_759 = arith.subi %sign3A_755, %sign3A_758 : i32
      %sign3A_760 = arith.constant 0 : i32
      %sign3A_761 = arith.cmpi sgt, %jit3A_751, %sign3A_760 : i32
      %sign3A_762 = arith.extui %sign3A_761 : i1 to i32
      %sign3A_763 = arith.constant 0 : i32
      %sign3A_764 = arith.cmpi slt, %jit3A_751, %sign3A_763 : i32
      %sign3A_765 = arith.extui %sign3A_764 : i1 to i32
      %sign3A_766 = arith.subi %sign3A_762, %sign3A_765 : i32
      %ne3A_767 = arith.cmpi ne, %sign3A_759, %sign3A_766 : i32
      %rem3A_768 = arith.remsi %add3A_750, %jit3A_751 : i32
      %ne3A_769 = arith.constant 0 : i32
      %ne3A_770 = arith.cmpi ne, %rem3A_768, %ne3A_769 : i32
      %and3A_771 = arith.andi %ne3A_767, %ne3A_770 : i1
      %sub3A_772 = arith.constant 1 : i32
      %sub3A_773 = arith.subi %div3A_752, %sub3A_772 : i32
      %select_n3A_774 = arith.select %and3A_771, %sub3A_773, %div3A_752 : i32
      %broadcast_in_dim3A_775 = arith.constant 0 : i32
      %broadcast_in_dim3A_776 = vector.broadcast %broadcast_in_dim3A_775 : i32 to vector<16xi32>
      %while3A_777 = arith.constant 0 : i32
      %while3A_778 = arith.subi %select_n3A_774, %while3A_777 : i32
      %while3A_779 = arith.addi %while3A_777, %while3A_778 : i32
      %while3A_780 = arith.constant 1 : i32
      %while3A_781 = arith.divsi %while3A_778, %while3A_780 : i32
      %while3A_782 = arith.muli %while3A_781, %while3A_780 : i32
      %while3A_783 = arith.addi %while3A_777, %while3A_782 : i32
      %while3A_784 = arith.constant 1 : i32
      %while3A_785:2 = scf.for %while3A_1022 = %while3A_777 to %while3A_783 step %while3A_784 iter_args(%while3A_1023 = %broadcast_in_dim3A_3, %while3A_1024 = %broadcast_in_dim3A_776) -> (vector<16xf32>, vector<16xi32>)  : i32 {
        %mul3A_1025 = arith.constant 16 : i32
        %mul3A_1026 = arith.muli %while3A_1022, %mul3A_1025 : i32
        %get3A_1027 = arith.index_cast %mul3A_1026 : i32 to index
        %get3A_1028 = tpu.vector_load %arg17[%get3A_1027] {strides = array<i32>} : memref<10256xi32, #tpu.memory_space<vmem>>, vector<16xi32>,
        %gather3A = tpu.vector_load_idx %arg9[%get3A_1028] : memref<10240xf32, #tpu.memory_space<vmem>>[vector<16xi32>], vector<16xf32>,
        %gather3A_1029 = tpu.vector_load_idx %arg10[%get3A_1028] : memref<10240xf32, #tpu.memory_space<vmem>>[vector<16xi32>], vector<16xf32>,
        %sub3A_1030 = vector.broadcast %squeeze3A_530 : f32 to vector<16xf32>
        %sub3A_1031 = arith.subf %sub3A_1030, %gather3A : vector<16xf32>
        %sub3A_1032 = vector.broadcast %squeeze3A_532 : f32 to vector<16xf32>
        %sub3A_1033 = arith.subf %sub3A_1032, %gather3A_1029 : vector<16xf32>
        %mul3A_1034 = arith.mulf %sub3A_1031, %sub3A_1031 : vector<16xf32>
        %mul3A_1035 = arith.mulf %sub3A_1033, %sub3A_1033 : vector<16xf32>
        %add3A_1036 = arith.addf %mul3A_1034, %mul3A_1035 : vector<16xf32>
        %masked_sort3A = arith.constant dense<true> : vector<16xi1>
        %masked_sort3A_1037, %masked_sort3A_1038, %masked_sort3A_1039 = tpu.sort %add3A_1036, %get3A_1028 masked %masked_sort3A {descending = true} : (vector<16xf32>, vector<16xi32>, vector<16xi1>) -> (vector<16xi1>, vector<16xf32>, vector<16xi32>)
        %le3A = arith.cmpf ole, %while3A_1023, %masked_sort3A_1038 : vector<16xf32>
        %select_n3A_1040 = arith.select %le3A, %while3A_1023, %masked_sort3A_1038 : vector<16xi1>, vector<16xf32>
        %select_n3A_1041 = arith.select %le3A, %while3A_1024, %masked_sort3A_1039 : vector<16xi1>, vector<16xi32>
        %masked_sort3A_1042 = arith.constant dense<true> : vector<16xi1>
        %masked_sort3A_1043, %masked_sort3A_1044, %masked_sort3A_1045 = tpu.sort %select_n3A_1040, %select_n3A_1041 masked %masked_sort3A_1042 : (vector<16xf32>, vector<16xi32>, vector<16xi1>) -> (vector<16xi1>, vector<16xf32>, vector<16xi32>)
        scf.yield %masked_sort3A_1044, %masked_sort3A_1045 : vector<16xf32>, vector<16xi32>
      }
      %while3A_786 = arith.constant 1 : i32
      %while3A_787:2 = scf.for %while3A_1022 = %while3A_783 to %while3A_779 step %while3A_786 iter_args(%while3A_1023 = %while3A_785#0, %while3A_1024 = %while3A_785#1) -> (vector<16xf32>, vector<16xi32>)  : i32 {
        %mul3A_1025 = arith.constant 16 : i32
        %mul3A_1026 = arith.muli %while3A_1022, %mul3A_1025 : i32
        %get3A_1027 = arith.index_cast %mul3A_1026 : i32 to index
        %get3A_1028 = tpu.vector_load %arg17[%get3A_1027] {strides = array<i32>} : memref<10256xi32, #tpu.memory_space<vmem>>, vector<16xi32>,
        %gather3A = tpu.vector_load_idx %arg9[%get3A_1028] : memref<10240xf32, #tpu.memory_space<vmem>>[vector<16xi32>], vector<16xf32>,
        %gather3A_1029 = tpu.vector_load_idx %arg10[%get3A_1028] : memref<10240xf32, #tpu.memory_space<vmem>>[vector<16xi32>], vector<16xf32>,
        %sub3A_1030 = vector.broadcast %squeeze3A_530 : f32 to vector<16xf32>
        %sub3A_1031 = arith.subf %sub3A_1030, %gather3A : vector<16xf32>
        %sub3A_1032 = vector.broadcast %squeeze3A_532 : f32 to vector<16xf32>
        %sub3A_1033 = arith.subf %sub3A_1032, %gather3A_1029 : vector<16xf32>
        %mul3A_1034 = arith.mulf %sub3A_1031, %sub3A_1031 : vector<16xf32>
        %mul3A_1035 = arith.mulf %sub3A_1033, %sub3A_1033 : vector<16xf32>
        %add3A_1036 = arith.addf %mul3A_1034, %mul3A_1035 : vector<16xf32>
        %masked_sort3A = arith.constant dense<true> : vector<16xi1>
        %masked_sort3A_1037, %masked_sort3A_1038, %masked_sort3A_1039 = tpu.sort %add3A_1036, %get3A_1028 masked %masked_sort3A {descending = true} : (vector<16xf32>, vector<16xi32>, vector<16xi1>) -> (vector<16xi1>, vector<16xf32>, vector<16xi32>)
        %le3A = arith.cmpf ole, %while3A_1023, %masked_sort3A_1038 : vector<16xf32>
        %select_n3A_1040 = arith.select %le3A, %while3A_1023, %masked_sort3A_1038 : vector<16xi1>, vector<16xf32>
        %select_n3A_1041 = arith.select %le3A, %while3A_1024, %masked_sort3A_1039 : vector<16xi1>, vector<16xi32>
        %masked_sort3A_1042 = arith.constant dense<true> : vector<16xi1>
        %masked_sort3A_1043, %masked_sort3A_1044, %masked_sort3A_1045 = tpu.sort %select_n3A_1040, %select_n3A_1041 masked %masked_sort3A_1042 : (vector<16xf32>, vector<16xi32>, vector<16xi1>) -> (vector<16xi1>, vector<16xf32>, vector<16xi32>)
        scf.yield %masked_sort3A_1044, %masked_sort3A_1045 : vector<16xf32>, vector<16xi32>
      }
      %mul3A_788 = arith.constant 16 : i32
      %mul3A_789 = arith.muli %multiple_of3A, %mul3A_788 : i32
      %add3A_790 = arith.constant 176 : i32
      %add3A_791 = arith.addi %mul3A_789, %add3A_790 : i32
      %multiple_of3A_792 = tpu.assume_multiple %add3A_791, 16 : i32
      %swap3A_793 = arith.index_cast %multiple_of3A_792 : i32 to index
      %swap3A_794 = tpu.vector_load %arg22[%swap3A_793] {strides = array<i32>} : memref<5120xi32, #tpu.memory_space<vmem>>, vector<16xi32>,
      tpu.vector_store %arg22[%swap3A_793], %while3A_787#1 {strides = array<i32>} : memref<5120xi32, #tpu.memory_space<vmem>>, vector<16xi32>,
      %swap3A_795 = arith.index_cast %multiple_of3A_792 : i32 to index
      %swap3A_796 = tpu.vector_load %arg23[%swap3A_795] {strides = array<i32>} : memref<5120xf32, #tpu.memory_space<vmem>>, vector<16xf32>,
      tpu.vector_store %arg23[%swap3A_795], %while3A_787#0 {strides = array<i32>} : memref<5120xf32, #tpu.memory_space<vmem>>, vector<16xf32>,
      %slice3A_797 = vector.extract_strided_slice %scan3A_571#4 {offsets = [0], sizes = [1], strides = [1]} : vector<16xi32> to vector<1xi32>
      %squeeze3A_798 = vector.extract %slice3A_797[0] : i32 from vector<1xi32>
      %add3A_799 = arith.constant 1 : i32
      %add3A_800 = arith.addi %squeeze3A_798, %add3A_799 : i32
      %broadcast_in_dim3A_801 = arith.constant 10239 : i32
      %broadcast_in_dim3A_802 = vector.broadcast %broadcast_in_dim3A_801 : i32 to vector<16xi32>
      %swap3A_803 = arith.index_cast %add3A_800 : i32 to index
      %swap3A_804 = tpu.vector_load %arg18[%swap3A_803] {strides = array<i32>} : memref<10256xi32, #tpu.memory_space<vmem>>, vector<16xi32>,
      tpu.vector_store %arg18[%swap3A_803], %broadcast_in_dim3A_802 {strides = array<i32>} : memref<10256xi32, #tpu.memory_space<vmem>>, vector<16xi32>,
      %add3A_805 = arith.constant 15 : i32
      %add3A_806 = arith.addi %add3A_800, %add3A_805 : i32
      %jit3A_807 = arith.constant 16 : i32
      %div3A_808 = arith.divsi %add3A_806, %jit3A_807 : i32
      %sign3A_809 = arith.constant 0 : i32
      %sign3A_810 = arith.cmpi sgt, %add3A_806, %sign3A_809 : i32
      %sign3A_811 = arith.extui %sign3A_810 : i1 to i32
      %sign3A_812 = arith.constant 0 : i32
      %sign3A_813 = arith.cmpi slt, %add3A_806, %sign3A_812 : i32
      %sign3A_814 = arith.extui %sign3A_813 : i1 to i32
      %sign3A_815 = arith.subi %sign3A_811, %sign3A_814 : i32
      %sign3A_816 = arith.constant 0 : i32
      %sign3A_817 = arith.cmpi sgt, %jit3A_807, %sign3A_816 : i32
      %sign3A_818 = arith.extui %sign3A_817 : i1 to i32
      %sign3A_819 = arith.constant 0 : i32
      %sign3A_820 = arith.cmpi slt, %jit3A_807, %sign3A_819 : i32
      %sign3A_821 = arith.extui %sign3A_820 : i1 to i32
      %sign3A_822 = arith.subi %sign3A_818, %sign3A_821 : i32
      %ne3A_823 = arith.cmpi ne, %sign3A_815, %sign3A_822 : i32
      %rem3A_824 = arith.remsi %add3A_806, %jit3A_807 : i32
      %ne3A_825 = arith.constant 0 : i32
      %ne3A_826 = arith.cmpi ne, %rem3A_824, %ne3A_825 : i32
      %and3A_827 = arith.andi %ne3A_823, %ne3A_826 : i1
      %sub3A_828 = arith.constant 1 : i32
      %sub3A_829 = arith.subi %div3A_808, %sub3A_828 : i32
      %select_n3A_830 = arith.select %and3A_827, %sub3A_829, %div3A_808 : i32
      %broadcast_in_dim3A_831 = arith.constant 0 : i32
      %broadcast_in_dim3A_832 = vector.broadcast %broadcast_in_dim3A_831 : i32 to vector<16xi32>
      %while3A_833 = arith.constant 0 : i32
      %while3A_834 = arith.subi %select_n3A_830, %while3A_833 : i32
      %while3A_835 = arith.addi %while3A_833, %while3A_834 : i32
      %while3A_836 = arith.constant 1 : i32
      %while3A_837 = arith.divsi %while3A_834, %while3A_836 : i32
      %while3A_838 = arith.muli %while3A_837, %while3A_836 : i32
      %while3A_839 = arith.addi %while3A_833, %while3A_838 : i32
      %while3A_840 = arith.constant 1 : i32
      %while3A_841:2 = scf.for %while3A_1022 = %while3A_833 to %while3A_839 step %while3A_840 iter_args(%while3A_1023 = %broadcast_in_dim3A_3, %while3A_1024 = %broadcast_in_dim3A_832) -> (vector<16xf32>, vector<16xi32>)  : i32 {
        %mul3A_1025 = arith.constant 16 : i32
        %mul3A_1026 = arith.muli %while3A_1022, %mul3A_1025 : i32
        %get3A_1027 = arith.index_cast %mul3A_1026 : i32 to index
        %get3A_1028 = tpu.vector_load %arg18[%get3A_1027] {strides = array<i32>} : memref<10256xi32, #tpu.memory_space<vmem>>, vector<16xi32>,
        %gather3A = tpu.vector_load_idx %arg9[%get3A_1028] : memref<10240xf32, #tpu.memory_space<vmem>>[vector<16xi32>], vector<16xf32>,
        %gather3A_1029 = tpu.vector_load_idx %arg10[%get3A_1028] : memref<10240xf32, #tpu.memory_space<vmem>>[vector<16xi32>], vector<16xf32>,
        %sub3A_1030 = vector.broadcast %squeeze3A_534 : f32 to vector<16xf32>
        %sub3A_1031 = arith.subf %sub3A_1030, %gather3A : vector<16xf32>
        %sub3A_1032 = vector.broadcast %squeeze3A_536 : f32 to vector<16xf32>
        %sub3A_1033 = arith.subf %sub3A_1032, %gather3A_1029 : vector<16xf32>
        %mul3A_1034 = arith.mulf %sub3A_1031, %sub3A_1031 : vector<16xf32>
        %mul3A_1035 = arith.mulf %sub3A_1033, %sub3A_1033 : vector<16xf32>
        %add3A_1036 = arith.addf %mul3A_1034, %mul3A_1035 : vector<16xf32>
        %masked_sort3A = arith.constant dense<true> : vector<16xi1>
        %masked_sort3A_1037, %masked_sort3A_1038, %masked_sort3A_1039 = tpu.sort %add3A_1036, %get3A_1028 masked %masked_sort3A {descending = true} : (vector<16xf32>, vector<16xi32>, vector<16xi1>) -> (vector<16xi1>, vector<16xf32>, vector<16xi32>)
        %le3A = arith.cmpf ole, %while3A_1023, %masked_sort3A_1038 : vector<16xf32>
        %select_n3A_1040 = arith.select %le3A, %while3A_1023, %masked_sort3A_1038 : vector<16xi1>, vector<16xf32>
        %select_n3A_1041 = arith.select %le3A, %while3A_1024, %masked_sort3A_1039 : vector<16xi1>, vector<16xi32>
        %masked_sort3A_1042 = arith.constant dense<true> : vector<16xi1>
        %masked_sort3A_1043, %masked_sort3A_1044, %masked_sort3A_1045 = tpu.sort %select_n3A_1040, %select_n3A_1041 masked %masked_sort3A_1042 : (vector<16xf32>, vector<16xi32>, vector<16xi1>) -> (vector<16xi1>, vector<16xf32>, vector<16xi32>)
        scf.yield %masked_sort3A_1044, %masked_sort3A_1045 : vector<16xf32>, vector<16xi32>
      }
      %while3A_842 = arith.constant 1 : i32
      %while3A_843:2 = scf.for %while3A_1022 = %while3A_839 to %while3A_835 step %while3A_842 iter_args(%while3A_1023 = %while3A_841#0, %while3A_1024 = %while3A_841#1) -> (vector<16xf32>, vector<16xi32>)  : i32 {
        %mul3A_1025 = arith.constant 16 : i32
        %mul3A_1026 = arith.muli %while3A_1022, %mul3A_1025 : i32
        %get3A_1027 = arith.index_cast %mul3A_1026 : i32 to index
        %get3A_1028 = tpu.vector_load %arg18[%get3A_1027] {strides = array<i32>} : memref<10256xi32, #tpu.memory_space<vmem>>, vector<16xi32>,
        %gather3A = tpu.vector_load_idx %arg9[%get3A_1028] : memref<10240xf32, #tpu.memory_space<vmem>>[vector<16xi32>], vector<16xf32>,
        %gather3A_1029 = tpu.vector_load_idx %arg10[%get3A_1028] : memref<10240xf32, #tpu.memory_space<vmem>>[vector<16xi32>], vector<16xf32>,
        %sub3A_1030 = vector.broadcast %squeeze3A_534 : f32 to vector<16xf32>
        %sub3A_1031 = arith.subf %sub3A_1030, %gather3A : vector<16xf32>
        %sub3A_1032 = vector.broadcast %squeeze3A_536 : f32 to vector<16xf32>
        %sub3A_1033 = arith.subf %sub3A_1032, %gather3A_1029 : vector<16xf32>
        %mul3A_1034 = arith.mulf %sub3A_1031, %sub3A_1031 : vector<16xf32>
        %mul3A_1035 = arith.mulf %sub3A_1033, %sub3A_1033 : vector<16xf32>
        %add3A_1036 = arith.addf %mul3A_1034, %mul3A_1035 : vector<16xf32>
        %masked_sort3A = arith.constant dense<true> : vector<16xi1>
        %masked_sort3A_1037, %masked_sort3A_1038, %masked_sort3A_1039 = tpu.sort %add3A_1036, %get3A_1028 masked %masked_sort3A {descending = true} : (vector<16xf32>, vector<16xi32>, vector<16xi1>) -> (vector<16xi1>, vector<16xf32>, vector<16xi32>)
        %le3A = arith.cmpf ole, %while3A_1023, %masked_sort3A_1038 : vector<16xf32>
        %select_n3A_1040 = arith.select %le3A, %while3A_1023, %masked_sort3A_1038 : vector<16xi1>, vector<16xf32>
        %select_n3A_1041 = arith.select %le3A, %while3A_1024, %masked_sort3A_1039 : vector<16xi1>, vector<16xi32>
        %masked_sort3A_1042 = arith.constant dense<true> : vector<16xi1>
        %masked_sort3A_1043, %masked_sort3A_1044, %masked_sort3A_1045 = tpu.sort %select_n3A_1040, %select_n3A_1041 masked %masked_sort3A_1042 : (vector<16xf32>, vector<16xi32>, vector<16xi1>) -> (vector<16xi1>, vector<16xf32>, vector<16xi32>)
        scf.yield %masked_sort3A_1044, %masked_sort3A_1045 : vector<16xf32>, vector<16xi32>
      }
      %mul3A_844 = arith.constant 16 : i32
      %mul3A_845 = arith.muli %multiple_of3A, %mul3A_844 : i32
      %add3A_846 = arith.constant 192 : i32
      %add3A_847 = arith.addi %mul3A_845, %add3A_846 : i32
      %multiple_of3A_848 = tpu.assume_multiple %add3A_847, 16 : i32
      %swap3A_849 = arith.index_cast %multiple_of3A_848 : i32 to index
      %swap3A_850 = tpu.vector_load %arg22[%swap3A_849] {strides = array<i32>} : memref<5120xi32, #tpu.memory_space<vmem>>, vector<16xi32>,
      tpu.vector_store %arg22[%swap3A_849], %while3A_843#1 {strides = array<i32>} : memref<5120xi32, #tpu.memory_space<vmem>>, vector<16xi32>,
      %swap3A_851 = arith.index_cast %multiple_of3A_848 : i32 to index
      %swap3A_852 = tpu.vector_load %arg23[%swap3A_851] {strides = array<i32>} : memref<5120xf32, #tpu.memory_space<vmem>>, vector<16xf32>,
      tpu.vector_store %arg23[%swap3A_851], %while3A_843#0 {strides = array<i32>} : memref<5120xf32, #tpu.memory_space<vmem>>, vector<16xf32>,
      %slice3A_853 = vector.extract_strided_slice %scan3A_571#5 {offsets = [0], sizes = [1], strides = [1]} : vector<16xi32> to vector<1xi32>
      %squeeze3A_854 = vector.extract %slice3A_853[0] : i32 from vector<1xi32>
      %add3A_855 = arith.constant 1 : i32
      %add3A_856 = arith.addi %squeeze3A_854, %add3A_855 : i32
      %broadcast_in_dim3A_857 = arith.constant 10239 : i32
      %broadcast_in_dim3A_858 = vector.broadcast %broadcast_in_dim3A_857 : i32 to vector<16xi32>
      %swap3A_859 = arith.index_cast %add3A_856 : i32 to index
      %swap3A_860 = tpu.vector_load %arg19[%swap3A_859] {strides = array<i32>} : memref<10256xi32, #tpu.memory_space<vmem>>, vector<16xi32>,
      tpu.vector_store %arg19[%swap3A_859], %broadcast_in_dim3A_858 {strides = array<i32>} : memref<10256xi32, #tpu.memory_space<vmem>>, vector<16xi32>,
      %add3A_861 = arith.constant 15 : i32
      %add3A_862 = arith.addi %add3A_856, %add3A_861 : i32
      %jit3A_863 = arith.constant 16 : i32
      %div3A_864 = arith.divsi %add3A_862, %jit3A_863 : i32
      %sign3A_865 = arith.constant 0 : i32
      %sign3A_866 = arith.cmpi sgt, %add3A_862, %sign3A_865 : i32
      %sign3A_867 = arith.extui %sign3A_866 : i1 to i32
      %sign3A_868 = arith.constant 0 : i32
      %sign3A_869 = arith.cmpi slt, %add3A_862, %sign3A_868 : i32
      %sign3A_870 = arith.extui %sign3A_869 : i1 to i32
      %sign3A_871 = arith.subi %sign3A_867, %sign3A_870 : i32
      %sign3A_872 = arith.constant 0 : i32
      %sign3A_873 = arith.cmpi sgt, %jit3A_863, %sign3A_872 : i32
      %sign3A_874 = arith.extui %sign3A_873 : i1 to i32
      %sign3A_875 = arith.constant 0 : i32
      %sign3A_876 = arith.cmpi slt, %jit3A_863, %sign3A_875 : i32
      %sign3A_877 = arith.extui %sign3A_876 : i1 to i32
      %sign3A_878 = arith.subi %sign3A_874, %sign3A_877 : i32
      %ne3A_879 = arith.cmpi ne, %sign3A_871, %sign3A_878 : i32
      %rem3A_880 = arith.remsi %add3A_862, %jit3A_863 : i32
      %ne3A_881 = arith.constant 0 : i32
      %ne3A_882 = arith.cmpi ne, %rem3A_880, %ne3A_881 : i32
      %and3A_883 = arith.andi %ne3A_879, %ne3A_882 : i1
      %sub3A_884 = arith.constant 1 : i32
      %sub3A_885 = arith.subi %div3A_864, %sub3A_884 : i32
      %select_n3A_886 = arith.select %and3A_883, %sub3A_885, %div3A_864 : i32
      %broadcast_in_dim3A_887 = arith.constant 0 : i32
      %broadcast_in_dim3A_888 = vector.broadcast %broadcast_in_dim3A_887 : i32 to vector<16xi32>
      %while3A_889 = arith.constant 0 : i32
      %while3A_890 = arith.subi %select_n3A_886, %while3A_889 : i32
      %while3A_891 = arith.addi %while3A_889, %while3A_890 : i32
      %while3A_892 = arith.constant 1 : i32
      %while3A_893 = arith.divsi %while3A_890, %while3A_892 : i32
      %while3A_894 = arith.muli %while3A_893, %while3A_892 : i32
      %while3A_895 = arith.addi %while3A_889, %while3A_894 : i32
      %while3A_896 = arith.constant 1 : i32
      %while3A_897:2 = scf.for %while3A_1022 = %while3A_889 to %while3A_895 step %while3A_896 iter_args(%while3A_1023 = %broadcast_in_dim3A_3, %while3A_1024 = %broadcast_in_dim3A_888) -> (vector<16xf32>, vector<16xi32>)  : i32 {
        %mul3A_1025 = arith.constant 16 : i32
        %mul3A_1026 = arith.muli %while3A_1022, %mul3A_1025 : i32
        %get3A_1027 = arith.index_cast %mul3A_1026 : i32 to index
        %get3A_1028 = tpu.vector_load %arg19[%get3A_1027] {strides = array<i32>} : memref<10256xi32, #tpu.memory_space<vmem>>, vector<16xi32>,
        %gather3A = tpu.vector_load_idx %arg9[%get3A_1028] : memref<10240xf32, #tpu.memory_space<vmem>>[vector<16xi32>], vector<16xf32>,
        %gather3A_1029 = tpu.vector_load_idx %arg10[%get3A_1028] : memref<10240xf32, #tpu.memory_space<vmem>>[vector<16xi32>], vector<16xf32>,
        %sub3A_1030 = vector.broadcast %squeeze3A_538 : f32 to vector<16xf32>
        %sub3A_1031 = arith.subf %sub3A_1030, %gather3A : vector<16xf32>
        %sub3A_1032 = vector.broadcast %squeeze3A_540 : f32 to vector<16xf32>
        %sub3A_1033 = arith.subf %sub3A_1032, %gather3A_1029 : vector<16xf32>
        %mul3A_1034 = arith.mulf %sub3A_1031, %sub3A_1031 : vector<16xf32>
        %mul3A_1035 = arith.mulf %sub3A_1033, %sub3A_1033 : vector<16xf32>
        %add3A_1036 = arith.addf %mul3A_1034, %mul3A_1035 : vector<16xf32>
        %masked_sort3A = arith.constant dense<true> : vector<16xi1>
        %masked_sort3A_1037, %masked_sort3A_1038, %masked_sort3A_1039 = tpu.sort %add3A_1036, %get3A_1028 masked %masked_sort3A {descending = true} : (vector<16xf32>, vector<16xi32>, vector<16xi1>) -> (vector<16xi1>, vector<16xf32>, vector<16xi32>)
        %le3A = arith.cmpf ole, %while3A_1023, %masked_sort3A_1038 : vector<16xf32>
        %select_n3A_1040 = arith.select %le3A, %while3A_1023, %masked_sort3A_1038 : vector<16xi1>, vector<16xf32>
        %select_n3A_1041 = arith.select %le3A, %while3A_1024, %masked_sort3A_1039 : vector<16xi1>, vector<16xi32>
        %masked_sort3A_1042 = arith.constant dense<true> : vector<16xi1>
        %masked_sort3A_1043, %masked_sort3A_1044, %masked_sort3A_1045 = tpu.sort %select_n3A_1040, %select_n3A_1041 masked %masked_sort3A_1042 : (vector<16xf32>, vector<16xi32>, vector<16xi1>) -> (vector<16xi1>, vector<16xf32>, vector<16xi32>)
        scf.yield %masked_sort3A_1044, %masked_sort3A_1045 : vector<16xf32>, vector<16xi32>
      }
      %while3A_898 = arith.constant 1 : i32
      %while3A_899:2 = scf.for %while3A_1022 = %while3A_895 to %while3A_891 step %while3A_898 iter_args(%while3A_1023 = %while3A_897#0, %while3A_1024 = %while3A_897#1) -> (vector<16xf32>, vector<16xi32>)  : i32 {
        %mul3A_1025 = arith.constant 16 : i32
        %mul3A_1026 = arith.muli %while3A_1022, %mul3A_1025 : i32
        %get3A_1027 = arith.index_cast %mul3A_1026 : i32 to index
        %get3A_1028 = tpu.vector_load %arg19[%get3A_1027] {strides = array<i32>} : memref<10256xi32, #tpu.memory_space<vmem>>, vector<16xi32>,
        %gather3A = tpu.vector_load_idx %arg9[%get3A_1028] : memref<10240xf32, #tpu.memory_space<vmem>>[vector<16xi32>], vector<16xf32>,
        %gather3A_1029 = tpu.vector_load_idx %arg10[%get3A_1028] : memref<10240xf32, #tpu.memory_space<vmem>>[vector<16xi32>], vector<16xf32>,
        %sub3A_1030 = vector.broadcast %squeeze3A_538 : f32 to vector<16xf32>
        %sub3A_1031 = arith.subf %sub3A_1030, %gather3A : vector<16xf32>
        %sub3A_1032 = vector.broadcast %squeeze3A_540 : f32 to vector<16xf32>
        %sub3A_1033 = arith.subf %sub3A_1032, %gather3A_1029 : vector<16xf32>
        %mul3A_1034 = arith.mulf %sub3A_1031, %sub3A_1031 : vector<16xf32>
        %mul3A_1035 = arith.mulf %sub3A_1033, %sub3A_1033 : vector<16xf32>
        %add3A_1036 = arith.addf %mul3A_1034, %mul3A_1035 : vector<16xf32>
        %masked_sort3A = arith.constant dense<true> : vector<16xi1>
        %masked_sort3A_1037, %masked_sort3A_1038, %masked_sort3A_1039 = tpu.sort %add3A_1036, %get3A_1028 masked %masked_sort3A {descending = true} : (vector<16xf32>, vector<16xi32>, vector<16xi1>) -> (vector<16xi1>, vector<16xf32>, vector<16xi32>)
        %le3A = arith.cmpf ole, %while3A_1023, %masked_sort3A_1038 : vector<16xf32>
        %select_n3A_1040 = arith.select %le3A, %while3A_1023, %masked_sort3A_1038 : vector<16xi1>, vector<16xf32>
        %select_n3A_1041 = arith.select %le3A, %while3A_1024, %masked_sort3A_1039 : vector<16xi1>, vector<16xi32>
        %masked_sort3A_1042 = arith.constant dense<true> : vector<16xi1>
        %masked_sort3A_1043, %masked_sort3A_1044, %masked_sort3A_1045 = tpu.sort %select_n3A_1040, %select_n3A_1041 masked %masked_sort3A_1042 : (vector<16xf32>, vector<16xi32>, vector<16xi1>) -> (vector<16xi1>, vector<16xf32>, vector<16xi32>)
        scf.yield %masked_sort3A_1044, %masked_sort3A_1045 : vector<16xf32>, vector<16xi32>
      }
      %mul3A_900 = arith.constant 16 : i32
      %mul3A_901 = arith.muli %multiple_of3A, %mul3A_900 : i32
      %add3A_902 = arith.constant 208 : i32
      %add3A_903 = arith.addi %mul3A_901, %add3A_902 : i32
      %multiple_of3A_904 = tpu.assume_multiple %add3A_903, 16 : i32
      %swap3A_905 = arith.index_cast %multiple_of3A_904 : i32 to index
      %swap3A_906 = tpu.vector_load %arg22[%swap3A_905] {strides = array<i32>} : memref<5120xi32, #tpu.memory_space<vmem>>, vector<16xi32>,
      tpu.vector_store %arg22[%swap3A_905], %while3A_899#1 {strides = array<i32>} : memref<5120xi32, #tpu.memory_space<vmem>>, vector<16xi32>,
      %swap3A_907 = arith.index_cast %multiple_of3A_904 : i32 to index
      %swap3A_908 = tpu.vector_load %arg23[%swap3A_907] {strides = array<i32>} : memref<5120xf32, #tpu.memory_space<vmem>>, vector<16xf32>,
      tpu.vector_store %arg23[%swap3A_907], %while3A_899#0 {strides = array<i32>} : memref<5120xf32, #tpu.memory_space<vmem>>, vector<16xf32>,
      %slice3A_909 = vector.extract_strided_slice %scan3A_571#6 {offsets = [0], sizes = [1], strides = [1]} : vector<16xi32> to vector<1xi32>
      %squeeze3A_910 = vector.extract %slice3A_909[0] : i32 from vector<1xi32>
      %add3A_911 = arith.constant 1 : i32
      %add3A_912 = arith.addi %squeeze3A_910, %add3A_911 : i32
      %broadcast_in_dim3A_913 = arith.constant 10239 : i32
      %broadcast_in_dim3A_914 = vector.broadcast %broadcast_in_dim3A_913 : i32 to vector<16xi32>
      %swap3A_915 = arith.index_cast %add3A_912 : i32 to index
      %swap3A_916 = tpu.vector_load %arg20[%swap3A_915] {strides = array<i32>} : memref<10256xi32, #tpu.memory_space<vmem>>, vector<16xi32>,
      tpu.vector_store %arg20[%swap3A_915], %broadcast_in_dim3A_914 {strides = array<i32>} : memref<10256xi32, #tpu.memory_space<vmem>>, vector<16xi32>,
      %add3A_917 = arith.constant 15 : i32
      %add3A_918 = arith.addi %add3A_912, %add3A_917 : i32
      %jit3A_919 = arith.constant 16 : i32
      %div3A_920 = arith.divsi %add3A_918, %jit3A_919 : i32
      %sign3A_921 = arith.constant 0 : i32
      %sign3A_922 = arith.cmpi sgt, %add3A_918, %sign3A_921 : i32
      %sign3A_923 = arith.extui %sign3A_922 : i1 to i32
      %sign3A_924 = arith.constant 0 : i32
      %sign3A_925 = arith.cmpi slt, %add3A_918, %sign3A_924 : i32
      %sign3A_926 = arith.extui %sign3A_925 : i1 to i32
      %sign3A_927 = arith.subi %sign3A_923, %sign3A_926 : i32
      %sign3A_928 = arith.constant 0 : i32
      %sign3A_929 = arith.cmpi sgt, %jit3A_919, %sign3A_928 : i32
      %sign3A_930 = arith.extui %sign3A_929 : i1 to i32
      %sign3A_931 = arith.constant 0 : i32
      %sign3A_932 = arith.cmpi slt, %jit3A_919, %sign3A_931 : i32
      %sign3A_933 = arith.extui %sign3A_932 : i1 to i32
      %sign3A_934 = arith.subi %sign3A_930, %sign3A_933 : i32
      %ne3A_935 = arith.cmpi ne, %sign3A_927, %sign3A_934 : i32
      %rem3A_936 = arith.remsi %add3A_918, %jit3A_919 : i32
      %ne3A_937 = arith.constant 0 : i32
      %ne3A_938 = arith.cmpi ne, %rem3A_936, %ne3A_937 : i32
      %and3A_939 = arith.andi %ne3A_935, %ne3A_938 : i1
      %sub3A_940 = arith.constant 1 : i32
      %sub3A_941 = arith.subi %div3A_920, %sub3A_940 : i32
      %select_n3A_942 = arith.select %and3A_939, %sub3A_941, %div3A_920 : i32
      %broadcast_in_dim3A_943 = arith.constant 0 : i32
      %broadcast_in_dim3A_944 = vector.broadcast %broadcast_in_dim3A_943 : i32 to vector<16xi32>
      %while3A_945 = arith.constant 0 : i32
      %while3A_946 = arith.subi %select_n3A_942, %while3A_945 : i32
      %while3A_947 = arith.addi %while3A_945, %while3A_946 : i32
      %while3A_948 = arith.constant 1 : i32
      %while3A_949 = arith.divsi %while3A_946, %while3A_948 : i32
      %while3A_950 = arith.muli %while3A_949, %while3A_948 : i32
      %while3A_951 = arith.addi %while3A_945, %while3A_950 : i32
      %while3A_952 = arith.constant 1 : i32
      %while3A_953:2 = scf.for %while3A_1022 = %while3A_945 to %while3A_951 step %while3A_952 iter_args(%while3A_1023 = %broadcast_in_dim3A_3, %while3A_1024 = %broadcast_in_dim3A_944) -> (vector<16xf32>, vector<16xi32>)  : i32 {
        %mul3A_1025 = arith.constant 16 : i32
        %mul3A_1026 = arith.muli %while3A_1022, %mul3A_1025 : i32
        %get3A_1027 = arith.index_cast %mul3A_1026 : i32 to index
        %get3A_1028 = tpu.vector_load %arg20[%get3A_1027] {strides = array<i32>} : memref<10256xi32, #tpu.memory_space<vmem>>, vector<16xi32>,
        %gather3A = tpu.vector_load_idx %arg9[%get3A_1028] : memref<10240xf32, #tpu.memory_space<vmem>>[vector<16xi32>], vector<16xf32>,
        %gather3A_1029 = tpu.vector_load_idx %arg10[%get3A_1028] : memref<10240xf32, #tpu.memory_space<vmem>>[vector<16xi32>], vector<16xf32>,
        %sub3A_1030 = vector.broadcast %squeeze3A_542 : f32 to vector<16xf32>
        %sub3A_1031 = arith.subf %sub3A_1030, %gather3A : vector<16xf32>
        %sub3A_1032 = vector.broadcast %squeeze3A_544 : f32 to vector<16xf32>
        %sub3A_1033 = arith.subf %sub3A_1032, %gather3A_1029 : vector<16xf32>
        %mul3A_1034 = arith.mulf %sub3A_1031, %sub3A_1031 : vector<16xf32>
        %mul3A_1035 = arith.mulf %sub3A_1033, %sub3A_1033 : vector<16xf32>
        %add3A_1036 = arith.addf %mul3A_1034, %mul3A_1035 : vector<16xf32>
        %masked_sort3A = arith.constant dense<true> : vector<16xi1>
        %masked_sort3A_1037, %masked_sort3A_1038, %masked_sort3A_1039 = tpu.sort %add3A_1036, %get3A_1028 masked %masked_sort3A {descending = true} : (vector<16xf32>, vector<16xi32>, vector<16xi1>) -> (vector<16xi1>, vector<16xf32>, vector<16xi32>)
        %le3A = arith.cmpf ole, %while3A_1023, %masked_sort3A_1038 : vector<16xf32>
        %select_n3A_1040 = arith.select %le3A, %while3A_1023, %masked_sort3A_1038 : vector<16xi1>, vector<16xf32>
        %select_n3A_1041 = arith.select %le3A, %while3A_1024, %masked_sort3A_1039 : vector<16xi1>, vector<16xi32>
        %masked_sort3A_1042 = arith.constant dense<true> : vector<16xi1>
        %masked_sort3A_1043, %masked_sort3A_1044, %masked_sort3A_1045 = tpu.sort %select_n3A_1040, %select_n3A_1041 masked %masked_sort3A_1042 : (vector<16xf32>, vector<16xi32>, vector<16xi1>) -> (vector<16xi1>, vector<16xf32>, vector<16xi32>)
        scf.yield %masked_sort3A_1044, %masked_sort3A_1045 : vector<16xf32>, vector<16xi32>
      }
      %while3A_954 = arith.constant 1 : i32
      %while3A_955:2 = scf.for %while3A_1022 = %while3A_951 to %while3A_947 step %while3A_954 iter_args(%while3A_1023 = %while3A_953#0, %while3A_1024 = %while3A_953#1) -> (vector<16xf32>, vector<16xi32>)  : i32 {
        %mul3A_1025 = arith.constant 16 : i32
        %mul3A_1026 = arith.muli %while3A_1022, %mul3A_1025 : i32
        %get3A_1027 = arith.index_cast %mul3A_1026 : i32 to index
        %get3A_1028 = tpu.vector_load %arg20[%get3A_1027] {strides = array<i32>} : memref<10256xi32, #tpu.memory_space<vmem>>, vector<16xi32>,
        %gather3A = tpu.vector_load_idx %arg9[%get3A_1028] : memref<10240xf32, #tpu.memory_space<vmem>>[vector<16xi32>], vector<16xf32>,
        %gather3A_1029 = tpu.vector_load_idx %arg10[%get3A_1028] : memref<10240xf32, #tpu.memory_space<vmem>>[vector<16xi32>], vector<16xf32>,
        %sub3A_1030 = vector.broadcast %squeeze3A_542 : f32 to vector<16xf32>
        %sub3A_1031 = arith.subf %sub3A_1030, %gather3A : vector<16xf32>
        %sub3A_1032 = vector.broadcast %squeeze3A_544 : f32 to vector<16xf32>
        %sub3A_1033 = arith.subf %sub3A_1032, %gather3A_1029 : vector<16xf32>
        %mul3A_1034 = arith.mulf %sub3A_1031, %sub3A_1031 : vector<16xf32>
        %mul3A_1035 = arith.mulf %sub3A_1033, %sub3A_1033 : vector<16xf32>
        %add3A_1036 = arith.addf %mul3A_1034, %mul3A_1035 : vector<16xf32>
        %masked_sort3A = arith.constant dense<true> : vector<16xi1>
        %masked_sort3A_1037, %masked_sort3A_1038, %masked_sort3A_1039 = tpu.sort %add3A_1036, %get3A_1028 masked %masked_sort3A {descending = true} : (vector<16xf32>, vector<16xi32>, vector<16xi1>) -> (vector<16xi1>, vector<16xf32>, vector<16xi32>)
        %le3A = arith.cmpf ole, %while3A_1023, %masked_sort3A_1038 : vector<16xf32>
        %select_n3A_1040 = arith.select %le3A, %while3A_1023, %masked_sort3A_1038 : vector<16xi1>, vector<16xf32>
        %select_n3A_1041 = arith.select %le3A, %while3A_1024, %masked_sort3A_1039 : vector<16xi1>, vector<16xi32>
        %masked_sort3A_1042 = arith.constant dense<true> : vector<16xi1>
        %masked_sort3A_1043, %masked_sort3A_1044, %masked_sort3A_1045 = tpu.sort %select_n3A_1040, %select_n3A_1041 masked %masked_sort3A_1042 : (vector<16xf32>, vector<16xi32>, vector<16xi1>) -> (vector<16xi1>, vector<16xf32>, vector<16xi32>)
        scf.yield %masked_sort3A_1044, %masked_sort3A_1045 : vector<16xf32>, vector<16xi32>
      }
      %mul3A_956 = arith.constant 16 : i32
      %mul3A_957 = arith.muli %multiple_of3A, %mul3A_956 : i32
      %add3A_958 = arith.constant 224 : i32
      %add3A_959 = arith.addi %mul3A_957, %add3A_958 : i32
      %multiple_of3A_960 = tpu.assume_multiple %add3A_959, 16 : i32
      %swap3A_961 = arith.index_cast %multiple_of3A_960 : i32 to index
      %swap3A_962 = tpu.vector_load %arg22[%swap3A_961] {strides = array<i32>} : memref<5120xi32, #tpu.memory_space<vmem>>, vector<16xi32>,
      tpu.vector_store %arg22[%swap3A_961], %while3A_955#1 {strides = array<i32>} : memref<5120xi32, #tpu.memory_space<vmem>>, vector<16xi32>,
      %swap3A_963 = arith.index_cast %multiple_of3A_960 : i32 to index
      %swap3A_964 = tpu.vector_load %arg23[%swap3A_963] {strides = array<i32>} : memref<5120xf32, #tpu.memory_space<vmem>>, vector<16xf32>,
      tpu.vector_store %arg23[%swap3A_963], %while3A_955#0 {strides = array<i32>} : memref<5120xf32, #tpu.memory_space<vmem>>, vector<16xf32>,
      %slice3A_965 = vector.extract_strided_slice %scan3A_571#7 {offsets = [0], sizes = [1], strides = [1]} : vector<16xi32> to vector<1xi32>
      %squeeze3A_966 = vector.extract %slice3A_965[0] : i32 from vector<1xi32>
      %add3A_967 = arith.constant 1 : i32
      %add3A_968 = arith.addi %squeeze3A_966, %add3A_967 : i32
      %broadcast_in_dim3A_969 = arith.constant 10239 : i32
      %broadcast_in_dim3A_970 = vector.broadcast %broadcast_in_dim3A_969 : i32 to vector<16xi32>
      %swap3A_971 = arith.index_cast %add3A_968 : i32 to index
      %swap3A_972 = tpu.vector_load %arg21[%swap3A_971] {strides = array<i32>} : memref<10256xi32, #tpu.memory_space<vmem>>, vector<16xi32>,
      tpu.vector_store %arg21[%swap3A_971], %broadcast_in_dim3A_970 {strides = array<i32>} : memref<10256xi32, #tpu.memory_space<vmem>>, vector<16xi32>,
      %add3A_973 = arith.constant 15 : i32
      %add3A_974 = arith.addi %add3A_968, %add3A_973 : i32
      %jit3A_975 = arith.constant 16 : i32
      %div3A_976 = arith.divsi %add3A_974, %jit3A_975 : i32
      %sign3A_977 = arith.constant 0 : i32
      %sign3A_978 = arith.cmpi sgt, %add3A_974, %sign3A_977 : i32
      %sign3A_979 = arith.extui %sign3A_978 : i1 to i32
      %sign3A_980 = arith.constant 0 : i32
      %sign3A_981 = arith.cmpi slt, %add3A_974, %sign3A_980 : i32
      %sign3A_982 = arith.extui %sign3A_981 : i1 to i32
      %sign3A_983 = arith.subi %sign3A_979, %sign3A_982 : i32
      %sign3A_984 = arith.constant 0 : i32
      %sign3A_985 = arith.cmpi sgt, %jit3A_975, %sign3A_984 : i32
      %sign3A_986 = arith.extui %sign3A_985 : i1 to i32
      %sign3A_987 = arith.constant 0 : i32
      %sign3A_988 = arith.cmpi slt, %jit3A_975, %sign3A_987 : i32
      %sign3A_989 = arith.extui %sign3A_988 : i1 to i32
      %sign3A_990 = arith.subi %sign3A_986, %sign3A_989 : i32
      %ne3A_991 = arith.cmpi ne, %sign3A_983, %sign3A_990 : i32
      %rem3A_992 = arith.remsi %add3A_974, %jit3A_975 : i32
      %ne3A_993 = arith.constant 0 : i32
      %ne3A_994 = arith.cmpi ne, %rem3A_992, %ne3A_993 : i32
      %and3A_995 = arith.andi %ne3A_991, %ne3A_994 : i1
      %sub3A_996 = arith.constant 1 : i32
      %sub3A_997 = arith.subi %div3A_976, %sub3A_996 : i32
      %select_n3A_998 = arith.select %and3A_995, %sub3A_997, %div3A_976 : i32
      %broadcast_in_dim3A_999 = arith.constant 0 : i32
      %broadcast_in_dim3A_1000 = vector.broadcast %broadcast_in_dim3A_999 : i32 to vector<16xi32>
      %while3A_1001 = arith.constant 0 : i32
      %while3A_1002 = arith.subi %select_n3A_998, %while3A_1001 : i32
      %while3A_1003 = arith.addi %while3A_1001, %while3A_1002 : i32
      %while3A_1004 = arith.constant 1 : i32
      %while3A_1005 = arith.divsi %while3A_1002, %while3A_1004 : i32
      %while3A_1006 = arith.muli %while3A_1005, %while3A_1004 : i32
      %while3A_1007 = arith.addi %while3A_1001, %while3A_1006 : i32
      %while3A_1008 = arith.constant 1 : i32
      %while3A_1009:2 = scf.for %while3A_1022 = %while3A_1001 to %while3A_1007 step %while3A_1008 iter_args(%while3A_1023 = %broadcast_in_dim3A_3, %while3A_1024 = %broadcast_in_dim3A_1000) -> (vector<16xf32>, vector<16xi32>)  : i32 {
        %mul3A_1025 = arith.constant 16 : i32
        %mul3A_1026 = arith.muli %while3A_1022, %mul3A_1025 : i32
        %get3A_1027 = arith.index_cast %mul3A_1026 : i32 to index
        %get3A_1028 = tpu.vector_load %arg21[%get3A_1027] {strides = array<i32>} : memref<10256xi32, #tpu.memory_space<vmem>>, vector<16xi32>,
        %gather3A = tpu.vector_load_idx %arg9[%get3A_1028] : memref<10240xf32, #tpu.memory_space<vmem>>[vector<16xi32>], vector<16xf32>,
        %gather3A_1029 = tpu.vector_load_idx %arg10[%get3A_1028] : memref<10240xf32, #tpu.memory_space<vmem>>[vector<16xi32>], vector<16xf32>,
        %sub3A_1030 = vector.broadcast %squeeze3A_546 : f32 to vector<16xf32>
        %sub3A_1031 = arith.subf %sub3A_1030, %gather3A : vector<16xf32>
        %sub3A_1032 = vector.broadcast %squeeze3A_548 : f32 to vector<16xf32>
        %sub3A_1033 = arith.subf %sub3A_1032, %gather3A_1029 : vector<16xf32>
        %mul3A_1034 = arith.mulf %sub3A_1031, %sub3A_1031 : vector<16xf32>
        %mul3A_1035 = arith.mulf %sub3A_1033, %sub3A_1033 : vector<16xf32>
        %add3A_1036 = arith.addf %mul3A_1034, %mul3A_1035 : vector<16xf32>
        %masked_sort3A = arith.constant dense<true> : vector<16xi1>
        %masked_sort3A_1037, %masked_sort3A_1038, %masked_sort3A_1039 = tpu.sort %add3A_1036, %get3A_1028 masked %masked_sort3A {descending = true} : (vector<16xf32>, vector<16xi32>, vector<16xi1>) -> (vector<16xi1>, vector<16xf32>, vector<16xi32>)
        %le3A = arith.cmpf ole, %while3A_1023, %masked_sort3A_1038 : vector<16xf32>
        %select_n3A_1040 = arith.select %le3A, %while3A_1023, %masked_sort3A_1038 : vector<16xi1>, vector<16xf32>
        %select_n3A_1041 = arith.select %le3A, %while3A_1024, %masked_sort3A_1039 : vector<16xi1>, vector<16xi32>
        %masked_sort3A_1042 = arith.constant dense<true> : vector<16xi1>
        %masked_sort3A_1043, %masked_sort3A_1044, %masked_sort3A_1045 = tpu.sort %select_n3A_1040, %select_n3A_1041 masked %masked_sort3A_1042 : (vector<16xf32>, vector<16xi32>, vector<16xi1>) -> (vector<16xi1>, vector<16xf32>, vector<16xi32>)
        scf.yield %masked_sort3A_1044, %masked_sort3A_1045 : vector<16xf32>, vector<16xi32>
      }
      %while3A_1010 = arith.constant 1 : i32
      %while3A_1011:2 = scf.for %while3A_1022 = %while3A_1007 to %while3A_1003 step %while3A_1010 iter_args(%while3A_1023 = %while3A_1009#0, %while3A_1024 = %while3A_1009#1) -> (vector<16xf32>, vector<16xi32>)  : i32 {
        %mul3A_1025 = arith.constant 16 : i32
        %mul3A_1026 = arith.muli %while3A_1022, %mul3A_1025 : i32
        %get3A_1027 = arith.index_cast %mul3A_1026 : i32 to index
        %get3A_1028 = tpu.vector_load %arg21[%get3A_1027] {strides = array<i32>} : memref<10256xi32, #tpu.memory_space<vmem>>, vector<16xi32>,
        %gather3A = tpu.vector_load_idx %arg9[%get3A_1028] : memref<10240xf32, #tpu.memory_space<vmem>>[vector<16xi32>], vector<16xf32>,
        %gather3A_1029 = tpu.vector_load_idx %arg10[%get3A_1028] : memref<10240xf32, #tpu.memory_space<vmem>>[vector<16xi32>], vector<16xf32>,
        %sub3A_1030 = vector.broadcast %squeeze3A_546 : f32 to vector<16xf32>
        %sub3A_1031 = arith.subf %sub3A_1030, %gather3A : vector<16xf32>
        %sub3A_1032 = vector.broadcast %squeeze3A_548 : f32 to vector<16xf32>
        %sub3A_1033 = arith.subf %sub3A_1032, %gather3A_1029 : vector<16xf32>
        %mul3A_1034 = arith.mulf %sub3A_1031, %sub3A_1031 : vector<16xf32>
        %mul3A_1035 = arith.mulf %sub3A_1033, %sub3A_1033 : vector<16xf32>
        %add3A_1036 = arith.addf %mul3A_1034, %mul3A_1035 : vector<16xf32>
        %masked_sort3A = arith.constant dense<true> : vector<16xi1>
        %masked_sort3A_1037, %masked_sort3A_1038, %masked_sort3A_1039 = tpu.sort %add3A_1036, %get3A_1028 masked %masked_sort3A {descending = true} : (vector<16xf32>, vector<16xi32>, vector<16xi1>) -> (vector<16xi1>, vector<16xf32>, vector<16xi32>)
        %le3A = arith.cmpf ole, %while3A_1023, %masked_sort3A_1038 : vector<16xf32>
        %select_n3A_1040 = arith.select %le3A, %while3A_1023, %masked_sort3A_1038 : vector<16xi1>, vector<16xf32>
        %select_n3A_1041 = arith.select %le3A, %while3A_1024, %masked_sort3A_1039 : vector<16xi1>, vector<16xi32>
        %masked_sort3A_1042 = arith.constant dense<true> : vector<16xi1>
        %masked_sort3A_1043, %masked_sort3A_1044, %masked_sort3A_1045 = tpu.sort %select_n3A_1040, %select_n3A_1041 masked %masked_sort3A_1042 : (vector<16xf32>, vector<16xi32>, vector<16xi1>) -> (vector<16xi1>, vector<16xf32>, vector<16xi32>)
        scf.yield %masked_sort3A_1044, %masked_sort3A_1045 : vector<16xf32>, vector<16xi32>
      }
      %mul3A_1012 = arith.constant 16 : i32
      %mul3A_1013 = arith.muli %multiple_of3A, %mul3A_1012 : i32
      %add3A_1014 = arith.constant 240 : i32
      %add3A_1015 = arith.addi %mul3A_1013, %add3A_1014 : i32
      %multiple_of3A_1016 = tpu.assume_multiple %add3A_1015, 16 : i32
      %swap3A_1017 = arith.index_cast %multiple_of3A_1016 : i32 to index
      %swap3A_1018 = tpu.vector_load %arg22[%swap3A_1017] {strides = array<i32>} : memref<5120xi32, #tpu.memory_space<vmem>>, vector<16xi32>,
      tpu.vector_store %arg22[%swap3A_1017], %while3A_1011#1 {strides = array<i32>} : memref<5120xi32, #tpu.memory_space<vmem>>, vector<16xi32>,
      %swap3A_1019 = arith.index_cast %multiple_of3A_1016 : i32 to index
      %swap3A_1020 = tpu.vector_load %arg23[%swap3A_1019] {strides = array<i32>} : memref<5120xf32, #tpu.memory_space<vmem>>, vector<16xf32>,
      tpu.vector_store %arg23[%swap3A_1019], %while3A_1011#0 {strides = array<i32>} : memref<5120xf32, #tpu.memory_space<vmem>>, vector<16xf32>,
      %scan3A_1021 = arith.constant 0 : i32
      scf.yield %scan3A_1021 : i32
    }
    %scan3A_11 = arith.constant 20 : i32
    %mul3A_12 = arith.constant 16 : i32
    %mul3A_13 = arith.muli %mul3A_2, %mul3A_12 : i32
    "tpu.region"() ({
      %run_scoped3A = tpu.sem_alloc : memref<!tpu.dma_semaphore, #tpu.memory_space<semaphore_mem>>
      %dma_start3A = tpu.memref_slice %arg7[%mul3A_13] : memref<163840xi32, #tpu.memory_space<hbm>> -> memref<5120xi32, #tpu.memory_space<hbm>>
      %dma_start3A_16 = tpu.memref_slice %arg7[%mul3A_13] : memref<163840xi32, #tpu.memory_space<hbm>> -> memref<5120xi32, #tpu.memory_space<hbm>>
      tpu.enqueue_dma source(%arg22 : memref<5120xi32, #tpu.memory_space<vmem>>) target(%dma_start3A_16 : memref<5120xi32, #tpu.memory_space<hbm>>) target_semaphore(%run_scoped3A : memref<!tpu.dma_semaphore, #tpu.memory_space<semaphore_mem>>)
      %dma_wait3A = tpu.memref_slice %arg7[%mul3A_13] : memref<163840xi32, #tpu.memory_space<hbm>> -> memref<5120xi32, #tpu.memory_space<hbm>>
      %dma_wait3A_17 = tpu.memref_slice %arg7[%mul3A_13] : memref<163840xi32, #tpu.memory_space<hbm>> -> memref<5120xi32, #tpu.memory_space<hbm>>
      tpu.wait_dma2 semaphore(%run_scoped3A : memref<!tpu.dma_semaphore, #tpu.memory_space<semaphore_mem>>) src(%arg22 : memref<5120xi32, #tpu.memory_space<vmem>>) dst(%dma_wait3A_17 : memref<5120xi32, #tpu.memory_space<hbm>>)
      tpu.yield
    }) : () -> ()
    %mul3A_14 = arith.constant 16 : i32
    %mul3A_15 = arith.muli %mul3A_2, %mul3A_14 : i32
    "tpu.region"() ({
      %run_scoped3A = tpu.sem_alloc : memref<!tpu.dma_semaphore, #tpu.memory_space<semaphore_mem>>
      %dma_start3A = tpu.memref_slice %arg8[%mul3A_15] : memref<163840xf32, #tpu.memory_space<hbm>> -> memref<5120xf32, #tpu.memory_space<hbm>>
      %dma_start3A_16 = tpu.memref_slice %arg8[%mul3A_15] : memref<163840xf32, #tpu.memory_space<hbm>> -> memref<5120xf32, #tpu.memory_space<hbm>>
      tpu.enqueue_dma source(%arg23 : memref<5120xf32, #tpu.memory_space<vmem>>) target(%dma_start3A_16 : memref<5120xf32, #tpu.memory_space<hbm>>) target_semaphore(%run_scoped3A : memref<!tpu.dma_semaphore, #tpu.memory_space<semaphore_mem>>)
      %dma_wait3A = tpu.memref_slice %arg8[%mul3A_15] : memref<163840xf32, #tpu.memory_space<hbm>> -> memref<5120xf32, #tpu.memory_space<hbm>>
      %dma_wait3A_17 = tpu.memref_slice %arg8[%mul3A_15] : memref<163840xf32, #tpu.memory_space<hbm>> -> memref<5120xf32, #tpu.memory_space<hbm>>
      tpu.wait_dma2 semaphore(%run_scoped3A : memref<!tpu.dma_semaphore, #tpu.memory_space<semaphore_mem>>) src(%arg23 : memref<5120xf32, #tpu.memory_space<vmem>>) dst(%dma_wait3A_17 : memref<5120xf32, #tpu.memory_space<hbm>>)
      tpu.yield
    }) : () -> ()
    return
  }
}

</mosaic_0001>

<sc_bundles>
// kernel: _knn_sc.3.cloned.1.call-start
scs
__scs_entry_jumppad:
0x0: {  	(pc) =	sbr.rel $0x88, $3  }
0x1: {  	(tag) =	ssettag $0x0;
	lr =	simm.s32 $0x1  }
0x2: {  	[smem:$0x3F9C] =	sst lr;
	_ =	strace $0xD0000000  }
0x3: {  	_ = 	snop  }
0x4: {  	_ = 	snop  }
0x5: {  	_ = 	snop  }
0x6: {  	_ = 	snop  }
0x7: {  	_ = 	snop  }
__scs_overlays_trampoline_lowered:
0x8: {  	[smem:$0x3FAB] =	sst s0  }
0x9: {  	[smem:$0x3FAC] =	sst s1  }
0xa: {  	[smem:$0x3FAD] =	sst s2  }
0xb: {  	[smem:$0x3FAE] =	sst s3  }
0xc: {  	[smem:$0x3FAF] =	sst s4  }
0xd: {  	[smem:$0x3FB0] =	sst s5  }
0xe: {  	[smem:$0x3FB1] =	sst s6  }
0xf: {  	[smem:$0x3FB2] =	sst s7  }
0x10: {  	[smem:$0x3FB3] =	sst s8  }
0x11: {  	[smem:$0x3FB4] =	sst s9;
	s0 =	simm.s32 @!p0 $0x0  }
0x12: {  	s1 =	sld [smem:$0x3F9A];
	s0 =	simm.s32 @p0 $0x1  }
0x13: {  	[smem:$0x3FB5] =	sst s0;
	s0 =	simm.s32 @!p1 $0x0  }
0x14: {  	s2 =	sld [smem:$0x3F99];
	s0 =	simm.s32 @p1 $0x1  }
0x15: {  	[smem:$0x3FB6] =	sst s0;
	s0 =	simm.s32 @!p2 $0x0  }
0x16: {  	s3 =	sld [smem:$0x3FDB];
	s0 =	simm.s32 @p2 $0x1  }
0x17: {  	s4 =	simm.s32 $0x1BF5;
	[smem:$0x3FB8] =	sst s0  }
0x18: {  	s0 =	sld [smem:$0x3F9B];
	_ =	swait.ge [sflag:s4], $0x0  }
0x19: {  	s7 =	sld [smem:$0x3F9C]  }
0x1a: {  	s8 =	sadd.s32 $0xFFFFE003, lr  }
0x1b: {  	s9 =	sadd.s32 $0xFFFFFEF7, lr;
	s5 =	simm.s32 $0xFFFFFFFF;
	p2 =	slt.u32 s8, $0xFFFFF086  }
0x1c: {  	p1 =	slt.u32 s9, $0xF7A;
	s5 =	simm.s32 @!p2 $0x0  }
0x1d: {  	s5 =	simm.s32 @p1 $0x1;
	p0 =	seq.s32 s7, s2  }
0x1e: {  	s7 =	smul.u32 @!p0 $0xF7A, s2;
	p2 =	seq.s32 @!p0 s5, $0x0  }
0x1f: {  	s9 =	smul.u32 $0xF7A, s1;
	s8 =	simm.s32 @!p0 $0x1BF5;
	p2 =	por !p2, p0  }
0x20: {  	[sflag:s8] =	ssyncset.s32 @!p0 $0xFFFFF086;
	s6 =	sadd.s32 @!p0 s3, s7;
	s7 =	simm.s32 @!p0 $0x108  }
0x21: {  	s3 =	sadd.s32 s3, s9;
	s6 =	sadd.s32 @!p0 $0x88, s6;
	s7 =	simm.s32 @p2 $0x1082  }
0x22: {  	[simem:s7], [sflag:s8] =	dma.local @!p0 [hbm:s6], $0xF7A  }
0x23: {  	s9 =	sor.u32 $0xD0000000, s2;
	s6 =	simm.s32 $0x108;
	_ =	swait.ge @!p0 [sflag:s8], $0x0  }
0x24: {  	s3 =	sadd.s32 $0x88, s3;
	s6 =	simm.s32 @!p1 $0x1082;
	[sflag:s4] =	ssyncset.s32 $0xFFFFF086  }
0x25: {  	[simem:s6], [sflag:s4] =	dma.local [hbm:s3], $0xF7A  }
0x26: {  	[smem:$0x3F9C] =	sst s1;
	(tag) =	ssettag s2;
	_ =	strace s9  }
0x27: {  	s1 =	sld [smem:$0x3FAC]  }
0x28: {  	s2 =	sld [smem:$0x3FAD]  }
0x29: {  	s4 =	sld [smem:$0x3FAF]  }
0x2a: {  	p0 =	seq.s32 s5, $0x0;
	s5 =	sld [smem:$0x3FB0]  }
0x2b: {  	s6 =	sld [smem:$0x3FB1]  }
0x2c: {  	s7 =	sld [smem:$0x3FB2]  }
0x2d: {  	s3 =	simm.s32 $0x108;
	s8 =	sld [smem:$0x3FB3]  }
0x2e: {  	s3 =	simm.s32 @!p0 $0x1082;
	s9 =	sld [smem:$0x3FB4]  }
0x2f: {  	lr =	sadd.s32 s0, s3;
	s0 =	sld [smem:$0x3FAB]  }
0x30: {  	s3 =	sld [smem:$0x3FAE]  }
0x31: {  	[smem:$0x3FB7] =	sst s10  }
0x32: {  	s10 =	sld [smem:$0x3FB5];
	_ =	sdelay $0x3  }
0x33: {  	p0 =	seq.s32 s10, $0x1;
	s10 =	sld [smem:$0x3FB7];
	_ =	sdelay $0x3  }
0x34: {  	[smem:$0x3FB7] =	sst s10  }
0x35: {  	s10 =	sld [smem:$0x3FB6];
	_ =	sdelay $0x3  }
0x36: {  	p1 =	seq.s32 s10, $0x1;
	s10 =	sld [smem:$0x3FB7];
	_ =	sdelay $0x3  }
0x37: {  	[smem:$0x3FB7] =	sst s10  }
0x38: {  	s10 =	sld [smem:$0x3FB8]  }
0x39: {  	_ = 	snop;
	(pc) =	sbr.ind lr, $3  }
0x3a: {  	_ = 	snop  }
0x3b: {  	_ = 	snop  }
0x3c: {  	p2 =	seq.s32 s10, $0x1;
	s10 =	sld [smem:$0x3FB7]  }
0x3d: {  	_ =	shalt  }
0x3e: {  	_ =	shalt  }
0x3f: {  	_ =	shalt  }
0x40: {  	_ =	shalt  }
0x41: {  	_ =	shalt  }
0x42: {  	_ =	shalt  }
0x43: {  	_ =	shalt  }
0x44: {  	_ =	shalt  }
0x45: {  	_ =	shalt  }
0x46: {  	_ =	shalt  }
0x47: {  	_ =	shalt  }
0x48: {  	_ =	shalt  }
0x49: {  	_ =	shalt  }
0x4a: {  	_ =	shalt  }
0x4b: {  	_ =	shalt  }
0x4c: {  	_ =	shalt  }
0x4d: {  	_ =	shalt  }
0x4e: {  	_ =	shalt  }
0x4f: {  	_ =	shalt  }
0x50: {  	_ =	shalt  }
0x51: {  	_ =	shalt  }
0x52: {  	_ =	shalt  }
0x53: {  	_ =	shalt  }
0x54: {  	_ =	shalt  }
0x55: {  	_ =	shalt  }
0x56: {  	_ =	shalt  }
0x57: {  	_ =	shalt  }
0x58: {  	_ =	shalt  }
0x59: {  	_ =	shalt  }
0x5a: {  	_ =	shalt  }
0x5b: {  	_ =	shalt  }
0x5c: {  	_ =	shalt  }
0x5d: {  	_ =	shalt  }
0x5e: {  	_ =	shalt  }
0x5f: {  	_ =	shalt  }
0x60: {  	_ =	shalt  }
0x61: {  	_ =	shalt  }
0x62: {  	_ =	shalt  }
0x63: {  	_ =	shalt  }
0x64: {  	_ =	shalt  }
0x65: {  	_ =	shalt  }
0x66: {  	_ =	shalt  }
0x67: {  	_ =	shalt  }
0x68: {  	_ =	shalt  }
0x69: {  	_ =	shalt  }
0x6a: {  	_ =	shalt  }
0x6b: {  	_ =	shalt  }
0x6c: {  	_ =	shalt  }
0x6d: {  	_ =	shalt  }
0x6e: {  	_ =	shalt  }
0x6f: {  	_ =	shalt  }
0x70: {  	_ =	shalt  }
0x71: {  	_ =	shalt  }
0x72: {  	_ =	shalt  }
0x73: {  	_ =	shalt  }
0x74: {  	_ =	shalt  }
0x75: {  	_ =	shalt  }
0x76: {  	_ =	shalt  }
0x77: {  	_ =	shalt  }
0x78: {  	_ =	shalt  }
0x79: {  	_ =	shalt  }
0x7a: {  	_ =	shalt  }
0x7b: {  	_ =	shalt  }
0x7c: {  	_ =	shalt  }
0x7d: {  	_ =	shalt  }
0x7e: {  	_ =	shalt  }
0x7f: {  	_ =	shalt  }
0x80: {  	_ =	shalt  }
0x81: {  	_ =	shalt  }
0x82: {  	_ =	shalt  }
0x83: {  	_ =	shalt  }
0x84: {  	_ =	shalt  }
0x85: {  	_ =	shalt  }
0x86: {  	_ =	shalt  }
0x87: {  	_ =	shalt  }
.Lfunc_end0:
.L_simem_size_0:
called_computation_lowered:
.L_overlay_start_0:
0x88: {  	s2 =	sld [smem:$0x3FD9]  }
0x89: {  	s3 =	sld [smem:$0x3FFE];
	_ =	sdelay $0x1  }
0x8a: {  	s1 =	srdreg.scid  }
0x8b: {  	s0 =	sand.u32 $0x1, s1  }
0x8c: {  	s15 =	sshll.u32 s0, $0xA;
	s2 =	sadd.s32 s3, s2  }
0x8d: {  	s2 =	sadd.s32 s2, s15  }
0x8e: {  	[smem:$0x3FC3] =	sst s2  }
0x8f: {  	_ = 	snop  }
0x90: {  	s2 =	sld [smem:$0x3FC9]  }
0x91: {  	s16 =	sld [smem:$0x3FC8]  }
0x92: {  	s4 =	sld [smem:$0x3FD0]  }
0x93: {  	s5 =	sld [smem:$0x3FC7]  }
0x94: {  	s6 =	sld [smem:$0x3FC6]  }
0x95: {  	s8 =	simm.s32 $0xA;
	s9 =	simm.s32 $0x10;
	s7 =	sld [smem:$0x3FC5]  }
0x96: {  	[smem:s9], [sflag:s8] =	dma.local [hbm:s4], $0x1  }
0x97: {  	_ =	swait.eq [sflag:s8], $0x1  }
0x98: {  	[sflag:s8] =	ssyncset.done $0x0  }
0x99: {  	s17 =	sld [smem:$0x10];
	[sflag:s8] =	ssyncadd.s32 $0xFFFFFFFF  }
0x9a: {  	s18 =	sld [smem:$0x11];
	(tm) =	ssettm $0x1  }
0x9b: {  	s19 =	sld [smem:$0x3FFB];
	_ =	sdelay $0x3  }
0x9c: {  	_ =	strace s19  }
0x9d: {  	s9 =	sld [smem:$0x3FFC];
	_ =	sdelay $0x3  }
0x9e: {  	_ =	strace s9  }
0x9f: {  	s9 =	sld [smem:$0x3FFD];
	_ =	sdelay $0x3  }
0xa0: {  	_ =	strace s9  }
0xa1: {  	_ =	strace $0x8FFFFFFF  }
0xa2: {  	s20 =	sld [smem:$0x3FDB];
	_ =	sdelay $0x1  }
0xa3: {  	s10 =	simm.s32 $_scs_section_size  }
0xa4: {  	s11 =	simm.s32 $_size__tile_overlayer_lowered;
	s12 =	simm.s32 $_tile_overlayer_lowered  }
0xa5: {  	s23 =	simm.s32 $0x1BFF;
	s22 =	sshll.u32 s12, $0x1;
	s9 =	sadd.s32 s10, s20  }
0xa6: {  	s13 =	simm.s32 $0x0;
	s21 =	sshll.u32 s11, $0x1;
	s11 =	sadd.s32 s22, s9  }
0xa7: {  	[timem:s13], [sflag:s23] =	dma.local [hbm:s11], s21  }
0xa8: {  	_ =	swait.ge [sflag:s23], s21  }
0xa9: {  	s10 =	ssub.s32 $0x0, s21;
	[sflag:s23] =	ssyncset.done $0x0  }
0xaa: {  	[sflag:s23] =	ssyncadd.s32 s10;
	_ =	sdelay $0x1  }
0xab: {  	s24 =	simm.s32 $0x1B8B  }
0xac: {  	_ =	swait.ge [sflag:s24], $0x1  }
0xad: {  	[sflag:s24] =	ssyncset.done $0x0  }
0xae: {  	s25 =	simm.s32 $0x1B8E;
	[sflag:s24] =	ssyncadd.s32 $0xFFFFFFFF  }
0xaf: {  	s26 =	simm.s32 $execute0_lowered;
	[smem:$0x3FD2] =	sst s25  }
0xb0: {  	s10 =	sshll.u32 s26, $0x1;
	_ =	strace $0x80000046;
	[dreg:$0x1] =	wrdreg $0xFFFFFFFF  }
0xb1: {  	s28 =	simm.s32 $_size_execute0_lowered;
	s9 =	sadd.s32 s9, s10;
	[dreg:$0x0] =	wrdreg $0x0  }
0xb2: {  	s10 =	sshll.u32 s28, $0x1;
	[dreg:$0x2] =	wrdreg s9  }
0xb3: {  	[dreg:$0x3] =	wrdreg s10  }
0xb4: {  	[dreg:$0x4] =	wrdreg $0xC0  }
0xb5: {  	_ =	task [dreg:s13], $0x5FFFF  }
0xb6: {  	[dreg:$0x1] =	wrdreg $0xFFFFFFFF  }
0xb7: {  	[dreg:$0x0] =	wrdreg $0x60  }
0xb8: {  	[dreg:$0x2] =	wrdreg s2  }
0xb9: {  	[dreg:$0x3] =	wrdreg s16  }
0xba: {  	[dreg:$0x4] =	wrdreg s5  }
0xbb: {  	[dreg:$0x5] =	wrdreg s6  }
0xbc: {  	[dreg:$0x6] =	wrdreg s7  }
0xbd: {  	[dreg:$0x7] =	wrdreg s17  }
0xbe: {  	[dreg:$0x8] =	wrdreg s18  }
0xbf: {  	[dreg:$0x9] =	wrdreg $0x9  }
0xc0: {  	_ =	task.clear_ibuf [dreg:s13], $0xAFFFF;
	_ =	strace $0x90000046  }
0xc1: {  	s29 =	simm.s32 $0x9;
	_ =	strace $0x80000048  }
0xc2: {  	_ =	swait.ge [sflag:s29], $0x1  }
0xc3: {  	[sflag:s29] =	ssyncadd.s32 $0xFFFFFFFF  }
0xc4: {  	_ =	strace $0x90000048  }
0xc5: {  	_ =	sfence  }
0xc6: {  	s30 =	sld [smem:$0x0];
	_ =	sdelay $0x2  }
0xc7: {  	s31 =	sshll.u32 s1, $0xD;
	s1 =	sshrl.u32 s1, $0x2  }
0xc8: {  	s3 =	sand.u32 $0x4000, s31;
	s1 =	sadd.s32 s1, s30  }
0xc9: {  	s0 =	sor.u32 s3, s0;
	s1 =	sshll.u32 s1, $0x11  }
0xca: {  	s0 =	sor.u32 s1, s0  }
0xcb: {  	s0 =	sadd.s32 $0x8F2B, s0  }
0xcc: {  	[sflag:s0] =	ssyncadd.remote.s32 $0x1  }
0xcd: {  	_ =	sfence.sel $0xFFFF  }
0xce: {  	[dreg:$0x0] =	wrdreg $0xFFFFFFFF;
	(pc) =	sbr.abs _section_cstart, $3  }
0xcf: {  	[dreg:$0x1] =	wrdreg $0xFFFFFFFF  }
0xd0: {  	_ =	task.clear_ibuf [dreg:s13], $0x2FFFF;
	_ =	strace $0x9FFFFFFF  }
0xd1: {  	(tm) =	ssettm $0x7FFFFFFF  }
tec
execute0_lowered:
.L_overlay_start_1:
0x0: {  	(tag) =	ssettag $0x1  }
0x1: {  	s0 =	rddreg [dreg:$0x2]  }
0x2: {  	s2 =	rddreg [dreg:$0x3]  }
0x3: {  	s3 =	rddreg [dreg:$0x4]  }
0x4: {  	s8 =	rddreg [dreg:$0x5];
	s4 =	srdreg.scid  }
0x5: {  	s1 =	stileid.u32;
	s9 =	rddreg [dreg:$0x6];
	s12 =	simm.s32 $0x2800  }
0x6: {  	s13 =	simm.s32 $0x5000;
	s14 =	simm.s32 $0x5180;
	s15 =	simm.s32 $0x5300  }
0x7: {  	s16 =	simm.s32 $0x5480;
	s17 =	simm.s32 $0x7D00;
	s18 =	simm.s32 $0xA580  }
0x8: {  	s19 =	simm.s32 $0xCE00;
	s20 =	simm.s32 $0xF680;
	s21 =	simm.s32 $0x11F00  }
0x9: {  	s22 =	simm.s32 $0x14780;
	s5 =	sand.u32 $0x1, s4;
	s31 =	sshll.u32 s1, $0x1  }
0xa: {  	s23 =	simm.s32 $0x17000;
	s24 =	simm.s32 $0x19880;
	s6 =	sor.u32 s5, s31  }
0xb: {  	s25 =	simm.s32 $0x1AC80;
	s26 =	simm.s32 $0x0;
	s7 =	smul.u32 $0x28, s6  }
.Ltmp0:
0xc: {  	s4 =	simm.s32 $0x0;
	s5 =	ssub.s32 $0x2, s5;
	(pc) =	sbr.rel .LBB2_1-.Ltmp0, $4  }
0xd: {  	[smem:$0x7FF] =	sst s4;
	s10 =	sshrl.u32 s5, $0x1;
	s11 =	smul.u32 $0x280, s6  }
0xe: {  	_ =	strace $0x80000047;
	s10 =	ssub.s32 s5, s10;
	s5 =	sadd.s32 s0, s7  }
0xf: {  	s6 =	sadd.s32 s2, s7;
	s7 =	sadd.s32 s3, s7;
	s8 =	sadd.s32 s8, s11  }
0x10: {  	v0 =	vlaneseq.u32;
	v1 =	vimm.s32 $0x1;
	v2 =	vimm.s32 $0x27FF;
	s9 =	sadd.s32 s9, s11;
	s10 =	smax.u32 s10, $0x1;
	s11 =	simm.s32 $0x1  }
.LBB2_167:
0x11: {  	[hbm4b:s8+s4] =	stream.linear.scatter [tilespmem:s24], [sflag:$0x1], $0x1400, $0x38;
	[tilespmem:$0x1C080] =	vst v63  }
0x12: {  	s26 =	sadd.s32 $0x1, s26;
	_ =	swait.ge [sflag:s11], $0x1400  }
0x13: {  	p0 =	sne.s32 s26, s10;
	[sflag:s11] =	ssyncset.done $0x0  }
.Ltmp1:
0x14: {  	[sflag:s11] =	ssyncadd.s32 $0xFFFFEC00;
	(pc) =	sbr.rel @!p0 .LBB2_168-.Ltmp1, $4  }
0x15: {  	[hbm4b:s9+s4] =	stream.linear.scatter [tilespmem:s25], [sflag:$0x1], $0x1400, $0x38;
	[tilespmem:$0x1C080] =	vst v63  }
0x16: {  	_ =	swait.ge [sflag:s11], $0x1400  }
0x17: {  	[sflag:s11] =	ssyncset.done $0x0  }
0x18: {  	[sflag:s11] =	ssyncadd.s32 $0xFFFFEC00  }
.LBB2_1:
0x19: {  	s0 =	rddreg [dreg:$0x0]  }
0x1a: {  	[tilespmem:s4], [sflag:$0x1] =	stream.linear.gather [hbm4b:s0+s4], $0x2800, $0x38;
	[tilespmem:$0x1C080] =	vst v63  }
0x1b: {  	_ =	swait.ge [sflag:s11], $0x2800  }
0x1c: {  	[sflag:s11] =	ssyncset.done $0x0  }
0x1d: {  	[sflag:s11] =	ssyncadd.s32 $0xFFFFD800  }
0x1e: {  	s31 =	rddreg [dreg:$0x1]  }
0x1f: {  	[tilespmem:s12], [sflag:$0x1] =	stream.linear.gather [hbm4b:s31+s4], $0x2800, $0x38;
	[tilespmem:$0x1C080] =	vst v63  }
0x20: {  	_ =	swait.ge [sflag:s11], $0x2800  }
0x21: {  	[sflag:s11] =	ssyncset.done $0x0  }
0x22: {  	[sflag:s11] =	ssyncadd.s32 $0xFFFFD800  }
0x23: {  	[tilespmem:s13], [sflag:$0x1] =	stream.linear.gather [hbm4b:s5+s4], $0x140, $0x38;
	[tilespmem:$0x1C080] =	vst v63  }
0x24: {  	_ =	swait.ge [sflag:s11], $0x140  }
0x25: {  	[sflag:s11] =	ssyncset.done $0x0  }
0x26: {  	[sflag:s11] =	ssyncadd.s32 $0xFFFFFEC0  }
0x27: {  	[tilespmem:s14], [sflag:$0x1] =	stream.linear.gather [hbm4b:s6+s4], $0x140, $0x38;
	[tilespmem:$0x1C080] =	vst v63  }
0x28: {  	_ =	swait.ge [sflag:s11], $0x140  }
0x29: {  	[sflag:s11] =	ssyncset.done $0x0  }
.Ltmp2:
0x2a: {  	[sflag:s11] =	ssyncadd.s32 $0xFFFFFEC0;
	(pc) =	sbr.rel .LBB2_2-.Ltmp2, $4  }
0x2b: {  	[tilespmem:s15], [sflag:$0x1] =	stream.linear.gather [hbm4b:s7+s4], $0x140, $0x38;
	[tilespmem:$0x1C080] =	vst v63  }
0x2c: {  	_ =	swait.ge [sflag:s11], $0x140  }
0x2d: {  	[sflag:s11] =	ssyncset.done $0x0  }
0x2e: {  	s28 =	simm.s32 $0x0;
	[sflag:s11] =	ssyncadd.s32 $0xFFFFFEC0  }
.LBB2_158:
0x2f: {  	v13 =	vimm.f32 $+Inf;
	v14 =	vimm.s32 $0x0;
	v3 =	vmov v5  }
.LBB2_165:
0x30: {  	vm0 =	vle.f32 @p1 v13, v7  }
0x31: {  	(xrf1) =	vsort.dscd.msk.f32 @p0 $0xffff, v11, v5;
	v5 =	vsel @p1 vm0, v13, v7;
	v7 =	vsel @p1 vm0, v14, v12  }
0x32: {  	(xrf1) =	vsort.ascd.msk.f32 @p1 $0xffff, v5, v7;
	_ =	sdelay $0x4  }
0x33: {  	v62 =	vld.idx.msk [tilespmem:v3+s4+$0x0], $0xffff  }
0x34: {  	v7 =	vld.idx.msk [tilespmem:v3+s12+$0x0], $0xffff;
	_ =	sdelay $0x4  }
0x35: {  	v4 =	vsub.f32 v4, v62;
	v63 =	vsub.f32 v6, v7;
	_ =	sdelay $0x1  }
0x36: {  	v4 =	vmul.f32 v4, v4;
	v5 =	vmul.f32 v63, v63;
	v6, v7, _ =	vpop @p0 (xrf1)  }
0x37: {  	v10, v11, _ =	vpop @p1 (xrf1)  }
0x38: {  	v4 =	vadd.f32 v5, v4;
	v6 =	vpsel p0, v6, v0;
	v5 =	vpsel p1, v10, v8  }
0x39: {  	v7 =	vpsel p0, v7, v0;
	v10 =	vpsel p1, v11, v9;
	vm0 =	vle.f32 @p0 v5, v6  }
0x3a: {  	(xrf1) =	vsort.dscd.msk.f32 $0xffff, v4, v3;
	v3 =	vsel @p0 vm0, v5, v6;
	v4 =	vsel @p0 vm0, v10, v7  }
0x3b: {  	(xrf1) =	vsort.ascd.msk.f32 @p0 $0xffff, v3, v4;
	_ =	sdelay $0xc  }
0x3c: {  	v3, v4, _ =	vpop (xrf1)  }
0x3d: {  	v5, v6, _ =	vpop @p0 (xrf1)  }
0x3e: {  	v5 =	vpsel p0, v5, v8  }
0x3f: {  	v6 =	vpsel p0, v6, v9;
	vm15 =	vle.f32 v5, v3  }
0x40: {  	v3 =	vsel vm15, v5, v3;
	v4 =	vsel vm15, v6, v4  }
0x41: {  	(xrf1) =	vsort.ascd.msk.f32 $0xffff, v3, v4;
	_ =	sdelay $0xd  }
0x42: {  	v8, v9, _ =	vpop (xrf1)  }
.LBB2_166:
0x43: {  	s28 =	sadd.s32 $0x1, s28  }
0x44: {  	p0 =	sne.s32 s28, $0x14  }
.Ltmp3:
0x45: {  	_ = 	snop;
	(pc) =	sbr.rel @!p0 .LBB2_167-.Ltmp3, $3  }
0x46: {  	_ =	sdelay $0x1  }
0x47: {  	[tilespmem:s29+$0x19970] =	vst v9  }
0x48: {  	[tilespmem:s29+$0x1AD70] =	vst v8  }
.LBB2_2:
0x49: {  	s0 =	sshll.u32 s28, $0x4  }
0x4a: {  	v4 =	vld [tilespmem:s0+$0x5000]  }
0x4b: {  	v5 =	vld [tilespmem:s0+$0x5180]  }
0x4c: {  	v3 =	vld [tilespmem:s0+$0x5300];
	_ =	sdelay $0x3  }
0x4d: {  	v23 =	vbroadcast v4, $0x0;
	v24 =	vbroadcast v5, $0x0  }
0x4e: {  	v27 =	vbroadcast v3, $0x0;
	v20 =	vbroadcast v4, $0x1  }
0x4f: {  	s29 =	simm.s32 $0x2810;
	v21 =	vbroadcast v5, $0x1;
	v22 =	vbroadcast v3, $0x1  }
0x50: {  	s30 =	simm.s32 $0x10;
	v28 =	vld [tilespmem:s29+$0xFFFFFFF0];
	v17 =	vbroadcast v4, $0x2;
	v18 =	vbroadcast v5, $0x2  }
0x51: {  	v29 =	vld [tilespmem:s30+$0xFFFFFFF0];
	v16 =	vbroadcast v3, $0x2;
	v14 =	vbroadcast v4, $0x3  }
0x52: {  	v15 =	vbroadcast v5, $0x3;
	v19 =	vbroadcast v3, $0x3  }
0x53: {  	v12 =	vbroadcast v4, $0x4;
	v6 =	vbroadcast v5, $0x7  }
0x54: {  	v13 =	vbroadcast v5, $0x4;
	v25 =	vbroadcast v3, $0x4  }
0x55: {  	v11 =	vbroadcast v5, $0x5;
	v30 =	vsub.f32 v24, v28;
	v31 =	vsub.f32 v6, v28  }
0x56: {  	v9 =	vbroadcast v5, $0x6;
	v32 =	vsub.f32 v13, v28;
	v33 =	vsub.f32 v20, v29  }
0x57: {  	v10 =	vbroadcast v4, $0x5;
	v34 =	vsub.f32 v11, v28;
	v35 =	vsub.f32 v17, v29  }
0x58: {  	v26 =	vbroadcast v3, $0x5;
	v36 =	vsub.f32 v9, v28;
	v37 =	vsub.f32 v23, v29  }
0x59: {  	v8 =	vbroadcast v4, $0x6;
	v38 =	vsub.f32 v21, v28;
	v39 =	vsub.f32 v18, v28  }
0x5a: {  	v7 =	vbroadcast v4, $0x7;
	v40 =	vsub.f32 v10, v29;
	v28 =	vsub.f32 v15, v28  }
0x5b: {  	v41 =	vsub.f32 v14, v29;
	v30 =	vmul.f32 v30, v30;
	v32 =	vmul.f32 v32, v32  }
0x5c: {  	v57 =	vsub.f32 v12, v29;
	v33 =	vmul.f32 v33, v33;
	v37 =	vmul.f32 v37, v37  }
0x5d: {  	v42 =	vsub.f32 v8, v29;
	v35 =	vmul.f32 v35, v35;
	v34 =	vmul.f32 v34, v34  }
0x5e: {  	v40 =	vmul.f32 v40, v40;
	v55 =	vmul.f32 v38, v38;
	v30 =	vadd.f32 v30, v37  }
0x5f: {  	v29 =	vsub.f32 v7, v29;
	v56 =	vmul.f32 v39, v39;
	v41 =	vmul.f32 v41, v41  }
0x60: {  	v28 =	vmul.f32 v28, v28;
	vm0 =	vle.f32 v30, v27;
	v30 =	vadd.f32 v55, v33  }
0x61: {  	v36 =	vmul.f32 v36, v36;
	v59 =	vmul.f32 v57, v57;
	v58 =	vadd.f32 v56, v35  }
0x62: {  	v60 =	vmul.f32 v42, v42;
	v28 =	vadd.f32 v28, v41;
	(xrf0) =	vadd.scan.msk.s32 vm0, v1;
	vm1 =	vle.f32 v30, v22  }
0x63: {  	v61 =	vmul.f32 v29, v29;
	v32 =	vadd.f32 v32, v59;
	vm2 =	vle.f32 v58, v16;
	(xrf0) =	vadd.scan.msk.s32 vm1, v1  }
0x64: {  	v31 =	vmul.f32 v31, v31;
	vm4 =	vle.f32 v28, v19;
	v30 =	vadd.f32 v34, v40;
	(xrf0) =	vadd.scan.msk.s32 vm2, v1  }
0x65: {  	v62 =	vadd.f32 v36, v60;
	v28 =	vbroadcast v3, $0x6;
	vm3 =	vle.f32 v32, v25;
	(xrf0) =	vadd.scan.msk.s32 vm4, v1  }
0x66: {  	v29 =	vbroadcast v3, $0x7;
	vm5 =	vle.f32 v30, v26;
	v30 =	vadd.f32 v31, v61;
	(xrf0) =	vadd.scan.msk.s32 vm3, v1  }
0x67: {  	vm6 =	vle.f32 v62, v28;
	(xrf0) =	vadd.scan.msk.s32 vm5, v1  }
0x68: {  	v63 =	vimm.s32 $0xFFFFFFFF;
	vm7 =	vle.f32 v30, v29;
	v31, _, _ =	vpop (xrf0);
	(xrf0) =	vadd.scan.msk.s32 vm6, v1  }
0x69: {  	v30 =	vadd.s32 v63, v31;
	v31, _, _ =	vpop (xrf0);
	(xrf0) =	vadd.scan.msk.s32 vm7, v1  }
0x6a: {  	v31 =	vadd.s32 v63, v31;
	v45, _, _ =	vpop (xrf0)  }
0x6b: {  	v32 =	vadd.s32 v63, v45;
	v46, _, _ =	vpop (xrf0)  }
0x6c: {  	s3 =	simm.s32 $0x0;
	v33 =	vadd.s32 v63, v46;
	v47, _, _ =	vpop (xrf0)  }
0x6d: {  	v48 =	vor.u32 s3, v0;
	v34 =	vadd.s32 v63, v47;
	v49, _, _ =	vpop (xrf0)  }
0x6e: {  	[tilespmem:v30+s16+$0x0] =	vst.idx.msk vm0, v48;
	v30 =	vadd.s32 v63, v49;
	v50, _, _ =	vpop (xrf0)  }
0x6f: {  	[tilespmem:v31+s17+$0x0] =	vst.idx.msk vm1, v48;
	v31 =	vadd.s32 v63, v50;
	v51, _, _ =	vpop (xrf0)  }
0x70: {  	[tilespmem:v32+s18+$0x0] =	vst.idx.msk vm2, v48;
	v52 =	vadd.s32 v63, v51  }
0x71: {  	[tilespmem:v33+s19+$0x0] =	vst.idx.msk vm4, v48  }
0x72: {  	[tilespmem:v34+s20+$0x0] =	vst.idx.msk vm3, v48  }
0x73: {  	[tilespmem:v30+s21+$0x0] =	vst.idx.msk vm5, v48  }
0x74: {  	[tilespmem:v31+s22+$0x0] =	vst.idx.msk vm6, v48  }
0x75: {  	[tilespmem:v52+s23+$0x0] =	vst.idx.msk vm7, v48  }
0x76: {  	v53 =	vmpcnt.ones.xlane vm2;
	v54 =	vmpcnt.ones.xlane vm4;
	v43 =	vld [tilespmem:s30+$0x0]  }
0x77: {  	v58 =	vmpcnt.ones.xlane vm3;
	v55 =	vmpcnt.ones.xlane vm1;
	v44 =	vld [tilespmem:s29+$0x0]  }
0x78: {  	v56 =	vmpcnt.ones.xlane vm6;
	v36 =	vadd.s32 v63, v54;
	v30 =	vmpcnt.ones.xlane vm0  }
0x79: {  	v39 =	vadd.s32 v63, v53;
	v57 =	vmpcnt.ones.xlane vm7;
	v33 =	vadd.s32 v63, v55  }
0x7a: {  	v34 =	vadd.s32 v63, v58;
	v31 =	vmpcnt.ones.xlane vm5;
	v40 =	vadd.s32 v63, v30  }
0x7b: {  	v30 =	vadd.s32 v63, v57;
	v59 =	vsub.f32 v23, v43;
	v60 =	vsub.f32 v20, v43  }
0x7c: {  	v32 =	vadd.s32 v63, v31;
	v61 =	vsub.f32 v24, v44;
	v45 =	vsub.f32 v21, v44  }
0x7d: {  	v31 =	vadd.s32 v63, v56;
	v62 =	vsub.f32 v17, v43;
	v63 =	vsub.f32 v18, v44  }
0x7e: {  	v46 =	vsub.f32 v15, v44;
	v38 =	vmul.f32 v59, v59;
	v42 =	vmul.f32 v61, v61  }
0x7f: {  	v41 =	vsub.f32 v14, v43;
	v47 =	vmul.f32 v60, v60;
	v45 =	vmul.f32 v45, v45  }
0x80: {  	v48 =	vmul.f32 v62, v62;
	v49 =	vmul.f32 v63, v63;
	v38 =	vadd.f32 v42, v38  }
0x81: {  	v37 =	vmul.f32 v46, v46;
	v35 =	vadd.f32 v45, v47;
	v42 =	vsub.f32 v13, v44  }
0x82: {  	s2 =	simm.s32 $0x30;
	s31 =	simm.s32 $0x10;
	s3 =	simm.s32 $0x0;
	v45 =	vsub.f32 v12, v43;
	vm0 =	vle.f32 v38, v27;
	v38 =	vadd.f32 v49, v48  }
.LBB2_3:
0x83: {  	s3 =	sadd.s32 $0x2, s3;
	v46 =	vmpcnt.ones.xlane vm0;
	v47 =	vsub.f32 v10, v43;
	v48 =	vsub.f32 v11, v44;
	s30 =	sadd.s32 $0x20, s30;
	s29 =	sadd.s32 $0x20, s29  }
0x84: {  	v49 =	vsub.f32 v8, v43;
	v50 =	vsub.f32 v9, v44;
	p0 =	slt.u32 s3, $0x27E;
	v45 =	vmul.f32 v45, v45  }
0x85: {  	v44 =	vsub.f32 v6, v44;
	v47 =	vmul.f32 v47, v47;
	v48 =	vmul.f32 v48, v48  }
0x86: {  	v41 =	vmul.f32 v41, v41;
	v43 =	vsub.f32 v7, v43;
	v50 =	vmul.f32 v50, v50  }
0x87: {  	v42 =	vmul.f32 v42, v42;
	v44 =	vmul.f32 v44, v44;
	v47 =	vadd.f32 v48, v47  }
0x88: {  	vm1 =	vle.f32 v35, v22;
	v35 =	vadd.f32 v37, v41;
	v37 =	vmul.f32 v49, v49;
	(xrf0) =	vadd.scan.msk.s32 vm0, v1  }
0x89: {  	vm2 =	vle.f32 v38, v16;
	v41 =	vmul.f32 v43, v43;
	v38 =	vadd.f32 v42, v45;
	(xrf0) =	vadd.scan.msk.s32 vm1, v1  }
0x8a: {  	v42 =	vmpcnt.ones.xlane vm2;
	vm3 =	vle.f32 v35, v19;
	v43 =	vadd.f32 v50, v37;
	(xrf0) =	vadd.scan.msk.s32 vm2, v1  }
0x8b: {  	v44 =	vadd.f32 v44, v41;
	v37 =	vmpcnt.ones.xlane vm3;
	vm4 =	vle.f32 v38, v25;
	(xrf0) =	vadd.scan.msk.s32 vm3, v1  }
0x8c: {  	v35 =	vadd.s32 v39, v42;
	v38 =	vmpcnt.ones.xlane vm4;
	vm5 =	vle.f32 v47, v26;
	(xrf0) =	vadd.scan.msk.s32 vm4, v1  }
0x8d: {  	vm6 =	vle.f32 v43, v28;
	v37 =	vadd.s32 v36, v37;
	v47 =	vmpcnt.ones.xlane vm5;
	(xrf0) =	vadd.scan.msk.s32 vm5, v1  }
0x8e: {  	vm7 =	vle.f32 v44, v29;
	v49 =	vmpcnt.ones.xlane vm6;
	v38 =	vadd.s32 v34, v38;
	v41, _, _ =	vpop (xrf0);
	(xrf0) =	vadd.scan.msk.s32 vm6, v1  }
0x8f: {  	v50 =	vmpcnt.ones.xlane vm7;
	v44 =	vadd.s32 v40, v41;
	v41 =	vadd.s32 v32, v47;
	v42, _, _ =	vpop (xrf0);
	(xrf0) =	vadd.scan.msk.s32 vm7, v1  }
0x90: {  	v48 =	vmpcnt.ones.xlane vm1;
	v47 =	vadd.s32 v33, v42;
	v42 =	vadd.s32 v31, v49;
	v43, _, _ =	vpop (xrf0)  }
0x91: {  	v40 =	vadd.s32 v40, v46;
	v43 =	vadd.s32 v39, v43;
	v39 =	vadd.s32 v30, v50;
	v45, _, _ =	vpop (xrf0)  }
0x92: {  	v33 =	vadd.s32 v33, v48;
	v36 =	vadd.s32 v36, v45;
	v45, _, _ =	vpop (xrf0)  }
0x93: {  	v46 =	vor.u32 s31, v0;
	s31 =	smov.u32 s2;
	v34 =	vadd.s32 v34, v45;
	v45, _, _ =	vpop (xrf0)  }
0x94: {  	[tilespmem:v44+s16+$0x0] =	vst.idx.msk vm0, v46;
	v32 =	vadd.s32 v32, v45;
	v44, _, _ =	vpop (xrf0)  }
0x95: {  	[tilespmem:v47+s17+$0x0] =	vst.idx.msk vm1, v46;
	v31 =	vadd.s32 v31, v44;
	v44, _, _ =	vpop (xrf0)  }
0x96: {  	[tilespmem:v43+s18+$0x0] =	vst.idx.msk vm2, v46;
	v30 =	vadd.s32 v30, v44  }
0x97: {  	[tilespmem:v36+s19+$0x0] =	vst.idx.msk vm3, v46  }
0x98: {  	[tilespmem:v34+s20+$0x0] =	vst.idx.msk vm4, v46  }
0x99: {  	[tilespmem:v32+s21+$0x0] =	vst.idx.msk vm5, v46  }
0x9a: {  	[tilespmem:v31+s22+$0x0] =	vst.idx.msk vm6, v46  }
0x9b: {  	[tilespmem:v30+s23+$0x0] =	vst.idx.msk vm7, v46  }
0x9c: {  	v30 =	vld [tilespmem:s29+$0xFFFFFFF0]  }
0x9d: {  	v31 =	vld [tilespmem:s30+$0xFFFFFFF0];
	_ =	sdelay $0x3  }
0x9e: {  	v32 =	vsub.f32 v24, v30;
	v34 =	vsub.f32 v6, v30  }
0x9f: {  	v43 =	vsub.f32 v13, v30;
	v36 =	vsub.f32 v12, v31  }
0xa0: {  	v45 =	vsub.f32 v11, v30;
	v44 =	vsub.f32 v20, v31;
	v32 =	vmul.f32 v32, v32  }
0xa1: {  	v47 =	vsub.f32 v9, v30;
	v46 =	vsub.f32 v17, v31;
	v43 =	vmul.f32 v43, v43  }
0xa2: {  	v49 =	vsub.f32 v21, v30;
	v48 =	vsub.f32 v23, v31;
	v44 =	vmul.f32 v44, v44  }
0xa3: {  	v50 =	vsub.f32 v18, v30;
	v51 =	vsub.f32 v10, v31;
	v46 =	vmul.f32 v46, v46  }
0xa4: {  	v30 =	vsub.f32 v15, v30;
	v45 =	vmul.f32 v45, v45;
	v48 =	vmul.f32 v48, v48  }
0xa5: {  	v52 =	vsub.f32 v14, v31;
	v47 =	vmul.f32 v47, v47;
	v51 =	vmul.f32 v51, v51  }
0xa6: {  	v32 =	vadd.f32 v32, v48;
	v48 =	vmul.f32 v49, v49;
	v49 =	vmul.f32 v50, v50  }
0xa7: {  	v30 =	vmul.f32 v30, v30;
	v50 =	vmul.f32 v52, v52;
	v52 =	vsub.f32 v8, v31  }
0xa8: {  	vm0 =	vle.f32 v32, v27;
	v32 =	vadd.f32 v48, v44;
	v44 =	vadd.f32 v49, v46  }
0xa9: {  	v36 =	vmul.f32 v36, v36;
	v31 =	vsub.f32 v7, v31;
	v30 =	vadd.f32 v30, v50;
	(xrf0) =	vadd.scan.msk.s32 vm0, v1  }
0xaa: {  	v46 =	vmpcnt.ones.xlane vm0;
	vm2 =	vle.f32 v32, v22;
	v32 =	vadd.f32 v45, v51  }
0xab: {  	v36 =	vadd.f32 v43, v36;
	v43 =	vmul.f32 v52, v52;
	vm1 =	vle.f32 v44, v16;
	(xrf0) =	vadd.scan.msk.s32 vm2, v1  }
0xac: {  	vm3 =	vle.f32 v30, v19;
	v30 =	vmul.f32 v31, v31;
	v31 =	vmul.f32 v34, v34;
	(xrf0) =	vadd.scan.msk.s32 vm1, v1  }
0xad: {  	vm4 =	vle.f32 v36, v25;
	v34 =	vadd.f32 v47, v43;
	v45 =	vmpcnt.ones.xlane vm1;
	(xrf0) =	vadd.scan.msk.s32 vm3, v1  }
0xae: {  	v36 =	vmpcnt.ones.xlane vm3;
	vm5 =	vle.f32 v32, v26;
	v30 =	vadd.f32 v31, v30;
	(xrf0) =	vadd.scan.msk.s32 vm4, v1  }
0xaf: {  	v47 =	vmpcnt.ones.xlane vm4;
	vm6 =	vle.f32 v34, v28;
	v31 =	vmpcnt.ones.xlane vm5;
	v32, _, _ =	vpop (xrf0);
	(xrf0) =	vadd.scan.msk.s32 vm5, v1  }
0xb0: {  	v34 =	vmpcnt.ones.xlane vm2;
	v48 =	vmpcnt.ones.xlane vm6;
	vm7 =	vle.f32 v30, v29;
	(xrf0) =	vadd.scan.msk.s32 vm6, v1  }
0xb1: {  	v49 =	vmpcnt.ones.xlane vm7;
	v30 =	vadd.s32 v40, v32;
	v32, _, _ =	vpop (xrf0);
	(xrf0) =	vadd.scan.msk.s32 vm7, v1  }
0xb2: {  	v32 =	vadd.s32 v33, v32;
	v43, _, _ =	vpop (xrf0)  }
0xb3: {  	v43 =	vadd.s32 v35, v43;
	v44, _, _ =	vpop (xrf0)  }
0xb4: {  	s0 =	sadd.s32 $0xFFFFFFF0, s2;
	v44 =	vadd.s32 v37, v44;
	v50, _, _ =	vpop (xrf0)  }
0xb5: {  	v51 =	vor.u32 s0, v0;
	v50 =	vadd.s32 v38, v50;
	v52, _, _ =	vpop (xrf0)  }
0xb6: {  	[tilespmem:v30+s16+$0x0] =	vst.idx.msk vm0, v51;
	v30 =	vadd.s32 v41, v52;
	v52, _, _ =	vpop (xrf0)  }
0xb7: {  	[tilespmem:v32+s17+$0x0] =	vst.idx.msk vm2, v51;
	v32 =	vadd.s32 v42, v52;
	v52, _, _ =	vpop (xrf0)  }
0xb8: {  	[tilespmem:v43+s18+$0x0] =	vst.idx.msk vm1, v51;
	v43 =	vadd.s32 v39, v52  }
0xb9: {  	[tilespmem:v44+s19+$0x0] =	vst.idx.msk vm3, v51  }
0xba: {  	[tilespmem:v50+s20+$0x0] =	vst.idx.msk vm4, v51  }
0xbb: {  	[tilespmem:v30+s21+$0x0] =	vst.idx.msk vm5, v51  }
0xbc: {  	[tilespmem:v32+s22+$0x0] =	vst.idx.msk vm6, v51  }
0xbd: {  	[tilespmem:v43+s23+$0x0] =	vst.idx.msk vm7, v51  }
0xbe: {  	v43 =	vld [tilespmem:s30+$0x0]  }
0xbf: {  	v44 =	vld [tilespmem:s29+$0x0];
	_ =	sdelay $0x1  }
0xc0: {  	v40 =	vadd.s32 v40, v46;
	v33 =	vadd.s32 v33, v34  }
0xc1: {  	v30 =	vadd.s32 v39, v49;
	v32 =	vadd.s32 v41, v31;
	v31 =	vadd.s32 v42, v48  }
0xc2: {  	v34 =	vadd.s32 v38, v47;
	v38 =	vsub.f32 v23, v43;
	v41 =	vsub.f32 v20, v43  }
0xc3: {  	v36 =	vadd.s32 v37, v36;
	v37 =	vsub.f32 v24, v44;
	v42 =	vsub.f32 v21, v44  }
0xc4: {  	v39 =	vadd.s32 v35, v45;
	v35 =	vsub.f32 v17, v43;
	v45 =	vsub.f32 v18, v44  }
.Ltmp4:
0xc5: {  	v46 =	vsub.f32 v15, v44;
	v38 =	vmul.f32 v38, v38;
	v37 =	vmul.f32 v37, v37;
	(pc) =	sbr.rel @p0 .LBB2_3-.Ltmp4, $4  }
0xc6: {  	v47 =	vmul.f32 v41, v41;
	v41 =	vsub.f32 v14, v43;
	v42 =	vmul.f32 v42, v42  }
0xc7: {  	v48 =	vmul.f32 v35, v35;
	v45 =	vmul.f32 v45, v45;
	v38 =	vadd.f32 v37, v38  }
0xc8: {  	v35 =	vadd.f32 v42, v47;
	v37 =	vmul.f32 v46, v46;
	v42 =	vsub.f32 v13, v44  }
0xc9: {  	s2 =	sadd.s32 $0x20, s2;
	vm0 =	vle.f32 v38, v27;
	v38 =	vadd.f32 v45, v48;
	v45 =	vsub.f32 v12, v43  }
0xca: {  	v27 =	vmpcnt.ones.xlane vm0;
	_ =	sdelay $0x1  }
0xcb: {  	v27 =	vadd.s32 v40, v27  }
0xcc: {  	(v2sf) =	vpush v27, $0x0  }
0xcd: {  	v46 =	vsub.f32 v10, v43  }
0xce: {  	v47 =	vsub.f32 v11, v44;
	v48 =	vsub.f32 v8, v43  }
0xcf: {  	v49 =	vsub.f32 v9, v44;
	v54 =	vsub.f32 v6, v44  }
0xd0: {  	v41 =	vmul.f32 v41, v41;
	v56 =	vsub.f32 v7, v43;
	v42 =	vmul.f32 v42, v42  }
0xd1: {  	vm1 =	vle.f32 v35, v22;
	v45 =	vmul.f32 v45, v45;
	vm7 =	vle.f32 v38, v16  }
0xd2: {  	v46 =	vmul.f32 v46, v46;
	v22 =	vadd.f32 v37, v41;
	v58 =	vmul.f32 v54, v54  }
0xd3: {  	(xrf0) =	vadd.scan.msk.s32 vm0, v1;
	v59 =	vmul.f32 v56, v56;
	v27 =	vmul.f32 v47, v47;
	v16 =	vadd.f32 v42, v45  }
0xd4: {  	(xrf0) =	vadd.scan.msk.s32 vm1, v1;
	v55 =	vmul.f32 v49, v49;
	v57 =	vmul.f32 v48, v48;
	vm6 =	vle.f32 v22, v19  }
0xd5: {  	(xrf0) =	vadd.scan.msk.s32 vm7, v1;
	v27 =	vadd.f32 v27, v46;
	vm5 =	vle.f32 v16, v25;
	v16 =	vadd.f32 v58, v59  }
0xd6: {  	v19 =	vadd.f32 v55, v57;
	(xrf0) =	vadd.scan.msk.s32 vm6, v1  }
0xd7: {  	(xrf0) =	vadd.scan.msk.s32 vm5, v1;
	vm4 =	vle.f32 v27, v26  }
0xd8: {  	vm3 =	vle.f32 v19, v28;
	(xrf0) =	vadd.scan.msk.s32 vm4, v1  }
0xd9: {  	vm2 =	vle.f32 v16, v29;
	v16, _, _ =	vpop (xrf0);
	(xrf0) =	vadd.scan.msk.s32 vm3, v1  }
0xda: {  	v16 =	vadd.s32 v40, v16;
	v19, _, _ =	vpop (xrf0);
	(xrf0) =	vadd.scan.msk.s32 vm2, v1  }
0xdb: {  	v19 =	vadd.s32 v33, v19;
	v22, _, _ =	vpop (xrf0);
	s2 =	spop (v2sf)  }
0xdc: {  	v22 =	vadd.s32 v39, v22;
	v25, _, _ =	vpop (xrf0);
	s0 =	sadd.s32 $0x10, s2;
	s3 =	sand.u32 $0xF, s2  }
0xdd: {  	v28 =	vor.u32 s31, v0;
	v25 =	vadd.s32 v36, v25;
	v26, _, _ =	vpop (xrf0);
	p0 =	sne.s32 s3, $0x0;
	s31 =	sshra.s32 s0, $0x1F;
	p1 =	slt.s32 s0, $0x1  }
0xde: {  	v29 =	vadd.s32 v34, v26;
	v26, _, _ =	vpop (xrf0);
	s3 =	sshrl.u32 s31, $0x1C;
	p0 =	por !p1, !p0  }
0xdf: {  	[tilespmem:v16+s16+$0x0] =	vst.idx.msk vm0, v28;
	v16 =	vadd.s32 v32, v26;
	v26, _, _ =	vpop (xrf0);
	s0 =	sadd.s32 s3, s0;
	p0 =	por !p0, !p0;
	s3 =	simm.s32 $0x1  }
0xe0: {  	[tilespmem:v19+s17+$0x0] =	vst.idx.msk vm1, v28;
	v60 =	vadd.s32 v31, v26;
	v19, _, _ =	vpop (xrf0);
	s0 =	sshra.s32 s0, $0x4;
	s3 =	simm.s32 @!p0 $0x0  }
0xe1: {  	v27 =	vmpcnt.ones.xlane vm7;
	[tilespmem:v22+s18+$0x0] =	vst.idx.msk vm7, v28;
	v61 =	vadd.s32 v30, v19;
	s0 =	ssub.s32 s0, s3  }
0xe2: {  	v26 =	vmpcnt.ones.xlane vm6;
	v19 =	vmpcnt.ones.xlane vm5;
	[tilespmem:v25+s19+$0x0] =	vst.idx.msk vm6, v28;
	p0 =	slt.s32 s0, $0x1  }
.Ltmp5:
0xe3: {  	v62 =	vmpcnt.ones.xlane vm3;
	v27 =	vadd.s32 v39, v27;
	v22 =	vmpcnt.ones.xlane vm4;
	[tilespmem:v29+s20+$0x0] =	vst.idx.msk vm5, v28;
	(pc) =	sbr.rel @p0 .LBB2_14-.Ltmp5, $4  }
0xe4: {  	v26 =	vadd.s32 v36, v26;
	v25 =	vadd.s32 v34, v19;
	v29 =	vmpcnt.ones.xlane vm2;
	[tilespmem:v16+s21+$0x0] =	vst.idx.msk vm4, v28  }
0xe5: {  	v63 =	vmpcnt.ones.xlane vm1;
	v22 =	vadd.s32 v32, v22;
	v19 =	vadd.s32 v31, v62;
	[tilespmem:v60+s22+$0x0] =	vst.idx.msk vm3, v28  }
0xe6: {  	v31 =	vimm.f32 $+Inf;
	v32 =	vimm.s32 $0x0;
	v16 =	vadd.s32 v30, v29;
	[tilespmem:v61+s23+$0x0] =	vst.idx.msk vm2, v28  }
0xe7: {  	v30 =	vadd.s32 v33, v63;
	v29 =	vimm.s32 $0x0;
	v28 =	vimm.f32 $+Inf;
	[tilespmem:s2+$0x5481] =	vst v2;
	s2 =	simm.s32 $0x5480  }
0xe8: {  	p2 =	sne.s32 s0, $0x1  }
.Ltmp6:
0xe9: {  	_ = 	snop;
	(pc) =	sbr.rel @!p2 .LBB2_6-.Ltmp6, $2  }
0xea: {  	_ =	sdelay $0x2  }
0xeb: {  	v32 =	vld [tilespmem:s2+$0x0];
	s0 =	sadd.s32 $0xFFFFFFFF, s0;
	p0 =	por $0x0, $0x0;
	p1 =	por $0x0, $0x0  }
0xec: {  	_ =	sdelay $0x7  }
0xed: {  	v31 =	vld.idx.msk [tilespmem:v32+s4+$0x0], $0xffff  }
0xee: {  	v33 =	vld.idx.msk [tilespmem:v32+s12+$0x0], $0xffff;
	_ =	sdelay $0x3  }
0xef: {  	p2 =	sne.s32 s0, $0x1;
	v31 =	vsub.f32 v23, v31  }
.Ltmp7:
0xf0: {  	s2 =	simm.s32 $0x5490;
	v33 =	vsub.f32 v24, v33;
	(pc) =	sbr.rel @!p2 .LBB2_8-.Ltmp7, $3  }
0xf1: {  	v34 =	vmul.f32 v31, v31;
	v31 =	vld [tilespmem:s2+$0x0]  }
0xf2: {  	v33 =	vmul.f32 v33, v33;
	_ =	sdelay $0x1  }
0xf3: {  	p0 =	por $0x1, $0x1;
	s2 =	sadd.s32 $0xFFFFFFFF, s0;
	v35 =	vadd.f32 v33, v34  }
0xf4: {  	_ = 	snop  }
0xf5: {  	(xrf1) =	vsort.dscd.msk.f32 $0xffff, v35, v32;
	_ =	sdelay $0x3  }
0xf6: {  	v62 =	vld.idx.msk [tilespmem:v31+s4+$0x0], $0xffff  }
0xf7: {  	v33 =	vld.idx.msk [tilespmem:v31+s12+$0x0], $0xffff;
	_ =	sdelay $0x3  }
0xf8: {  	p2 =	sne.s32 s2, $0x1  }
.Ltmp8:
0xf9: {  	v32 =	vsub.f32 v23, v62;
	v33 =	vsub.f32 v24, v33;
	(pc) =	sbr.rel @!p2 .LBB2_10-.Ltmp8, $3  }
0xfa: {  	s0 =	simm.s32 $0x54A0  }
0xfb: {  	v34 =	vld [tilespmem:s0+$0x0];
	v32 =	vmul.f32 v32, v32;
	v63 =	vmul.f32 v33, v33;
	_ =	sdelay $0x1  }
0xfc: {  	s2 =	sadd.s32 $0xFFFFFFFF, s2;
	p1 =	por $0x1, $0x1;
	v37 =	vimm.f32 $+Inf;
	v38 =	vimm.s32 $0x0;
	v35 =	vadd.f32 v63, v32;
	v33, v36, _ =	vpop (xrf1)  }
.LBB2_11:
0xfd: {  	p2 =	sne.s32 s2, $0x1;
	vm0 =	vle.f32 v37, v33  }
0xfe: {  	(xrf1) =	vsort.dscd.msk.f32 $0xffff, v35, v31;
	v33 =	vsel vm0, v37, v33;
	v32 =	vsel vm0, v38, v36  }
0xff: {  	(xrf1) =	vsort.ascd.msk.f32 $0xffff, v33, v32;
	v31 =	vmov v34;
	_ =	sdelay $0x2  }
0x100: {  	v32 =	vld.idx.msk [tilespmem:v34+s4+$0x0], $0xffff  }
0x101: {  	v33 =	vld.idx.msk [tilespmem:v34+s12+$0x0], $0xffff;
	_ =	sdelay $0x5  }
.Ltmp9:
0x102: {  	v32 =	vsub.f32 v23, v32;
	v37 =	vsub.f32 v24, v33;
	(pc) =	sbr.rel @p2 .LBB2_11-.Ltmp9, $4  }
0x103: {  	s0 =	sadd.s32 $0x10, s0  }
0x104: {  	v32 =	vmul.f32 v32, v32;
	v35 =	vmul.f32 v37, v37;
	v34 =	vld [tilespmem:s0+$0x0]  }
0x105: {  	v33, v36, _ =	vpop (xrf1)  }
0x106: {  	s2 =	sadd.s32 $0xFFFFFFFF, s2;
	v35 =	vadd.f32 v35, v32;
	v37, v38, _ =	vpop (xrf1)  }
0x107: {  	_ =	sdelay $0x1  }
0x108: {  	v32 =	vmov v31;
	v31 =	vmov v34  }
.LBB2_13:
0x109: {  	vm0 =	vle.f32 @p1 v37, v33  }
0x10a: {  	(xrf1) =	vsort.dscd.msk.f32 @p0 $0xffff, v35, v32;
	v32 =	vsel @p1 vm0, v37, v33;
	v33 =	vsel @p1 vm0, v38, v36  }
0x10b: {  	(xrf1) =	vsort.ascd.msk.f32 @p1 $0xffff, v32, v33;
	_ =	sdelay $0x4  }
0x10c: {  	v62 =	vld.idx.msk [tilespmem:v31+s4+$0x0], $0xffff  }
0x10d: {  	v63 =	vld.idx.msk [tilespmem:v31+s12+$0x0], $0xffff;
	_ =	sdelay $0x4  }
0x10e: {  	v23 =	vsub.f32 v23, v62;
	v24 =	vsub.f32 v24, v63;
	_ =	sdelay $0x1  }
0x10f: {  	v23 =	vmul.f32 v23, v23;
	v24 =	vmul.f32 v24, v24;
	v32, v33, _ =	vpop @p0 (xrf1)  }
0x110: {  	v34, v35, _ =	vpop @p1 (xrf1)  }
0x111: {  	v23 =	vadd.f32 v24, v23;
	v32 =	vpsel p0, v32, v0;
	v24 =	vpsel p1, v34, v28  }
0x112: {  	v33 =	vpsel p0, v33, v0;
	v34 =	vpsel p1, v35, v29;
	vm0 =	vle.f32 @p0 v24, v32  }
0x113: {  	(xrf1) =	vsort.dscd.msk.f32 $0xffff, v23, v31;
	v23 =	vsel @p0 vm0, v24, v32;
	v24 =	vsel @p0 vm0, v34, v33  }
0x114: {  	(xrf1) =	vsort.ascd.msk.f32 @p0 $0xffff, v23, v24;
	_ =	sdelay $0xc  }
0x115: {  	v23, v24, _ =	vpop (xrf1)  }
0x116: {  	v31, v32, _ =	vpop @p0 (xrf1)  }
0x117: {  	v31 =	vpsel p0, v31, v28  }
0x118: {  	v32 =	vpsel p0, v32, v29;
	vm15 =	vle.f32 v31, v23  }
0x119: {  	v23 =	vsel vm15, v31, v23;
	v24 =	vsel vm15, v32, v24  }
0x11a: {  	(xrf1) =	vsort.ascd.msk.f32 $0xffff, v23, v24;
	_ =	sdelay $0xd  }
0x11b: {  	v31, v32, _ =	vpop (xrf1)  }
.LBB2_14:
0x11c: {  	(v2sf) =	vpush v30, $0x0;
	_ =	sdelay $0xe  }
0x11d: {  	s2 =	spop (v2sf)  }
0x11e: {  	s0 =	sadd.s32 $0x10, s2;
	s3 =	sand.u32 $0xF, s2  }
0x11f: {  	s29 =	sshra.s32 s0, $0x1F;
	p0 =	slt.s32 s0, $0x1;
	p1 =	sne.s32 s3, $0x0  }
0x120: {  	s31 =	sshrl.u32 s29, $0x1C;
	p0 =	por !p0, !p1  }
0x121: {  	s3 =	simm.s32 $0x1;
	s0 =	sadd.s32 s31, s0;
	p0 =	por !p0, !p0  }
0x122: {  	s0 =	sshra.s32 s0, $0x4;
	s3 =	simm.s32 @!p0 $0x0  }
0x123: {  	s0 =	ssub.s32 s0, s3  }
0x124: {  	p0 =	slt.s32 s0, $0x1  }
.Ltmp10:
0x125: {  	_ = 	snop;
	(pc) =	sbr.rel @p0 .LBB2_24-.Ltmp10, $4  }
0x126: {  	s29 =	sshll.u32 s28, $0x8  }
0x127: {  	[tilespmem:s29+$0x19880] =	vst v32  }
0x128: {  	[tilespmem:s29+$0x1AC80] =	vst v31  }
0x129: {  	[tilespmem:s2+$0x7D01] =	vst v2;
	s2 =	simm.s32 $0x7D00  }
0x12a: {  	p2 =	sne.s32 s0, $0x1  }
.Ltmp11:
0x12b: {  	_ = 	snop;
	(pc) =	sbr.rel @!p2 .LBB2_16-.Ltmp11, $2  }
0x12c: {  	_ =	sdelay $0x2  }
0x12d: {  	v24 =	vld [tilespmem:s2+$0x0];
	s0 =	sadd.s32 $0xFFFFFFFF, s0;
	p0 =	por $0x0, $0x0;
	p1 =	por $0x0, $0x0  }
0x12e: {  	_ =	sdelay $0x7  }
0x12f: {  	v23 =	vld.idx.msk [tilespmem:v24+s4+$0x0], $0xffff  }
0x130: {  	v30 =	vld.idx.msk [tilespmem:v24+s12+$0x0], $0xffff;
	_ =	sdelay $0x3  }
0x131: {  	p2 =	sne.s32 s0, $0x1;
	v23 =	vsub.f32 v20, v23  }
.Ltmp12:
0x132: {  	s2 =	simm.s32 $0x7D10;
	v30 =	vsub.f32 v21, v30;
	(pc) =	sbr.rel @!p2 .LBB2_18-.Ltmp12, $3  }
0x133: {  	v31 =	vmul.f32 v23, v23;
	v23 =	vld [tilespmem:s2+$0x0]  }
0x134: {  	v30 =	vmul.f32 v30, v30;
	_ =	sdelay $0x1  }
0x135: {  	p0 =	por $0x1, $0x1;
	s2 =	sadd.s32 $0xFFFFFFFF, s0;
	v32 =	vadd.f32 v30, v31  }
0x136: {  	_ = 	snop  }
0x137: {  	(xrf1) =	vsort.dscd.msk.f32 $0xffff, v32, v24;
	_ =	sdelay $0x3  }
0x138: {  	v24 =	vld.idx.msk [tilespmem:v23+s4+$0x0], $0xffff  }
0x139: {  	v30 =	vld.idx.msk [tilespmem:v23+s12+$0x0], $0xffff;
	_ =	sdelay $0x3  }
0x13a: {  	p2 =	sne.s32 s2, $0x1  }
.Ltmp13:
0x13b: {  	v24 =	vsub.f32 v20, v24;
	v30 =	vsub.f32 v21, v30;
	(pc) =	sbr.rel @!p2 .LBB2_20-.Ltmp13, $3  }
0x13c: {  	s0 =	simm.s32 $0x7D20  }
0x13d: {  	v31 =	vld [tilespmem:s0+$0x0];
	v24 =	vmul.f32 v24, v24;
	v63 =	vmul.f32 v30, v30;
	_ =	sdelay $0x1  }
0x13e: {  	s2 =	sadd.s32 $0xFFFFFFFF, s2;
	p1 =	por $0x1, $0x1;
	v34 =	vimm.f32 $+Inf;
	v35 =	vimm.s32 $0x0;
	v32 =	vadd.f32 v63, v24;
	v30, v33, _ =	vpop (xrf1)  }
.LBB2_21:
0x13f: {  	p2 =	sne.s32 s2, $0x1;
	vm0 =	vle.f32 v34, v30  }
0x140: {  	(xrf1) =	vsort.dscd.msk.f32 $0xffff, v32, v23;
	v30 =	vsel vm0, v34, v30;
	v24 =	vsel vm0, v35, v33  }
0x141: {  	(xrf1) =	vsort.ascd.msk.f32 $0xffff, v30, v24;
	v23 =	vmov v31;
	_ =	sdelay $0x2  }
0x142: {  	v24 =	vld.idx.msk [tilespmem:v31+s4+$0x0], $0xffff  }
0x143: {  	v30 =	vld.idx.msk [tilespmem:v31+s12+$0x0], $0xffff;
	_ =	sdelay $0x5  }
.Ltmp14:
0x144: {  	v24 =	vsub.f32 v20, v24;
	v34 =	vsub.f32 v21, v30;
	(pc) =	sbr.rel @p2 .LBB2_21-.Ltmp14, $4  }
0x145: {  	s0 =	sadd.s32 $0x10, s0  }
0x146: {  	v24 =	vmul.f32 v24, v24;
	v32 =	vmul.f32 v34, v34;
	v31 =	vld [tilespmem:s0+$0x0]  }
0x147: {  	v30, v33, _ =	vpop (xrf1)  }
0x148: {  	s2 =	sadd.s32 $0xFFFFFFFF, s2;
	v32 =	vadd.f32 v32, v24;
	v34, v35, _ =	vpop (xrf1)  }
0x149: {  	_ =	sdelay $0x1  }
0x14a: {  	v24 =	vmov v23;
	v23 =	vmov v31  }
.LBB2_23:
0x14b: {  	vm0 =	vle.f32 @p1 v34, v30  }
0x14c: {  	(xrf1) =	vsort.dscd.msk.f32 @p0 $0xffff, v32, v24;
	v24 =	vsel @p1 vm0, v34, v30;
	v30 =	vsel @p1 vm0, v35, v33  }
0x14d: {  	(xrf1) =	vsort.ascd.msk.f32 @p1 $0xffff, v24, v30;
	_ =	sdelay $0x4  }
0x14e: {  	v24 =	vld.idx.msk [tilespmem:v23+s4+$0x0], $0xffff  }
0x14f: {  	v30 =	vld.idx.msk [tilespmem:v23+s12+$0x0], $0xffff;
	_ =	sdelay $0x4  }
0x150: {  	v20 =	vsub.f32 v20, v24;
	v21 =	vsub.f32 v21, v30;
	_ =	sdelay $0x1  }
0x151: {  	v20 =	vmul.f32 v20, v20;
	v21 =	vmul.f32 v21, v21;
	v24, v30, _ =	vpop @p0 (xrf1)  }
0x152: {  	v31, v32, _ =	vpop @p1 (xrf1)  }
0x153: {  	v20 =	vadd.f32 v21, v20;
	v24 =	vpsel p0, v24, v0;
	v21 =	vpsel p1, v31, v28  }
0x154: {  	v30 =	vpsel p0, v30, v0;
	v31 =	vpsel p1, v32, v29;
	vm0 =	vle.f32 @p0 v21, v24  }
0x155: {  	(xrf1) =	vsort.dscd.msk.f32 $0xffff, v20, v23;
	v20 =	vsel @p0 vm0, v21, v24;
	v21 =	vsel @p0 vm0, v31, v30  }
0x156: {  	(xrf1) =	vsort.ascd.msk.f32 @p0 $0xffff, v20, v21;
	_ =	sdelay $0xc  }
0x157: {  	v20, v21, _ =	vpop (xrf1)  }
0x158: {  	v23, v24, _ =	vpop @p0 (xrf1)  }
0x159: {  	v23 =	vpsel p0, v23, v28  }
0x15a: {  	v24 =	vpsel p0, v24, v29;
	vm15 =	vle.f32 v23, v20  }
0x15b: {  	v20 =	vsel vm15, v23, v20;
	v21 =	vsel vm15, v24, v21  }
0x15c: {  	(xrf1) =	vsort.ascd.msk.f32 $0xffff, v20, v21;
	_ =	sdelay $0xd  }
0x15d: {  	v28, v29, _ =	vpop (xrf1)  }
.LBB2_24:
0x15e: {  	(v2sf) =	vpush v27, $0x0;
	_ =	sdelay $0xe  }
0x15f: {  	s2 =	spop (v2sf)  }
0x160: {  	s0 =	sadd.s32 $0x10, s2;
	s3 =	sand.u32 $0xF, s2  }
0x161: {  	p0 =	sne.s32 s3, $0x0;
	s31 =	sshra.s32 s0, $0x1F;
	p1 =	slt.s32 s0, $0x1  }
0x162: {  	s3 =	sshrl.u32 s31, $0x1C;
	p0 =	por !p1, !p0  }
0x163: {  	s0 =	sadd.s32 s3, s0;
	p0 =	por !p0, !p0;
	s3 =	simm.s32 $0x1  }
0x164: {  	s0 =	sshra.s32 s0, $0x4;
	s3 =	simm.s32 @!p0 $0x0  }
0x165: {  	s0 =	ssub.s32 s0, s3  }
0x166: {  	p0 =	slt.s32 s0, $0x1  }
.Ltmp15:
0x167: {  	_ = 	snop;
	(pc) =	sbr.rel @p0 .LBB2_34-.Ltmp15, $4  }
0x168: {  	_ = 	snop  }
0x169: {  	[tilespmem:s29+$0x19890] =	vst v29  }
0x16a: {  	[tilespmem:s29+$0x1AC90] =	vst v28;
	v20 =	vimm.f32 $+Inf  }
0x16b: {  	v21 =	vimm.s32 $0x0;
	v23 =	vimm.f32 $+Inf;
	v24 =	vimm.s32 $0x0;
	[tilespmem:s2+$0xA581] =	vst v2;
	s2 =	simm.s32 $0xA580  }
0x16c: {  	p2 =	sne.s32 s0, $0x1  }
.Ltmp16:
0x16d: {  	_ = 	snop;
	(pc) =	sbr.rel @!p2 .LBB2_26-.Ltmp16, $2  }
0x16e: {  	_ =	sdelay $0x2  }
0x16f: {  	v24 =	vld [tilespmem:s2+$0x0];
	s0 =	sadd.s32 $0xFFFFFFFF, s0;
	p0 =	por $0x0, $0x0;
	p1 =	por $0x0, $0x0  }
0x170: {  	_ =	sdelay $0x7  }
0x171: {  	v23 =	vld.idx.msk [tilespmem:v24+s4+$0x0], $0xffff  }
0x172: {  	v27 =	vld.idx.msk [tilespmem:v24+s12+$0x0], $0xffff;
	_ =	sdelay $0x3  }
0x173: {  	p2 =	sne.s32 s0, $0x1;
	v23 =	vsub.f32 v17, v23  }
.Ltmp17:
0x174: {  	s2 =	simm.s32 $0xA590;
	v27 =	vsub.f32 v18, v27;
	(pc) =	sbr.rel @!p2 .LBB2_28-.Ltmp17, $3  }
0x175: {  	v28 =	vmul.f32 v23, v23;
	v23 =	vld [tilespmem:s2+$0x0]  }
0x176: {  	v27 =	vmul.f32 v27, v27;
	_ =	sdelay $0x1  }
0x177: {  	p0 =	por $0x1, $0x1;
	s2 =	sadd.s32 $0xFFFFFFFF, s0;
	v29 =	vadd.f32 v27, v28  }
0x178: {  	_ = 	snop  }
0x179: {  	(xrf1) =	vsort.dscd.msk.f32 $0xffff, v29, v24;
	_ =	sdelay $0x3  }
0x17a: {  	v24 =	vld.idx.msk [tilespmem:v23+s4+$0x0], $0xffff  }
0x17b: {  	v27 =	vld.idx.msk [tilespmem:v23+s12+$0x0], $0xffff;
	_ =	sdelay $0x3  }
0x17c: {  	p2 =	sne.s32 s2, $0x1  }
.Ltmp18:
0x17d: {  	v24 =	vsub.f32 v17, v24;
	v27 =	vsub.f32 v18, v27;
	(pc) =	sbr.rel @!p2 .LBB2_30-.Ltmp18, $3  }
0x17e: {  	s0 =	simm.s32 $0xA5A0  }
0x17f: {  	v28 =	vld [tilespmem:s0+$0x0];
	v24 =	vmul.f32 v24, v24;
	v29 =	vmul.f32 v27, v27;
	_ =	sdelay $0x1  }
0x180: {  	s2 =	sadd.s32 $0xFFFFFFFF, s2;
	p1 =	por $0x1, $0x1;
	v31 =	vimm.f32 $+Inf;
	v32 =	vimm.s32 $0x0;
	v29 =	vadd.f32 v29, v24;
	v27, v30, _ =	vpop (xrf1)  }
.LBB2_31:
0x181: {  	p2 =	sne.s32 s2, $0x1;
	vm0 =	vle.f32 v31, v27  }
0x182: {  	(xrf1) =	vsort.dscd.msk.f32 $0xffff, v29, v23;
	v27 =	vsel vm0, v31, v27;
	v24 =	vsel vm0, v32, v30  }
0x183: {  	(xrf1) =	vsort.ascd.msk.f32 $0xffff, v27, v24;
	v23 =	vmov v28;
	_ =	sdelay $0x2  }
0x184: {  	v24 =	vld.idx.msk [tilespmem:v28+s4+$0x0], $0xffff  }
0x185: {  	v27 =	vld.idx.msk [tilespmem:v28+s12+$0x0], $0xffff;
	_ =	sdelay $0x5  }
.Ltmp19:
0x186: {  	v24 =	vsub.f32 v17, v24;
	v31 =	vsub.f32 v18, v27;
	(pc) =	sbr.rel @p2 .LBB2_31-.Ltmp19, $4  }
0x187: {  	s0 =	sadd.s32 $0x10, s0  }
0x188: {  	v24 =	vmul.f32 v24, v24;
	v29 =	vmul.f32 v31, v31;
	v28 =	vld [tilespmem:s0+$0x0]  }
0x189: {  	v27, v30, _ =	vpop (xrf1)  }
0x18a: {  	s2 =	sadd.s32 $0xFFFFFFFF, s2;
	v29 =	vadd.f32 v29, v24;
	v31, v32, _ =	vpop (xrf1)  }
0x18b: {  	_ =	sdelay $0x1  }
0x18c: {  	v24 =	vmov v23;
	v23 =	vmov v28  }
.LBB2_33:
0x18d: {  	vm0 =	vle.f32 @p1 v31, v27  }
0x18e: {  	(xrf1) =	vsort.dscd.msk.f32 @p0 $0xffff, v29, v24;
	v24 =	vsel @p1 vm0, v31, v27;
	v27 =	vsel @p1 vm0, v32, v30  }
0x18f: {  	(xrf1) =	vsort.ascd.msk.f32 @p1 $0xffff, v24, v27;
	_ =	sdelay $0x4  }
0x190: {  	v24 =	vld.idx.msk [tilespmem:v23+s4+$0x0], $0xffff  }
0x191: {  	v27 =	vld.idx.msk [tilespmem:v23+s12+$0x0], $0xffff;
	_ =	sdelay $0x4  }
0x192: {  	v17 =	vsub.f32 v17, v24;
	v18 =	vsub.f32 v18, v27;
	_ =	sdelay $0x1  }
0x193: {  	v17 =	vmul.f32 v17, v17;
	v18 =	vmul.f32 v18, v18;
	v24, v27, _ =	vpop @p0 (xrf1)  }
0x194: {  	v28, v29, _ =	vpop @p1 (xrf1)  }
0x195: {  	v17 =	vadd.f32 v18, v17;
	v24 =	vpsel p0, v24, v0;
	v18 =	vpsel p1, v28, v20  }
0x196: {  	v27 =	vpsel p0, v27, v0;
	v28 =	vpsel p1, v29, v21;
	vm0 =	vle.f32 @p0 v18, v24  }
0x197: {  	(xrf1) =	vsort.dscd.msk.f32 $0xffff, v17, v23;
	v17 =	vsel @p0 vm0, v18, v24;
	v18 =	vsel @p0 vm0, v28, v27  }
0x198: {  	(xrf1) =	vsort.ascd.msk.f32 @p0 $0xffff, v17, v18;
	_ =	sdelay $0xc  }
0x199: {  	v17, v18, _ =	vpop (xrf1)  }
0x19a: {  	v23, v24, _ =	vpop @p0 (xrf1)  }
0x19b: {  	v23 =	vpsel p0, v23, v20  }
0x19c: {  	v24 =	vpsel p0, v24, v21;
	vm15 =	vle.f32 v23, v17  }
0x19d: {  	v17 =	vsel vm15, v23, v17;
	v18 =	vsel vm15, v24, v18  }
0x19e: {  	(xrf1) =	vsort.ascd.msk.f32 $0xffff, v17, v18;
	_ =	sdelay $0xd  }
0x19f: {  	v23, v24, _ =	vpop (xrf1)  }
.LBB2_34:
0x1a0: {  	(v2sf) =	vpush v26, $0x0;
	_ =	sdelay $0xe  }
0x1a1: {  	s2 =	spop (v2sf)  }
0x1a2: {  	s0 =	sadd.s32 $0x10, s2;
	s3 =	sand.u32 $0xF, s2  }
0x1a3: {  	p0 =	sne.s32 s3, $0x0;
	s31 =	sshra.s32 s0, $0x1F;
	p1 =	slt.s32 s0, $0x1  }
0x1a4: {  	s3 =	sshrl.u32 s31, $0x1C;
	p0 =	por !p1, !p0  }
0x1a5: {  	s0 =	sadd.s32 s3, s0;
	p0 =	por !p0, !p0;
	s3 =	simm.s32 $0x1  }
0x1a6: {  	s0 =	sshra.s32 s0, $0x4;
	s3 =	simm.s32 @!p0 $0x0  }
0x1a7: {  	s0 =	ssub.s32 s0, s3  }
0x1a8: {  	p0 =	slt.s32 s0, $0x1  }
.Ltmp20:
0x1a9: {  	_ = 	snop;
	(pc) =	sbr.rel @p0 .LBB2_44-.Ltmp20, $4  }
0x1aa: {  	_ = 	snop  }
0x1ab: {  	[tilespmem:s29+$0x198A0] =	vst v24  }
0x1ac: {  	[tilespmem:s29+$0x1ACA0] =	vst v23  }
0x1ad: {  	[tilespmem:s2+$0xCE01] =	vst v2;
	s2 =	simm.s32 $0xCE00  }
0x1ae: {  	p2 =	sne.s32 s0, $0x1  }
.Ltmp21:
0x1af: {  	_ = 	snop;
	(pc) =	sbr.rel @!p2 .LBB2_36-.Ltmp21, $2  }
0x1b0: {  	_ =	sdelay $0x2  }
0x1b1: {  	v18 =	vld [tilespmem:s2+$0x0];
	s0 =	sadd.s32 $0xFFFFFFFF, s0;
	p0 =	por $0x0, $0x0;
	p1 =	por $0x0, $0x0  }
0x1b2: {  	_ =	sdelay $0x7  }
0x1b3: {  	v17 =	vld.idx.msk [tilespmem:v18+s4+$0x0], $0xffff  }
0x1b4: {  	v23 =	vld.idx.msk [tilespmem:v18+s12+$0x0], $0xffff;
	_ =	sdelay $0x3  }
0x1b5: {  	p2 =	sne.s32 s0, $0x1;
	v17 =	vsub.f32 v14, v17  }
.Ltmp22:
0x1b6: {  	s2 =	simm.s32 $0xCE10;
	v23 =	vsub.f32 v15, v23;
	(pc) =	sbr.rel @!p2 .LBB2_38-.Ltmp22, $3  }
0x1b7: {  	v24 =	vmul.f32 v17, v17;
	v17 =	vld [tilespmem:s2+$0x0]  }
0x1b8: {  	v23 =	vmul.f32 v23, v23;
	_ =	sdelay $0x1  }
0x1b9: {  	p0 =	por $0x1, $0x1;
	s2 =	sadd.s32 $0xFFFFFFFF, s0;
	v26 =	vadd.f32 v23, v24  }
0x1ba: {  	_ = 	snop  }
0x1bb: {  	(xrf1) =	vsort.dscd.msk.f32 $0xffff, v26, v18;
	_ =	sdelay $0x3  }
0x1bc: {  	v18 =	vld.idx.msk [tilespmem:v17+s4+$0x0], $0xffff  }
0x1bd: {  	v23 =	vld.idx.msk [tilespmem:v17+s12+$0x0], $0xffff;
	_ =	sdelay $0x3  }
0x1be: {  	p2 =	sne.s32 s2, $0x1  }
.Ltmp23:
0x1bf: {  	v18 =	vsub.f32 v14, v18;
	v23 =	vsub.f32 v15, v23;
	(pc) =	sbr.rel @!p2 .LBB2_40-.Ltmp23, $3  }
0x1c0: {  	s0 =	simm.s32 $0xCE20  }
0x1c1: {  	v24 =	vld [tilespmem:s0+$0x0];
	v18 =	vmul.f32 v18, v18;
	v26 =	vmul.f32 v23, v23;
	_ =	sdelay $0x1  }
0x1c2: {  	s2 =	sadd.s32 $0xFFFFFFFF, s2;
	p1 =	por $0x1, $0x1;
	v28 =	vimm.f32 $+Inf;
	v29 =	vimm.s32 $0x0;
	v26 =	vadd.f32 v26, v18;
	v23, v27, _ =	vpop (xrf1)  }
.LBB2_41:
0x1c3: {  	p2 =	sne.s32 s2, $0x1;
	vm0 =	vle.f32 v28, v23  }
0x1c4: {  	(xrf1) =	vsort.dscd.msk.f32 $0xffff, v26, v17;
	v23 =	vsel vm0, v28, v23;
	v18 =	vsel vm0, v29, v27  }
0x1c5: {  	(xrf1) =	vsort.ascd.msk.f32 $0xffff, v23, v18;
	v17 =	vmov v24;
	_ =	sdelay $0x2  }
0x1c6: {  	v18 =	vld.idx.msk [tilespmem:v24+s4+$0x0], $0xffff  }
0x1c7: {  	v23 =	vld.idx.msk [tilespmem:v24+s12+$0x0], $0xffff;
	_ =	sdelay $0x5  }
.Ltmp24:
0x1c8: {  	v18 =	vsub.f32 v14, v18;
	v28 =	vsub.f32 v15, v23;
	(pc) =	sbr.rel @p2 .LBB2_41-.Ltmp24, $4  }
0x1c9: {  	s0 =	sadd.s32 $0x10, s0  }
0x1ca: {  	v18 =	vmul.f32 v18, v18;
	v26 =	vmul.f32 v28, v28;
	v24 =	vld [tilespmem:s0+$0x0]  }
0x1cb: {  	v23, v27, _ =	vpop (xrf1)  }
0x1cc: {  	s2 =	sadd.s32 $0xFFFFFFFF, s2;
	v26 =	vadd.f32 v26, v18;
	v28, v29, _ =	vpop (xrf1)  }
0x1cd: {  	_ =	sdelay $0x1  }
0x1ce: {  	v18 =	vmov v17;
	v17 =	vmov v24  }
.LBB2_43:
0x1cf: {  	vm0 =	vle.f32 @p1 v28, v23  }
0x1d0: {  	(xrf1) =	vsort.dscd.msk.f32 @p0 $0xffff, v26, v18;
	v18 =	vsel @p1 vm0, v28, v23;
	v23 =	vsel @p1 vm0, v29, v27  }
0x1d1: {  	(xrf1) =	vsort.ascd.msk.f32 @p1 $0xffff, v18, v23;
	_ =	sdelay $0x4  }
0x1d2: {  	v18 =	vld.idx.msk [tilespmem:v17+s4+$0x0], $0xffff  }
0x1d3: {  	v23 =	vld.idx.msk [tilespmem:v17+s12+$0x0], $0xffff;
	_ =	sdelay $0x4  }
0x1d4: {  	v14 =	vsub.f32 v14, v18;
	v15 =	vsub.f32 v15, v23;
	_ =	sdelay $0x1  }
0x1d5: {  	v14 =	vmul.f32 v14, v14;
	v15 =	vmul.f32 v15, v15;
	v18, v23, _ =	vpop @p0 (xrf1)  }
0x1d6: {  	v24, v26, _ =	vpop @p1 (xrf1)  }
0x1d7: {  	v14 =	vadd.f32 v15, v14;
	v18 =	vpsel p0, v18, v0;
	v15 =	vpsel p1, v24, v20  }
0x1d8: {  	v23 =	vpsel p0, v23, v0;
	v24 =	vpsel p1, v26, v21;
	vm0 =	vle.f32 @p0 v15, v18  }
0x1d9: {  	(xrf1) =	vsort.dscd.msk.f32 $0xffff, v14, v17;
	v14 =	vsel @p0 vm0, v15, v18;
	v15 =	vsel @p0 vm0, v24, v23  }
0x1da: {  	(xrf1) =	vsort.ascd.msk.f32 @p0 $0xffff, v14, v15;
	_ =	sdelay $0xc  }
0x1db: {  	v14, v15, _ =	vpop (xrf1)  }
0x1dc: {  	v17, v18, _ =	vpop @p0 (xrf1)  }
0x1dd: {  	v17 =	vpsel p0, v17, v20  }
0x1de: {  	v18 =	vpsel p0, v18, v21;
	vm15 =	vle.f32 v17, v14  }
0x1df: {  	v14 =	vsel vm15, v17, v14;
	v15 =	vsel vm15, v18, v15  }
0x1e0: {  	(xrf1) =	vsort.ascd.msk.f32 $0xffff, v14, v15;
	_ =	sdelay $0xd  }
0x1e1: {  	v20, v21, _ =	vpop (xrf1)  }
.LBB2_44:
0x1e2: {  	(v2sf) =	vpush v25, $0x0;
	_ =	sdelay $0xe  }
0x1e3: {  	s2 =	spop (v2sf)  }
0x1e4: {  	s0 =	sadd.s32 $0x10, s2;
	s3 =	sand.u32 $0xF, s2  }
0x1e5: {  	p0 =	sne.s32 s3, $0x0;
	s31 =	sshra.s32 s0, $0x1F;
	p1 =	slt.s32 s0, $0x1  }
0x1e6: {  	s3 =	sshrl.u32 s31, $0x1C;
	p0 =	por !p1, !p0  }
0x1e7: {  	s0 =	sadd.s32 s3, s0;
	p0 =	por !p0, !p0;
	s3 =	simm.s32 $0x1  }
0x1e8: {  	s0 =	sshra.s32 s0, $0x4;
	s3 =	simm.s32 @!p0 $0x0  }
0x1e9: {  	s0 =	ssub.s32 s0, s3  }
0x1ea: {  	p0 =	slt.s32 s0, $0x1  }
.Ltmp25:
0x1eb: {  	_ = 	snop;
	(pc) =	sbr.rel @p0 .LBB2_54-.Ltmp25, $4  }
0x1ec: {  	_ = 	snop  }
0x1ed: {  	[tilespmem:s29+$0x198B0] =	vst v21  }
0x1ee: {  	[tilespmem:s29+$0x1ACB0] =	vst v20;
	v14 =	vimm.f32 $+Inf  }
0x1ef: {  	v15 =	vimm.s32 $0x0;
	v17 =	vimm.f32 $+Inf;
	v18 =	vimm.s32 $0x0;
	[tilespmem:s2+$0xF681] =	vst v2;
	s2 =	simm.s32 $0xF680  }
0x1f0: {  	p2 =	sne.s32 s0, $0x1  }
.Ltmp26:
0x1f1: {  	_ = 	snop;
	(pc) =	sbr.rel @!p2 .LBB2_46-.Ltmp26, $2  }
0x1f2: {  	_ =	sdelay $0x2  }
0x1f3: {  	v18 =	vld [tilespmem:s2+$0x0];
	s0 =	sadd.s32 $0xFFFFFFFF, s0;
	p0 =	por $0x0, $0x0;
	p1 =	por $0x0, $0x0  }
0x1f4: {  	_ =	sdelay $0x7  }
0x1f5: {  	v17 =	vld.idx.msk [tilespmem:v18+s4+$0x0], $0xffff  }
0x1f6: {  	v20 =	vld.idx.msk [tilespmem:v18+s12+$0x0], $0xffff;
	_ =	sdelay $0x3  }
0x1f7: {  	p2 =	sne.s32 s0, $0x1;
	v17 =	vsub.f32 v12, v17  }
.Ltmp27:
0x1f8: {  	s2 =	simm.s32 $0xF690;
	v20 =	vsub.f32 v13, v20;
	(pc) =	sbr.rel @!p2 .LBB2_48-.Ltmp27, $3  }
0x1f9: {  	v21 =	vmul.f32 v17, v17;
	v17 =	vld [tilespmem:s2+$0x0]  }
0x1fa: {  	v20 =	vmul.f32 v20, v20;
	_ =	sdelay $0x1  }
0x1fb: {  	p0 =	por $0x1, $0x1;
	s2 =	sadd.s32 $0xFFFFFFFF, s0;
	v23 =	vadd.f32 v20, v21  }
0x1fc: {  	_ = 	snop  }
0x1fd: {  	(xrf1) =	vsort.dscd.msk.f32 $0xffff, v23, v18;
	_ =	sdelay $0x3  }
0x1fe: {  	v18 =	vld.idx.msk [tilespmem:v17+s4+$0x0], $0xffff  }
0x1ff: {  	v20 =	vld.idx.msk [tilespmem:v17+s12+$0x0], $0xffff;
	_ =	sdelay $0x3  }
0x200: {  	p2 =	sne.s32 s2, $0x1  }
.Ltmp28:
0x201: {  	v18 =	vsub.f32 v12, v18;
	v20 =	vsub.f32 v13, v20;
	(pc) =	sbr.rel @!p2 .LBB2_50-.Ltmp28, $3  }
0x202: {  	s0 =	simm.s32 $0xF6A0  }
0x203: {  	v21 =	vld [tilespmem:s0+$0x0];
	v18 =	vmul.f32 v18, v18;
	v23 =	vmul.f32 v20, v20;
	_ =	sdelay $0x1  }
0x204: {  	s2 =	sadd.s32 $0xFFFFFFFF, s2;
	p1 =	por $0x1, $0x1;
	v25 =	vimm.f32 $+Inf;
	v26 =	vimm.s32 $0x0;
	v23 =	vadd.f32 v23, v18;
	v20, v24, _ =	vpop (xrf1)  }
.LBB2_51:
0x205: {  	p2 =	sne.s32 s2, $0x1;
	vm0 =	vle.f32 v25, v20  }
0x206: {  	(xrf1) =	vsort.dscd.msk.f32 $0xffff, v23, v17;
	v20 =	vsel vm0, v25, v20;
	v18 =	vsel vm0, v26, v24  }
0x207: {  	(xrf1) =	vsort.ascd.msk.f32 $0xffff, v20, v18;
	v17 =	vmov v21;
	_ =	sdelay $0x2  }
0x208: {  	v18 =	vld.idx.msk [tilespmem:v21+s4+$0x0], $0xffff  }
0x209: {  	v20 =	vld.idx.msk [tilespmem:v21+s12+$0x0], $0xffff;
	_ =	sdelay $0x5  }
.Ltmp29:
0x20a: {  	v18 =	vsub.f32 v12, v18;
	v25 =	vsub.f32 v13, v20;
	(pc) =	sbr.rel @p2 .LBB2_51-.Ltmp29, $4  }
0x20b: {  	s0 =	sadd.s32 $0x10, s0  }
0x20c: {  	v18 =	vmul.f32 v18, v18;
	v23 =	vmul.f32 v25, v25;
	v21 =	vld [tilespmem:s0+$0x0]  }
0x20d: {  	v20, v24, _ =	vpop (xrf1)  }
0x20e: {  	s2 =	sadd.s32 $0xFFFFFFFF, s2;
	v23 =	vadd.f32 v23, v18;
	v25, v26, _ =	vpop (xrf1)  }
0x20f: {  	_ =	sdelay $0x1  }
0x210: {  	v18 =	vmov v17;
	v17 =	vmov v21  }
.LBB2_53:
0x211: {  	vm0 =	vle.f32 @p1 v25, v20  }
0x212: {  	(xrf1) =	vsort.dscd.msk.f32 @p0 $0xffff, v23, v18;
	v18 =	vsel @p1 vm0, v25, v20;
	v20 =	vsel @p1 vm0, v26, v24  }
0x213: {  	(xrf1) =	vsort.ascd.msk.f32 @p1 $0xffff, v18, v20;
	_ =	sdelay $0x4  }
0x214: {  	v18 =	vld.idx.msk [tilespmem:v17+s4+$0x0], $0xffff  }
0x215: {  	v20 =	vld.idx.msk [tilespmem:v17+s12+$0x0], $0xffff;
	_ =	sdelay $0x4  }
0x216: {  	v12 =	vsub.f32 v12, v18;
	v13 =	vsub.f32 v13, v20;
	_ =	sdelay $0x1  }
0x217: {  	v12 =	vmul.f32 v12, v12;
	v13 =	vmul.f32 v13, v13;
	v18, v20, _ =	vpop @p0 (xrf1)  }
0x218: {  	v21, v23, _ =	vpop @p1 (xrf1)  }
0x219: {  	v12 =	vadd.f32 v13, v12;
	v18 =	vpsel p0, v18, v0;
	v13 =	vpsel p1, v21, v14  }
0x21a: {  	v20 =	vpsel p0, v20, v0;
	v21 =	vpsel p1, v23, v15;
	vm0 =	vle.f32 @p0 v13, v18  }
0x21b: {  	(xrf1) =	vsort.dscd.msk.f32 $0xffff, v12, v17;
	v12 =	vsel @p0 vm0, v13, v18;
	v13 =	vsel @p0 vm0, v21, v20  }
0x21c: {  	(xrf1) =	vsort.ascd.msk.f32 @p0 $0xffff, v12, v13;
	_ =	sdelay $0xc  }
0x21d: {  	v12, v13, _ =	vpop (xrf1)  }
0x21e: {  	v17, v18, _ =	vpop @p0 (xrf1)  }
0x21f: {  	v17 =	vpsel p0, v17, v14  }
0x220: {  	v18 =	vpsel p0, v18, v15;
	vm15 =	vle.f32 v17, v12  }
0x221: {  	v12 =	vsel vm15, v17, v12;
	v13 =	vsel vm15, v18, v13  }
0x222: {  	(xrf1) =	vsort.ascd.msk.f32 $0xffff, v12, v13;
	_ =	sdelay $0xd  }
0x223: {  	v17, v18, _ =	vpop (xrf1)  }
.LBB2_54:
0x224: {  	(v2sf) =	vpush v22, $0x0;
	_ =	sdelay $0xe  }
0x225: {  	s2 =	spop (v2sf)  }
0x226: {  	s0 =	sadd.s32 $0x10, s2;
	s3 =	sand.u32 $0xF, s2  }
0x227: {  	p0 =	sne.s32 s3, $0x0;
	s31 =	sshra.s32 s0, $0x1F;
	p1 =	slt.s32 s0, $0x1  }
0x228: {  	s3 =	sshrl.u32 s31, $0x1C;
	p0 =	por !p1, !p0  }
0x229: {  	s0 =	sadd.s32 s3, s0;
	p0 =	por !p0, !p0;
	s3 =	simm.s32 $0x1  }
0x22a: {  	s0 =	sshra.s32 s0, $0x4;
	s3 =	simm.s32 @!p0 $0x0  }
0x22b: {  	s0 =	ssub.s32 s0, s3  }
0x22c: {  	p0 =	slt.s32 s0, $0x1  }
.Ltmp30:
0x22d: {  	_ = 	snop;
	(pc) =	sbr.rel @p0 .LBB2_64-.Ltmp30, $4  }
0x22e: {  	_ = 	snop  }
0x22f: {  	[tilespmem:s29+$0x198C0] =	vst v18  }
0x230: {  	[tilespmem:s29+$0x1ACC0] =	vst v17  }
0x231: {  	[tilespmem:s2+$0x11F01] =	vst v2;
	s2 =	simm.s32 $0x11F00  }
0x232: {  	p2 =	sne.s32 s0, $0x1  }
.Ltmp31:
0x233: {  	_ = 	snop;
	(pc) =	sbr.rel @!p2 .LBB2_56-.Ltmp31, $2  }
0x234: {  	_ =	sdelay $0x2  }
0x235: {  	v13 =	vld [tilespmem:s2+$0x0];
	s0 =	sadd.s32 $0xFFFFFFFF, s0;
	p0 =	por $0x0, $0x0;
	p1 =	por $0x0, $0x0  }
0x236: {  	_ =	sdelay $0x7  }
0x237: {  	v12 =	vld.idx.msk [tilespmem:v13+s4+$0x0], $0xffff  }
0x238: {  	v17 =	vld.idx.msk [tilespmem:v13+s12+$0x0], $0xffff;
	_ =	sdelay $0x3  }
0x239: {  	p2 =	sne.s32 s0, $0x1;
	v12 =	vsub.f32 v10, v12  }
.Ltmp32:
0x23a: {  	s2 =	simm.s32 $0x11F10;
	v17 =	vsub.f32 v11, v17;
	(pc) =	sbr.rel @!p2 .LBB2_58-.Ltmp32, $3  }
0x23b: {  	v18 =	vmul.f32 v12, v12;
	v12 =	vld [tilespmem:s2+$0x0]  }
0x23c: {  	v17 =	vmul.f32 v17, v17;
	_ =	sdelay $0x1  }
0x23d: {  	p0 =	por $0x1, $0x1;
	s2 =	sadd.s32 $0xFFFFFFFF, s0;
	v20 =	vadd.f32 v17, v18  }
0x23e: {  	_ = 	snop  }
0x23f: {  	(xrf1) =	vsort.dscd.msk.f32 $0xffff, v20, v13;
	_ =	sdelay $0x3  }
0x240: {  	v13 =	vld.idx.msk [tilespmem:v12+s4+$0x0], $0xffff  }
0x241: {  	v17 =	vld.idx.msk [tilespmem:v12+s12+$0x0], $0xffff;
	_ =	sdelay $0x3  }
0x242: {  	p2 =	sne.s32 s2, $0x1  }
.Ltmp33:
0x243: {  	v13 =	vsub.f32 v10, v13;
	v17 =	vsub.f32 v11, v17;
	(pc) =	sbr.rel @!p2 .LBB2_60-.Ltmp33, $3  }
0x244: {  	s0 =	simm.s32 $0x11F20  }
0x245: {  	v18 =	vld [tilespmem:s0+$0x0];
	v13 =	vmul.f32 v13, v13;
	v20 =	vmul.f32 v17, v17;
	_ =	sdelay $0x1  }
0x246: {  	s2 =	sadd.s32 $0xFFFFFFFF, s2;
	p1 =	por $0x1, $0x1;
	v22 =	vimm.f32 $+Inf;
	v23 =	vimm.s32 $0x0;
	v20 =	vadd.f32 v20, v13;
	v17, v21, _ =	vpop (xrf1)  }
.LBB2_61:
0x247: {  	p2 =	sne.s32 s2, $0x1;
	vm0 =	vle.f32 v22, v17  }
0x248: {  	(xrf1) =	vsort.dscd.msk.f32 $0xffff, v20, v12;
	v17 =	vsel vm0, v22, v17;
	v13 =	vsel vm0, v23, v21  }
0x249: {  	(xrf1) =	vsort.ascd.msk.f32 $0xffff, v17, v13;
	v12 =	vmov v18;
	_ =	sdelay $0x2  }
0x24a: {  	v13 =	vld.idx.msk [tilespmem:v18+s4+$0x0], $0xffff  }
0x24b: {  	v17 =	vld.idx.msk [tilespmem:v18+s12+$0x0], $0xffff;
	_ =	sdelay $0x5  }
.Ltmp34:
0x24c: {  	v13 =	vsub.f32 v10, v13;
	v22 =	vsub.f32 v11, v17;
	(pc) =	sbr.rel @p2 .LBB2_61-.Ltmp34, $4  }
0x24d: {  	s0 =	sadd.s32 $0x10, s0  }
0x24e: {  	v13 =	vmul.f32 v13, v13;
	v20 =	vmul.f32 v22, v22;
	v18 =	vld [tilespmem:s0+$0x0]  }
0x24f: {  	v17, v21, _ =	vpop (xrf1)  }
0x250: {  	s2 =	sadd.s32 $0xFFFFFFFF, s2;
	v20 =	vadd.f32 v20, v13;
	v22, v23, _ =	vpop (xrf1)  }
0x251: {  	_ =	sdelay $0x1  }
0x252: {  	v13 =	vmov v12;
	v12 =	vmov v18  }
.LBB2_63:
0x253: {  	vm0 =	vle.f32 @p1 v22, v17  }
0x254: {  	(xrf1) =	vsort.dscd.msk.f32 @p0 $0xffff, v20, v13;
	v13 =	vsel @p1 vm0, v22, v17;
	v17 =	vsel @p1 vm0, v23, v21  }
0x255: {  	(xrf1) =	vsort.ascd.msk.f32 @p1 $0xffff, v13, v17;
	_ =	sdelay $0x4  }
0x256: {  	v13 =	vld.idx.msk [tilespmem:v12+s4+$0x0], $0xffff  }
0x257: {  	v17 =	vld.idx.msk [tilespmem:v12+s12+$0x0], $0xffff;
	_ =	sdelay $0x4  }
0x258: {  	v10 =	vsub.f32 v10, v13;
	v11 =	vsub.f32 v11, v17;
	_ =	sdelay $0x1  }
0x259: {  	v10 =	vmul.f32 v10, v10;
	v11 =	vmul.f32 v11, v11;
	v13, v17, _ =	vpop @p0 (xrf1)  }
0x25a: {  	v18, v20, _ =	vpop @p1 (xrf1)  }
0x25b: {  	v10 =	vadd.f32 v11, v10;
	v13 =	vpsel p0, v13, v0;
	v11 =	vpsel p1, v18, v14  }
0x25c: {  	v17 =	vpsel p0, v17, v0;
	v18 =	vpsel p1, v20, v15;
	vm0 =	vle.f32 @p0 v11, v13  }
0x25d: {  	(xrf1) =	vsort.dscd.msk.f32 $0xffff, v10, v12;
	v10 =	vsel @p0 vm0, v11, v13;
	v11 =	vsel @p0 vm0, v18, v17  }
0x25e: {  	(xrf1) =	vsort.ascd.msk.f32 @p0 $0xffff, v10, v11;
	_ =	sdelay $0xc  }
0x25f: {  	v10, v11, _ =	vpop (xrf1)  }
0x260: {  	v12, v13, _ =	vpop @p0 (xrf1)  }
0x261: {  	v12 =	vpsel p0, v12, v14  }
0x262: {  	v13 =	vpsel p0, v13, v15;
	vm15 =	vle.f32 v12, v10  }
0x263: {  	v10 =	vsel vm15, v12, v10;
	v11 =	vsel vm15, v13, v11  }
0x264: {  	(xrf1) =	vsort.ascd.msk.f32 $0xffff, v10, v11;
	_ =	sdelay $0xd  }
0x265: {  	v14, v15, _ =	vpop (xrf1)  }
.LBB2_64:
0x266: {  	(v2sf) =	vpush v19, $0x0;
	_ =	sdelay $0xe  }
0x267: {  	s2 =	spop (v2sf)  }
0x268: {  	s0 =	sadd.s32 $0x10, s2;
	s3 =	sand.u32 $0xF, s2  }
0x269: {  	p0 =	sne.s32 s3, $0x0;
	s31 =	sshra.s32 s0, $0x1F;
	p1 =	slt.s32 s0, $0x1  }
0x26a: {  	s3 =	sshrl.u32 s31, $0x1C;
	p0 =	por !p1, !p0  }
0x26b: {  	s0 =	sadd.s32 s3, s0;
	p0 =	por !p0, !p0;
	s3 =	simm.s32 $0x1  }
0x26c: {  	s0 =	sshra.s32 s0, $0x4;
	s3 =	simm.s32 @!p0 $0x0  }
0x26d: {  	s0 =	ssub.s32 s0, s3  }
0x26e: {  	p0 =	slt.s32 s0, $0x1  }
.Ltmp35:
0x26f: {  	_ = 	snop;
	(pc) =	sbr.rel @p0 .LBB2_74-.Ltmp35, $4  }
0x270: {  	_ = 	snop  }
0x271: {  	[tilespmem:s29+$0x198D0] =	vst v15  }
0x272: {  	[tilespmem:s29+$0x1ACD0] =	vst v14;
	v10 =	vimm.f32 $+Inf  }
0x273: {  	v11 =	vimm.s32 $0x0;
	v12 =	vimm.f32 $+Inf;
	v13 =	vimm.s32 $0x0;
	[tilespmem:s2+$0x14781] =	vst v2;
	s2 =	simm.s32 $0x14780  }
0x274: {  	p2 =	sne.s32 s0, $0x1  }
.Ltmp36:
0x275: {  	_ = 	snop;
	(pc) =	sbr.rel @!p2 .LBB2_66-.Ltmp36, $2  }
0x276: {  	_ =	sdelay $0x2  }
0x277: {  	v13 =	vld [tilespmem:s2+$0x0];
	s0 =	sadd.s32 $0xFFFFFFFF, s0;
	p0 =	por $0x0, $0x0;
	p1 =	por $0x0, $0x0  }
0x278: {  	_ =	sdelay $0x7  }
0x279: {  	v12 =	vld.idx.msk [tilespmem:v13+s4+$0x0], $0xffff  }
0x27a: {  	v14 =	vld.idx.msk [tilespmem:v13+s12+$0x0], $0xffff;
	_ =	sdelay $0x3  }
0x27b: {  	p2 =	sne.s32 s0, $0x1;
	v12 =	vsub.f32 v8, v12  }
.Ltmp37:
0x27c: {  	s2 =	simm.s32 $0x14790;
	v14 =	vsub.f32 v9, v14;
	(pc) =	sbr.rel @!p2 .LBB2_68-.Ltmp37, $3  }
0x27d: {  	v15 =	vmul.f32 v12, v12;
	v12 =	vld [tilespmem:s2+$0x0]  }
0x27e: {  	v14 =	vmul.f32 v14, v14;
	_ =	sdelay $0x1  }
0x27f: {  	p0 =	por $0x1, $0x1;
	s2 =	sadd.s32 $0xFFFFFFFF, s0;
	v17 =	vadd.f32 v14, v15  }
0x280: {  	_ = 	snop  }
0x281: {  	(xrf1) =	vsort.dscd.msk.f32 $0xffff, v17, v13;
	_ =	sdelay $0x3  }
0x282: {  	v13 =	vld.idx.msk [tilespmem:v12+s4+$0x0], $0xffff  }
0x283: {  	v14 =	vld.idx.msk [tilespmem:v12+s12+$0x0], $0xffff;
	_ =	sdelay $0x3  }
0x284: {  	p2 =	sne.s32 s2, $0x1  }
.Ltmp38:
0x285: {  	v13 =	vsub.f32 v8, v13;
	v14 =	vsub.f32 v9, v14;
	(pc) =	sbr.rel @!p2 .LBB2_70-.Ltmp38, $3  }
0x286: {  	s0 =	simm.s32 $0x147A0  }
0x287: {  	v15 =	vld [tilespmem:s0+$0x0];
	v13 =	vmul.f32 v13, v13;
	v17 =	vmul.f32 v14, v14;
	_ =	sdelay $0x1  }
0x288: {  	s2 =	sadd.s32 $0xFFFFFFFF, s2;
	p1 =	por $0x1, $0x1;
	v19 =	vimm.f32 $+Inf;
	v20 =	vimm.s32 $0x0;
	v17 =	vadd.f32 v17, v13;
	v14, v18, _ =	vpop (xrf1)  }
.LBB2_71:
0x289: {  	p2 =	sne.s32 s2, $0x1;
	vm0 =	vle.f32 v19, v14  }
0x28a: {  	(xrf1) =	vsort.dscd.msk.f32 $0xffff, v17, v12;
	v14 =	vsel vm0, v19, v14;
	v13 =	vsel vm0, v20, v18  }
0x28b: {  	(xrf1) =	vsort.ascd.msk.f32 $0xffff, v14, v13;
	v12 =	vmov v15;
	_ =	sdelay $0x2  }
0x28c: {  	v13 =	vld.idx.msk [tilespmem:v15+s4+$0x0], $0xffff  }
0x28d: {  	v14 =	vld.idx.msk [tilespmem:v15+s12+$0x0], $0xffff;
	_ =	sdelay $0x5  }
.Ltmp39:
0x28e: {  	v13 =	vsub.f32 v8, v13;
	v19 =	vsub.f32 v9, v14;
	(pc) =	sbr.rel @p2 .LBB2_71-.Ltmp39, $4  }
0x28f: {  	s0 =	sadd.s32 $0x10, s0  }
0x290: {  	v13 =	vmul.f32 v13, v13;
	v17 =	vmul.f32 v19, v19;
	v15 =	vld [tilespmem:s0+$0x0]  }
0x291: {  	v14, v18, _ =	vpop (xrf1)  }
0x292: {  	s2 =	sadd.s32 $0xFFFFFFFF, s2;
	v17 =	vadd.f32 v17, v13;
	v19, v20, _ =	vpop (xrf1)  }
0x293: {  	_ =	sdelay $0x1  }
0x294: {  	v13 =	vmov v12;
	v12 =	vmov v15  }
.LBB2_73:
0x295: {  	vm0 =	vle.f32 @p1 v19, v14  }
0x296: {  	(xrf1) =	vsort.dscd.msk.f32 @p0 $0xffff, v17, v13;
	v13 =	vsel @p1 vm0, v19, v14;
	v14 =	vsel @p1 vm0, v20, v18  }
0x297: {  	(xrf1) =	vsort.ascd.msk.f32 @p1 $0xffff, v13, v14;
	_ =	sdelay $0x4  }
0x298: {  	v13 =	vld.idx.msk [tilespmem:v12+s4+$0x0], $0xffff  }
0x299: {  	v14 =	vld.idx.msk [tilespmem:v12+s12+$0x0], $0xffff;
	_ =	sdelay $0x4  }
0x29a: {  	v8 =	vsub.f32 v8, v13;
	v9 =	vsub.f32 v9, v14;
	_ =	sdelay $0x1  }
0x29b: {  	v8 =	vmul.f32 v8, v8;
	v9 =	vmul.f32 v9, v9;
	v13, v14, _ =	vpop @p0 (xrf1)  }
0x29c: {  	v15, v17, _ =	vpop @p1 (xrf1)  }
0x29d: {  	v8 =	vadd.f32 v9, v8;
	v13 =	vpsel p0, v13, v0;
	v9 =	vpsel p1, v15, v10  }
0x29e: {  	v14 =	vpsel p0, v14, v0;
	v15 =	vpsel p1, v17, v11;
	vm0 =	vle.f32 @p0 v9, v13  }
0x29f: {  	(xrf1) =	vsort.dscd.msk.f32 $0xffff, v8, v12;
	v8 =	vsel @p0 vm0, v9, v13;
	v9 =	vsel @p0 vm0, v15, v14  }
0x2a0: {  	(xrf1) =	vsort.ascd.msk.f32 @p0 $0xffff, v8, v9;
	_ =	sdelay $0xc  }
0x2a1: {  	v8, v9, _ =	vpop (xrf1)  }
0x2a2: {  	v12, v13, _ =	vpop @p0 (xrf1)  }
0x2a3: {  	v12 =	vpsel p0, v12, v10  }
0x2a4: {  	v13 =	vpsel p0, v13, v11;
	vm15 =	vle.f32 v12, v8  }
0x2a5: {  	v8 =	vsel vm15, v12, v8;
	v9 =	vsel vm15, v13, v9  }
0x2a6: {  	(xrf1) =	vsort.ascd.msk.f32 $0xffff, v8, v9;
	_ =	sdelay $0xd  }
0x2a7: {  	v12, v13, _ =	vpop (xrf1)  }
.LBB2_74:
0x2a8: {  	(v2sf) =	vpush v16, $0x0;
	_ =	sdelay $0xe  }
0x2a9: {  	s2 =	spop (v2sf)  }
0x2aa: {  	s0 =	sadd.s32 $0x10, s2;
	s3 =	sand.u32 $0xF, s2  }
0x2ab: {  	p0 =	sne.s32 s3, $0x0;
	s31 =	sshra.s32 s0, $0x1F;
	p1 =	slt.s32 s0, $0x1  }
0x2ac: {  	s3 =	sshrl.u32 s31, $0x1C;
	p0 =	por !p1, !p0  }
0x2ad: {  	s0 =	sadd.s32 s3, s0;
	p0 =	por !p0, !p0;
	s3 =	simm.s32 $0x1  }
0x2ae: {  	s0 =	sshra.s32 s0, $0x4;
	s3 =	simm.s32 @!p0 $0x0  }
0x2af: {  	s0 =	ssub.s32 s0, s3  }
0x2b0: {  	p0 =	slt.s32 s0, $0x1  }
.Ltmp40:
0x2b1: {  	_ = 	snop;
	(pc) =	sbr.rel @p0 .LBB2_84-.Ltmp40, $4  }
0x2b2: {  	_ = 	snop  }
0x2b3: {  	[tilespmem:s29+$0x198E0] =	vst v13  }
0x2b4: {  	[tilespmem:s29+$0x1ACE0] =	vst v12  }
0x2b5: {  	[tilespmem:s2+$0x17001] =	vst v2;
	s2 =	simm.s32 $0x17000  }
0x2b6: {  	p2 =	sne.s32 s0, $0x1  }
.Ltmp41:
0x2b7: {  	_ = 	snop;
	(pc) =	sbr.rel @!p2 .LBB2_76-.Ltmp41, $2  }
0x2b8: {  	_ =	sdelay $0x2  }
0x2b9: {  	v9 =	vld [tilespmem:s2+$0x0];
	s0 =	sadd.s32 $0xFFFFFFFF, s0;
	p0 =	por $0x0, $0x0;
	p1 =	por $0x0, $0x0  }
0x2ba: {  	_ =	sdelay $0x7  }
0x2bb: {  	v8 =	vld.idx.msk [tilespmem:v9+s4+$0x0], $0xffff  }
0x2bc: {  	v12 =	vld.idx.msk [tilespmem:v9+s12+$0x0], $0xffff;
	_ =	sdelay $0x3  }
0x2bd: {  	p2 =	sne.s32 s0, $0x1;
	v8 =	vsub.f32 v7, v8  }
.Ltmp42:
0x2be: {  	s2 =	simm.s32 $0x17010;
	v12 =	vsub.f32 v6, v12;
	(pc) =	sbr.rel @!p2 .LBB2_78-.Ltmp42, $3  }
0x2bf: {  	v13 =	vmul.f32 v8, v8;
	v8 =	vld [tilespmem:s2+$0x0]  }
0x2c0: {  	v12 =	vmul.f32 v12, v12;
	_ =	sdelay $0x1  }
0x2c1: {  	p0 =	por $0x1, $0x1;
	s2 =	sadd.s32 $0xFFFFFFFF, s0;
	v14 =	vadd.f32 v12, v13  }
0x2c2: {  	_ = 	snop  }
0x2c3: {  	(xrf1) =	vsort.dscd.msk.f32 $0xffff, v14, v9;
	_ =	sdelay $0x3  }
0x2c4: {  	v9 =	vld.idx.msk [tilespmem:v8+s4+$0x0], $0xffff  }
0x2c5: {  	v12 =	vld.idx.msk [tilespmem:v8+s12+$0x0], $0xffff;
	_ =	sdelay $0x3  }
0x2c6: {  	p2 =	sne.s32 s2, $0x1  }
.Ltmp43:
0x2c7: {  	v9 =	vsub.f32 v7, v9;
	v12 =	vsub.f32 v6, v12;
	(pc) =	sbr.rel @!p2 .LBB2_80-.Ltmp43, $3  }
0x2c8: {  	s0 =	simm.s32 $0x17020  }
0x2c9: {  	v13 =	vld [tilespmem:s0+$0x0];
	v9 =	vmul.f32 v9, v9;
	v14 =	vmul.f32 v12, v12;
	_ =	sdelay $0x1  }
0x2ca: {  	s2 =	sadd.s32 $0xFFFFFFFF, s2;
	p1 =	por $0x1, $0x1;
	v16 =	vimm.f32 $+Inf;
	v17 =	vimm.s32 $0x0;
	v14 =	vadd.f32 v14, v9;
	v12, v15, _ =	vpop (xrf1)  }
.LBB2_81:
0x2cb: {  	p2 =	sne.s32 s2, $0x1;
	vm0 =	vle.f32 v16, v12  }
0x2cc: {  	(xrf1) =	vsort.dscd.msk.f32 $0xffff, v14, v8;
	v12 =	vsel vm0, v16, v12;
	v9 =	vsel vm0, v17, v15  }
0x2cd: {  	(xrf1) =	vsort.ascd.msk.f32 $0xffff, v12, v9;
	v8 =	vmov v13;
	_ =	sdelay $0x2  }
0x2ce: {  	v9 =	vld.idx.msk [tilespmem:v13+s4+$0x0], $0xffff  }
0x2cf: {  	v12 =	vld.idx.msk [tilespmem:v13+s12+$0x0], $0xffff;
	_ =	sdelay $0x5  }
.Ltmp44:
0x2d0: {  	v9 =	vsub.f32 v7, v9;
	v16 =	vsub.f32 v6, v12;
	(pc) =	sbr.rel @p2 .LBB2_81-.Ltmp44, $4  }
0x2d1: {  	s0 =	sadd.s32 $0x10, s0  }
0x2d2: {  	v9 =	vmul.f32 v9, v9;
	v14 =	vmul.f32 v16, v16;
	v13 =	vld [tilespmem:s0+$0x0]  }
0x2d3: {  	v12, v15, _ =	vpop (xrf1)  }
0x2d4: {  	s2 =	sadd.s32 $0xFFFFFFFF, s2;
	v14 =	vadd.f32 v14, v9;
	v16, v17, _ =	vpop (xrf1)  }
0x2d5: {  	_ =	sdelay $0x1  }
0x2d6: {  	v9 =	vmov v8;
	v8 =	vmov v13  }
.LBB2_83:
0x2d7: {  	vm0 =	vle.f32 @p1 v16, v12  }
0x2d8: {  	(xrf1) =	vsort.dscd.msk.f32 @p0 $0xffff, v14, v9;
	v9 =	vsel @p1 vm0, v16, v12;
	v12 =	vsel @p1 vm0, v17, v15  }
0x2d9: {  	(xrf1) =	vsort.ascd.msk.f32 @p1 $0xffff, v9, v12;
	_ =	sdelay $0x4  }
0x2da: {  	v63 =	vld.idx.msk [tilespmem:v8+s12+$0x0], $0xffff  }
0x2db: {  	v9 =	vld.idx.msk [tilespmem:v8+s4+$0x0], $0xffff;
	_ =	sdelay $0x4  }
0x2dc: {  	v6 =	vsub.f32 v6, v63;
	v7 =	vsub.f32 v7, v9;
	_ =	sdelay $0x1  }
0x2dd: {  	v6 =	vmul.f32 v6, v6;
	v7 =	vmul.f32 v7, v7;
	v9, v12, _ =	vpop @p0 (xrf1)  }
0x2de: {  	v13, v14, _ =	vpop @p1 (xrf1)  }
0x2df: {  	v6 =	vadd.f32 v6, v7;
	v9 =	vpsel p0, v9, v0;
	v7 =	vpsel p1, v13, v10  }
0x2e0: {  	v12 =	vpsel p0, v12, v0;
	v13 =	vpsel p1, v14, v11;
	vm0 =	vle.f32 @p0 v7, v9  }
0x2e1: {  	(xrf1) =	vsort.dscd.msk.f32 $0xffff, v6, v8;
	v6 =	vsel @p0 vm0, v7, v9;
	v7 =	vsel @p0 vm0, v13, v12  }
0x2e2: {  	(xrf1) =	vsort.ascd.msk.f32 @p0 $0xffff, v6, v7;
	_ =	sdelay $0xc  }
0x2e3: {  	v6, v7, _ =	vpop (xrf1)  }
0x2e4: {  	v8, v9, _ =	vpop @p0 (xrf1)  }
0x2e5: {  	v8 =	vpsel p0, v8, v10  }
0x2e6: {  	v9 =	vpsel p0, v9, v11;
	vm15 =	vle.f32 v8, v6  }
0x2e7: {  	v6 =	vsel vm15, v8, v6;
	v7 =	vsel vm15, v9, v7  }
0x2e8: {  	(xrf1) =	vsort.ascd.msk.f32 $0xffff, v6, v7;
	_ =	sdelay $0xd  }
0x2e9: {  	v10, v11, _ =	vpop (xrf1)  }
.LBB2_84:
0x2ea: {  	v20 =	vbroadcast v4, $0x8;
	v21 =	vbroadcast v5, $0x8  }
0x2eb: {  	v25 =	vbroadcast v3, $0x8;
	v17 =	vbroadcast v4, $0x9;
	[tilespmem:s29+$0x198F0] =	vst v11  }
0x2ec: {  	v18 =	vbroadcast v5, $0x9;
	v16 =	vbroadcast v3, $0x9;
	[tilespmem:s29+$0x1ACF0] =	vst v10;
	s30 =	simm.s32 $0x2810  }
0x2ed: {  	v14 =	vbroadcast v4, $0xA;
	v15 =	vbroadcast v5, $0xA;
	s31 =	simm.s32 $0x10;
	v26 =	vld [tilespmem:s30+$0xFFFFFFF0]  }
0x2ee: {  	v19 =	vbroadcast v3, $0xA;
	v12 =	vbroadcast v4, $0xB;
	v27 =	vld [tilespmem:s31+$0xFFFFFFF0]  }
0x2ef: {  	v13 =	vbroadcast v5, $0xB;
	v22 =	vbroadcast v3, $0xB  }
0x2f0: {  	v10 =	vbroadcast v4, $0xC;
	v6 =	vbroadcast v5, $0xF  }
0x2f1: {  	v11 =	vbroadcast v5, $0xC;
	v23 =	vbroadcast v3, $0xC  }
0x2f2: {  	v9 =	vbroadcast v5, $0xD;
	v28 =	vsub.f32 v21, v26;
	v29 =	vsub.f32 v6, v26  }
0x2f3: {  	v5 =	vbroadcast v5, $0xE;
	v30 =	vsub.f32 v11, v26;
	v31 =	vsub.f32 v17, v27  }
0x2f4: {  	v8 =	vbroadcast v4, $0xD;
	v32 =	vsub.f32 v9, v26;
	v33 =	vsub.f32 v14, v27  }
0x2f5: {  	v24 =	vbroadcast v3, $0xD;
	v34 =	vsub.f32 v5, v26;
	v35 =	vsub.f32 v20, v27  }
0x2f6: {  	v7 =	vbroadcast v4, $0xE;
	v36 =	vsub.f32 v18, v26;
	v37 =	vsub.f32 v15, v26  }
0x2f7: {  	v4 =	vbroadcast v4, $0xF;
	v38 =	vsub.f32 v8, v27;
	v26 =	vsub.f32 v13, v26  }
0x2f8: {  	v39 =	vsub.f32 v12, v27;
	v28 =	vmul.f32 v28, v28;
	v30 =	vmul.f32 v30, v30  }
0x2f9: {  	v48 =	vsub.f32 v10, v27;
	v31 =	vmul.f32 v31, v31;
	v35 =	vmul.f32 v35, v35  }
0x2fa: {  	v40 =	vsub.f32 v7, v27;
	v33 =	vmul.f32 v33, v33;
	v32 =	vmul.f32 v32, v32  }
0x2fb: {  	v38 =	vmul.f32 v38, v38;
	v46 =	vmul.f32 v36, v36;
	v28 =	vadd.f32 v28, v35  }
0x2fc: {  	v27 =	vsub.f32 v4, v27;
	v47 =	vmul.f32 v37, v37;
	v39 =	vmul.f32 v39, v39  }
0x2fd: {  	v26 =	vmul.f32 v26, v26;
	vm0 =	vle.f32 v28, v25;
	v28 =	vadd.f32 v46, v31  }
0x2fe: {  	v34 =	vmul.f32 v34, v34;
	v49 =	vmul.f32 v48, v48;
	v31 =	vadd.f32 v47, v33  }
0x2ff: {  	v27 =	vmul.f32 v27, v27;
	v26 =	vadd.f32 v26, v39;
	(xrf0) =	vadd.scan.msk.s32 vm0, v1;
	vm1 =	vle.f32 v28, v16  }
0x300: {  	v30 =	vadd.f32 v30, v49;
	vm2 =	vle.f32 v31, v19;
	v31 =	vmul.f32 v40, v40;
	(xrf0) =	vadd.scan.msk.s32 vm1, v1  }
0x301: {  	v29 =	vmul.f32 v29, v29;
	vm4 =	vle.f32 v26, v22;
	v28 =	vadd.f32 v32, v38;
	(xrf0) =	vadd.scan.msk.s32 vm2, v1  }
0x302: {  	v26 =	vbroadcast v3, $0xE;
	vm3 =	vle.f32 v30, v23;
	v30 =	vadd.f32 v34, v31;
	(xrf0) =	vadd.scan.msk.s32 vm4, v1  }
0x303: {  	v27 =	vadd.f32 v29, v27;
	v3 =	vbroadcast v3, $0xF;
	vm5 =	vle.f32 v28, v24;
	(xrf0) =	vadd.scan.msk.s32 vm3, v1  }
0x304: {  	vm6 =	vle.f32 v30, v26;
	(xrf0) =	vadd.scan.msk.s32 vm5, v1  }
0x305: {  	v50 =	vimm.s32 $0xFFFFFFFF;
	vm7 =	vle.f32 v27, v3;
	v28, _, _ =	vpop (xrf0);
	(xrf0) =	vadd.scan.msk.s32 vm6, v1  }
0x306: {  	v27 =	vadd.s32 v50, v28;
	v28, _, _ =	vpop (xrf0);
	(xrf0) =	vadd.scan.msk.s32 vm7, v1  }
0x307: {  	v28 =	vadd.s32 v50, v28;
	v29, _, _ =	vpop (xrf0)  }
0x308: {  	v29 =	vadd.s32 v50, v29;
	v30, _, _ =	vpop (xrf0)  }
0x309: {  	s0 =	simm.s32 $0x0;
	v30 =	vadd.s32 v50, v30;
	v31, _, _ =	vpop (xrf0)  }
0x30a: {  	v51 =	vor.u32 s0, v0;
	v31 =	vadd.s32 v50, v31;
	v52, _, _ =	vpop (xrf0)  }
0x30b: {  	[tilespmem:v27+s16+$0x0] =	vst.idx.msk vm0, v51;
	v27 =	vadd.s32 v50, v52;
	v53, _, _ =	vpop (xrf0)  }
0x30c: {  	[tilespmem:v28+s17+$0x0] =	vst.idx.msk vm1, v51;
	v28 =	vadd.s32 v50, v53;
	v54, _, _ =	vpop (xrf0)  }
0x30d: {  	[tilespmem:v29+s18+$0x0] =	vst.idx.msk vm2, v51;
	v29 =	vadd.s32 v50, v54  }
0x30e: {  	[tilespmem:v30+s19+$0x0] =	vst.idx.msk vm4, v51  }
0x30f: {  	[tilespmem:v31+s20+$0x0] =	vst.idx.msk vm3, v51  }
0x310: {  	[tilespmem:v27+s21+$0x0] =	vst.idx.msk vm5, v51  }
0x311: {  	[tilespmem:v28+s22+$0x0] =	vst.idx.msk vm6, v51  }
0x312: {  	[tilespmem:v29+s23+$0x0] =	vst.idx.msk vm7, v51  }
0x313: {  	v56 =	vmpcnt.ones.xlane vm4;
	v58 =	vmpcnt.ones.xlane vm3;
	v40 =	vld [tilespmem:s31+$0x0]  }
0x314: {  	v55 =	vmpcnt.ones.xlane vm2;
	v57 =	vmpcnt.ones.xlane vm7;
	v41 =	vld [tilespmem:s30+$0x0]  }
0x315: {  	v33 =	vadd.s32 v50, v56;
	v27 =	vmpcnt.ones.xlane vm0;
	v29 =	vmpcnt.ones.xlane vm1  }
0x316: {  	v36 =	vadd.s32 v50, v55;
	v31 =	vmpcnt.ones.xlane vm6;
	v28 =	vmpcnt.ones.xlane vm5  }
0x317: {  	v37 =	vadd.s32 v50, v27;
	v27 =	vadd.s32 v50, v57;
	v30 =	vadd.s32 v50, v29  }
0x318: {  	v29 =	vadd.s32 v50, v28;
	v59 =	vsub.f32 v20, v40;
	v60 =	vsub.f32 v17, v40  }
0x319: {  	v28 =	vadd.s32 v50, v31;
	v61 =	vsub.f32 v21, v41;
	v42 =	vsub.f32 v18, v41  }
0x31a: {  	v31 =	vadd.s32 v50, v58;
	v62 =	vsub.f32 v14, v40;
	v63 =	vsub.f32 v15, v41  }
0x31b: {  	v43 =	vsub.f32 v13, v41;
	v35 =	vmul.f32 v59, v59;
	v39 =	vmul.f32 v61, v61  }
0x31c: {  	v38 =	vsub.f32 v12, v40;
	v44 =	vmul.f32 v60, v60;
	v42 =	vmul.f32 v42, v42  }
0x31d: {  	v45 =	vmul.f32 v62, v62;
	v46 =	vmul.f32 v63, v63;
	v35 =	vadd.f32 v39, v35  }
0x31e: {  	v34 =	vmul.f32 v43, v43;
	v32 =	vadd.f32 v42, v44;
	v39 =	vsub.f32 v11, v41  }
0x31f: {  	s2 =	simm.s32 $0x0;
	s3 =	simm.s32 $0x10;
	s0 =	simm.s32 $0x30;
	v42 =	vsub.f32 v10, v40;
	vm0 =	vle.f32 v35, v25;
	v35 =	vadd.f32 v46, v45  }
.LBB2_85:
0x320: {  	s2 =	sadd.s32 $0x2, s2;
	v43 =	vmpcnt.ones.xlane vm0;
	v44 =	vsub.f32 v8, v40;
	v45 =	vsub.f32 v9, v41;
	s31 =	sadd.s32 $0x20, s31;
	s30 =	sadd.s32 $0x20, s30  }
0x321: {  	v46 =	vsub.f32 v7, v40;
	v47 =	vsub.f32 v5, v41;
	p0 =	slt.u32 s2, $0x27E;
	v42 =	vmul.f32 v42, v42  }
0x322: {  	v41 =	vsub.f32 v6, v41;
	v44 =	vmul.f32 v44, v44;
	v45 =	vmul.f32 v45, v45  }
0x323: {  	v38 =	vmul.f32 v38, v38;
	v40 =	vsub.f32 v4, v40;
	v47 =	vmul.f32 v47, v47  }
0x324: {  	v39 =	vmul.f32 v39, v39;
	v41 =	vmul.f32 v41, v41;
	v44 =	vadd.f32 v45, v44  }
0x325: {  	vm1 =	vle.f32 v32, v16;
	v32 =	vadd.f32 v34, v38;
	v34 =	vmul.f32 v46, v46;
	(xrf0) =	vadd.scan.msk.s32 vm0, v1  }
0x326: {  	vm2 =	vle.f32 v35, v19;
	v38 =	vmul.f32 v40, v40;
	v35 =	vadd.f32 v39, v42;
	(xrf0) =	vadd.scan.msk.s32 vm1, v1  }
0x327: {  	v39 =	vmpcnt.ones.xlane vm2;
	vm3 =	vle.f32 v32, v22;
	v40 =	vadd.f32 v47, v34;
	(xrf0) =	vadd.scan.msk.s32 vm2, v1  }
0x328: {  	v41 =	vadd.f32 v41, v38;
	v34 =	vmpcnt.ones.xlane vm3;
	vm4 =	vle.f32 v35, v23;
	(xrf0) =	vadd.scan.msk.s32 vm3, v1  }
0x329: {  	v32 =	vadd.s32 v36, v39;
	v35 =	vmpcnt.ones.xlane vm4;
	vm5 =	vle.f32 v44, v24;
	(xrf0) =	vadd.scan.msk.s32 vm4, v1  }
0x32a: {  	vm6 =	vle.f32 v40, v26;
	v34 =	vadd.s32 v33, v34;
	v44 =	vmpcnt.ones.xlane vm5;
	(xrf0) =	vadd.scan.msk.s32 vm5, v1  }
0x32b: {  	vm7 =	vle.f32 v41, v3;
	v46 =	vmpcnt.ones.xlane vm6;
	v35 =	vadd.s32 v31, v35;
	v38, _, _ =	vpop (xrf0);
	(xrf0) =	vadd.scan.msk.s32 vm6, v1  }
0x32c: {  	v47 =	vmpcnt.ones.xlane vm7;
	v41 =	vadd.s32 v37, v38;
	v38 =	vadd.s32 v29, v44;
	v39, _, _ =	vpop (xrf0);
	(xrf0) =	vadd.scan.msk.s32 vm7, v1  }
0x32d: {  	v45 =	vmpcnt.ones.xlane vm1;
	v44 =	vadd.s32 v30, v39;
	v39 =	vadd.s32 v28, v46;
	v40, _, _ =	vpop (xrf0)  }
0x32e: {  	v37 =	vadd.s32 v37, v43;
	v40 =	vadd.s32 v36, v40;
	v36 =	vadd.s32 v27, v47;
	v42, _, _ =	vpop (xrf0)  }
0x32f: {  	v30 =	vadd.s32 v30, v45;
	v33 =	vadd.s32 v33, v42;
	v42, _, _ =	vpop (xrf0)  }
0x330: {  	v43 =	vor.u32 s3, v0;
	s3 =	smov.u32 s0;
	v31 =	vadd.s32 v31, v42;
	v42, _, _ =	vpop (xrf0)  }
0x331: {  	[tilespmem:v41+s16+$0x0] =	vst.idx.msk vm0, v43;
	v29 =	vadd.s32 v29, v42;
	v41, _, _ =	vpop (xrf0)  }
0x332: {  	[tilespmem:v44+s17+$0x0] =	vst.idx.msk vm1, v43;
	v28 =	vadd.s32 v28, v41;
	v41, _, _ =	vpop (xrf0)  }
0x333: {  	[tilespmem:v40+s18+$0x0] =	vst.idx.msk vm2, v43;
	v27 =	vadd.s32 v27, v41  }
0x334: {  	[tilespmem:v33+s19+$0x0] =	vst.idx.msk vm3, v43  }
0x335: {  	[tilespmem:v31+s20+$0x0] =	vst.idx.msk vm4, v43  }
0x336: {  	[tilespmem:v29+s21+$0x0] =	vst.idx.msk vm5, v43  }
0x337: {  	[tilespmem:v28+s22+$0x0] =	vst.idx.msk vm6, v43  }
0x338: {  	[tilespmem:v27+s23+$0x0] =	vst.idx.msk vm7, v43  }
0x339: {  	v27 =	vld [tilespmem:s30+$0xFFFFFFF0]  }
0x33a: {  	v28 =	vld [tilespmem:s31+$0xFFFFFFF0];
	_ =	sdelay $0x3  }
0x33b: {  	v29 =	vsub.f32 v21, v27;
	v31 =	vsub.f32 v6, v27  }
0x33c: {  	v40 =	vsub.f32 v11, v27;
	v33 =	vsub.f32 v10, v28  }
0x33d: {  	v42 =	vsub.f32 v9, v27;
	v41 =	vsub.f32 v17, v28;
	v29 =	vmul.f32 v29, v29  }
0x33e: {  	v44 =	vsub.f32 v5, v27;
	v43 =	vsub.f32 v14, v28;
	v40 =	vmul.f32 v40, v40  }
0x33f: {  	v46 =	vsub.f32 v18, v27;
	v45 =	vsub.f32 v20, v28;
	v41 =	vmul.f32 v41, v41  }
0x340: {  	v47 =	vsub.f32 v15, v27;
	v48 =	vsub.f32 v8, v28;
	v43 =	vmul.f32 v43, v43  }
0x341: {  	v27 =	vsub.f32 v13, v27;
	v42 =	vmul.f32 v42, v42;
	v45 =	vmul.f32 v45, v45  }
0x342: {  	v49 =	vsub.f32 v12, v28;
	v44 =	vmul.f32 v44, v44;
	v48 =	vmul.f32 v48, v48  }
0x343: {  	v29 =	vadd.f32 v29, v45;
	v45 =	vmul.f32 v46, v46;
	v46 =	vmul.f32 v47, v47  }
0x344: {  	v27 =	vmul.f32 v27, v27;
	v47 =	vmul.f32 v49, v49;
	v49 =	vsub.f32 v7, v28  }
0x345: {  	vm0 =	vle.f32 v29, v25;
	v29 =	vadd.f32 v45, v41;
	v41 =	vadd.f32 v46, v43  }
0x346: {  	v33 =	vmul.f32 v33, v33;
	v28 =	vsub.f32 v4, v28;
	v27 =	vadd.f32 v27, v47;
	(xrf0) =	vadd.scan.msk.s32 vm0, v1  }
0x347: {  	v43 =	vmpcnt.ones.xlane vm0;
	vm2 =	vle.f32 v29, v16;
	v29 =	vadd.f32 v42, v48  }
0x348: {  	v33 =	vadd.f32 v40, v33;
	v40 =	vmul.f32 v49, v49;
	vm1 =	vle.f32 v41, v19;
	(xrf0) =	vadd.scan.msk.s32 vm2, v1  }
0x349: {  	vm3 =	vle.f32 v27, v22;
	v27 =	vmul.f32 v28, v28;
	v28 =	vmul.f32 v31, v31;
	(xrf0) =	vadd.scan.msk.s32 vm1, v1  }
0x34a: {  	vm4 =	vle.f32 v33, v23;
	v31 =	vadd.f32 v44, v40;
	v42 =	vmpcnt.ones.xlane vm1;
	(xrf0) =	vadd.scan.msk.s32 vm3, v1  }
0x34b: {  	v33 =	vmpcnt.ones.xlane vm3;
	vm5 =	vle.f32 v29, v24;
	v27 =	vadd.f32 v28, v27;
	(xrf0) =	vadd.scan.msk.s32 vm4, v1  }
0x34c: {  	v44 =	vmpcnt.ones.xlane vm4;
	vm6 =	vle.f32 v31, v26;
	v28 =	vmpcnt.ones.xlane vm5;
	v29, _, _ =	vpop (xrf0);
	(xrf0) =	vadd.scan.msk.s32 vm5, v1  }
0x34d: {  	v31 =	vmpcnt.ones.xlane vm2;
	v45 =	vmpcnt.ones.xlane vm6;
	vm7 =	vle.f32 v27, v3;
	(xrf0) =	vadd.scan.msk.s32 vm6, v1  }
0x34e: {  	v46 =	vmpcnt.ones.xlane vm7;
	v27 =	vadd.s32 v37, v29;
	v29, _, _ =	vpop (xrf0);
	(xrf0) =	vadd.scan.msk.s32 vm7, v1  }
0x34f: {  	v29 =	vadd.s32 v30, v29;
	v40, _, _ =	vpop (xrf0)  }
0x350: {  	v40 =	vadd.s32 v32, v40;
	v41, _, _ =	vpop (xrf0)  }
0x351: {  	s1 =	sadd.s32 $0xFFFFFFF0, s0;
	v41 =	vadd.s32 v34, v41;
	v47, _, _ =	vpop (xrf0)  }
0x352: {  	v48 =	vor.u32 s1, v0;
	v47 =	vadd.s32 v35, v47;
	v49, _, _ =	vpop (xrf0)  }
0x353: {  	[tilespmem:v27+s16+$0x0] =	vst.idx.msk vm0, v48;
	v27 =	vadd.s32 v38, v49;
	v49, _, _ =	vpop (xrf0)  }
0x354: {  	[tilespmem:v29+s17+$0x0] =	vst.idx.msk vm2, v48;
	v29 =	vadd.s32 v39, v49;
	v49, _, _ =	vpop (xrf0)  }
0x355: {  	[tilespmem:v40+s18+$0x0] =	vst.idx.msk vm1, v48;
	v40 =	vadd.s32 v36, v49  }
0x356: {  	[tilespmem:v41+s19+$0x0] =	vst.idx.msk vm3, v48  }
0x357: {  	[tilespmem:v47+s20+$0x0] =	vst.idx.msk vm4, v48  }
0x358: {  	[tilespmem:v27+s21+$0x0] =	vst.idx.msk vm5, v48  }
0x359: {  	[tilespmem:v29+s22+$0x0] =	vst.idx.msk vm6, v48  }
0x35a: {  	[tilespmem:v40+s23+$0x0] =	vst.idx.msk vm7, v48  }
0x35b: {  	v40 =	vld [tilespmem:s31+$0x0]  }
0x35c: {  	v41 =	vld [tilespmem:s30+$0x0];
	_ =	sdelay $0x1  }
0x35d: {  	v37 =	vadd.s32 v37, v43;
	v30 =	vadd.s32 v30, v31  }
0x35e: {  	v27 =	vadd.s32 v36, v46;
	v29 =	vadd.s32 v38, v28;
	v28 =	vadd.s32 v39, v45  }
0x35f: {  	v31 =	vadd.s32 v35, v44;
	v35 =	vsub.f32 v20, v40;
	v38 =	vsub.f32 v17, v40  }
0x360: {  	v33 =	vadd.s32 v34, v33;
	v34 =	vsub.f32 v21, v41;
	v39 =	vsub.f32 v18, v41  }
0x361: {  	v36 =	vadd.s32 v32, v42;
	v32 =	vsub.f32 v14, v40;
	v42 =	vsub.f32 v15, v41  }
.Ltmp45:
0x362: {  	v43 =	vsub.f32 v13, v41;
	v35 =	vmul.f32 v35, v35;
	v34 =	vmul.f32 v34, v34;
	(pc) =	sbr.rel @p0 .LBB2_85-.Ltmp45, $4  }
0x363: {  	v44 =	vmul.f32 v38, v38;
	v38 =	vsub.f32 v12, v40;
	v39 =	vmul.f32 v39, v39  }
0x364: {  	v45 =	vmul.f32 v32, v32;
	v42 =	vmul.f32 v42, v42;
	v35 =	vadd.f32 v34, v35  }
0x365: {  	v32 =	vadd.f32 v39, v44;
	v34 =	vmul.f32 v43, v43;
	v39 =	vsub.f32 v11, v41  }
0x366: {  	s0 =	sadd.s32 $0x20, s0;
	vm0 =	vle.f32 v35, v25;
	v35 =	vadd.f32 v42, v45;
	v42 =	vsub.f32 v10, v40  }
0x367: {  	v25 =	vmpcnt.ones.xlane vm0;
	_ =	sdelay $0x1  }
0x368: {  	v25 =	vadd.s32 v37, v25  }
0x369: {  	(v2sf) =	vpush v25, $0x0;
	_ =	sdelay $0x1  }
0x36a: {  	v43 =	vsub.f32 v8, v40  }
0x36b: {  	v44 =	vsub.f32 v9, v41;
	v45 =	vsub.f32 v7, v40  }
0x36c: {  	v46 =	vsub.f32 v5, v41;
	v55 =	vsub.f32 v6, v41;
	v38 =	vmul.f32 v38, v38  }
0x36d: {  	v57 =	vsub.f32 v4, v40;
	v39 =	vmul.f32 v39, v39;
	vm1 =	vle.f32 v32, v16  }
0x36e: {  	v42 =	vmul.f32 v42, v42;
	vm7 =	vle.f32 v35, v19;
	v43 =	vmul.f32 v43, v43  }
0x36f: {  	(xrf0) =	vadd.scan.msk.s32 vm0, v1;
	v56 =	vmul.f32 v46, v46;
	v16 =	vadd.f32 v34, v38;
	v25 =	vmul.f32 v44, v44  }
0x370: {  	(xrf0) =	vadd.scan.msk.s32 vm1, v1;
	v58 =	vmul.f32 v45, v45;
	v59 =	vmul.f32 v55, v55;
	v19 =	vadd.f32 v39, v42  }
0x371: {  	v60 =	vmul.f32 v57, v57;
	(xrf0) =	vadd.scan.msk.s32 vm7, v1;
	vm6 =	vle.f32 v16, v22;
	v25 =	vadd.f32 v25, v43  }
0x372: {  	v16 =	vadd.f32 v56, v58;
	vm5 =	vle.f32 v19, v23;
	(xrf0) =	vadd.scan.msk.s32 vm6, v1  }
0x373: {  	v19 =	vadd.f32 v59, v60;
	(xrf0) =	vadd.scan.msk.s32 vm5, v1;
	vm4 =	vle.f32 v25, v24  }
0x374: {  	vm3 =	vle.f32 v16, v26;
	(xrf0) =	vadd.scan.msk.s32 vm4, v1  }
0x375: {  	vm2 =	vle.f32 v19, v3;
	v3, _, _ =	vpop (xrf0);
	(xrf0) =	vadd.scan.msk.s32 vm3, v1  }
0x376: {  	v3 =	vadd.s32 v37, v3;
	v16, _, _ =	vpop (xrf0);
	(xrf0) =	vadd.scan.msk.s32 vm2, v1  }
0x377: {  	v16 =	vadd.s32 v30, v16;
	v19, _, _ =	vpop (xrf0);
	s1 =	spop (v2sf)  }
0x378: {  	v19 =	vadd.s32 v36, v19;
	v22, _, _ =	vpop (xrf0);
	s0 =	sadd.s32 $0x10, s1;
	s2 =	sand.u32 $0xF, s1  }
0x379: {  	v22 =	vadd.s32 v33, v22;
	v23, _, _ =	vpop (xrf0);
	p0 =	sne.s32 s2, $0x0;
	s31 =	sshra.s32 s0, $0x1F;
	p1 =	slt.s32 s0, $0x1  }
0x37a: {  	v25 =	vor.u32 s3, v0;
	v26 =	vadd.s32 v31, v23;
	v23, _, _ =	vpop (xrf0);
	s2 =	sshrl.u32 s31, $0x1C;
	p0 =	por !p1, !p0  }
0x37b: {  	[tilespmem:v3+s16+$0x0] =	vst.idx.msk vm0, v25;
	v3 =	vadd.s32 v29, v23;
	v23, _, _ =	vpop (xrf0);
	s0 =	sadd.s32 s2, s0;
	p0 =	por !p0, !p0;
	s2 =	simm.s32 $0x1  }
0x37c: {  	[tilespmem:v16+s17+$0x0] =	vst.idx.msk vm1, v25;
	v61 =	vadd.s32 v28, v23;
	v16, _, _ =	vpop (xrf0);
	s0 =	sshra.s32 s0, $0x4;
	s2 =	simm.s32 @!p0 $0x0  }
0x37d: {  	v24 =	vmpcnt.ones.xlane vm7;
	[tilespmem:v19+s18+$0x0] =	vst.idx.msk vm7, v25;
	v62 =	vadd.s32 v27, v16;
	s0 =	ssub.s32 s0, s2  }
0x37e: {  	v63 =	vmpcnt.ones.xlane vm3;
	v19 =	vmpcnt.ones.xlane vm4;
	[tilespmem:v22+s19+$0x0] =	vst.idx.msk vm6, v25;
	p0 =	slt.s32 s0, $0x1  }
.Ltmp46:
0x37f: {  	v24 =	vadd.s32 v36, v24;
	v23 =	vmpcnt.ones.xlane vm6;
	v16 =	vmpcnt.ones.xlane vm5;
	[tilespmem:v26+s20+$0x0] =	vst.idx.msk vm5, v25;
	(pc) =	sbr.rel @p0 .LBB2_96-.Ltmp46, $4  }
0x380: {  	v19 =	vadd.s32 v29, v19;
	v29 =	vimm.s32 $0x0;
	v26 =	vmpcnt.ones.xlane vm2;
	[tilespmem:v3+s21+$0x0] =	vst.idx.msk vm4, v25  }
0x381: {  	v23 =	vadd.s32 v33, v23;
	v22 =	vadd.s32 v31, v16;
	v31 =	vmpcnt.ones.xlane vm1;
	[tilespmem:v61+s22+$0x0] =	vst.idx.msk vm3, v25  }
0x382: {  	v16 =	vadd.s32 v28, v63;
	v28 =	vimm.f32 $+Inf;
	v3 =	vadd.s32 v27, v26;
	[tilespmem:v62+s23+$0x0] =	vst.idx.msk vm2, v25  }
0x383: {  	v26 =	vimm.s32 $0x0;
	v27 =	vadd.s32 v30, v31;
	v25 =	vimm.f32 $+Inf;
	[tilespmem:s1+$0x5481] =	vst v2;
	s2 =	simm.s32 $0x5480  }
0x384: {  	p2 =	sne.s32 s0, $0x1  }
.Ltmp47:
0x385: {  	_ = 	snop;
	(pc) =	sbr.rel @!p2 .LBB2_88-.Ltmp47, $2  }
0x386: {  	_ =	sdelay $0x2  }
0x387: {  	v29 =	vld [tilespmem:s2+$0x0];
	s0 =	sadd.s32 $0xFFFFFFFF, s0;
	p0 =	por $0x0, $0x0;
	p1 =	por $0x0, $0x0  }
0x388: {  	_ =	sdelay $0x7  }
0x389: {  	v28 =	vld.idx.msk [tilespmem:v29+s4+$0x0], $0xffff  }
0x38a: {  	v30 =	vld.idx.msk [tilespmem:v29+s12+$0x0], $0xffff;
	_ =	sdelay $0x3  }
0x38b: {  	p2 =	sne.s32 s0, $0x1;
	v28 =	vsub.f32 v20, v28  }
.Ltmp48:
0x38c: {  	s1 =	simm.s32 $0x5490;
	v30 =	vsub.f32 v21, v30;
	(pc) =	sbr.rel @!p2 .LBB2_90-.Ltmp48, $3  }
0x38d: {  	v31 =	vmul.f32 v28, v28;
	v28 =	vld [tilespmem:s1+$0x0]  }
0x38e: {  	v30 =	vmul.f32 v30, v30;
	_ =	sdelay $0x1  }
0x38f: {  	s2 =	sadd.s32 $0xFFFFFFFF, s0;
	p0 =	por $0x1, $0x1;
	v32 =	vadd.f32 v30, v31  }
0x390: {  	_ = 	snop  }
0x391: {  	(xrf1) =	vsort.dscd.msk.f32 $0xffff, v32, v29;
	_ =	sdelay $0x3  }
0x392: {  	v29 =	vld.idx.msk [tilespmem:v28+s4+$0x0], $0xffff  }
0x393: {  	v30 =	vld.idx.msk [tilespmem:v28+s12+$0x0], $0xffff;
	_ =	sdelay $0x3  }
0x394: {  	p2 =	sne.s32 s2, $0x1  }
.Ltmp49:
0x395: {  	v29 =	vsub.f32 v20, v29;
	v30 =	vsub.f32 v21, v30;
	(pc) =	sbr.rel @!p2 .LBB2_92-.Ltmp49, $3  }
0x396: {  	s0 =	simm.s32 $0x54A0  }
0x397: {  	v31 =	vld [tilespmem:s0+$0x0];
	v29 =	vmul.f32 v29, v29;
	v63 =	vmul.f32 v30, v30;
	_ =	sdelay $0x1  }
0x398: {  	s2 =	sadd.s32 $0xFFFFFFFF, s2;
	p1 =	por $0x1, $0x1;
	v34 =	vimm.f32 $+Inf;
	v35 =	vimm.s32 $0x0;
	v32 =	vadd.f32 v63, v29;
	v30, v33, _ =	vpop (xrf1)  }
.LBB2_93:
0x399: {  	p2 =	sne.s32 s2, $0x1;
	vm0 =	vle.f32 v34, v30  }
0x39a: {  	(xrf1) =	vsort.dscd.msk.f32 $0xffff, v32, v28;
	v30 =	vsel vm0, v34, v30;
	v29 =	vsel vm0, v35, v33  }
0x39b: {  	(xrf1) =	vsort.ascd.msk.f32 $0xffff, v30, v29;
	v28 =	vmov v31;
	_ =	sdelay $0x2  }
0x39c: {  	v29 =	vld.idx.msk [tilespmem:v31+s4+$0x0], $0xffff  }
0x39d: {  	v30 =	vld.idx.msk [tilespmem:v31+s12+$0x0], $0xffff;
	_ =	sdelay $0x5  }
.Ltmp50:
0x39e: {  	v29 =	vsub.f32 v20, v29;
	v34 =	vsub.f32 v21, v30;
	(pc) =	sbr.rel @p2 .LBB2_93-.Ltmp50, $4  }
0x39f: {  	s0 =	sadd.s32 $0x10, s0  }
0x3a0: {  	v29 =	vmul.f32 v29, v29;
	v32 =	vmul.f32 v34, v34;
	v31 =	vld [tilespmem:s0+$0x0]  }
0x3a1: {  	v30, v33, _ =	vpop (xrf1)  }
0x3a2: {  	s2 =	sadd.s32 $0xFFFFFFFF, s2;
	v32 =	vadd.f32 v32, v29;
	v34, v35, _ =	vpop (xrf1)  }
0x3a3: {  	_ =	sdelay $0x1  }
0x3a4: {  	v29 =	vmov v28;
	v28 =	vmov v31  }
.LBB2_95:
0x3a5: {  	vm0 =	vle.f32 @p1 v34, v30  }
0x3a6: {  	(xrf1) =	vsort.dscd.msk.f32 @p0 $0xffff, v32, v29;
	v29 =	vsel @p1 vm0, v34, v30;
	v30 =	vsel @p1 vm0, v35, v33  }
0x3a7: {  	(xrf1) =	vsort.ascd.msk.f32 @p1 $0xffff, v29, v30;
	_ =	sdelay $0x4  }
0x3a8: {  	v29 =	vld.idx.msk [tilespmem:v28+s4+$0x0], $0xffff  }
0x3a9: {  	v30 =	vld.idx.msk [tilespmem:v28+s12+$0x0], $0xffff;
	_ =	sdelay $0x4  }
0x3aa: {  	v20 =	vsub.f32 v20, v29;
	v21 =	vsub.f32 v21, v30;
	_ =	sdelay $0x1  }
0x3ab: {  	v20 =	vmul.f32 v20, v20;
	v21 =	vmul.f32 v21, v21;
	v29, v30, _ =	vpop @p0 (xrf1)  }
0x3ac: {  	v31, v32, _ =	vpop @p1 (xrf1)  }
0x3ad: {  	v20 =	vadd.f32 v21, v20;
	v29 =	vpsel p0, v29, v0;
	v21 =	vpsel p1, v31, v25  }
0x3ae: {  	v30 =	vpsel p0, v30, v0;
	v31 =	vpsel p1, v32, v26;
	vm0 =	vle.f32 @p0 v21, v29  }
0x3af: {  	(xrf1) =	vsort.dscd.msk.f32 $0xffff, v20, v28;
	v20 =	vsel @p0 vm0, v21, v29;
	v21 =	vsel @p0 vm0, v31, v30  }
0x3b0: {  	(xrf1) =	vsort.ascd.msk.f32 @p0 $0xffff, v20, v21;
	_ =	sdelay $0xc  }
0x3b1: {  	v20, v21, _ =	vpop (xrf1)  }
0x3b2: {  	v28, v29, _ =	vpop @p0 (xrf1)  }
0x3b3: {  	v28 =	vpsel p0, v28, v25  }
0x3b4: {  	v29 =	vpsel p0, v29, v26;
	vm15 =	vle.f32 v28, v20  }
0x3b5: {  	v20 =	vsel vm15, v28, v20;
	v21 =	vsel vm15, v29, v21  }
0x3b6: {  	(xrf1) =	vsort.ascd.msk.f32 $0xffff, v20, v21;
	_ =	sdelay $0xd  }
0x3b7: {  	v28, v29, _ =	vpop (xrf1)  }
.LBB2_96:
0x3b8: {  	(v2sf) =	vpush v27, $0x0;
	_ =	sdelay $0xe  }
0x3b9: {  	s1 =	spop (v2sf)  }
0x3ba: {  	s0 =	sadd.s32 $0x10, s1;
	s2 =	sand.u32 $0xF, s1  }
0x3bb: {  	p0 =	sne.s32 s2, $0x0;
	s31 =	sshra.s32 s0, $0x1F;
	p1 =	slt.s32 s0, $0x1  }
0x3bc: {  	s2 =	sshrl.u32 s31, $0x1C;
	p0 =	por !p1, !p0  }
0x3bd: {  	s0 =	sadd.s32 s2, s0;
	p0 =	por !p0, !p0;
	s2 =	simm.s32 $0x1  }
0x3be: {  	s0 =	sshra.s32 s0, $0x4;
	s2 =	simm.s32 @!p0 $0x0  }
0x3bf: {  	s0 =	ssub.s32 s0, s2  }
0x3c0: {  	p0 =	slt.s32 s0, $0x1  }
.Ltmp51:
0x3c1: {  	_ = 	snop;
	(pc) =	sbr.rel @p0 .LBB2_106-.Ltmp51, $4  }
0x3c2: {  	_ = 	snop  }
0x3c3: {  	[tilespmem:s29+$0x19900] =	vst v29  }
0x3c4: {  	[tilespmem:s29+$0x1AD00] =	vst v28  }
0x3c5: {  	[tilespmem:s1+$0x7D01] =	vst v2;
	s2 =	simm.s32 $0x7D00  }
0x3c6: {  	p2 =	sne.s32 s0, $0x1  }
.Ltmp52:
0x3c7: {  	_ = 	snop;
	(pc) =	sbr.rel @!p2 .LBB2_98-.Ltmp52, $2  }
0x3c8: {  	_ =	sdelay $0x2  }
0x3c9: {  	v21 =	vld [tilespmem:s2+$0x0];
	s0 =	sadd.s32 $0xFFFFFFFF, s0;
	p0 =	por $0x0, $0x0;
	p1 =	por $0x0, $0x0  }
0x3ca: {  	_ =	sdelay $0x7  }
0x3cb: {  	v20 =	vld.idx.msk [tilespmem:v21+s4+$0x0], $0xffff  }
0x3cc: {  	v27 =	vld.idx.msk [tilespmem:v21+s12+$0x0], $0xffff;
	_ =	sdelay $0x3  }
0x3cd: {  	p2 =	sne.s32 s0, $0x1;
	v20 =	vsub.f32 v17, v20  }
.Ltmp53:
0x3ce: {  	s1 =	simm.s32 $0x7D10;
	v27 =	vsub.f32 v18, v27;
	(pc) =	sbr.rel @!p2 .LBB2_100-.Ltmp53, $3  }
0x3cf: {  	v28 =	vmul.f32 v20, v20;
	v20 =	vld [tilespmem:s1+$0x0]  }
0x3d0: {  	v27 =	vmul.f32 v27, v27;
	_ =	sdelay $0x1  }
0x3d1: {  	s2 =	sadd.s32 $0xFFFFFFFF, s0;
	p0 =	por $0x1, $0x1;
	v29 =	vadd.f32 v27, v28  }
0x3d2: {  	_ = 	snop  }
0x3d3: {  	(xrf1) =	vsort.dscd.msk.f32 $0xffff, v29, v21;
	_ =	sdelay $0x3  }
0x3d4: {  	v21 =	vld.idx.msk [tilespmem:v20+s4+$0x0], $0xffff  }
0x3d5: {  	v27 =	vld.idx.msk [tilespmem:v20+s12+$0x0], $0xffff;
	_ =	sdelay $0x3  }
0x3d6: {  	p2 =	sne.s32 s2, $0x1  }
.Ltmp54:
0x3d7: {  	v21 =	vsub.f32 v17, v21;
	v27 =	vsub.f32 v18, v27;
	(pc) =	sbr.rel @!p2 .LBB2_102-.Ltmp54, $3  }
0x3d8: {  	s0 =	simm.s32 $0x7D20  }
0x3d9: {  	v28 =	vld [tilespmem:s0+$0x0];
	v21 =	vmul.f32 v21, v21;
	v29 =	vmul.f32 v27, v27;
	_ =	sdelay $0x1  }
0x3da: {  	s2 =	sadd.s32 $0xFFFFFFFF, s2;
	p1 =	por $0x1, $0x1;
	v31 =	vimm.f32 $+Inf;
	v32 =	vimm.s32 $0x0;
	v29 =	vadd.f32 v29, v21;
	v27, v30, _ =	vpop (xrf1)  }
.LBB2_103:
0x3db: {  	p2 =	sne.s32 s2, $0x1;
	vm0 =	vle.f32 v31, v27  }
0x3dc: {  	(xrf1) =	vsort.dscd.msk.f32 $0xffff, v29, v20;
	v27 =	vsel vm0, v31, v27;
	v21 =	vsel vm0, v32, v30  }
0x3dd: {  	(xrf1) =	vsort.ascd.msk.f32 $0xffff, v27, v21;
	v20 =	vmov v28;
	_ =	sdelay $0x2  }
0x3de: {  	v21 =	vld.idx.msk [tilespmem:v28+s4+$0x0], $0xffff  }
0x3df: {  	v27 =	vld.idx.msk [tilespmem:v28+s12+$0x0], $0xffff;
	_ =	sdelay $0x5  }
.Ltmp55:
0x3e0: {  	v21 =	vsub.f32 v17, v21;
	v31 =	vsub.f32 v18, v27;
	(pc) =	sbr.rel @p2 .LBB2_103-.Ltmp55, $4  }
0x3e1: {  	s0 =	sadd.s32 $0x10, s0  }
0x3e2: {  	v21 =	vmul.f32 v21, v21;
	v29 =	vmul.f32 v31, v31;
	v28 =	vld [tilespmem:s0+$0x0]  }
0x3e3: {  	v27, v30, _ =	vpop (xrf1)  }
0x3e4: {  	s2 =	sadd.s32 $0xFFFFFFFF, s2;
	v29 =	vadd.f32 v29, v21;
	v31, v32, _ =	vpop (xrf1)  }
0x3e5: {  	_ =	sdelay $0x1  }
0x3e6: {  	v21 =	vmov v20;
	v20 =	vmov v28  }
.LBB2_105:
0x3e7: {  	vm0 =	vle.f32 @p1 v31, v27  }
0x3e8: {  	(xrf1) =	vsort.dscd.msk.f32 @p0 $0xffff, v29, v21;
	v21 =	vsel @p1 vm0, v31, v27;
	v27 =	vsel @p1 vm0, v32, v30  }
0x3e9: {  	(xrf1) =	vsort.ascd.msk.f32 @p1 $0xffff, v21, v27;
	_ =	sdelay $0x4  }
0x3ea: {  	v21 =	vld.idx.msk [tilespmem:v20+s4+$0x0], $0xffff  }
0x3eb: {  	v27 =	vld.idx.msk [tilespmem:v20+s12+$0x0], $0xffff;
	_ =	sdelay $0x4  }
0x3ec: {  	v17 =	vsub.f32 v17, v21;
	v18 =	vsub.f32 v18, v27;
	_ =	sdelay $0x1  }
0x3ed: {  	v17 =	vmul.f32 v17, v17;
	v18 =	vmul.f32 v18, v18;
	v21, v27, _ =	vpop @p0 (xrf1)  }
0x3ee: {  	v28, v29, _ =	vpop @p1 (xrf1)  }
0x3ef: {  	v17 =	vadd.f32 v18, v17;
	v21 =	vpsel p0, v21, v0;
	v18 =	vpsel p1, v28, v25  }
0x3f0: {  	v27 =	vpsel p0, v27, v0;
	v28 =	vpsel p1, v29, v26;
	vm0 =	vle.f32 @p0 v18, v21  }
0x3f1: {  	(xrf1) =	vsort.dscd.msk.f32 $0xffff, v17, v20;
	v17 =	vsel @p0 vm0, v18, v21;
	v18 =	vsel @p0 vm0, v28, v27  }
0x3f2: {  	(xrf1) =	vsort.ascd.msk.f32 @p0 $0xffff, v17, v18;
	_ =	sdelay $0xc  }
0x3f3: {  	v17, v18, _ =	vpop (xrf1)  }
0x3f4: {  	v20, v21, _ =	vpop @p0 (xrf1)  }
0x3f5: {  	v20 =	vpsel p0, v20, v25  }
0x3f6: {  	v21 =	vpsel p0, v21, v26;
	vm15 =	vle.f32 v20, v17  }
0x3f7: {  	v17 =	vsel vm15, v20, v17;
	v18 =	vsel vm15, v21, v18  }
0x3f8: {  	(xrf1) =	vsort.ascd.msk.f32 $0xffff, v17, v18;
	_ =	sdelay $0xd  }
0x3f9: {  	v25, v26, _ =	vpop (xrf1)  }
.LBB2_106:
0x3fa: {  	(v2sf) =	vpush v24, $0x0;
	_ =	sdelay $0xe  }
0x3fb: {  	s1 =	spop (v2sf)  }
0x3fc: {  	s0 =	sadd.s32 $0x10, s1;
	s2 =	sand.u32 $0xF, s1  }
0x3fd: {  	p0 =	sne.s32 s2, $0x0;
	s31 =	sshra.s32 s0, $0x1F;
	p1 =	slt.s32 s0, $0x1  }
0x3fe: {  	s2 =	sshrl.u32 s31, $0x1C;
	p0 =	por !p1, !p0  }
0x3ff: {  	s0 =	sadd.s32 s2, s0;
	p0 =	por !p0, !p0;
	s2 =	simm.s32 $0x1  }
0x400: {  	s0 =	sshra.s32 s0, $0x4;
	s2 =	simm.s32 @!p0 $0x0  }
0x401: {  	s0 =	ssub.s32 s0, s2  }
0x402: {  	p0 =	slt.s32 s0, $0x1  }
.Ltmp56:
0x403: {  	_ = 	snop;
	(pc) =	sbr.rel @p0 .LBB2_116-.Ltmp56, $4  }
0x404: {  	_ = 	snop  }
0x405: {  	[tilespmem:s29+$0x19910] =	vst v26  }
0x406: {  	[tilespmem:s29+$0x1AD10] =	vst v25;
	v17 =	vimm.f32 $+Inf  }
0x407: {  	v18 =	vimm.s32 $0x0;
	v20 =	vimm.f32 $+Inf;
	v21 =	vimm.s32 $0x0;
	[tilespmem:s1+$0xA581] =	vst v2;
	s2 =	simm.s32 $0xA580  }
0x408: {  	p2 =	sne.s32 s0, $0x1  }
.Ltmp57:
0x409: {  	_ = 	snop;
	(pc) =	sbr.rel @!p2 .LBB2_108-.Ltmp57, $2  }
0x40a: {  	_ =	sdelay $0x2  }
0x40b: {  	v21 =	vld [tilespmem:s2+$0x0];
	s0 =	sadd.s32 $0xFFFFFFFF, s0;
	p0 =	por $0x0, $0x0;
	p1 =	por $0x0, $0x0  }
0x40c: {  	_ =	sdelay $0x7  }
0x40d: {  	v20 =	vld.idx.msk [tilespmem:v21+s4+$0x0], $0xffff  }
0x40e: {  	v24 =	vld.idx.msk [tilespmem:v21+s12+$0x0], $0xffff;
	_ =	sdelay $0x3  }
0x40f: {  	p2 =	sne.s32 s0, $0x1;
	v20 =	vsub.f32 v14, v20  }
.Ltmp58:
0x410: {  	s1 =	simm.s32 $0xA590;
	v24 =	vsub.f32 v15, v24;
	(pc) =	sbr.rel @!p2 .LBB2_110-.Ltmp58, $3  }
0x411: {  	v25 =	vmul.f32 v20, v20;
	v20 =	vld [tilespmem:s1+$0x0]  }
0x412: {  	v24 =	vmul.f32 v24, v24;
	_ =	sdelay $0x1  }
0x413: {  	s2 =	sadd.s32 $0xFFFFFFFF, s0;
	p0 =	por $0x1, $0x1;
	v26 =	vadd.f32 v24, v25  }
0x414: {  	_ = 	snop  }
0x415: {  	(xrf1) =	vsort.dscd.msk.f32 $0xffff, v26, v21;
	_ =	sdelay $0x3  }
0x416: {  	v21 =	vld.idx.msk [tilespmem:v20+s4+$0x0], $0xffff  }
0x417: {  	v24 =	vld.idx.msk [tilespmem:v20+s12+$0x0], $0xffff;
	_ =	sdelay $0x3  }
0x418: {  	p2 =	sne.s32 s2, $0x1  }
.Ltmp59:
0x419: {  	v21 =	vsub.f32 v14, v21;
	v24 =	vsub.f32 v15, v24;
	(pc) =	sbr.rel @!p2 .LBB2_112-.Ltmp59, $3  }
0x41a: {  	s0 =	simm.s32 $0xA5A0  }
0x41b: {  	v25 =	vld [tilespmem:s0+$0x0];
	v21 =	vmul.f32 v21, v21;
	v26 =	vmul.f32 v24, v24;
	_ =	sdelay $0x1  }
0x41c: {  	s2 =	sadd.s32 $0xFFFFFFFF, s2;
	p1 =	por $0x1, $0x1;
	v28 =	vimm.f32 $+Inf;
	v29 =	vimm.s32 $0x0;
	v26 =	vadd.f32 v26, v21;
	v24, v27, _ =	vpop (xrf1)  }
.LBB2_113:
0x41d: {  	p2 =	sne.s32 s2, $0x1;
	vm0 =	vle.f32 v28, v24  }
0x41e: {  	(xrf1) =	vsort.dscd.msk.f32 $0xffff, v26, v20;
	v24 =	vsel vm0, v28, v24;
	v21 =	vsel vm0, v29, v27  }
0x41f: {  	(xrf1) =	vsort.ascd.msk.f32 $0xffff, v24, v21;
	v20 =	vmov v25;
	_ =	sdelay $0x2  }
0x420: {  	v21 =	vld.idx.msk [tilespmem:v25+s4+$0x0], $0xffff  }
0x421: {  	v24 =	vld.idx.msk [tilespmem:v25+s12+$0x0], $0xffff;
	_ =	sdelay $0x5  }
.Ltmp60:
0x422: {  	v21 =	vsub.f32 v14, v21;
	v28 =	vsub.f32 v15, v24;
	(pc) =	sbr.rel @p2 .LBB2_113-.Ltmp60, $4  }
0x423: {  	s0 =	sadd.s32 $0x10, s0  }
0x424: {  	v21 =	vmul.f32 v21, v21;
	v26 =	vmul.f32 v28, v28;
	v25 =	vld [tilespmem:s0+$0x0]  }
0x425: {  	v24, v27, _ =	vpop (xrf1)  }
0x426: {  	s2 =	sadd.s32 $0xFFFFFFFF, s2;
	v26 =	vadd.f32 v26, v21;
	v28, v29, _ =	vpop (xrf1)  }
0x427: {  	_ =	sdelay $0x1  }
0x428: {  	v21 =	vmov v20;
	v20 =	vmov v25  }
.LBB2_115:
0x429: {  	vm0 =	vle.f32 @p1 v28, v24  }
0x42a: {  	(xrf1) =	vsort.dscd.msk.f32 @p0 $0xffff, v26, v21;
	v21 =	vsel @p1 vm0, v28, v24;
	v24 =	vsel @p1 vm0, v29, v27  }
0x42b: {  	(xrf1) =	vsort.ascd.msk.f32 @p1 $0xffff, v21, v24;
	_ =	sdelay $0x4  }
0x42c: {  	v63 =	vld.idx.msk [tilespmem:v20+s12+$0x0], $0xffff  }
0x42d: {  	v21 =	vld.idx.msk [tilespmem:v20+s4+$0x0], $0xffff;
	_ =	sdelay $0x4  }
0x42e: {  	v15 =	vsub.f32 v15, v63;
	v14 =	vsub.f32 v14, v21;
	_ =	sdelay $0x1  }
0x42f: {  	v15 =	vmul.f32 v15, v15;
	v14 =	vmul.f32 v14, v14;
	v21, v24, _ =	vpop @p0 (xrf1)  }
0x430: {  	v25, v26, _ =	vpop @p1 (xrf1)  }
0x431: {  	v14 =	vadd.f32 v15, v14;
	v21 =	vpsel p0, v21, v0;
	v15 =	vpsel p1, v25, v17  }
0x432: {  	v24 =	vpsel p0, v24, v0;
	v25 =	vpsel p1, v26, v18;
	vm0 =	vle.f32 @p0 v15, v21  }
0x433: {  	(xrf1) =	vsort.dscd.msk.f32 $0xffff, v14, v20;
	v14 =	vsel @p0 vm0, v15, v21;
	v15 =	vsel @p0 vm0, v25, v24  }
0x434: {  	(xrf1) =	vsort.ascd.msk.f32 @p0 $0xffff, v14, v15;
	_ =	sdelay $0xc  }
0x435: {  	v14, v15, _ =	vpop (xrf1)  }
0x436: {  	v20, v21, _ =	vpop @p0 (xrf1)  }
0x437: {  	v20 =	vpsel p0, v20, v17  }
0x438: {  	v21 =	vpsel p0, v21, v18;
	vm15 =	vle.f32 v20, v14  }
0x439: {  	v14 =	vsel vm15, v20, v14;
	v15 =	vsel vm15, v21, v15  }
0x43a: {  	(xrf1) =	vsort.ascd.msk.f32 $0xffff, v14, v15;
	_ =	sdelay $0xd  }
0x43b: {  	v20, v21, _ =	vpop (xrf1)  }
.LBB2_116:
0x43c: {  	(v2sf) =	vpush v23, $0x0;
	_ =	sdelay $0xe  }
0x43d: {  	s1 =	spop (v2sf)  }
0x43e: {  	s0 =	sadd.s32 $0x10, s1;
	s2 =	sand.u32 $0xF, s1  }
0x43f: {  	p0 =	sne.s32 s2, $0x0;
	s31 =	sshra.s32 s0, $0x1F;
	p1 =	slt.s32 s0, $0x1  }
0x440: {  	s2 =	sshrl.u32 s31, $0x1C;
	p0 =	por !p1, !p0  }
0x441: {  	s0 =	sadd.s32 s2, s0;
	p0 =	por !p0, !p0;
	s2 =	simm.s32 $0x1  }
0x442: {  	s0 =	sshra.s32 s0, $0x4;
	s2 =	simm.s32 @!p0 $0x0  }
0x443: {  	s0 =	ssub.s32 s0, s2  }
0x444: {  	p0 =	slt.s32 s0, $0x1  }
.Ltmp61:
0x445: {  	_ = 	snop;
	(pc) =	sbr.rel @p0 .LBB2_126-.Ltmp61, $4  }
0x446: {  	_ = 	snop  }
0x447: {  	[tilespmem:s29+$0x19920] =	vst v21  }
0x448: {  	[tilespmem:s29+$0x1AD20] =	vst v20  }
0x449: {  	[tilespmem:s1+$0xCE01] =	vst v2;
	s2 =	simm.s32 $0xCE00  }
0x44a: {  	p2 =	sne.s32 s0, $0x1  }
.Ltmp62:
0x44b: {  	_ = 	snop;
	(pc) =	sbr.rel @!p2 .LBB2_118-.Ltmp62, $2  }
0x44c: {  	_ =	sdelay $0x2  }
0x44d: {  	v15 =	vld [tilespmem:s2+$0x0];
	s0 =	sadd.s32 $0xFFFFFFFF, s0;
	p0 =	por $0x0, $0x0;
	p1 =	por $0x0, $0x0  }
0x44e: {  	_ =	sdelay $0x7  }
0x44f: {  	v14 =	vld.idx.msk [tilespmem:v15+s4+$0x0], $0xffff  }
0x450: {  	v20 =	vld.idx.msk [tilespmem:v15+s12+$0x0], $0xffff;
	_ =	sdelay $0x3  }
0x451: {  	p2 =	sne.s32 s0, $0x1;
	v14 =	vsub.f32 v12, v14  }
.Ltmp63:
0x452: {  	s1 =	simm.s32 $0xCE10;
	v20 =	vsub.f32 v13, v20;
	(pc) =	sbr.rel @!p2 .LBB2_120-.Ltmp63, $3  }
0x453: {  	v21 =	vmul.f32 v14, v14;
	v14 =	vld [tilespmem:s1+$0x0]  }
0x454: {  	v20 =	vmul.f32 v20, v20;
	_ =	sdelay $0x1  }
0x455: {  	s2 =	sadd.s32 $0xFFFFFFFF, s0;
	p0 =	por $0x1, $0x1;
	v23 =	vadd.f32 v20, v21  }
0x456: {  	_ = 	snop  }
0x457: {  	(xrf1) =	vsort.dscd.msk.f32 $0xffff, v23, v15;
	_ =	sdelay $0x3  }
0x458: {  	v15 =	vld.idx.msk [tilespmem:v14+s4+$0x0], $0xffff  }
0x459: {  	v20 =	vld.idx.msk [tilespmem:v14+s12+$0x0], $0xffff;
	_ =	sdelay $0x3  }
0x45a: {  	p2 =	sne.s32 s2, $0x1  }
.Ltmp64:
0x45b: {  	v15 =	vsub.f32 v12, v15;
	v20 =	vsub.f32 v13, v20;
	(pc) =	sbr.rel @!p2 .LBB2_122-.Ltmp64, $3  }
0x45c: {  	s0 =	simm.s32 $0xCE20  }
0x45d: {  	v21 =	vld [tilespmem:s0+$0x0];
	v15 =	vmul.f32 v15, v15;
	v23 =	vmul.f32 v20, v20;
	_ =	sdelay $0x1  }
0x45e: {  	s2 =	sadd.s32 $0xFFFFFFFF, s2;
	p1 =	por $0x1, $0x1;
	v25 =	vimm.f32 $+Inf;
	v26 =	vimm.s32 $0x0;
	v23 =	vadd.f32 v23, v15;
	v20, v24, _ =	vpop (xrf1)  }
.LBB2_123:
0x45f: {  	p2 =	sne.s32 s2, $0x1;
	vm0 =	vle.f32 v25, v20  }
0x460: {  	(xrf1) =	vsort.dscd.msk.f32 $0xffff, v23, v14;
	v20 =	vsel vm0, v25, v20;
	v15 =	vsel vm0, v26, v24  }
0x461: {  	(xrf1) =	vsort.ascd.msk.f32 $0xffff, v20, v15;
	v14 =	vmov v21;
	_ =	sdelay $0x2  }
0x462: {  	v15 =	vld.idx.msk [tilespmem:v21+s4+$0x0], $0xffff  }
0x463: {  	v20 =	vld.idx.msk [tilespmem:v21+s12+$0x0], $0xffff;
	_ =	sdelay $0x5  }
.Ltmp65:
0x464: {  	v15 =	vsub.f32 v12, v15;
	v25 =	vsub.f32 v13, v20;
	(pc) =	sbr.rel @p2 .LBB2_123-.Ltmp65, $4  }
0x465: {  	s0 =	sadd.s32 $0x10, s0  }
0x466: {  	v15 =	vmul.f32 v15, v15;
	v23 =	vmul.f32 v25, v25;
	v21 =	vld [tilespmem:s0+$0x0]  }
0x467: {  	v20, v24, _ =	vpop (xrf1)  }
0x468: {  	s2 =	sadd.s32 $0xFFFFFFFF, s2;
	v23 =	vadd.f32 v23, v15;
	v25, v26, _ =	vpop (xrf1)  }
0x469: {  	_ =	sdelay $0x1  }
0x46a: {  	v15 =	vmov v14;
	v14 =	vmov v21  }
.LBB2_125:
0x46b: {  	vm0 =	vle.f32 @p1 v25, v20  }
0x46c: {  	(xrf1) =	vsort.dscd.msk.f32 @p0 $0xffff, v23, v15;
	v15 =	vsel @p1 vm0, v25, v20;
	v20 =	vsel @p1 vm0, v26, v24  }
0x46d: {  	(xrf1) =	vsort.ascd.msk.f32 @p1 $0xffff, v15, v20;
	_ =	sdelay $0x4  }
0x46e: {  	v15 =	vld.idx.msk [tilespmem:v14+s4+$0x0], $0xffff  }
0x46f: {  	v20 =	vld.idx.msk [tilespmem:v14+s12+$0x0], $0xffff;
	_ =	sdelay $0x4  }
0x470: {  	v12 =	vsub.f32 v12, v15;
	v13 =	vsub.f32 v13, v20;
	_ =	sdelay $0x1  }
0x471: {  	v12 =	vmul.f32 v12, v12;
	v13 =	vmul.f32 v13, v13;
	v15, v20, _ =	vpop @p0 (xrf1)  }
0x472: {  	v21, v23, _ =	vpop @p1 (xrf1)  }
0x473: {  	v12 =	vadd.f32 v13, v12;
	v15 =	vpsel p0, v15, v0;
	v13 =	vpsel p1, v21, v17  }
0x474: {  	v20 =	vpsel p0, v20, v0;
	v21 =	vpsel p1, v23, v18;
	vm0 =	vle.f32 @p0 v13, v15  }
0x475: {  	(xrf1) =	vsort.dscd.msk.f32 $0xffff, v12, v14;
	v12 =	vsel @p0 vm0, v13, v15;
	v13 =	vsel @p0 vm0, v21, v20  }
0x476: {  	(xrf1) =	vsort.ascd.msk.f32 @p0 $0xffff, v12, v13;
	_ =	sdelay $0xc  }
0x477: {  	v12, v13, _ =	vpop (xrf1)  }
0x478: {  	v14, v15, _ =	vpop @p0 (xrf1)  }
0x479: {  	v14 =	vpsel p0, v14, v17  }
0x47a: {  	v15 =	vpsel p0, v15, v18;
	vm15 =	vle.f32 v14, v12  }
0x47b: {  	v12 =	vsel vm15, v14, v12;
	v13 =	vsel vm15, v15, v13  }
0x47c: {  	(xrf1) =	vsort.ascd.msk.f32 $0xffff, v12, v13;
	_ =	sdelay $0xd  }
0x47d: {  	v17, v18, _ =	vpop (xrf1)  }
.LBB2_126:
0x47e: {  	(v2sf) =	vpush v22, $0x0;
	_ =	sdelay $0xe  }
0x47f: {  	s1 =	spop (v2sf)  }
0x480: {  	s0 =	sadd.s32 $0x10, s1;
	s2 =	sand.u32 $0xF, s1  }
0x481: {  	p0 =	sne.s32 s2, $0x0;
	s31 =	sshra.s32 s0, $0x1F;
	p1 =	slt.s32 s0, $0x1  }
0x482: {  	s2 =	sshrl.u32 s31, $0x1C;
	p0 =	por !p1, !p0  }
0x483: {  	s0 =	sadd.s32 s2, s0;
	p0 =	por !p0, !p0;
	s2 =	simm.s32 $0x1  }
0x484: {  	s0 =	sshra.s32 s0, $0x4;
	s2 =	simm.s32 @!p0 $0x0  }
0x485: {  	s0 =	ssub.s32 s0, s2  }
0x486: {  	p0 =	slt.s32 s0, $0x1  }
.Ltmp66:
0x487: {  	_ = 	snop;
	(pc) =	sbr.rel @p0 .LBB2_136-.Ltmp66, $4  }
0x488: {  	_ = 	snop  }
0x489: {  	[tilespmem:s29+$0x19930] =	vst v18  }
0x48a: {  	[tilespmem:s29+$0x1AD30] =	vst v17;
	v12 =	vimm.f32 $+Inf  }
0x48b: {  	v13 =	vimm.s32 $0x0;
	v14 =	vimm.f32 $+Inf;
	v15 =	vimm.s32 $0x0;
	[tilespmem:s1+$0xF681] =	vst v2;
	s2 =	simm.s32 $0xF680  }
0x48c: {  	p2 =	sne.s32 s0, $0x1  }
.Ltmp67:
0x48d: {  	_ = 	snop;
	(pc) =	sbr.rel @!p2 .LBB2_128-.Ltmp67, $2  }
0x48e: {  	_ =	sdelay $0x2  }
0x48f: {  	v15 =	vld [tilespmem:s2+$0x0];
	s0 =	sadd.s32 $0xFFFFFFFF, s0;
	p0 =	por $0x0, $0x0;
	p1 =	por $0x0, $0x0  }
0x490: {  	_ =	sdelay $0x7  }
0x491: {  	v14 =	vld.idx.msk [tilespmem:v15+s4+$0x0], $0xffff  }
0x492: {  	v17 =	vld.idx.msk [tilespmem:v15+s12+$0x0], $0xffff;
	_ =	sdelay $0x3  }
0x493: {  	p2 =	sne.s32 s0, $0x1;
	v14 =	vsub.f32 v10, v14  }
.Ltmp68:
0x494: {  	s1 =	simm.s32 $0xF690;
	v17 =	vsub.f32 v11, v17;
	(pc) =	sbr.rel @!p2 .LBB2_130-.Ltmp68, $3  }
0x495: {  	v18 =	vmul.f32 v14, v14;
	v14 =	vld [tilespmem:s1+$0x0]  }
0x496: {  	v17 =	vmul.f32 v17, v17;
	_ =	sdelay $0x1  }
0x497: {  	s2 =	sadd.s32 $0xFFFFFFFF, s0;
	p0 =	por $0x1, $0x1;
	v20 =	vadd.f32 v17, v18  }
0x498: {  	_ = 	snop  }
0x499: {  	(xrf1) =	vsort.dscd.msk.f32 $0xffff, v20, v15;
	_ =	sdelay $0x3  }
0x49a: {  	v15 =	vld.idx.msk [tilespmem:v14+s4+$0x0], $0xffff  }
0x49b: {  	v17 =	vld.idx.msk [tilespmem:v14+s12+$0x0], $0xffff;
	_ =	sdelay $0x3  }
0x49c: {  	p2 =	sne.s32 s2, $0x1  }
.Ltmp69:
0x49d: {  	v15 =	vsub.f32 v10, v15;
	v17 =	vsub.f32 v11, v17;
	(pc) =	sbr.rel @!p2 .LBB2_132-.Ltmp69, $3  }
0x49e: {  	s0 =	simm.s32 $0xF6A0  }
0x49f: {  	v18 =	vld [tilespmem:s0+$0x0];
	v15 =	vmul.f32 v15, v15;
	v20 =	vmul.f32 v17, v17;
	_ =	sdelay $0x1  }
0x4a0: {  	s2 =	sadd.s32 $0xFFFFFFFF, s2;
	p1 =	por $0x1, $0x1;
	v22 =	vimm.f32 $+Inf;
	v23 =	vimm.s32 $0x0;
	v20 =	vadd.f32 v20, v15;
	v17, v21, _ =	vpop (xrf1)  }
.LBB2_133:
0x4a1: {  	p2 =	sne.s32 s2, $0x1;
	vm0 =	vle.f32 v22, v17  }
0x4a2: {  	(xrf1) =	vsort.dscd.msk.f32 $0xffff, v20, v14;
	v17 =	vsel vm0, v22, v17;
	v15 =	vsel vm0, v23, v21  }
0x4a3: {  	(xrf1) =	vsort.ascd.msk.f32 $0xffff, v17, v15;
	v14 =	vmov v18;
	_ =	sdelay $0x2  }
0x4a4: {  	v15 =	vld.idx.msk [tilespmem:v18+s4+$0x0], $0xffff  }
0x4a5: {  	v17 =	vld.idx.msk [tilespmem:v18+s12+$0x0], $0xffff;
	_ =	sdelay $0x5  }
.Ltmp70:
0x4a6: {  	v15 =	vsub.f32 v10, v15;
	v22 =	vsub.f32 v11, v17;
	(pc) =	sbr.rel @p2 .LBB2_133-.Ltmp70, $4  }
0x4a7: {  	s0 =	sadd.s32 $0x10, s0  }
0x4a8: {  	v15 =	vmul.f32 v15, v15;
	v20 =	vmul.f32 v22, v22;
	v18 =	vld [tilespmem:s0+$0x0]  }
0x4a9: {  	v17, v21, _ =	vpop (xrf1)  }
0x4aa: {  	s2 =	sadd.s32 $0xFFFFFFFF, s2;
	v20 =	vadd.f32 v20, v15;
	v22, v23, _ =	vpop (xrf1)  }
0x4ab: {  	_ =	sdelay $0x1  }
0x4ac: {  	v15 =	vmov v14;
	v14 =	vmov v18  }
.LBB2_135:
0x4ad: {  	vm0 =	vle.f32 @p1 v22, v17  }
0x4ae: {  	(xrf1) =	vsort.dscd.msk.f32 @p0 $0xffff, v20, v15;
	v15 =	vsel @p1 vm0, v22, v17;
	v17 =	vsel @p1 vm0, v23, v21  }
0x4af: {  	(xrf1) =	vsort.ascd.msk.f32 @p1 $0xffff, v15, v17;
	_ =	sdelay $0x4  }
0x4b0: {  	v15 =	vld.idx.msk [tilespmem:v14+s4+$0x0], $0xffff  }
0x4b1: {  	v17 =	vld.idx.msk [tilespmem:v14+s12+$0x0], $0xffff;
	_ =	sdelay $0x4  }
0x4b2: {  	v10 =	vsub.f32 v10, v15;
	v11 =	vsub.f32 v11, v17;
	_ =	sdelay $0x1  }
0x4b3: {  	v10 =	vmul.f32 v10, v10;
	v11 =	vmul.f32 v11, v11;
	v15, v17, _ =	vpop @p0 (xrf1)  }
0x4b4: {  	v18, v20, _ =	vpop @p1 (xrf1)  }
0x4b5: {  	v10 =	vadd.f32 v11, v10;
	v15 =	vpsel p0, v15, v0;
	v11 =	vpsel p1, v18, v12  }
0x4b6: {  	v17 =	vpsel p0, v17, v0;
	v18 =	vpsel p1, v20, v13;
	vm0 =	vle.f32 @p0 v11, v15  }
0x4b7: {  	(xrf1) =	vsort.dscd.msk.f32 $0xffff, v10, v14;
	v10 =	vsel @p0 vm0, v11, v15;
	v11 =	vsel @p0 vm0, v18, v17  }
0x4b8: {  	(xrf1) =	vsort.ascd.msk.f32 @p0 $0xffff, v10, v11;
	_ =	sdelay $0xc  }
0x4b9: {  	v10, v11, _ =	vpop (xrf1)  }
0x4ba: {  	v14, v15, _ =	vpop @p0 (xrf1)  }
0x4bb: {  	v14 =	vpsel p0, v14, v12  }
0x4bc: {  	v15 =	vpsel p0, v15, v13;
	vm15 =	vle.f32 v14, v10  }
0x4bd: {  	v10 =	vsel vm15, v14, v10;
	v11 =	vsel vm15, v15, v11  }
0x4be: {  	(xrf1) =	vsort.ascd.msk.f32 $0xffff, v10, v11;
	_ =	sdelay $0xd  }
0x4bf: {  	v14, v15, _ =	vpop (xrf1)  }
.LBB2_136:
0x4c0: {  	(v2sf) =	vpush v19, $0x0;
	_ =	sdelay $0xe  }
0x4c1: {  	s1 =	spop (v2sf)  }
0x4c2: {  	s0 =	sadd.s32 $0x10, s1;
	s2 =	sand.u32 $0xF, s1  }
0x4c3: {  	p0 =	sne.s32 s2, $0x0;
	s31 =	sshra.s32 s0, $0x1F;
	p1 =	slt.s32 s0, $0x1  }
0x4c4: {  	s2 =	sshrl.u32 s31, $0x1C;
	p0 =	por !p1, !p0  }
0x4c5: {  	s0 =	sadd.s32 s2, s0;
	p0 =	por !p0, !p0;
	s2 =	simm.s32 $0x1  }
0x4c6: {  	s0 =	sshra.s32 s0, $0x4;
	s2 =	simm.s32 @!p0 $0x0  }
0x4c7: {  	s0 =	ssub.s32 s0, s2  }
0x4c8: {  	p0 =	slt.s32 s0, $0x1  }
.Ltmp71:
0x4c9: {  	_ = 	snop;
	(pc) =	sbr.rel @p0 .LBB2_146-.Ltmp71, $4  }
0x4ca: {  	_ = 	snop  }
0x4cb: {  	[tilespmem:s29+$0x19940] =	vst v15  }
0x4cc: {  	[tilespmem:s29+$0x1AD40] =	vst v14  }
0x4cd: {  	[tilespmem:s1+$0x11F01] =	vst v2;
	s2 =	simm.s32 $0x11F00  }
0x4ce: {  	p2 =	sne.s32 s0, $0x1  }
.Ltmp72:
0x4cf: {  	_ = 	snop;
	(pc) =	sbr.rel @!p2 .LBB2_138-.Ltmp72, $2  }
0x4d0: {  	_ =	sdelay $0x2  }
0x4d1: {  	v11 =	vld [tilespmem:s2+$0x0];
	s0 =	sadd.s32 $0xFFFFFFFF, s0;
	p0 =	por $0x0, $0x0;
	p1 =	por $0x0, $0x0  }
0x4d2: {  	_ =	sdelay $0x7  }
0x4d3: {  	v10 =	vld.idx.msk [tilespmem:v11+s4+$0x0], $0xffff  }
0x4d4: {  	v14 =	vld.idx.msk [tilespmem:v11+s12+$0x0], $0xffff;
	_ =	sdelay $0x3  }
0x4d5: {  	p2 =	sne.s32 s0, $0x1;
	v10 =	vsub.f32 v8, v10  }
.Ltmp73:
0x4d6: {  	s1 =	simm.s32 $0x11F10;
	v14 =	vsub.f32 v9, v14;
	(pc) =	sbr.rel @!p2 .LBB2_140-.Ltmp73, $3  }
0x4d7: {  	v15 =	vmul.f32 v10, v10;
	v10 =	vld [tilespmem:s1+$0x0]  }
0x4d8: {  	v14 =	vmul.f32 v14, v14;
	_ =	sdelay $0x1  }
0x4d9: {  	s2 =	sadd.s32 $0xFFFFFFFF, s0;
	p0 =	por $0x1, $0x1;
	v17 =	vadd.f32 v14, v15  }
0x4da: {  	_ = 	snop  }
0x4db: {  	(xrf1) =	vsort.dscd.msk.f32 $0xffff, v17, v11;
	_ =	sdelay $0x3  }
0x4dc: {  	v11 =	vld.idx.msk [tilespmem:v10+s4+$0x0], $0xffff  }
0x4dd: {  	v14 =	vld.idx.msk [tilespmem:v10+s12+$0x0], $0xffff;
	_ =	sdelay $0x3  }
0x4de: {  	p2 =	sne.s32 s2, $0x1  }
.Ltmp74:
0x4df: {  	v11 =	vsub.f32 v8, v11;
	v14 =	vsub.f32 v9, v14;
	(pc) =	sbr.rel @!p2 .LBB2_142-.Ltmp74, $3  }
0x4e0: {  	s0 =	simm.s32 $0x11F20  }
0x4e1: {  	v15 =	vld [tilespmem:s0+$0x0];
	v11 =	vmul.f32 v11, v11;
	v17 =	vmul.f32 v14, v14;
	_ =	sdelay $0x1  }
0x4e2: {  	s2 =	sadd.s32 $0xFFFFFFFF, s2;
	p1 =	por $0x1, $0x1;
	v19 =	vimm.f32 $+Inf;
	v20 =	vimm.s32 $0x0;
	v17 =	vadd.f32 v17, v11;
	v14, v18, _ =	vpop (xrf1)  }
.LBB2_143:
0x4e3: {  	p2 =	sne.s32 s2, $0x1;
	vm0 =	vle.f32 v19, v14  }
0x4e4: {  	(xrf1) =	vsort.dscd.msk.f32 $0xffff, v17, v10;
	v14 =	vsel vm0, v19, v14;
	v11 =	vsel vm0, v20, v18  }
0x4e5: {  	(xrf1) =	vsort.ascd.msk.f32 $0xffff, v14, v11;
	v10 =	vmov v15;
	_ =	sdelay $0x2  }
0x4e6: {  	v11 =	vld.idx.msk [tilespmem:v15+s4+$0x0], $0xffff  }
0x4e7: {  	v14 =	vld.idx.msk [tilespmem:v15+s12+$0x0], $0xffff;
	_ =	sdelay $0x5  }
.Ltmp75:
0x4e8: {  	v11 =	vsub.f32 v8, v11;
	v19 =	vsub.f32 v9, v14;
	(pc) =	sbr.rel @p2 .LBB2_143-.Ltmp75, $4  }
0x4e9: {  	s0 =	sadd.s32 $0x10, s0  }
0x4ea: {  	v11 =	vmul.f32 v11, v11;
	v17 =	vmul.f32 v19, v19;
	v15 =	vld [tilespmem:s0+$0x0]  }
0x4eb: {  	v14, v18, _ =	vpop (xrf1)  }
0x4ec: {  	s2 =	sadd.s32 $0xFFFFFFFF, s2;
	v17 =	vadd.f32 v17, v11;
	v19, v20, _ =	vpop (xrf1)  }
0x4ed: {  	_ =	sdelay $0x1  }
0x4ee: {  	v11 =	vmov v10;
	v10 =	vmov v15  }
.LBB2_145:
0x4ef: {  	vm0 =	vle.f32 @p1 v19, v14  }
0x4f0: {  	(xrf1) =	vsort.dscd.msk.f32 @p0 $0xffff, v17, v11;
	v11 =	vsel @p1 vm0, v19, v14;
	v14 =	vsel @p1 vm0, v20, v18  }
0x4f1: {  	(xrf1) =	vsort.ascd.msk.f32 @p1 $0xffff, v11, v14;
	_ =	sdelay $0x4  }
0x4f2: {  	v63 =	vld.idx.msk [tilespmem:v10+s4+$0x0], $0xffff  }
0x4f3: {  	v14 =	vld.idx.msk [tilespmem:v10+s12+$0x0], $0xffff;
	_ =	sdelay $0x4  }
0x4f4: {  	v8 =	vsub.f32 v8, v63;
	v9 =	vsub.f32 v9, v14;
	_ =	sdelay $0x1  }
0x4f5: {  	v8 =	vmul.f32 v8, v8;
	v9 =	vmul.f32 v9, v9;
	v11, v14, _ =	vpop @p0 (xrf1)  }
0x4f6: {  	v15, v17, _ =	vpop @p1 (xrf1)  }
0x4f7: {  	v8 =	vadd.f32 v9, v8;
	v11 =	vpsel p0, v11, v0;
	v9 =	vpsel p1, v15, v12  }
0x4f8: {  	v14 =	vpsel p0, v14, v0;
	v15 =	vpsel p1, v17, v13;
	vm0 =	vle.f32 @p0 v9, v11  }
0x4f9: {  	(xrf1) =	vsort.dscd.msk.f32 $0xffff, v8, v10;
	v8 =	vsel @p0 vm0, v9, v11;
	v9 =	vsel @p0 vm0, v15, v14  }
0x4fa: {  	(xrf1) =	vsort.ascd.msk.f32 @p0 $0xffff, v8, v9;
	_ =	sdelay $0xc  }
0x4fb: {  	v8, v9, _ =	vpop (xrf1)  }
0x4fc: {  	v10, v11, _ =	vpop @p0 (xrf1)  }
0x4fd: {  	v10 =	vpsel p0, v10, v12  }
0x4fe: {  	v11 =	vpsel p0, v11, v13;
	vm15 =	vle.f32 v10, v8  }
0x4ff: {  	v8 =	vsel vm15, v10, v8;
	v9 =	vsel vm15, v11, v9  }
0x500: {  	(xrf1) =	vsort.ascd.msk.f32 $0xffff, v8, v9;
	_ =	sdelay $0xd  }
0x501: {  	v12, v13, _ =	vpop (xrf1)  }
.LBB2_146:
0x502: {  	(v2sf) =	vpush v16, $0x0;
	_ =	sdelay $0xe  }
0x503: {  	s1 =	spop (v2sf)  }
0x504: {  	s0 =	sadd.s32 $0x10, s1;
	s2 =	sand.u32 $0xF, s1  }
0x505: {  	p0 =	sne.s32 s2, $0x0;
	s31 =	sshra.s32 s0, $0x1F;
	p1 =	slt.s32 s0, $0x1  }
0x506: {  	s2 =	sshrl.u32 s31, $0x1C;
	p0 =	por !p1, !p0  }
0x507: {  	s0 =	sadd.s32 s2, s0;
	p0 =	por !p0, !p0;
	s2 =	simm.s32 $0x1  }
0x508: {  	s0 =	sshra.s32 s0, $0x4;
	s2 =	simm.s32 @!p0 $0x0  }
0x509: {  	s0 =	ssub.s32 s0, s2  }
0x50a: {  	p0 =	slt.s32 s0, $0x1  }
.Ltmp76:
0x50b: {  	_ = 	snop;
	(pc) =	sbr.rel @p0 .LBB2_156-.Ltmp76, $4  }
0x50c: {  	_ = 	snop  }
0x50d: {  	[tilespmem:s29+$0x19950] =	vst v13  }
0x50e: {  	[tilespmem:s29+$0x1AD50] =	vst v12;
	v8 =	vimm.f32 $+Inf  }
0x50f: {  	v9 =	vimm.s32 $0x0;
	v10 =	vimm.f32 $+Inf;
	v11 =	vimm.s32 $0x0;
	[tilespmem:s1+$0x14781] =	vst v2;
	s2 =	simm.s32 $0x14780  }
0x510: {  	p2 =	sne.s32 s0, $0x1  }
.Ltmp77:
0x511: {  	_ = 	snop;
	(pc) =	sbr.rel @!p2 .LBB2_148-.Ltmp77, $2  }
0x512: {  	_ =	sdelay $0x2  }
0x513: {  	v11 =	vld [tilespmem:s2+$0x0];
	s0 =	sadd.s32 $0xFFFFFFFF, s0;
	p0 =	por $0x0, $0x0;
	p1 =	por $0x0, $0x0  }
0x514: {  	_ =	sdelay $0x7  }
0x515: {  	v10 =	vld.idx.msk [tilespmem:v11+s4+$0x0], $0xffff  }
0x516: {  	v12 =	vld.idx.msk [tilespmem:v11+s12+$0x0], $0xffff;
	_ =	sdelay $0x3  }
0x517: {  	p2 =	sne.s32 s0, $0x1;
	v10 =	vsub.f32 v7, v10  }
.Ltmp78:
0x518: {  	s1 =	simm.s32 $0x14790;
	v12 =	vsub.f32 v5, v12;
	(pc) =	sbr.rel @!p2 .LBB2_150-.Ltmp78, $3  }
0x519: {  	v13 =	vmul.f32 v10, v10;
	v10 =	vld [tilespmem:s1+$0x0]  }
0x51a: {  	v12 =	vmul.f32 v12, v12;
	_ =	sdelay $0x1  }
0x51b: {  	s2 =	sadd.s32 $0xFFFFFFFF, s0;
	p0 =	por $0x1, $0x1;
	v14 =	vadd.f32 v12, v13  }
0x51c: {  	_ = 	snop  }
0x51d: {  	(xrf1) =	vsort.dscd.msk.f32 $0xffff, v14, v11;
	_ =	sdelay $0x3  }
0x51e: {  	v11 =	vld.idx.msk [tilespmem:v10+s4+$0x0], $0xffff  }
0x51f: {  	v12 =	vld.idx.msk [tilespmem:v10+s12+$0x0], $0xffff;
	_ =	sdelay $0x3  }
0x520: {  	p2 =	sne.s32 s2, $0x1  }
.Ltmp79:
0x521: {  	v11 =	vsub.f32 v7, v11;
	v12 =	vsub.f32 v5, v12;
	(pc) =	sbr.rel @!p2 .LBB2_152-.Ltmp79, $3  }
0x522: {  	s0 =	simm.s32 $0x147A0  }
0x523: {  	v13 =	vld [tilespmem:s0+$0x0];
	v11 =	vmul.f32 v11, v11;
	v14 =	vmul.f32 v12, v12;
	_ =	sdelay $0x1  }
0x524: {  	s2 =	sadd.s32 $0xFFFFFFFF, s2;
	p1 =	por $0x1, $0x1;
	v16 =	vimm.f32 $+Inf;
	v17 =	vimm.s32 $0x0;
	v14 =	vadd.f32 v14, v11;
	v12, v15, _ =	vpop (xrf1)  }
.LBB2_153:
0x525: {  	p2 =	sne.s32 s2, $0x1;
	vm0 =	vle.f32 v16, v12  }
0x526: {  	(xrf1) =	vsort.dscd.msk.f32 $0xffff, v14, v10;
	v12 =	vsel vm0, v16, v12;
	v11 =	vsel vm0, v17, v15  }
0x527: {  	(xrf1) =	vsort.ascd.msk.f32 $0xffff, v12, v11;
	v10 =	vmov v13;
	_ =	sdelay $0x2  }
0x528: {  	v11 =	vld.idx.msk [tilespmem:v13+s4+$0x0], $0xffff  }
0x529: {  	v12 =	vld.idx.msk [tilespmem:v13+s12+$0x0], $0xffff;
	_ =	sdelay $0x5  }
.Ltmp80:
0x52a: {  	v11 =	vsub.f32 v7, v11;
	v16 =	vsub.f32 v5, v12;
	(pc) =	sbr.rel @p2 .LBB2_153-.Ltmp80, $4  }
0x52b: {  	s0 =	sadd.s32 $0x10, s0  }
0x52c: {  	v11 =	vmul.f32 v11, v11;
	v14 =	vmul.f32 v16, v16;
	v13 =	vld [tilespmem:s0+$0x0]  }
0x52d: {  	v12, v15, _ =	vpop (xrf1)  }
0x52e: {  	s2 =	sadd.s32 $0xFFFFFFFF, s2;
	v14 =	vadd.f32 v14, v11;
	v16, v17, _ =	vpop (xrf1)  }
0x52f: {  	_ =	sdelay $0x1  }
0x530: {  	v11 =	vmov v10;
	v10 =	vmov v13  }
.LBB2_155:
0x531: {  	vm0 =	vle.f32 @p1 v16, v12  }
0x532: {  	(xrf1) =	vsort.dscd.msk.f32 @p0 $0xffff, v14, v11;
	v11 =	vsel @p1 vm0, v16, v12;
	v12 =	vsel @p1 vm0, v17, v15  }
0x533: {  	(xrf1) =	vsort.ascd.msk.f32 @p1 $0xffff, v11, v12;
	_ =	sdelay $0x4  }
0x534: {  	v63 =	vld.idx.msk [tilespmem:v10+s12+$0x0], $0xffff  }
0x535: {  	v11 =	vld.idx.msk [tilespmem:v10+s4+$0x0], $0xffff;
	_ =	sdelay $0x4  }
0x536: {  	v5 =	vsub.f32 v5, v63;
	v7 =	vsub.f32 v7, v11;
	_ =	sdelay $0x1  }
0x537: {  	v5 =	vmul.f32 v5, v5;
	v7 =	vmul.f32 v7, v7;
	v11, v12, _ =	vpop @p0 (xrf1)  }
0x538: {  	v13, v14, _ =	vpop @p1 (xrf1)  }
0x539: {  	v5 =	vadd.f32 v5, v7;
	v11 =	vpsel p0, v11, v0;
	v7 =	vpsel p1, v13, v8  }
0x53a: {  	v12 =	vpsel p0, v12, v0;
	v13 =	vpsel p1, v14, v9;
	vm0 =	vle.f32 @p0 v7, v11  }
0x53b: {  	(xrf1) =	vsort.dscd.msk.f32 $0xffff, v5, v10;
	v5 =	vsel @p0 vm0, v7, v11;
	v7 =	vsel @p0 vm0, v13, v12  }
0x53c: {  	(xrf1) =	vsort.ascd.msk.f32 @p0 $0xffff, v5, v7;
	_ =	sdelay $0xc  }
0x53d: {  	v5, v7, _ =	vpop (xrf1)  }
0x53e: {  	v10, v11, _ =	vpop @p0 (xrf1)  }
0x53f: {  	v10 =	vpsel p0, v10, v8  }
0x540: {  	v11 =	vpsel p0, v11, v9;
	vm15 =	vle.f32 v10, v5  }
0x541: {  	v5 =	vsel vm15, v10, v5;
	v7 =	vsel vm15, v11, v7  }
0x542: {  	(xrf1) =	vsort.ascd.msk.f32 $0xffff, v5, v7;
	_ =	sdelay $0xd  }
0x543: {  	v10, v11, _ =	vpop (xrf1)  }
.LBB2_156:
0x544: {  	(v2sf) =	vpush v3, $0x0;
	_ =	sdelay $0xe  }
0x545: {  	s1 =	spop (v2sf)  }
0x546: {  	s0 =	sadd.s32 $0x10, s1;
	s2 =	sand.u32 $0xF, s1  }
0x547: {  	p0 =	sne.s32 s2, $0x0;
	s31 =	sshra.s32 s0, $0x1F;
	p1 =	slt.s32 s0, $0x1  }
0x548: {  	s2 =	sshrl.u32 s31, $0x1C;
	p0 =	por !p1, !p0  }
0x549: {  	s0 =	sadd.s32 s2, s0;
	p0 =	por !p0, !p0;
	s2 =	simm.s32 $0x1  }
0x54a: {  	s0 =	sshra.s32 s0, $0x4;
	s2 =	simm.s32 @!p0 $0x0  }
0x54b: {  	s0 =	ssub.s32 s0, s2  }
0x54c: {  	p0 =	slt.s32 s0, $0x1  }
.Ltmp81:
0x54d: {  	_ = 	snop;
	(pc) =	sbr.rel @p0 .LBB2_166-.Ltmp81, $4  }
0x54e: {  	_ = 	snop  }
0x54f: {  	[tilespmem:s29+$0x19960] =	vst v11  }
0x550: {  	[tilespmem:s29+$0x1AD60] =	vst v10  }
0x551: {  	[tilespmem:s1+$0x17001] =	vst v2;
	s2 =	simm.s32 $0x17000  }
0x552: {  	p2 =	sne.s32 s0, $0x1  }
.Ltmp82:
0x553: {  	v5 =	vld [tilespmem:s2+$0x0];
	(pc) =	sbr.rel @!p2 .LBB2_158-.Ltmp82, $2  }
0x554: {  	_ =	sdelay $0x2  }
0x555: {  	s0 =	sadd.s32 $0xFFFFFFFF, s0;
	p0 =	por $0x0, $0x0;
	p1 =	por $0x0, $0x0  }
0x556: {  	_ =	sdelay $0x3  }
0x557: {  	v3 =	vld.idx.msk [tilespmem:v5+s4+$0x0], $0xffff  }
0x558: {  	v7 =	vld.idx.msk [tilespmem:v5+s12+$0x0], $0xffff;
	_ =	sdelay $0x3  }
0x559: {  	p2 =	sne.s32 s0, $0x1;
	v3 =	vsub.f32 v4, v3  }
.Ltmp83:
0x55a: {  	s1 =	simm.s32 $0x17010;
	v7 =	vsub.f32 v6, v7;
	(pc) =	sbr.rel @!p2 .LBB2_160-.Ltmp83, $3  }
0x55b: {  	v10 =	vmul.f32 v3, v3;
	v3 =	vld [tilespmem:s1+$0x0]  }
0x55c: {  	v7 =	vmul.f32 v7, v7;
	_ =	sdelay $0x1  }
0x55d: {  	s2 =	sadd.s32 $0xFFFFFFFF, s0;
	p0 =	por $0x1, $0x1;
	v11 =	vadd.f32 v7, v10  }
0x55e: {  	_ = 	snop  }
0x55f: {  	(xrf1) =	vsort.dscd.msk.f32 $0xffff, v11, v5;
	_ =	sdelay $0x3  }
0x560: {  	v5 =	vld.idx.msk [tilespmem:v3+s4+$0x0], $0xffff  }
0x561: {  	v7 =	vld.idx.msk [tilespmem:v3+s12+$0x0], $0xffff;
	_ =	sdelay $0x3  }
0x562: {  	p2 =	sne.s32 s2, $0x1  }
.Ltmp84:
0x563: {  	v5 =	vsub.f32 v4, v5;
	v7 =	vsub.f32 v6, v7;
	(pc) =	sbr.rel @!p2 .LBB2_162-.Ltmp84, $3  }
0x564: {  	s0 =	simm.s32 $0x17020  }
0x565: {  	v10 =	vld [tilespmem:s0+$0x0];
	v5 =	vmul.f32 v5, v5;
	v11 =	vmul.f32 v7, v7;
	_ =	sdelay $0x1  }
0x566: {  	s2 =	sadd.s32 $0xFFFFFFFF, s2;
	p1 =	por $0x1, $0x1;
	v13 =	vimm.f32 $+Inf;
	v14 =	vimm.s32 $0x0;
	v11 =	vadd.f32 v11, v5;
	v7, v12, _ =	vpop (xrf1)  }
.LBB2_163:
0x567: {  	p2 =	sne.s32 s2, $0x1;
	vm0 =	vle.f32 v13, v7  }
0x568: {  	(xrf1) =	vsort.dscd.msk.f32 $0xffff, v11, v3;
	v7 =	vsel vm0, v13, v7;
	v5 =	vsel vm0, v14, v12  }
0x569: {  	(xrf1) =	vsort.ascd.msk.f32 $0xffff, v7, v5;
	v3 =	vmov v10;
	_ =	sdelay $0x2  }
0x56a: {  	v5 =	vld.idx.msk [tilespmem:v10+s4+$0x0], $0xffff  }
0x56b: {  	v7 =	vld.idx.msk [tilespmem:v10+s12+$0x0], $0xffff;
	_ =	sdelay $0x5  }
.Ltmp85:
0x56c: {  	v5 =	vsub.f32 v4, v5;
	v13 =	vsub.f32 v6, v7;
	(pc) =	sbr.rel @p2 .LBB2_163-.Ltmp85, $4  }
0x56d: {  	s0 =	sadd.s32 $0x10, s0  }
0x56e: {  	v5 =	vmul.f32 v5, v5;
	v11 =	vmul.f32 v13, v13;
	v10 =	vld [tilespmem:s0+$0x0]  }
0x56f: {  	v7, v12, _ =	vpop (xrf1)  }
0x570: {  	s2 =	sadd.s32 $0xFFFFFFFF, s2;
	v11 =	vadd.f32 v11, v5;
	v13, v14, _ =	vpop (xrf1)  }
.Ltmp86:
0x571: {  	(pc) =	sbr.rel .LBB2_165-.Ltmp86, $2  }
0x572: {  	_ =	sdelay $0x2  }
0x573: {  	v5 =	vmov v3;
	v3 =	vmov v10  }
.LBB2_6:
.Ltmp87:
0x574: {  	_ = 	snop;
	(pc) =	sbr.rel .LBB2_13-.Ltmp87, $2  }
0x575: {  	_ =	sdelay $0x2  }
0x576: {  	v37 =	vimm.f32 $+Inf;
	v38 =	vimm.s32 $0x0;
	v31 =	vmov v32  }
.LBB2_16:
.Ltmp88:
0x577: {  	_ = 	snop;
	(pc) =	sbr.rel .LBB2_23-.Ltmp88, $2  }
0x578: {  	_ =	sdelay $0x2  }
0x579: {  	v34 =	vimm.f32 $+Inf;
	v35 =	vimm.s32 $0x0;
	v23 =	vmov v24  }
.LBB2_26:
.Ltmp89:
0x57a: {  	_ = 	snop;
	(pc) =	sbr.rel .LBB2_33-.Ltmp89, $2  }
0x57b: {  	_ =	sdelay $0x2  }
0x57c: {  	v31 =	vimm.f32 $+Inf;
	v32 =	vimm.s32 $0x0;
	v23 =	vmov v24  }
.LBB2_36:
.Ltmp90:
0x57d: {  	_ = 	snop;
	(pc) =	sbr.rel .LBB2_43-.Ltmp90, $2  }
0x57e: {  	_ =	sdelay $0x2  }
0x57f: {  	v28 =	vimm.f32 $+Inf;
	v29 =	vimm.s32 $0x0;
	v17 =	vmov v18  }
.LBB2_46:
.Ltmp91:
0x580: {  	_ = 	snop;
	(pc) =	sbr.rel .LBB2_53-.Ltmp91, $2  }
0x581: {  	_ =	sdelay $0x2  }
0x582: {  	v25 =	vimm.f32 $+Inf;
	v26 =	vimm.s32 $0x0;
	v17 =	vmov v18  }
.LBB2_56:
.Ltmp92:
0x583: {  	_ = 	snop;
	(pc) =	sbr.rel .LBB2_63-.Ltmp92, $2  }
0x584: {  	_ =	sdelay $0x2  }
0x585: {  	v22 =	vimm.f32 $+Inf;
	v23 =	vimm.s32 $0x0;
	v12 =	vmov v13  }
.LBB2_66:
.Ltmp93:
0x586: {  	_ = 	snop;
	(pc) =	sbr.rel .LBB2_73-.Ltmp93, $2  }
0x587: {  	_ =	sdelay $0x2  }
0x588: {  	v19 =	vimm.f32 $+Inf;
	v20 =	vimm.s32 $0x0;
	v12 =	vmov v13  }
.LBB2_76:
.Ltmp94:
0x589: {  	_ = 	snop;
	(pc) =	sbr.rel .LBB2_83-.Ltmp94, $2  }
0x58a: {  	_ =	sdelay $0x2  }
0x58b: {  	v16 =	vimm.f32 $+Inf;
	v17 =	vimm.s32 $0x0;
	v8 =	vmov v9  }
.LBB2_88:
.Ltmp95:
0x58c: {  	_ = 	snop;
	(pc) =	sbr.rel .LBB2_95-.Ltmp95, $2  }
0x58d: {  	_ =	sdelay $0x2  }
0x58e: {  	v34 =	vimm.f32 $+Inf;
	v35 =	vimm.s32 $0x0;
	v28 =	vmov v29  }
.LBB2_98:
.Ltmp96:
0x58f: {  	_ = 	snop;
	(pc) =	sbr.rel .LBB2_105-.Ltmp96, $2  }
0x590: {  	_ =	sdelay $0x2  }
0x591: {  	v31 =	vimm.f32 $+Inf;
	v32 =	vimm.s32 $0x0;
	v20 =	vmov v21  }
.LBB2_108:
.Ltmp97:
0x592: {  	_ = 	snop;
	(pc) =	sbr.rel .LBB2_115-.Ltmp97, $2  }
0x593: {  	_ =	sdelay $0x2  }
0x594: {  	v28 =	vimm.f32 $+Inf;
	v29 =	vimm.s32 $0x0;
	v20 =	vmov v21  }
.LBB2_118:
.Ltmp98:
0x595: {  	_ = 	snop;
	(pc) =	sbr.rel .LBB2_125-.Ltmp98, $2  }
0x596: {  	_ =	sdelay $0x2  }
0x597: {  	v25 =	vimm.f32 $+Inf;
	v26 =	vimm.s32 $0x0;
	v14 =	vmov v15  }
.LBB2_128:
.Ltmp99:
0x598: {  	_ = 	snop;
	(pc) =	sbr.rel .LBB2_135-.Ltmp99, $2  }
0x599: {  	_ =	sdelay $0x2  }
0x59a: {  	v22 =	vimm.f32 $+Inf;
	v23 =	vimm.s32 $0x0;
	v14 =	vmov v15  }
.LBB2_138:
.Ltmp100:
0x59b: {  	_ = 	snop;
	(pc) =	sbr.rel .LBB2_145-.Ltmp100, $2  }
0x59c: {  	_ =	sdelay $0x2  }
0x59d: {  	v19 =	vimm.f32 $+Inf;
	v20 =	vimm.s32 $0x0;
	v10 =	vmov v11  }
.LBB2_148:
.Ltmp101:
0x59e: {  	_ = 	snop;
	(pc) =	sbr.rel .LBB2_155-.Ltmp101, $2  }
0x59f: {  	_ =	sdelay $0x2  }
0x5a0: {  	v16 =	vimm.f32 $+Inf;
	v17 =	vimm.s32 $0x0;
	v10 =	vmov v11  }
.LBB2_8:
.Ltmp102:
0x5a1: {  	(pc) =	sbr.rel .LBB2_13-.Ltmp102, $2  }
0x5a2: {  	_ =	sdelay $0x2  }
0x5a3: {  	v37 =	vimm.f32 $+Inf;
	v38 =	vimm.s32 $0x0  }
.LBB2_18:
.Ltmp103:
0x5a4: {  	(pc) =	sbr.rel .LBB2_23-.Ltmp103, $2  }
0x5a5: {  	_ =	sdelay $0x2  }
0x5a6: {  	v34 =	vimm.f32 $+Inf;
	v35 =	vimm.s32 $0x0  }
.LBB2_28:
.Ltmp104:
0x5a7: {  	(pc) =	sbr.rel .LBB2_33-.Ltmp104, $2  }
0x5a8: {  	_ =	sdelay $0x2  }
0x5a9: {  	v31 =	vimm.f32 $+Inf;
	v32 =	vimm.s32 $0x0  }
.LBB2_38:
.Ltmp105:
0x5aa: {  	(pc) =	sbr.rel .LBB2_43-.Ltmp105, $2  }
0x5ab: {  	_ =	sdelay $0x2  }
0x5ac: {  	v28 =	vimm.f32 $+Inf;
	v29 =	vimm.s32 $0x0  }
.LBB2_48:
.Ltmp106:
0x5ad: {  	(pc) =	sbr.rel .LBB2_53-.Ltmp106, $2  }
0x5ae: {  	_ =	sdelay $0x2  }
0x5af: {  	v25 =	vimm.f32 $+Inf;
	v26 =	vimm.s32 $0x0  }
.LBB2_58:
.Ltmp107:
0x5b0: {  	(pc) =	sbr.rel .LBB2_63-.Ltmp107, $2  }
0x5b1: {  	_ =	sdelay $0x2  }
0x5b2: {  	v22 =	vimm.f32 $+Inf;
	v23 =	vimm.s32 $0x0  }
.LBB2_68:
.Ltmp108:
0x5b3: {  	(pc) =	sbr.rel .LBB2_73-.Ltmp108, $2  }
0x5b4: {  	_ =	sdelay $0x2  }
0x5b5: {  	v19 =	vimm.f32 $+Inf;
	v20 =	vimm.s32 $0x0  }
.LBB2_78:
.Ltmp109:
0x5b6: {  	(pc) =	sbr.rel .LBB2_83-.Ltmp109, $2  }
0x5b7: {  	_ =	sdelay $0x2  }
0x5b8: {  	v16 =	vimm.f32 $+Inf;
	v17 =	vimm.s32 $0x0  }
.LBB2_90:
.Ltmp110:
0x5b9: {  	(pc) =	sbr.rel .LBB2_95-.Ltmp110, $2  }
0x5ba: {  	_ =	sdelay $0x2  }
0x5bb: {  	v34 =	vimm.f32 $+Inf;
	v35 =	vimm.s32 $0x0  }
.LBB2_100:
.Ltmp111:
0x5bc: {  	(pc) =	sbr.rel .LBB2_105-.Ltmp111, $2  }
0x5bd: {  	_ =	sdelay $0x2  }
0x5be: {  	v31 =	vimm.f32 $+Inf;
	v32 =	vimm.s32 $0x0  }
.LBB2_110:
.Ltmp112:
0x5bf: {  	(pc) =	sbr.rel .LBB2_115-.Ltmp112, $2  }
0x5c0: {  	_ =	sdelay $0x2  }
0x5c1: {  	v28 =	vimm.f32 $+Inf;
	v29 =	vimm.s32 $0x0  }
.LBB2_120:
.Ltmp113:
0x5c2: {  	(pc) =	sbr.rel .LBB2_125-.Ltmp113, $2  }
0x5c3: {  	_ =	sdelay $0x2  }
0x5c4: {  	v25 =	vimm.f32 $+Inf;
	v26 =	vimm.s32 $0x0  }
.LBB2_130:
.Ltmp114:
0x5c5: {  	(pc) =	sbr.rel .LBB2_135-.Ltmp114, $2  }
0x5c6: {  	_ =	sdelay $0x2  }
0x5c7: {  	v22 =	vimm.f32 $+Inf;
	v23 =	vimm.s32 $0x0  }
.LBB2_140:
.Ltmp115:
0x5c8: {  	(pc) =	sbr.rel .LBB2_145-.Ltmp115, $2  }
0x5c9: {  	_ =	sdelay $0x2  }
0x5ca: {  	v19 =	vimm.f32 $+Inf;
	v20 =	vimm.s32 $0x0  }
.LBB2_150:
.Ltmp116:
0x5cb: {  	(pc) =	sbr.rel .LBB2_155-.Ltmp116, $2  }
0x5cc: {  	_ =	sdelay $0x2  }
0x5cd: {  	v16 =	vimm.f32 $+Inf;
	v17 =	vimm.s32 $0x0  }
.LBB2_160:
.Ltmp117:
0x5ce: {  	(pc) =	sbr.rel .LBB2_165-.Ltmp117, $2  }
0x5cf: {  	_ =	sdelay $0x2  }
0x5d0: {  	v13 =	vimm.f32 $+Inf;
	v14 =	vimm.s32 $0x0  }
.LBB2_10:
.Ltmp118:
0x5d1: {  	(pc) =	sbr.rel .LBB2_13-.Ltmp118, $2  }
0x5d2: {  	_ =	sdelay $0x2  }
0x5d3: {  	v32 =	vmovc v31;
	v37 =	vimm.f32 $+Inf;
	v38 =	vimm.s32 $0x0;
	v31 =	vmov v34  }
.LBB2_20:
.Ltmp119:
0x5d4: {  	(pc) =	sbr.rel .LBB2_23-.Ltmp119, $2  }
0x5d5: {  	_ =	sdelay $0x2  }
0x5d6: {  	v24 =	vmovc v23;
	v34 =	vimm.f32 $+Inf;
	v35 =	vimm.s32 $0x0;
	v23 =	vmov v31  }
.LBB2_30:
.Ltmp120:
0x5d7: {  	(pc) =	sbr.rel .LBB2_33-.Ltmp120, $2  }
0x5d8: {  	_ =	sdelay $0x2  }
0x5d9: {  	v24 =	vmovc v23;
	v31 =	vimm.f32 $+Inf;
	v32 =	vimm.s32 $0x0;
	v23 =	vmov v28  }
.LBB2_40:
.Ltmp121:
0x5da: {  	(pc) =	sbr.rel .LBB2_43-.Ltmp121, $2  }
0x5db: {  	_ =	sdelay $0x2  }
0x5dc: {  	v18 =	vmovc v17;
	v28 =	vimm.f32 $+Inf;
	v29 =	vimm.s32 $0x0;
	v17 =	vmov v24  }
.LBB2_50:
.Ltmp122:
0x5dd: {  	(pc) =	sbr.rel .LBB2_53-.Ltmp122, $2  }
0x5de: {  	_ =	sdelay $0x2  }
0x5df: {  	v18 =	vmovc v17;
	v25 =	vimm.f32 $+Inf;
	v26 =	vimm.s32 $0x0;
	v17 =	vmov v21  }
.LBB2_60:
.Ltmp123:
0x5e0: {  	(pc) =	sbr.rel .LBB2_63-.Ltmp123, $2  }
0x5e1: {  	_ =	sdelay $0x2  }
0x5e2: {  	v13 =	vmovc v12;
	v22 =	vimm.f32 $+Inf;
	v23 =	vimm.s32 $0x0;
	v12 =	vmov v18  }
.LBB2_70:
.Ltmp124:
0x5e3: {  	(pc) =	sbr.rel .LBB2_73-.Ltmp124, $2  }
0x5e4: {  	_ =	sdelay $0x2  }
0x5e5: {  	v13 =	vmovc v12;
	v19 =	vimm.f32 $+Inf;
	v20 =	vimm.s32 $0x0;
	v12 =	vmov v15  }
.LBB2_80:
.Ltmp125:
0x5e6: {  	(pc) =	sbr.rel .LBB2_83-.Ltmp125, $2  }
0x5e7: {  	_ =	sdelay $0x2  }
0x5e8: {  	v9 =	vmovc v8;
	v16 =	vimm.f32 $+Inf;
	v17 =	vimm.s32 $0x0;
	v8 =	vmov v13  }
.LBB2_92:
.Ltmp126:
0x5e9: {  	(pc) =	sbr.rel .LBB2_95-.Ltmp126, $2  }
0x5ea: {  	_ =	sdelay $0x2  }
0x5eb: {  	v29 =	vmovc v28;
	v34 =	vimm.f32 $+Inf;
	v35 =	vimm.s32 $0x0;
	v28 =	vmov v31  }
.LBB2_102:
.Ltmp127:
0x5ec: {  	(pc) =	sbr.rel .LBB2_105-.Ltmp127, $2  }
0x5ed: {  	_ =	sdelay $0x2  }
0x5ee: {  	v21 =	vmovc v20;
	v31 =	vimm.f32 $+Inf;
	v32 =	vimm.s32 $0x0;
	v20 =	vmov v28  }
.LBB2_112:
.Ltmp128:
0x5ef: {  	(pc) =	sbr.rel .LBB2_115-.Ltmp128, $2  }
0x5f0: {  	_ =	sdelay $0x2  }
0x5f1: {  	v21 =	vmovc v20;
	v28 =	vimm.f32 $+Inf;
	v29 =	vimm.s32 $0x0;
	v20 =	vmov v25  }
.LBB2_122:
.Ltmp129:
0x5f2: {  	(pc) =	sbr.rel .LBB2_125-.Ltmp129, $2  }
0x5f3: {  	_ =	sdelay $0x2  }
0x5f4: {  	v15 =	vmovc v14;
	v25 =	vimm.f32 $+Inf;
	v26 =	vimm.s32 $0x0;
	v14 =	vmov v21  }
.LBB2_132:
.Ltmp130:
0x5f5: {  	(pc) =	sbr.rel .LBB2_135-.Ltmp130, $2  }
0x5f6: {  	_ =	sdelay $0x2  }
0x5f7: {  	v15 =	vmovc v14;
	v22 =	vimm.f32 $+Inf;
	v23 =	vimm.s32 $0x0;
	v14 =	vmov v18  }
.LBB2_142:
.Ltmp131:
0x5f8: {  	(pc) =	sbr.rel .LBB2_145-.Ltmp131, $2  }
0x5f9: {  	_ =	sdelay $0x2  }
0x5fa: {  	v11 =	vmovc v10;
	v19 =	vimm.f32 $+Inf;
	v20 =	vimm.s32 $0x0;
	v10 =	vmov v15  }
.LBB2_152:
.Ltmp132:
0x5fb: {  	(pc) =	sbr.rel .LBB2_155-.Ltmp132, $2  }
0x5fc: {  	_ =	sdelay $0x2  }
0x5fd: {  	v11 =	vmovc v10;
	v16 =	vimm.f32 $+Inf;
	v17 =	vimm.s32 $0x0;
	v10 =	vmov v13  }
.LBB2_162:
.Ltmp133:
0x5fe: {  	(pc) =	sbr.rel .LBB2_165-.Ltmp133, $2  }
0x5ff: {  	_ =	sdelay $0x2  }
0x600: {  	v5 =	vmovc v3;
	v13 =	vimm.f32 $+Inf;
	v14 =	vimm.s32 $0x0;
	v3 =	vmov v10  }
.LBB2_168:
0x601: {  	_ =	sfence.sel $0x180000  }
0x602: {  	[bflag:$0x0] =	sbarrier.arrive $0xFFFF  }
0x603: {  	_ =	strace $0x90000047  }
0x604: {  	s0 =	stileid.u32;
	[bflag:$0x2] =	sbarrier.arrive $0xFFFF  }
0x605: {  	p0 =	sne.s32 s0, $0x0;
	s0 =	rddreg [dreg:$0x7]  }
0x606: {  	s0 =	sadd.s32 @!p0 $0x100000, s0  }
0x607: {  	[sflag:s0] =	ssyncadd.tile.s32 @!p0 $0x1;
	_ =	shalt  }
.Lfunc_end2:
_tile_overlayer_lowered:
.L_overlay_start_2:
0x608: {  	(tag) =	ssettag $0x2  }
0x609: {  	s0 =	rddreg [dreg:$0x0];
	s2 =	stileid.u32  }
0x60a: {  	s1 =	rddreg [dreg:$0x1];
	p0 =	sne.s32 s2, $0x0  }
0x60b: {  	s3 =	rddreg [dreg:$0x2];
	[bflag:$0x3] =	sbarrier.arrive $0xFFFF;
	s2 =	simm.s32 @!p0 $0x1C01  }
0x60c: {  	[timem:s3], [sflag:s2] =	dma.local @!p0 [hbm:s0], s1  }
0x60d: {  	s0 =	simm.s32 @!p0 $0x1  }
0x60e: {  	_ =	swait.ge @!p0 [sflag:s0], s1  }
0x60f: {  	s1 =	ssub.s32 @!p0 $0x0, s1;
	[sflag:s0] =	ssyncset.done @!p0 $0x0  }
0x610: {  	[sflag:s0] =	ssyncadd.s32 @!p0 s1  }
0x611: {  	[bflag:$0x3] =	sbarrier.arrive $0xFFFF  }
0x612: {  	_ =	shalt  }

</sc_bundles>
